<compile_context>
chip_gen: v7x
topology: tpu7x:2x2x1
jax: 0.10.2.dev20260603
libtpu: 0.0.44.dev20260713+nightly
codegen_flags: <defaults>
</compile_context>

<pallas_src>
import functools

import jax
import jax.numpy as jnp
from jax import lax
from jax.experimental import pallas as pl
from jax.experimental.pallas import tpu as pltpu
from jax.experimental.pallas import tpu_sc as plsc

NC = 2
NS = 16
NW = NC * NS

CH = 80



def _sc_gather_pair2(table_s, table_d, src, dst):
    n, d = table_s.shape
    e = src.shape[0]
    per_w = e // NW
    ch = 80 if d <= 128 else 40
    nch = per_w // ch
    mesh = plsc.VectorSubcoreMesh(core_axis_name="c", subcore_axis_name="s")

    assert nch >= 4
    nb = 4
    lead = 2

    @functools.partial(
        pl.kernel, mesh=mesh,
        out_type=[jax.ShapeDtypeStruct((e, d), jnp.float32),
                  jax.ShapeDtypeStruct((e, d), jnp.float32)],
        scratch_types=([pltpu.VMEM((ch,), jnp.int32)] * nb
                       + [pltpu.VMEM((ch,), jnp.int32)] * nb
                       + [pltpu.VMEM((ch, d), jnp.float32)] * nb
                       + [pltpu.VMEM((ch, d), jnp.float32)] * nb
                       + [pltpu.SemaphoreType.DMA] * nb
                       + [pltpu.SemaphoreType.DMA] * nb),
    )
    def k(tabs_hbm, tabd_hbm, src_hbm, dst_hbm, outs_hbm, outd_hbm, *scr):
        idx_s = scr[0:nb]
        idx_d = scr[nb:2 * nb]
        rows_s = scr[2 * nb:3 * nb]
        rows_d = scr[3 * nb:4 * nb]
        gsem = scr[4 * nb:5 * nb]
        osem = scr[5 * nb:6 * nb]
        wid = lax.axis_index("s") * NC + lax.axis_index("c")
        base = wid * per_w

        def fire(ci, b):
            off = base + ci * ch
            pltpu.sync_copy(src_hbm.at[pl.ds(off, ch)], idx_s[b])
            pltpu.sync_copy(dst_hbm.at[pl.ds(off, ch)], idx_d[b])
            pltpu.async_copy(tabs_hbm.at[idx_s[b]], rows_s[b], gsem[b])
            pltpu.async_copy(tabd_hbm.at[idx_d[b]], rows_d[b], gsem[b])

        def wait_out(b):
            pltpu.make_async_copy(rows_s[b], outs_hbm.at[pl.ds(base, ch)],
                                  osem[b]).wait()
            pltpu.make_async_copy(rows_d[b], outd_hbm.at[pl.ds(base, ch)],
                                  osem[b]).wait()

        for ci in range(lead):
            fire(ci, ci)

        def step(c, b):
            fb = (b + lead) % nb
            f = c + lead

            @pl.when(c < nch)
            def _drain():
                pltpu.make_async_copy(tabs_hbm.at[idx_s[b]], rows_s[b],
                                      gsem[b]).wait()
                pltpu.make_async_copy(tabd_hbm.at[idx_d[b]], rows_d[b],
                                      gsem[b]).wait()
                off = base + c * ch
                pltpu.async_copy(rows_s[b], outs_hbm.at[pl.ds(off, ch)],
                                 osem[b])
                pltpu.async_copy(rows_d[b], outd_hbm.at[pl.ds(off, ch)],
                                 osem[b])

            @pl.when(jnp.logical_and(f < nch, f >= nb))
            def _po():
                wait_out(fb)

            @pl.when(f < nch)
            def _fire():
                fire(f, fb)

        def body(i, carry):
            for b in range(nb):
                step(i * nb + b, b)
            return carry

        lax.fori_loop(0, (nch + nb - 1) // nb, body, 0)

        for t in range(nb):
            wait_out((nch - nb + t) % nb)

    return k(table_s, table_d, src, dst)



def _sc_segment_sum(vals, dst, n, zeros_init, zeros_cnt, ones_blk):
    e, feat = vals.shape
    half = feat // NC
    per_t = e // NS
    nch = per_t // CH
    hn = n // 2
    hz = hn + 128
    zt = hz // NS
    pt = hn // NS
    assert pt % CH == 0 and zt % 8 == 0 and hn % NS == 0 and hz % NS == 0
    mesh = plsc.VectorSubcoreMesh(core_axis_name="c", subcore_axis_name="s")

    @functools.partial(
        pl.kernel, mesh=mesh,
        out_type=[jax.ShapeDtypeStruct((n, feat), jnp.float32),
                  jax.ShapeDtypeStruct((n, 16), jnp.float32)],
        scratch_types=[pltpu.VMEM((CH,), jnp.int32),
                       pltpu.VMEM((CH,), jnp.int32),
                       pltpu.VMEM((CH, half), jnp.float32),
                       pltpu.VMEM((CH, 16), jnp.float32),
                       pltpu.VMEM((8, half), jnp.float32),
                       pltpu.VMEM((8, 16), jnp.float32),
                       pltpu.VMEM((CH, 16), jnp.float32),
                       pltpu.VMEM_SHARED((hz, half), jnp.float32),
                       pltpu.VMEM_SHARED((hz, 16), jnp.float32)],
    )
    def k(vals_hbm, dst_hbm, z_hbm, zc_hbm, ones_hbm, agg_hbm, cnt_hbm,
          idx_b, idx_mb, rows_b, ones_v, zbuf, cbuf, cnt_b, agg_sh, cnt_sh):
        c = lax.axis_index("c")
        s = lax.axis_index("s")
        coff = pl.multiple_of(c * half, half)
        idx_v = [idx_b]
        idx_m = [idx_mb]
        rows_v = [rows_b]

        pltpu.sync_copy(z_hbm, zbuf)
        pltpu.sync_copy(zc_hbm, cbuf)
        pltpu.sync_copy(ones_hbm, ones_v)

        for p in range(2):
            base = p * hn
            def zloop(i, carry):
                pltpu.sync_copy(zbuf, agg_sh.at[pl.ds(s * zt + i * 8, 8)])
                pltpu.sync_copy(cbuf, cnt_sh.at[pl.ds(s * zt + i * 8, 8)])
                return carry

            lax.fori_loop(0, zt // 8, zloop, 0)
            plsc.subcore_barrier()

            def body(i, carry):
                off = s * per_t + i * CH
                pltpu.sync_copy(dst_hbm.at[pl.ds(off, CH)], idx_v[0])
                pltpu.sync_copy(vals_hbm.at[pl.ds(off, CH),
                                            pl.ds(coff, half)], rows_v[0])
                for j in range(CH // 16):
                    v = idx_v[0][pl.ds(j * 16, 16)] - base
                    ok = jnp.logical_and(v >= 0, v < hn)
                    idx_m[0][pl.ds(j * 16, 16)] = jnp.where(ok, v, hn)
                pltpu.sync_copy(rows_v[0], agg_sh.at[idx_m[0]], add=True)

                @pl.when(c == 0)
                def _cnt():
                    pltpu.sync_copy(ones_v, cnt_sh.at[idx_m[0]], add=True)

                return carry

            lax.fori_loop(0, nch, body, 0)
            plsc.subcore_barrier()

            def oloop(i, carry):
                r = s * pt + i * CH
                pltpu.sync_copy(agg_sh.at[pl.ds(r, CH)], rows_v[0])
                pltpu.sync_copy(rows_v[0],
                                agg_hbm.at[pl.ds(base + r, CH),
                                           pl.ds(coff, half)])

                @pl.when(c == 0)
                def _oc():
                    pltpu.sync_copy(cnt_sh.at[pl.ds(r, CH)], cnt_b)
                    pltpu.sync_copy(cnt_b, cnt_hbm.at[pl.ds(base + r, CH)])

                return carry

            lax.fori_loop(0, pt // CH, oloop, 0)
            plsc.subcore_barrier()

    return k(vals, dst, zeros_init, zeros_cnt, ones_blk)



def _e1_body(xs, xd, ea, w1s, w1d, w1e, b1, w2, b2, out):
    h = xs[...] @ w1s[...] + xd[...] @ w1d[...] + ea[...] @ w1e[...] + b1[...]
    h = jnp.maximum(h, 0.0)
    out[...] = h @ w2[...] + b2[...] + h


def _tc_edge1(xs, xd, ea, w1s, w1d, w1e, b1, w2, b2, block):
    e, d = xs.shape
    de = ea.shape[1]
    l = w2.shape[0]
    full = lambda *shape: pl.BlockSpec(shape, lambda i: (0,) * len(shape))
    return pl.pallas_call(
        _e1_body,
        grid=(e // block,),
        in_specs=[pl.BlockSpec((block, d), lambda i: (i, 0)),
                  pl.BlockSpec((block, d), lambda i: (i, 0)),
                  pl.BlockSpec((block, de), lambda i: (i, 0)),
                  full(d, l), full(d, l), full(de, l), full(1, l),
                  full(l, l), full(1, l)],
        out_specs=pl.BlockSpec((block, l), lambda i: (i, 0)),
        out_shape=jax.ShapeDtypeStruct((e, l), jnp.float32),
    )(xs, xd, ea, w1s, w1d, w1e, b1, w2, b2)


def _node_body(x, aggs, cnt, w1x, w1a, b1, w2, b2, wbs, wbd,
               out, outa, outb):
    agg = aggs[...] / jnp.maximum(cnt[...][:, 0:1], 1.0)
    h = x[...] @ w1x[...] + agg @ w1a[...] + b1[...]
    h = jnp.maximum(h, 0.0)
    x1 = h @ w2[...] + b2[...] + h
    out[...] = x1
    outa[...] = x1 @ wbs[...]
    outb[...] = x1 @ wbd[...]


def _tc_node(x, agg_sum, cnt, w1x, w1a, b1, w2, b2, wbs, wbd, block):
    n, d = x.shape
    l = w2.shape[0]
    full = lambda *shape: pl.BlockSpec(shape, lambda i: (0,) * len(shape))
    return pl.pallas_call(
        _node_body,
        grid=(n // block,),
        in_specs=[pl.BlockSpec((block, d), lambda i: (i, 0)),
                  pl.BlockSpec((block, l), lambda i: (i, 0)),
                  pl.BlockSpec((block, 16), lambda i: (i, 0)),
                  full(d, l), full(l, l), full(1, l),
                  full(l, l), full(1, l), full(l, l), full(l, l)],
        out_specs=[pl.BlockSpec((block, l), lambda i: (i, 0))] * 3,
        out_shape=[jax.ShapeDtypeStruct((n, l), jnp.float32)] * 3,
    )(x, agg_sum, cnt, w1x, w1a, b1, w2, b2, wbs, wbd)


def _e2_body(s1, d1, e1, w1e, b1, w2, b2, wp1, bp1, wp2r, bp2, out):
    h = s1[...] + d1[...] + e1[...] @ w1e[...] + b1[...]
    h = jnp.maximum(h, 0.0)
    e2 = h @ w2[...] + b2[...] + h
    t = e2 @ wp1[...] + bp1[...]
    p = jnp.where(t >= 0.0, t, t * 0.01)
    out[...] = jnp.sum(p * wp2r[...], axis=1, keepdims=True) + bp2[...]


def _tc_edge2(s1, d1, e1, w1e, b1, w2, b2, wp1, bp1, wp2r, bp2, block):
    e, l = e1.shape
    full = lambda *shape: pl.BlockSpec(shape, lambda i: (0,) * len(shape))
    return pl.pallas_call(
        _e2_body,
        grid=(e // block,),
        in_specs=[pl.BlockSpec((block, l), lambda i: (i, 0)),
                  pl.BlockSpec((block, l), lambda i: (i, 0)),
                  pl.BlockSpec((block, l), lambda i: (i, 0)),
                  full(l, l), full(1, l),
                  full(l, l), full(1, l),
                  full(l, l), full(1, l), full(1, l), full(1, 1)],
        out_specs=pl.BlockSpec((block, 1), lambda i: (i, 0)),
        out_shape=jax.ShapeDtypeStruct((e, 1), jnp.float32),
    )(s1, d1, e1, w1e, b1, w2, b2, wp1, bp1, wp2r, bp2)



def kernel(x, edge_index, edge_attr, We1a, be1a, We2a, be2a, Wn1a, bn1a,
           Wn2a, bn2a, We1b, be1b, We2b, be2b, Wn1b, bn1b, Wn2b, bn2b,
           Wp1, bp1, Wp2, bp2):
    n, d = x.shape
    l = We2a.shape[0]
    src = edge_index[0].astype(jnp.int32)
    dst = edge_index[1].astype(jnp.int32)

    xs, xd = _sc_gather_pair2(x, x, src, dst)
    e1 = _tc_edge1(xs, xd, edge_attr,
                   We1a[:d], We1a[d:2 * d], We1a[2 * d:],
                   be1a.reshape(1, l), We2a, be2a.reshape(1, l),
                   block=2000)

    npad = ((n + 1279) // 1280) * 1280
    zeros_init = jnp.zeros((8, l // NC), jnp.float32)
    zeros_cnt = jnp.zeros((8, 16), jnp.float32)
    ones_blk = jnp.ones((CH, 16), jnp.float32)
    agg_pad, cnt_pad = _sc_segment_sum(e1, dst, npad, zeros_init, zeros_cnt,
                                       ones_blk)
    agg_sum = agg_pad[:n]
    cnt = cnt_pad[:n]

    x1, x1a, x1b = _tc_node(x, agg_sum, cnt,
                            Wn1a[:d], Wn1a[d:], bn1a.reshape(1, l),
                            Wn2a, bn2a.reshape(1, l),
                            We1b[:l], We1b[l:2 * l], block=1000)

    xs1, xd1 = _sc_gather_pair2(x1a, x1b, src, dst)
    out = _tc_edge2(xs1, xd1, e1,
                    We1b[2 * l:],
                    be1b.reshape(1, l), We2b, be2b.reshape(1, l),
                    Wp1, bp1.reshape(1, l),
                    Wp2.reshape(1, l), bp2.reshape(1, 1),
                    block=2000)
    return out[:, 0]

# --- scband reference (transcript-rebuilt; emitter-appended) ---
"""Pipeline reference for scband-net-52725018526367 (READ-ONLY COPY).

The authoritative reference and input builder live on the scoring server;
editing this copy changes nothing except your own understanding.
"""

import jax, jax.numpy as jnp
import numpy as np

N = 10000
E = 320000
D = 128
DE = 16
L = 256

def _lin_init(k, fan_in, fan_out):
    return jax.random.normal(k, (fan_in, fan_out), dtype=jnp.float32) * (1.0 / np.sqrt(fan_in))

def setup_inputs(seed: int = 0):
    key = jax.random.key(seed)
    ks = jax.random.split(key, 16)
    inp = {}
    inp['x'] = jax.random.normal(ks[0], (N, D), dtype=jnp.float32)
    inp['edge_index'] = jax.random.randint(ks[1], (2, E), 0, N).astype(jnp.int64)
    inp['edge_attr'] = jax.random.normal(ks[2], (E, DE), dtype=jnp.float32)
    # MetaLayer 1: edge model MLP, input = [x_src, x_dst, edge_attr]
    inp['We1a'] = _lin_init(ks[3], 2 * D + DE, L); inp['be1a'] = jnp.zeros((L,), jnp.float32)
    inp['We2a'] = _lin_init(ks[4], L, L); inp['be2a'] = jnp.zeros((L,), jnp.float32)
    # MetaLayer 1: node model MLP, input = [x, agg_edge]
    inp['Wn1a'] = _lin_init(ks[5], D + L, L); inp['bn1a'] = jnp.zeros((L,), jnp.float32)
    inp['Wn2a'] = _lin_init(ks[6], L, L); inp['bn2a'] = jnp.zeros((L,), jnp.float32)
    # MetaLayer 2: edge model MLP, input = [x_src, x_dst, edge_attr] with L-dim features
    inp['We1b'] = _lin_init(ks[7], 3 * L, L); inp['be1b'] = jnp.zeros((L,), jnp.float32)
    inp['We2b'] = _lin_init(ks[8], L, L); inp['be2b'] = jnp.zeros((L,), jnp.float32)
    # MetaLayer 2: node model MLP
    inp['Wn1b'] = _lin_init(ks[9], 2 * L, L); inp['bn1b'] = jnp.zeros((L,), jnp.float32)
    inp['Wn2b'] = _lin_init(ks[10], L, L); inp['bn2b'] = jnp.zeros((L,), jnp.float32)
    # EdgePredictorFromEdges
    inp['Wp1'] = _lin_init(ks[11], L, L); inp['bp1'] = jnp.zeros((L,), jnp.float32)
    inp['Wp2'] = _lin_init(ks[12], L, 1); inp['bp2'] = jnp.zeros((1,), jnp.float32)
    return inp

def _mlp2(h_in, W1, b1, W2, b2):
    h = jax.nn.relu(h_in @ W1 + b1)
    # residual connection on the matching hidden dim (residuals=True)
    return h @ W2 + b2 + h

def reference(x, edge_index, edge_attr, We1a, be1a, We2a, be2a, Wn1a, bn1a, Wn2a, bn2a, We1b, be1b, We2b, be2b, Wn1b, bn1b, Wn2b, bn2b, Wp1, bp1, Wp2, bp2):
    src = edge_index[0]
    dst = edge_index[1]
    # --- MetaLayer 1 (conv_in) ---
    e_in = jnp.concatenate([x[src], x[dst], edge_attr], axis=-1)
    e1 = _mlp2(e_in, We1a, be1a, We2a, be2a)
    agg_sum = jax.ops.segment_sum(e1, dst, num_segments=N)
    counts = jax.ops.segment_sum(jnp.ones((E, 1), jnp.float32), dst, num_segments=N)
    agg = agg_sum / jnp.maximum(counts, 1.0)  # base_aggregation='mean'
    n_in = jnp.concatenate([x, agg], axis=-1)
    x1 = _mlp2(n_in, Wn1a, bn1a, Wn2a, bn2a)
    # --- MetaLayer 2 (conv[0]) ---
    e_in2 = jnp.concatenate([x1[src], x1[dst], e1], axis=-1)
    e2 = _mlp2(e_in2, We1b, be1b, We2b, be2b)
    agg2 = jax.ops.segment_sum(e2, dst, num_segments=N)  # base_aggregation='sum' (build_custom_mp default)
    n_in2 = jnp.concatenate([x1, agg2], axis=-1)
    x2 = _mlp2(n_in2, Wn1b, bn1b, Wn2b, bn2b)
    # x_i, x_j gathered in torch code but unused on the edge-predictor path
    x_i = x2[src]
    x_j = x2[dst]
    del x_i, x_j
    # --- EdgePredictorFromEdges (eval mode: dropout = identity) ---
    h = jax.nn.leaky_relu(e2 @ Wp1 + bp1, negative_slope=0.01)
    out = (h @ Wp2 + bp2).squeeze(-1)
    return out

if __name__ == "__main__":
    import jax
    _d = setup_inputs()
    print(jax.jit(kernel)(*tuple(_d.values())))

</pallas_src>

<mosaic_0001>
#map = affine_map<(d0, d1) -> (0, 0)>
#map1 = affine_map<(d0, d1) -> (0)>
module attributes {stable_mosaic.version = 14 : i64} {
  func.func @k(%arg0: i32, %arg1: i32, %arg2: memref<320000x256xf32, #tpu.memory_space<hbm>>, %arg3: memref<320000xi32, #tpu.memory_space<hbm>>, %arg4: memref<8x128xf32, #tpu.memory_space<hbm>>, %arg5: memref<8x16xf32, #tpu.memory_space<hbm>>, %arg6: memref<80x16xf32, #tpu.memory_space<hbm>>, %arg7: memref<10240x256xf32, #tpu.memory_space<hbm>>, %arg8: memref<10240x16xf32, #tpu.memory_space<hbm>>, %arg9: memref<80xi32, #tpu.memory_space<vmem>>, %arg10: memref<80xi32, #tpu.memory_space<vmem>>, %arg11: memref<80x128xf32, #tpu.memory_space<vmem>>, %arg12: memref<80x16xf32, #tpu.memory_space<vmem>>, %arg13: memref<8x128xf32, #tpu.memory_space<vmem>>, %arg14: memref<8x16xf32, #tpu.memory_space<vmem>>, %arg15: memref<80x16xf32, #tpu.memory_space<vmem>>, %arg16: memref<5248x128xf32, #tpu.memory_space<vmem_shared>>, %arg17: memref<5248x16xf32, #tpu.memory_space<vmem_shared>>) attributes {dimension_semantics = [#tpu.dimension_semantics<core_parallel>, #tpu.dimension_semantics<subcore_parallel>], iteration_bounds = array<i64: 2, 16>, scalar_prefetch = 0 : i64, scratch_operands = 9 : i64, tpu.core_type = #tpu.core_type<sc_vector_subcore>, window_params = [{transform_indices = #map}, {transform_indices = #map1}, {transform_indices = #map}, {transform_indices = #map}, {transform_indices = #map}, {transform_indices = #map}, {transform_indices = #map}]} {
    %mul3A = arith.constant 128 : i32
    %mul3A_0 = arith.muli %arg0, %mul3A : i32
    %multiple_of3A = tpu.assume_multiple %mul3A_0, 128 : i32
    "tpu.region"() ({
      %run_scoped3A = tpu.sem_alloc : memref<!tpu.dma_semaphore, #tpu.memory_space<semaphore_mem>>
      tpu.enqueue_dma source(%arg4 : memref<8x128xf32, #tpu.memory_space<hbm>>) target(%arg13 : memref<8x128xf32, #tpu.memory_space<vmem>>) target_semaphore(%run_scoped3A : memref<!tpu.dma_semaphore, #tpu.memory_space<semaphore_mem>>)
      tpu.wait_dma2 semaphore(%run_scoped3A : memref<!tpu.dma_semaphore, #tpu.memory_space<semaphore_mem>>) src(%arg4 : memref<8x128xf32, #tpu.memory_space<hbm>>) dst(%arg13 : memref<8x128xf32, #tpu.memory_space<vmem>>)
      tpu.yield
    }) : () -> ()
    "tpu.region"() ({
      %run_scoped3A = tpu.sem_alloc : memref<!tpu.dma_semaphore, #tpu.memory_space<semaphore_mem>>
      tpu.enqueue_dma source(%arg5 : memref<8x16xf32, #tpu.memory_space<hbm>>) target(%arg14 : memref<8x16xf32, #tpu.memory_space<vmem>>) target_semaphore(%run_scoped3A : memref<!tpu.dma_semaphore, #tpu.memory_space<semaphore_mem>>)
      tpu.wait_dma2 semaphore(%run_scoped3A : memref<!tpu.dma_semaphore, #tpu.memory_space<semaphore_mem>>) src(%arg5 : memref<8x16xf32, #tpu.memory_space<hbm>>) dst(%arg14 : memref<8x16xf32, #tpu.memory_space<vmem>>)
      tpu.yield
    }) : () -> ()
    "tpu.region"() ({
      %run_scoped3A = tpu.sem_alloc : memref<!tpu.dma_semaphore, #tpu.memory_space<semaphore_mem>>
      tpu.enqueue_dma source(%arg6 : memref<80x16xf32, #tpu.memory_space<hbm>>) target(%arg12 : memref<80x16xf32, #tpu.memory_space<vmem>>) target_semaphore(%run_scoped3A : memref<!tpu.dma_semaphore, #tpu.memory_space<semaphore_mem>>)
      tpu.wait_dma2 semaphore(%run_scoped3A : memref<!tpu.dma_semaphore, #tpu.memory_space<semaphore_mem>>) src(%arg6 : memref<80x16xf32, #tpu.memory_space<hbm>>) dst(%arg12 : memref<80x16xf32, #tpu.memory_space<vmem>>)
      tpu.yield
    }) : () -> ()
    %scan3A = arith.constant 0 : i32
    %scan3A_1 = arith.constant 0 : i32
    %scan3A_2 = arith.constant 41 : i32
    %scan3A_3 = arith.addi %scan3A_1, %scan3A_2 : i32
    %scan3A_4 = arith.constant 1 : i32
    scf.for %scan3A_41 = %scan3A_1 to %scan3A_3 step %scan3A_4  : i32 {
      %mul3A_42 = arith.constant 328 : i32
      %mul3A_43 = arith.muli %arg1, %mul3A_42 : i32
      %mul3A_44 = arith.constant 8 : i32
      %mul3A_45 = arith.muli %scan3A_41, %mul3A_44 : i32
      %add3A = arith.addi %mul3A_43, %mul3A_45 : i32
      "tpu.region"() ({
        %run_scoped3A = tpu.sem_alloc : memref<!tpu.dma_semaphore, #tpu.memory_space<semaphore_mem>>
        %dma_start3A = arith.constant 0 : i32
        %dma_start3A_51 = tpu.memref_slice %arg16[%add3A, %dma_start3A] : memref<5248x128xf32, #tpu.memory_space<vmem_shared>> -> memref<8x128xf32, #tpu.memory_space<vmem_shared>>
        %dma_start3A_52 = arith.constant 0 : i32
        %dma_start3A_53 = tpu.memref_slice %arg16[%add3A, %dma_start3A_52] : memref<5248x128xf32, #tpu.memory_space<vmem_shared>> -> memref<8x128xf32, #tpu.memory_space<vmem_shared>>
        tpu.enqueue_dma source(%arg13 : memref<8x128xf32, #tpu.memory_space<vmem>>) target(%dma_start3A_53 : memref<8x128xf32, #tpu.memory_space<vmem_shared>>) target_semaphore(%run_scoped3A : memref<!tpu.dma_semaphore, #tpu.memory_space<semaphore_mem>>)
        %dma_wait3A = arith.constant 0 : i32
        %dma_wait3A_54 = tpu.memref_slice %arg16[%add3A, %dma_wait3A] : memref<5248x128xf32, #tpu.memory_space<vmem_shared>> -> memref<8x128xf32, #tpu.memory_space<vmem_shared>>
        %dma_wait3A_55 = arith.constant 0 : i32
        %dma_wait3A_56 = tpu.memref_slice %arg16[%add3A, %dma_wait3A_55] : memref<5248x128xf32, #tpu.memory_space<vmem_shared>> -> memref<8x128xf32, #tpu.memory_space<vmem_shared>>
        tpu.wait_dma2 semaphore(%run_scoped3A : memref<!tpu.dma_semaphore, #tpu.memory_space<semaphore_mem>>) src(%arg13 : memref<8x128xf32, #tpu.memory_space<vmem>>) dst(%dma_wait3A_56 : memref<8x128xf32, #tpu.memory_space<vmem_shared>>)
        tpu.yield
      }) : () -> ()
      %mul3A_46 = arith.constant 328 : i32
      %mul3A_47 = arith.muli %arg1, %mul3A_46 : i32
      %mul3A_48 = arith.constant 8 : i32
      %mul3A_49 = arith.muli %scan3A_41, %mul3A_48 : i32
      %add3A_50 = arith.addi %mul3A_47, %mul3A_49 : i32
      "tpu.region"() ({
        %run_scoped3A = tpu.sem_alloc : memref<!tpu.dma_semaphore, #tpu.memory_space<semaphore_mem>>
        %dma_start3A = arith.constant 0 : i32
        %dma_start3A_51 = tpu.memref_slice %arg17[%add3A_50, %dma_start3A] : memref<5248x16xf32, #tpu.memory_space<vmem_shared>> -> memref<8x16xf32, #tpu.memory_space<vmem_shared>>
        %dma_start3A_52 = arith.constant 0 : i32
        %dma_start3A_53 = tpu.memref_slice %arg17[%add3A_50, %dma_start3A_52] : memref<5248x16xf32, #tpu.memory_space<vmem_shared>> -> memref<8x16xf32, #tpu.memory_space<vmem_shared>>
        tpu.enqueue_dma source(%arg14 : memref<8x16xf32, #tpu.memory_space<vmem>>) target(%dma_start3A_53 : memref<8x16xf32, #tpu.memory_space<vmem_shared>>) target_semaphore(%run_scoped3A : memref<!tpu.dma_semaphore, #tpu.memory_space<semaphore_mem>>)
        %dma_wait3A = arith.constant 0 : i32
        %dma_wait3A_54 = tpu.memref_slice %arg17[%add3A_50, %dma_wait3A] : memref<5248x16xf32, #tpu.memory_space<vmem_shared>> -> memref<8x16xf32, #tpu.memory_space<vmem_shared>>
        %dma_wait3A_55 = arith.constant 0 : i32
        %dma_wait3A_56 = tpu.memref_slice %arg17[%add3A_50, %dma_wait3A_55] : memref<5248x16xf32, #tpu.memory_space<vmem_shared>> -> memref<8x16xf32, #tpu.memory_space<vmem_shared>>
        tpu.wait_dma2 semaphore(%run_scoped3A : memref<!tpu.dma_semaphore, #tpu.memory_space<semaphore_mem>>) src(%arg14 : memref<8x16xf32, #tpu.memory_space<vmem>>) dst(%dma_wait3A_56 : memref<8x16xf32, #tpu.memory_space<vmem_shared>>)
        tpu.yield
      }) : () -> ()
    }
    %scan3A_5 = arith.constant 41 : i32
    %barrier3A = arith.constant 0 : index
    tpu.barrier barrier_id(%barrier3A)
    %scan3A_6 = arith.constant 0 : i32
    %scan3A_7 = arith.constant 0 : i32
    %scan3A_8 = arith.constant 250 : i32
    %scan3A_9 = arith.addi %scan3A_7, %scan3A_8 : i32
    %scan3A_10 = arith.constant 1 : i32
    scf.for %scan3A_41 = %scan3A_7 to %scan3A_9 step %scan3A_10  : i32 {
      %mul3A_42 = arith.constant 20000 : i32
      %mul3A_43 = arith.muli %arg1, %mul3A_42 : i32
      %mul3A_44 = arith.constant 80 : i32
      %mul3A_45 = arith.muli %scan3A_41, %mul3A_44 : i32
      %add3A = arith.addi %mul3A_43, %mul3A_45 : i32
      "tpu.region"() ({
        %run_scoped3A = tpu.sem_alloc : memref<!tpu.dma_semaphore, #tpu.memory_space<semaphore_mem>>
        %dma_start3A = tpu.memref_slice %arg3[%add3A] : memref<320000xi32, #tpu.memory_space<hbm>> -> memref<80xi32, #tpu.memory_space<hbm>>
        %dma_start3A_139 = tpu.memref_slice %arg3[%add3A] : memref<320000xi32, #tpu.memory_space<hbm>> -> memref<80xi32, #tpu.memory_space<hbm>>
        tpu.enqueue_dma source(%dma_start3A_139 : memref<80xi32, #tpu.memory_space<hbm>>) target(%arg9 : memref<80xi32, #tpu.memory_space<vmem>>) target_semaphore(%run_scoped3A : memref<!tpu.dma_semaphore, #tpu.memory_space<semaphore_mem>>)
        %dma_wait3A = tpu.memref_slice %arg3[%add3A] : memref<320000xi32, #tpu.memory_space<hbm>> -> memref<80xi32, #tpu.memory_space<hbm>>
        %dma_wait3A_140 = tpu.memref_slice %arg3[%add3A] : memref<320000xi32, #tpu.memory_space<hbm>> -> memref<80xi32, #tpu.memory_space<hbm>>
        tpu.wait_dma2 semaphore(%run_scoped3A : memref<!tpu.dma_semaphore, #tpu.memory_space<semaphore_mem>>) src(%dma_wait3A_140 : memref<80xi32, #tpu.memory_space<hbm>>) dst(%arg9 : memref<80xi32, #tpu.memory_space<vmem>>)
        tpu.yield
      }) : () -> ()
      "tpu.region"() ({
        %run_scoped3A = tpu.sem_alloc : memref<!tpu.dma_semaphore, #tpu.memory_space<semaphore_mem>>
        %dma_start3A = tpu.memref_slice %arg2[%add3A, %multiple_of3A] : memref<320000x256xf32, #tpu.memory_space<hbm>> -> memref<80x128xf32, #tpu.memory_space<hbm>>
        %dma_start3A_139 = tpu.memref_slice %arg2[%add3A, %multiple_of3A] : memref<320000x256xf32, #tpu.memory_space<hbm>> -> memref<80x128xf32, #tpu.memory_space<hbm>>
        tpu.enqueue_dma source(%dma_start3A_139 : memref<80x128xf32, #tpu.memory_space<hbm>>) target(%arg11 : memref<80x128xf32, #tpu.memory_space<vmem>>) target_semaphore(%run_scoped3A : memref<!tpu.dma_semaphore, #tpu.memory_space<semaphore_mem>>)
        %dma_wait3A = tpu.memref_slice %arg2[%add3A, %multiple_of3A] : memref<320000x256xf32, #tpu.memory_space<hbm>> -> memref<80x128xf32, #tpu.memory_space<hbm>>
        %dma_wait3A_140 = tpu.memref_slice %arg2[%add3A, %multiple_of3A] : memref<320000x256xf32, #tpu.memory_space<hbm>> -> memref<80x128xf32, #tpu.memory_space<hbm>>
        tpu.wait_dma2 semaphore(%run_scoped3A : memref<!tpu.dma_semaphore, #tpu.memory_space<semaphore_mem>>) src(%dma_wait3A_140 : memref<80x128xf32, #tpu.memory_space<hbm>>) dst(%arg11 : memref<80x128xf32, #tpu.memory_space<vmem>>)
        tpu.yield
      }) : () -> ()
      %get3A = arith.constant 0 : index
      %get3A_46 = tpu.vector_load %arg9[%get3A] {strides = array<i32>} : memref<80xi32, #tpu.memory_space<vmem>>, vector<16xi32>,
      %get3A_47 = vector.shape_cast %get3A_46 : vector<16xi32> to vector<16xi32>
      %sub3A = arith.constant 0 : i32
      %sub3A_48 = vector.broadcast %sub3A : i32 to vector<16xi32>
      %sub3A_49 = arith.subi %get3A_47, %sub3A_48 : vector<16xi32>
      %ge3A = arith.constant 0 : i32
      %ge3A_50 = vector.broadcast %ge3A : i32 to vector<16xi32>
      %ge3A_51 = arith.cmpi sge, %sub3A_49, %ge3A_50 : vector<16xi32>
      %lt3A = arith.constant 5120 : i32
      %lt3A_52 = vector.broadcast %lt3A : i32 to vector<16xi32>
      %lt3A_53 = arith.cmpi slt, %sub3A_49, %lt3A_52 : vector<16xi32>
      %and3A = arith.andi %ge3A_51, %lt3A_53 : vector<16xi1>
      %jit3A = arith.constant 5120 : i32
      %broadcast_in_dim3A = vector.broadcast %jit3A : i32 to vector<16xi32>
      %select_n3A = arith.select %and3A, %sub3A_49, %broadcast_in_dim3A : vector<16xi1>, vector<16xi32>
      %swap3A = arith.constant 0 : index
      %swap3A_54 = tpu.vector_load %arg10[%swap3A] {strides = array<i32>} : memref<80xi32, #tpu.memory_space<vmem>>, vector<16xi32>,
      %swap3A_55 = vector.shape_cast %swap3A_54 : vector<16xi32> to vector<16xi32>
      %swap3A_56 = vector.shape_cast %select_n3A : vector<16xi32> to vector<16xi32>
      tpu.vector_store %arg10[%swap3A], %swap3A_56 {strides = array<i32>} : memref<80xi32, #tpu.memory_space<vmem>>, vector<16xi32>,
      %get3A_57 = arith.constant 16 : index
      %get3A_58 = tpu.vector_load %arg9[%get3A_57] {strides = array<i32>} : memref<80xi32, #tpu.memory_space<vmem>>, vector<16xi32>,
      %get3A_59 = vector.shape_cast %get3A_58 : vector<16xi32> to vector<16xi32>
      %sub3A_60 = arith.constant 0 : i32
      %sub3A_61 = vector.broadcast %sub3A_60 : i32 to vector<16xi32>
      %sub3A_62 = arith.subi %get3A_59, %sub3A_61 : vector<16xi32>
      %ge3A_63 = arith.constant 0 : i32
      %ge3A_64 = vector.broadcast %ge3A_63 : i32 to vector<16xi32>
      %ge3A_65 = arith.cmpi sge, %sub3A_62, %ge3A_64 : vector<16xi32>
      %lt3A_66 = arith.constant 5120 : i32
      %lt3A_67 = vector.broadcast %lt3A_66 : i32 to vector<16xi32>
      %lt3A_68 = arith.cmpi slt, %sub3A_62, %lt3A_67 : vector<16xi32>
      %and3A_69 = arith.andi %ge3A_65, %lt3A_68 : vector<16xi1>
      %jit3A_70 = arith.constant 5120 : i32
      %broadcast_in_dim3A_71 = vector.broadcast %jit3A_70 : i32 to vector<16xi32>
      %select_n3A_72 = arith.select %and3A_69, %sub3A_62, %broadcast_in_dim3A_71 : vector<16xi1>, vector<16xi32>
      %swap3A_73 = arith.constant 16 : index
      %swap3A_74 = tpu.vector_load %arg10[%swap3A_73] {strides = array<i32>} : memref<80xi32, #tpu.memory_space<vmem>>, vector<16xi32>,
      %swap3A_75 = vector.shape_cast %swap3A_74 : vector<16xi32> to vector<16xi32>
      %swap3A_76 = vector.shape_cast %select_n3A_72 : vector<16xi32> to vector<16xi32>
      tpu.vector_store %arg10[%swap3A_73], %swap3A_76 {strides = array<i32>} : memref<80xi32, #tpu.memory_space<vmem>>, vector<16xi32>,
      %get3A_77 = arith.constant 32 : index
      %get3A_78 = tpu.vector_load %arg9[%get3A_77] {strides = array<i32>} : memref<80xi32, #tpu.memory_space<vmem>>, vector<16xi32>,
      %get3A_79 = vector.shape_cast %get3A_78 : vector<16xi32> to vector<16xi32>
      %sub3A_80 = arith.constant 0 : i32
      %sub3A_81 = vector.broadcast %sub3A_80 : i32 to vector<16xi32>
      %sub3A_82 = arith.subi %get3A_79, %sub3A_81 : vector<16xi32>
      %ge3A_83 = arith.constant 0 : i32
      %ge3A_84 = vector.broadcast %ge3A_83 : i32 to vector<16xi32>
      %ge3A_85 = arith.cmpi sge, %sub3A_82, %ge3A_84 : vector<16xi32>
      %lt3A_86 = arith.constant 5120 : i32
      %lt3A_87 = vector.broadcast %lt3A_86 : i32 to vector<16xi32>
      %lt3A_88 = arith.cmpi slt, %sub3A_82, %lt3A_87 : vector<16xi32>
      %and3A_89 = arith.andi %ge3A_85, %lt3A_88 : vector<16xi1>
      %jit3A_90 = arith.constant 5120 : i32
      %broadcast_in_dim3A_91 = vector.broadcast %jit3A_90 : i32 to vector<16xi32>
      %select_n3A_92 = arith.select %and3A_89, %sub3A_82, %broadcast_in_dim3A_91 : vector<16xi1>, vector<16xi32>
      %swap3A_93 = arith.constant 32 : index
      %swap3A_94 = tpu.vector_load %arg10[%swap3A_93] {strides = array<i32>} : memref<80xi32, #tpu.memory_space<vmem>>, vector<16xi32>,
      %swap3A_95 = vector.shape_cast %swap3A_94 : vector<16xi32> to vector<16xi32>
      %swap3A_96 = vector.shape_cast %select_n3A_92 : vector<16xi32> to vector<16xi32>
      tpu.vector_store %arg10[%swap3A_93], %swap3A_96 {strides = array<i32>} : memref<80xi32, #tpu.memory_space<vmem>>, vector<16xi32>,
      %get3A_97 = arith.constant 48 : index
      %get3A_98 = tpu.vector_load %arg9[%get3A_97] {strides = array<i32>} : memref<80xi32, #tpu.memory_space<vmem>>, vector<16xi32>,
      %get3A_99 = vector.shape_cast %get3A_98 : vector<16xi32> to vector<16xi32>
      %sub3A_100 = arith.constant 0 : i32
      %sub3A_101 = vector.broadcast %sub3A_100 : i32 to vector<16xi32>
      %sub3A_102 = arith.subi %get3A_99, %sub3A_101 : vector<16xi32>
      %ge3A_103 = arith.constant 0 : i32
      %ge3A_104 = vector.broadcast %ge3A_103 : i32 to vector<16xi32>
      %ge3A_105 = arith.cmpi sge, %sub3A_102, %ge3A_104 : vector<16xi32>
      %lt3A_106 = arith.constant 5120 : i32
      %lt3A_107 = vector.broadcast %lt3A_106 : i32 to vector<16xi32>
      %lt3A_108 = arith.cmpi slt, %sub3A_102, %lt3A_107 : vector<16xi32>
      %and3A_109 = arith.andi %ge3A_105, %lt3A_108 : vector<16xi1>
      %jit3A_110 = arith.constant 5120 : i32
      %broadcast_in_dim3A_111 = vector.broadcast %jit3A_110 : i32 to vector<16xi32>
      %select_n3A_112 = arith.select %and3A_109, %sub3A_102, %broadcast_in_dim3A_111 : vector<16xi1>, vector<16xi32>
      %swap3A_113 = arith.constant 48 : index
      %swap3A_114 = tpu.vector_load %arg10[%swap3A_113] {strides = array<i32>} : memref<80xi32, #tpu.memory_space<vmem>>, vector<16xi32>,
      %swap3A_115 = vector.shape_cast %swap3A_114 : vector<16xi32> to vector<16xi32>
      %swap3A_116 = vector.shape_cast %select_n3A_112 : vector<16xi32> to vector<16xi32>
      tpu.vector_store %arg10[%swap3A_113], %swap3A_116 {strides = array<i32>} : memref<80xi32, #tpu.memory_space<vmem>>, vector<16xi32>,
      %get3A_117 = arith.constant 64 : index
      %get3A_118 = tpu.vector_load %arg9[%get3A_117] {strides = array<i32>} : memref<80xi32, #tpu.memory_space<vmem>>, vector<16xi32>,
      %get3A_119 = vector.shape_cast %get3A_118 : vector<16xi32> to vector<16xi32>
      %sub3A_120 = arith.constant 0 : i32
      %sub3A_121 = vector.broadcast %sub3A_120 : i32 to vector<16xi32>
      %sub3A_122 = arith.subi %get3A_119, %sub3A_121 : vector<16xi32>
      %ge3A_123 = arith.constant 0 : i32
      %ge3A_124 = vector.broadcast %ge3A_123 : i32 to vector<16xi32>
      %ge3A_125 = arith.cmpi sge, %sub3A_122, %ge3A_124 : vector<16xi32>
      %lt3A_126 = arith.constant 5120 : i32
      %lt3A_127 = vector.broadcast %lt3A_126 : i32 to vector<16xi32>
      %lt3A_128 = arith.cmpi slt, %sub3A_122, %lt3A_127 : vector<16xi32>
      %and3A_129 = arith.andi %ge3A_125, %lt3A_128 : vector<16xi1>
      %jit3A_130 = arith.constant 5120 : i32
      %broadcast_in_dim3A_131 = vector.broadcast %jit3A_130 : i32 to vector<16xi32>
      %select_n3A_132 = arith.select %and3A_129, %sub3A_122, %broadcast_in_dim3A_131 : vector<16xi1>, vector<16xi32>
      %swap3A_133 = arith.constant 64 : index
      %swap3A_134 = tpu.vector_load %arg10[%swap3A_133] {strides = array<i32>} : memref<80xi32, #tpu.memory_space<vmem>>, vector<16xi32>,
      %swap3A_135 = vector.shape_cast %swap3A_134 : vector<16xi32> to vector<16xi32>
      %swap3A_136 = vector.shape_cast %select_n3A_132 : vector<16xi32> to vector<16xi32>
      tpu.vector_store %arg10[%swap3A_133], %swap3A_136 {strides = array<i32>} : memref<80xi32, #tpu.memory_space<vmem>>, vector<16xi32>,
      "tpu.region"() ({
        %run_scoped3A = tpu.sem_alloc : memref<!tpu.dma_semaphore, #tpu.memory_space<semaphore_mem>>
        %dma_start3A = arith.constant 0 : i32
        %dma_start3A_139 = arith.constant 0 : i32
        %dma_start3A_140 = tpu.memref_slice %arg16[%dma_start3A, %dma_start3A_139] : memref<5248x128xf32, #tpu.memory_space<vmem_shared>> -> memref<5248x128xf32, #tpu.memory_space<vmem_shared>>
        tpu.enqueue_indirect_dma source(%arg11 : memref<80x128xf32, #tpu.memory_space<vmem>>) target(%dma_start3A_140 : memref<5248x128xf32, #tpu.memory_space<vmem_shared>>) offsets(%arg10 : memref<80xi32, #tpu.memory_space<vmem>>) semaphore(%run_scoped3A : memref<!tpu.dma_semaphore, #tpu.memory_space<semaphore_mem>>) {add = true}
        %dma_wait3A = arith.constant 0 : i32
        %dma_wait3A_141 = arith.constant 0 : i32
        %dma_wait3A_142 = tpu.memref_slice %arg16[%dma_wait3A, %dma_wait3A_141] : memref<5248x128xf32, #tpu.memory_space<vmem_shared>> -> memref<5248x128xf32, #tpu.memory_space<vmem_shared>>
        tpu.wait_indirect_dma semaphore(%run_scoped3A : memref<!tpu.dma_semaphore, #tpu.memory_space<semaphore_mem>>) src(%arg11 : memref<80x128xf32, #tpu.memory_space<vmem>>) dst(%dma_wait3A_142 : memref<5248x128xf32, #tpu.memory_space<vmem_shared>>)
        tpu.yield
      }) : () -> ()
      %eq3A = arith.constant 0 : i32
      %eq3A_137 = arith.cmpi eq, %arg0, %eq3A : i32
      %convert_element_type3A = arith.extui %eq3A_137 : i1 to i32
      %cond3A = arith.constant 0 : i32
      %cond3A_138 = arith.cmpi ne, %convert_element_type3A, %cond3A : i32
      scf.if %cond3A_138 {
        "tpu.region"() ({
          %run_scoped3A = tpu.sem_alloc : memref<!tpu.dma_semaphore, #tpu.memory_space<semaphore_mem>>
          %dma_start3A = arith.constant 0 : i32
          %dma_start3A_139 = arith.constant 0 : i32
          %dma_start3A_140 = tpu.memref_slice %arg17[%dma_start3A, %dma_start3A_139] : memref<5248x16xf32, #tpu.memory_space<vmem_shared>> -> memref<5248x16xf32, #tpu.memory_space<vmem_shared>>
          tpu.enqueue_indirect_dma source(%arg12 : memref<80x16xf32, #tpu.memory_space<vmem>>) target(%dma_start3A_140 : memref<5248x16xf32, #tpu.memory_space<vmem_shared>>) offsets(%arg10 : memref<80xi32, #tpu.memory_space<vmem>>) semaphore(%run_scoped3A : memref<!tpu.dma_semaphore, #tpu.memory_space<semaphore_mem>>) {add = true}
          %dma_wait3A = arith.constant 0 : i32
          %dma_wait3A_141 = arith.constant 0 : i32
          %dma_wait3A_142 = tpu.memref_slice %arg17[%dma_wait3A, %dma_wait3A_141] : memref<5248x16xf32, #tpu.memory_space<vmem_shared>> -> memref<5248x16xf32, #tpu.memory_space<vmem_shared>>
          tpu.wait_indirect_dma semaphore(%run_scoped3A : memref<!tpu.dma_semaphore, #tpu.memory_space<semaphore_mem>>) src(%arg12 : memref<80x16xf32, #tpu.memory_space<vmem>>) dst(%dma_wait3A_142 : memref<5248x16xf32, #tpu.memory_space<vmem_shared>>)
          tpu.yield
        }) : () -> ()
      } else {
      }
    }
    %scan3A_11 = arith.constant 250 : i32
    %barrier3A_12 = arith.constant 0 : index
    tpu.barrier barrier_id(%barrier3A_12)
    %scan3A_13 = arith.constant 0 : i32
    %scan3A_14 = arith.constant 0 : i32
    %scan3A_15 = arith.constant 4 : i32
    %scan3A_16 = arith.addi %scan3A_14, %scan3A_15 : i32
    %scan3A_17 = arith.constant 1 : i32
    scf.for %scan3A_41 = %scan3A_14 to %scan3A_16 step %scan3A_17  : i32 {
      %mul3A_42 = arith.constant 320 : i32
      %mul3A_43 = arith.muli %arg1, %mul3A_42 : i32
      %mul3A_44 = arith.constant 80 : i32
      %mul3A_45 = arith.muli %scan3A_41, %mul3A_44 : i32
      %add3A = arith.addi %mul3A_43, %mul3A_45 : i32
      "tpu.region"() ({
        %run_scoped3A = tpu.sem_alloc : memref<!tpu.dma_semaphore, #tpu.memory_space<semaphore_mem>>
        %dma_start3A = arith.constant 0 : i32
        %dma_start3A_50 = tpu.memref_slice %arg16[%add3A, %dma_start3A] : memref<5248x128xf32, #tpu.memory_space<vmem_shared>> -> memref<80x128xf32, #tpu.memory_space<vmem_shared>>
        %dma_start3A_51 = arith.constant 0 : i32
        %dma_start3A_52 = tpu.memref_slice %arg16[%add3A, %dma_start3A_51] : memref<5248x128xf32, #tpu.memory_space<vmem_shared>> -> memref<80x128xf32, #tpu.memory_space<vmem_shared>>
        tpu.enqueue_dma source(%dma_start3A_52 : memref<80x128xf32, #tpu.memory_space<vmem_shared>>) target(%arg11 : memref<80x128xf32, #tpu.memory_space<vmem>>) target_semaphore(%run_scoped3A : memref<!tpu.dma_semaphore, #tpu.memory_space<semaphore_mem>>)
        %dma_wait3A = arith.constant 0 : i32
        %dma_wait3A_53 = tpu.memref_slice %arg16[%add3A, %dma_wait3A] : memref<5248x128xf32, #tpu.memory_space<vmem_shared>> -> memref<80x128xf32, #tpu.memory_space<vmem_shared>>
        %dma_wait3A_54 = arith.constant 0 : i32
        %dma_wait3A_55 = tpu.memref_slice %arg16[%add3A, %dma_wait3A_54] : memref<5248x128xf32, #tpu.memory_space<vmem_shared>> -> memref<80x128xf32, #tpu.memory_space<vmem_shared>>
        tpu.wait_dma2 semaphore(%run_scoped3A : memref<!tpu.dma_semaphore, #tpu.memory_space<semaphore_mem>>) src(%dma_wait3A_55 : memref<80x128xf32, #tpu.memory_space<vmem_shared>>) dst(%arg11 : memref<80x128xf32, #tpu.memory_space<vmem>>)
        tpu.yield
      }) : () -> ()
      %add3A_46 = arith.constant 0 : i32
      %add3A_47 = arith.addi %add3A_46, %add3A : i32
      "tpu.region"() ({
        %run_scoped3A = tpu.sem_alloc : memref<!tpu.dma_semaphore, #tpu.memory_space<semaphore_mem>>
        %dma_start3A = tpu.memref_slice %arg7[%add3A_47, %multiple_of3A] : memref<10240x256xf32, #tpu.memory_space<hbm>> -> memref<80x128xf32, #tpu.memory_space<hbm>>
        %dma_start3A_50 = tpu.memref_slice %arg7[%add3A_47, %multiple_of3A] : memref<10240x256xf32, #tpu.memory_space<hbm>> -> memref<80x128xf32, #tpu.memory_space<hbm>>
        tpu.enqueue_dma source(%arg11 : memref<80x128xf32, #tpu.memory_space<vmem>>) target(%dma_start3A_50 : memref<80x128xf32, #tpu.memory_space<hbm>>) target_semaphore(%run_scoped3A : memref<!tpu.dma_semaphore, #tpu.memory_space<semaphore_mem>>)
        %dma_wait3A = tpu.memref_slice %arg7[%add3A_47, %multiple_of3A] : memref<10240x256xf32, #tpu.memory_space<hbm>> -> memref<80x128xf32, #tpu.memory_space<hbm>>
        %dma_wait3A_51 = tpu.memref_slice %arg7[%add3A_47, %multiple_of3A] : memref<10240x256xf32, #tpu.memory_space<hbm>> -> memref<80x128xf32, #tpu.memory_space<hbm>>
        tpu.wait_dma2 semaphore(%run_scoped3A : memref<!tpu.dma_semaphore, #tpu.memory_space<semaphore_mem>>) src(%arg11 : memref<80x128xf32, #tpu.memory_space<vmem>>) dst(%dma_wait3A_51 : memref<80x128xf32, #tpu.memory_space<hbm>>)
        tpu.yield
      }) : () -> ()
      %eq3A = arith.constant 0 : i32
      %eq3A_48 = arith.cmpi eq, %arg0, %eq3A : i32
      %convert_element_type3A = arith.extui %eq3A_48 : i1 to i32
      %cond3A = arith.constant 0 : i32
      %cond3A_49 = arith.cmpi ne, %convert_element_type3A, %cond3A : i32
      scf.if %cond3A_49 {
        "tpu.region"() ({
          %run_scoped3A = tpu.sem_alloc : memref<!tpu.dma_semaphore, #tpu.memory_space<semaphore_mem>>
          %dma_start3A = arith.constant 0 : i32
          %dma_start3A_52 = tpu.memref_slice %arg17[%add3A, %dma_start3A] : memref<5248x16xf32, #tpu.memory_space<vmem_shared>> -> memref<80x16xf32, #tpu.memory_space<vmem_shared>>
          %dma_start3A_53 = arith.constant 0 : i32
          %dma_start3A_54 = tpu.memref_slice %arg17[%add3A, %dma_start3A_53] : memref<5248x16xf32, #tpu.memory_space<vmem_shared>> -> memref<80x16xf32, #tpu.memory_space<vmem_shared>>
          tpu.enqueue_dma source(%dma_start3A_54 : memref<80x16xf32, #tpu.memory_space<vmem_shared>>) target(%arg15 : memref<80x16xf32, #tpu.memory_space<vmem>>) target_semaphore(%run_scoped3A : memref<!tpu.dma_semaphore, #tpu.memory_space<semaphore_mem>>)
          %dma_wait3A = arith.constant 0 : i32
          %dma_wait3A_55 = tpu.memref_slice %arg17[%add3A, %dma_wait3A] : memref<5248x16xf32, #tpu.memory_space<vmem_shared>> -> memref<80x16xf32, #tpu.memory_space<vmem_shared>>
          %dma_wait3A_56 = arith.constant 0 : i32
          %dma_wait3A_57 = tpu.memref_slice %arg17[%add3A, %dma_wait3A_56] : memref<5248x16xf32, #tpu.memory_space<vmem_shared>> -> memref<80x16xf32, #tpu.memory_space<vmem_shared>>
          tpu.wait_dma2 semaphore(%run_scoped3A : memref<!tpu.dma_semaphore, #tpu.memory_space<semaphore_mem>>) src(%dma_wait3A_57 : memref<80x16xf32, #tpu.memory_space<vmem_shared>>) dst(%arg15 : memref<80x16xf32, #tpu.memory_space<vmem>>)
          tpu.yield
        }) : () -> ()
        %add3A_50 = arith.constant 0 : i32
        %add3A_51 = arith.addi %add3A_50, %add3A : i32
        "tpu.region"() ({
          %run_scoped3A = tpu.sem_alloc : memref<!tpu.dma_semaphore, #tpu.memory_space<semaphore_mem>>
          %dma_start3A = arith.constant 0 : i32
          %dma_start3A_52 = tpu.memref_slice %arg8[%add3A_51, %dma_start3A] : memref<10240x16xf32, #tpu.memory_space<hbm>> -> memref<80x16xf32, #tpu.memory_space<hbm>>
          %dma_start3A_53 = arith.constant 0 : i32
          %dma_start3A_54 = tpu.memref_slice %arg8[%add3A_51, %dma_start3A_53] : memref<10240x16xf32, #tpu.memory_space<hbm>> -> memref<80x16xf32, #tpu.memory_space<hbm>>
          tpu.enqueue_dma source(%arg15 : memref<80x16xf32, #tpu.memory_space<vmem>>) target(%dma_start3A_54 : memref<80x16xf32, #tpu.memory_space<hbm>>) target_semaphore(%run_scoped3A : memref<!tpu.dma_semaphore, #tpu.memory_space<semaphore_mem>>)
          %dma_wait3A = arith.constant 0 : i32
          %dma_wait3A_55 = tpu.memref_slice %arg8[%add3A_51, %dma_wait3A] : memref<10240x16xf32, #tpu.memory_space<hbm>> -> memref<80x16xf32, #tpu.memory_space<hbm>>
          %dma_wait3A_56 = arith.constant 0 : i32
          %dma_wait3A_57 = tpu.memref_slice %arg8[%add3A_51, %dma_wait3A_56] : memref<10240x16xf32, #tpu.memory_space<hbm>> -> memref<80x16xf32, #tpu.memory_space<hbm>>
          tpu.wait_dma2 semaphore(%run_scoped3A : memref<!tpu.dma_semaphore, #tpu.memory_space<semaphore_mem>>) src(%arg15 : memref<80x16xf32, #tpu.memory_space<vmem>>) dst(%dma_wait3A_57 : memref<80x16xf32, #tpu.memory_space<hbm>>)
          tpu.yield
        }) : () -> ()
      } else {
      }
    }
    %scan3A_18 = arith.constant 4 : i32
    %barrier3A_19 = arith.constant 0 : index
    tpu.barrier barrier_id(%barrier3A_19)
    %scan3A_20 = arith.constant 0 : i32
    %scan3A_21 = arith.constant 0 : i32
    %scan3A_22 = arith.constant 41 : i32
    %scan3A_23 = arith.addi %scan3A_21, %scan3A_22 : i32
    %scan3A_24 = arith.constant 1 : i32
    scf.for %scan3A_41 = %scan3A_21 to %scan3A_23 step %scan3A_24  : i32 {
      %mul3A_42 = arith.constant 328 : i32
      %mul3A_43 = arith.muli %arg1, %mul3A_42 : i32
      %mul3A_44 = arith.constant 8 : i32
      %mul3A_45 = arith.muli %scan3A_41, %mul3A_44 : i32
      %add3A = arith.addi %mul3A_43, %mul3A_45 : i32
      "tpu.region"() ({
        %run_scoped3A = tpu.sem_alloc : memref<!tpu.dma_semaphore, #tpu.memory_space<semaphore_mem>>
        %dma_start3A = arith.constant 0 : i32
        %dma_start3A_51 = tpu.memref_slice %arg16[%add3A, %dma_start3A] : memref<5248x128xf32, #tpu.memory_space<vmem_shared>> -> memref<8x128xf32, #tpu.memory_space<vmem_shared>>
        %dma_start3A_52 = arith.constant 0 : i32
        %dma_start3A_53 = tpu.memref_slice %arg16[%add3A, %dma_start3A_52] : memref<5248x128xf32, #tpu.memory_space<vmem_shared>> -> memref<8x128xf32, #tpu.memory_space<vmem_shared>>
        tpu.enqueue_dma source(%arg13 : memref<8x128xf32, #tpu.memory_space<vmem>>) target(%dma_start3A_53 : memref<8x128xf32, #tpu.memory_space<vmem_shared>>) target_semaphore(%run_scoped3A : memref<!tpu.dma_semaphore, #tpu.memory_space<semaphore_mem>>)
        %dma_wait3A = arith.constant 0 : i32
        %dma_wait3A_54 = tpu.memref_slice %arg16[%add3A, %dma_wait3A] : memref<5248x128xf32, #tpu.memory_space<vmem_shared>> -> memref<8x128xf32, #tpu.memory_space<vmem_shared>>
        %dma_wait3A_55 = arith.constant 0 : i32
        %dma_wait3A_56 = tpu.memref_slice %arg16[%add3A, %dma_wait3A_55] : memref<5248x128xf32, #tpu.memory_space<vmem_shared>> -> memref<8x128xf32, #tpu.memory_space<vmem_shared>>
        tpu.wait_dma2 semaphore(%run_scoped3A : memref<!tpu.dma_semaphore, #tpu.memory_space<semaphore_mem>>) src(%arg13 : memref<8x128xf32, #tpu.memory_space<vmem>>) dst(%dma_wait3A_56 : memref<8x128xf32, #tpu.memory_space<vmem_shared>>)
        tpu.yield
      }) : () -> ()
      %mul3A_46 = arith.constant 328 : i32
      %mul3A_47 = arith.muli %arg1, %mul3A_46 : i32
      %mul3A_48 = arith.constant 8 : i32
      %mul3A_49 = arith.muli %scan3A_41, %mul3A_48 : i32
      %add3A_50 = arith.addi %mul3A_47, %mul3A_49 : i32
      "tpu.region"() ({
        %run_scoped3A = tpu.sem_alloc : memref<!tpu.dma_semaphore, #tpu.memory_space<semaphore_mem>>
        %dma_start3A = arith.constant 0 : i32
        %dma_start3A_51 = tpu.memref_slice %arg17[%add3A_50, %dma_start3A] : memref<5248x16xf32, #tpu.memory_space<vmem_shared>> -> memref<8x16xf32, #tpu.memory_space<vmem_shared>>
        %dma_start3A_52 = arith.constant 0 : i32
        %dma_start3A_53 = tpu.memref_slice %arg17[%add3A_50, %dma_start3A_52] : memref<5248x16xf32, #tpu.memory_space<vmem_shared>> -> memref<8x16xf32, #tpu.memory_space<vmem_shared>>
        tpu.enqueue_dma source(%arg14 : memref<8x16xf32, #tpu.memory_space<vmem>>) target(%dma_start3A_53 : memref<8x16xf32, #tpu.memory_space<vmem_shared>>) target_semaphore(%run_scoped3A : memref<!tpu.dma_semaphore, #tpu.memory_space<semaphore_mem>>)
        %dma_wait3A = arith.constant 0 : i32
        %dma_wait3A_54 = tpu.memref_slice %arg17[%add3A_50, %dma_wait3A] : memref<5248x16xf32, #tpu.memory_space<vmem_shared>> -> memref<8x16xf32, #tpu.memory_space<vmem_shared>>
        %dma_wait3A_55 = arith.constant 0 : i32
        %dma_wait3A_56 = tpu.memref_slice %arg17[%add3A_50, %dma_wait3A_55] : memref<5248x16xf32, #tpu.memory_space<vmem_shared>> -> memref<8x16xf32, #tpu.memory_space<vmem_shared>>
        tpu.wait_dma2 semaphore(%run_scoped3A : memref<!tpu.dma_semaphore, #tpu.memory_space<semaphore_mem>>) src(%arg14 : memref<8x16xf32, #tpu.memory_space<vmem>>) dst(%dma_wait3A_56 : memref<8x16xf32, #tpu.memory_space<vmem_shared>>)
        tpu.yield
      }) : () -> ()
    }
    %scan3A_25 = arith.constant 41 : i32
    %barrier3A_26 = arith.constant 0 : index
    tpu.barrier barrier_id(%barrier3A_26)
    %scan3A_27 = arith.constant 0 : i32
    %scan3A_28 = arith.constant 0 : i32
    %scan3A_29 = arith.constant 250 : i32
    %scan3A_30 = arith.addi %scan3A_28, %scan3A_29 : i32
    %scan3A_31 = arith.constant 1 : i32
    scf.for %scan3A_41 = %scan3A_28 to %scan3A_30 step %scan3A_31  : i32 {
      %mul3A_42 = arith.constant 20000 : i32
      %mul3A_43 = arith.muli %arg1, %mul3A_42 : i32
      %mul3A_44 = arith.constant 80 : i32
      %mul3A_45 = arith.muli %scan3A_41, %mul3A_44 : i32
      %add3A = arith.addi %mul3A_43, %mul3A_45 : i32
      "tpu.region"() ({
        %run_scoped3A = tpu.sem_alloc : memref<!tpu.dma_semaphore, #tpu.memory_space<semaphore_mem>>
        %dma_start3A = tpu.memref_slice %arg3[%add3A] : memref<320000xi32, #tpu.memory_space<hbm>> -> memref<80xi32, #tpu.memory_space<hbm>>
        %dma_start3A_139 = tpu.memref_slice %arg3[%add3A] : memref<320000xi32, #tpu.memory_space<hbm>> -> memref<80xi32, #tpu.memory_space<hbm>>
        tpu.enqueue_dma source(%dma_start3A_139 : memref<80xi32, #tpu.memory_space<hbm>>) target(%arg9 : memref<80xi32, #tpu.memory_space<vmem>>) target_semaphore(%run_scoped3A : memref<!tpu.dma_semaphore, #tpu.memory_space<semaphore_mem>>)
        %dma_wait3A = tpu.memref_slice %arg3[%add3A] : memref<320000xi32, #tpu.memory_space<hbm>> -> memref<80xi32, #tpu.memory_space<hbm>>
        %dma_wait3A_140 = tpu.memref_slice %arg3[%add3A] : memref<320000xi32, #tpu.memory_space<hbm>> -> memref<80xi32, #tpu.memory_space<hbm>>
        tpu.wait_dma2 semaphore(%run_scoped3A : memref<!tpu.dma_semaphore, #tpu.memory_space<semaphore_mem>>) src(%dma_wait3A_140 : memref<80xi32, #tpu.memory_space<hbm>>) dst(%arg9 : memref<80xi32, #tpu.memory_space<vmem>>)
        tpu.yield
      }) : () -> ()
      "tpu.region"() ({
        %run_scoped3A = tpu.sem_alloc : memref<!tpu.dma_semaphore, #tpu.memory_space<semaphore_mem>>
        %dma_start3A = tpu.memref_slice %arg2[%add3A, %multiple_of3A] : memref<320000x256xf32, #tpu.memory_space<hbm>> -> memref<80x128xf32, #tpu.memory_space<hbm>>
        %dma_start3A_139 = tpu.memref_slice %arg2[%add3A, %multiple_of3A] : memref<320000x256xf32, #tpu.memory_space<hbm>> -> memref<80x128xf32, #tpu.memory_space<hbm>>
        tpu.enqueue_dma source(%dma_start3A_139 : memref<80x128xf32, #tpu.memory_space<hbm>>) target(%arg11 : memref<80x128xf32, #tpu.memory_space<vmem>>) target_semaphore(%run_scoped3A : memref<!tpu.dma_semaphore, #tpu.memory_space<semaphore_mem>>)
        %dma_wait3A = tpu.memref_slice %arg2[%add3A, %multiple_of3A] : memref<320000x256xf32, #tpu.memory_space<hbm>> -> memref<80x128xf32, #tpu.memory_space<hbm>>
        %dma_wait3A_140 = tpu.memref_slice %arg2[%add3A, %multiple_of3A] : memref<320000x256xf32, #tpu.memory_space<hbm>> -> memref<80x128xf32, #tpu.memory_space<hbm>>
        tpu.wait_dma2 semaphore(%run_scoped3A : memref<!tpu.dma_semaphore, #tpu.memory_space<semaphore_mem>>) src(%dma_wait3A_140 : memref<80x128xf32, #tpu.memory_space<hbm>>) dst(%arg11 : memref<80x128xf32, #tpu.memory_space<vmem>>)
        tpu.yield
      }) : () -> ()
      %get3A = arith.constant 0 : index
      %get3A_46 = tpu.vector_load %arg9[%get3A] {strides = array<i32>} : memref<80xi32, #tpu.memory_space<vmem>>, vector<16xi32>,
      %get3A_47 = vector.shape_cast %get3A_46 : vector<16xi32> to vector<16xi32>
      %sub3A = arith.constant 5120 : i32
      %sub3A_48 = vector.broadcast %sub3A : i32 to vector<16xi32>
      %sub3A_49 = arith.subi %get3A_47, %sub3A_48 : vector<16xi32>
      %ge3A = arith.constant 0 : i32
      %ge3A_50 = vector.broadcast %ge3A : i32 to vector<16xi32>
      %ge3A_51 = arith.cmpi sge, %sub3A_49, %ge3A_50 : vector<16xi32>
      %lt3A = arith.constant 5120 : i32
      %lt3A_52 = vector.broadcast %lt3A : i32 to vector<16xi32>
      %lt3A_53 = arith.cmpi slt, %sub3A_49, %lt3A_52 : vector<16xi32>
      %and3A = arith.andi %ge3A_51, %lt3A_53 : vector<16xi1>
      %jit3A = arith.constant 5120 : i32
      %broadcast_in_dim3A = vector.broadcast %jit3A : i32 to vector<16xi32>
      %select_n3A = arith.select %and3A, %sub3A_49, %broadcast_in_dim3A : vector<16xi1>, vector<16xi32>
      %swap3A = arith.constant 0 : index
      %swap3A_54 = tpu.vector_load %arg10[%swap3A] {strides = array<i32>} : memref<80xi32, #tpu.memory_space<vmem>>, vector<16xi32>,
      %swap3A_55 = vector.shape_cast %swap3A_54 : vector<16xi32> to vector<16xi32>
      %swap3A_56 = vector.shape_cast %select_n3A : vector<16xi32> to vector<16xi32>
      tpu.vector_store %arg10[%swap3A], %swap3A_56 {strides = array<i32>} : memref<80xi32, #tpu.memory_space<vmem>>, vector<16xi32>,
      %get3A_57 = arith.constant 16 : index
      %get3A_58 = tpu.vector_load %arg9[%get3A_57] {strides = array<i32>} : memref<80xi32, #tpu.memory_space<vmem>>, vector<16xi32>,
      %get3A_59 = vector.shape_cast %get3A_58 : vector<16xi32> to vector<16xi32>
      %sub3A_60 = arith.constant 5120 : i32
      %sub3A_61 = vector.broadcast %sub3A_60 : i32 to vector<16xi32>
      %sub3A_62 = arith.subi %get3A_59, %sub3A_61 : vector<16xi32>
      %ge3A_63 = arith.constant 0 : i32
      %ge3A_64 = vector.broadcast %ge3A_63 : i32 to vector<16xi32>
      %ge3A_65 = arith.cmpi sge, %sub3A_62, %ge3A_64 : vector<16xi32>
      %lt3A_66 = arith.constant 5120 : i32
      %lt3A_67 = vector.broadcast %lt3A_66 : i32 to vector<16xi32>
      %lt3A_68 = arith.cmpi slt, %sub3A_62, %lt3A_67 : vector<16xi32>
      %and3A_69 = arith.andi %ge3A_65, %lt3A_68 : vector<16xi1>
      %jit3A_70 = arith.constant 5120 : i32
      %broadcast_in_dim3A_71 = vector.broadcast %jit3A_70 : i32 to vector<16xi32>
      %select_n3A_72 = arith.select %and3A_69, %sub3A_62, %broadcast_in_dim3A_71 : vector<16xi1>, vector<16xi32>
      %swap3A_73 = arith.constant 16 : index
      %swap3A_74 = tpu.vector_load %arg10[%swap3A_73] {strides = array<i32>} : memref<80xi32, #tpu.memory_space<vmem>>, vector<16xi32>,
      %swap3A_75 = vector.shape_cast %swap3A_74 : vector<16xi32> to vector<16xi32>
      %swap3A_76 = vector.shape_cast %select_n3A_72 : vector<16xi32> to vector<16xi32>
      tpu.vector_store %arg10[%swap3A_73], %swap3A_76 {strides = array<i32>} : memref<80xi32, #tpu.memory_space<vmem>>, vector<16xi32>,
      %get3A_77 = arith.constant 32 : index
      %get3A_78 = tpu.vector_load %arg9[%get3A_77] {strides = array<i32>} : memref<80xi32, #tpu.memory_space<vmem>>, vector<16xi32>,
      %get3A_79 = vector.shape_cast %get3A_78 : vector<16xi32> to vector<16xi32>
      %sub3A_80 = arith.constant 5120 : i32
      %sub3A_81 = vector.broadcast %sub3A_80 : i32 to vector<16xi32>
      %sub3A_82 = arith.subi %get3A_79, %sub3A_81 : vector<16xi32>
      %ge3A_83 = arith.constant 0 : i32
      %ge3A_84 = vector.broadcast %ge3A_83 : i32 to vector<16xi32>
      %ge3A_85 = arith.cmpi sge, %sub3A_82, %ge3A_84 : vector<16xi32>
      %lt3A_86 = arith.constant 5120 : i32
      %lt3A_87 = vector.broadcast %lt3A_86 : i32 to vector<16xi32>
      %lt3A_88 = arith.cmpi slt, %sub3A_82, %lt3A_87 : vector<16xi32>
      %and3A_89 = arith.andi %ge3A_85, %lt3A_88 : vector<16xi1>
      %jit3A_90 = arith.constant 5120 : i32
      %broadcast_in_dim3A_91 = vector.broadcast %jit3A_90 : i32 to vector<16xi32>
      %select_n3A_92 = arith.select %and3A_89, %sub3A_82, %broadcast_in_dim3A_91 : vector<16xi1>, vector<16xi32>
      %swap3A_93 = arith.constant 32 : index
      %swap3A_94 = tpu.vector_load %arg10[%swap3A_93] {strides = array<i32>} : memref<80xi32, #tpu.memory_space<vmem>>, vector<16xi32>,
      %swap3A_95 = vector.shape_cast %swap3A_94 : vector<16xi32> to vector<16xi32>
      %swap3A_96 = vector.shape_cast %select_n3A_92 : vector<16xi32> to vector<16xi32>
      tpu.vector_store %arg10[%swap3A_93], %swap3A_96 {strides = array<i32>} : memref<80xi32, #tpu.memory_space<vmem>>, vector<16xi32>,
      %get3A_97 = arith.constant 48 : index
      %get3A_98 = tpu.vector_load %arg9[%get3A_97] {strides = array<i32>} : memref<80xi32, #tpu.memory_space<vmem>>, vector<16xi32>,
      %get3A_99 = vector.shape_cast %get3A_98 : vector<16xi32> to vector<16xi32>
      %sub3A_100 = arith.constant 5120 : i32
      %sub3A_101 = vector.broadcast %sub3A_100 : i32 to vector<16xi32>
      %sub3A_102 = arith.subi %get3A_99, %sub3A_101 : vector<16xi32>
      %ge3A_103 = arith.constant 0 : i32
      %ge3A_104 = vector.broadcast %ge3A_103 : i32 to vector<16xi32>
      %ge3A_105 = arith.cmpi sge, %sub3A_102, %ge3A_104 : vector<16xi32>
      %lt3A_106 = arith.constant 5120 : i32
      %lt3A_107 = vector.broadcast %lt3A_106 : i32 to vector<16xi32>
      %lt3A_108 = arith.cmpi slt, %sub3A_102, %lt3A_107 : vector<16xi32>
      %and3A_109 = arith.andi %ge3A_105, %lt3A_108 : vector<16xi1>
      %jit3A_110 = arith.constant 5120 : i32
      %broadcast_in_dim3A_111 = vector.broadcast %jit3A_110 : i32 to vector<16xi32>
      %select_n3A_112 = arith.select %and3A_109, %sub3A_102, %broadcast_in_dim3A_111 : vector<16xi1>, vector<16xi32>
      %swap3A_113 = arith.constant 48 : index
      %swap3A_114 = tpu.vector_load %arg10[%swap3A_113] {strides = array<i32>} : memref<80xi32, #tpu.memory_space<vmem>>, vector<16xi32>,
      %swap3A_115 = vector.shape_cast %swap3A_114 : vector<16xi32> to vector<16xi32>
      %swap3A_116 = vector.shape_cast %select_n3A_112 : vector<16xi32> to vector<16xi32>
      tpu.vector_store %arg10[%swap3A_113], %swap3A_116 {strides = array<i32>} : memref<80xi32, #tpu.memory_space<vmem>>, vector<16xi32>,
      %get3A_117 = arith.constant 64 : index
      %get3A_118 = tpu.vector_load %arg9[%get3A_117] {strides = array<i32>} : memref<80xi32, #tpu.memory_space<vmem>>, vector<16xi32>,
      %get3A_119 = vector.shape_cast %get3A_118 : vector<16xi32> to vector<16xi32>
      %sub3A_120 = arith.constant 5120 : i32
      %sub3A_121 = vector.broadcast %sub3A_120 : i32 to vector<16xi32>
      %sub3A_122 = arith.subi %get3A_119, %sub3A_121 : vector<16xi32>
      %ge3A_123 = arith.constant 0 : i32
      %ge3A_124 = vector.broadcast %ge3A_123 : i32 to vector<16xi32>
      %ge3A_125 = arith.cmpi sge, %sub3A_122, %ge3A_124 : vector<16xi32>
      %lt3A_126 = arith.constant 5120 : i32
      %lt3A_127 = vector.broadcast %lt3A_126 : i32 to vector<16xi32>
      %lt3A_128 = arith.cmpi slt, %sub3A_122, %lt3A_127 : vector<16xi32>
      %and3A_129 = arith.andi %ge3A_125, %lt3A_128 : vector<16xi1>
      %jit3A_130 = arith.constant 5120 : i32
      %broadcast_in_dim3A_131 = vector.broadcast %jit3A_130 : i32 to vector<16xi32>
      %select_n3A_132 = arith.select %and3A_129, %sub3A_122, %broadcast_in_dim3A_131 : vector<16xi1>, vector<16xi32>
      %swap3A_133 = arith.constant 64 : index
      %swap3A_134 = tpu.vector_load %arg10[%swap3A_133] {strides = array<i32>} : memref<80xi32, #tpu.memory_space<vmem>>, vector<16xi32>,
      %swap3A_135 = vector.shape_cast %swap3A_134 : vector<16xi32> to vector<16xi32>
      %swap3A_136 = vector.shape_cast %select_n3A_132 : vector<16xi32> to vector<16xi32>
      tpu.vector_store %arg10[%swap3A_133], %swap3A_136 {strides = array<i32>} : memref<80xi32, #tpu.memory_space<vmem>>, vector<16xi32>,
      "tpu.region"() ({
        %run_scoped3A = tpu.sem_alloc : memref<!tpu.dma_semaphore, #tpu.memory_space<semaphore_mem>>
        %dma_start3A = arith.constant 0 : i32
        %dma_start3A_139 = arith.constant 0 : i32
        %dma_start3A_140 = tpu.memref_slice %arg16[%dma_start3A, %dma_start3A_139] : memref<5248x128xf32, #tpu.memory_space<vmem_shared>> -> memref<5248x128xf32, #tpu.memory_space<vmem_shared>>
        tpu.enqueue_indirect_dma source(%arg11 : memref<80x128xf32, #tpu.memory_space<vmem>>) target(%dma_start3A_140 : memref<5248x128xf32, #tpu.memory_space<vmem_shared>>) offsets(%arg10 : memref<80xi32, #tpu.memory_space<vmem>>) semaphore(%run_scoped3A : memref<!tpu.dma_semaphore, #tpu.memory_space<semaphore_mem>>) {add = true}
        %dma_wait3A = arith.constant 0 : i32
        %dma_wait3A_141 = arith.constant 0 : i32
        %dma_wait3A_142 = tpu.memref_slice %arg16[%dma_wait3A, %dma_wait3A_141] : memref<5248x128xf32, #tpu.memory_space<vmem_shared>> -> memref<5248x128xf32, #tpu.memory_space<vmem_shared>>
        tpu.wait_indirect_dma semaphore(%run_scoped3A : memref<!tpu.dma_semaphore, #tpu.memory_space<semaphore_mem>>) src(%arg11 : memref<80x128xf32, #tpu.memory_space<vmem>>) dst(%dma_wait3A_142 : memref<5248x128xf32, #tpu.memory_space<vmem_shared>>)
        tpu.yield
      }) : () -> ()
      %eq3A = arith.constant 0 : i32
      %eq3A_137 = arith.cmpi eq, %arg0, %eq3A : i32
      %convert_element_type3A = arith.extui %eq3A_137 : i1 to i32
      %cond3A = arith.constant 0 : i32
      %cond3A_138 = arith.cmpi ne, %convert_element_type3A, %cond3A : i32
      scf.if %cond3A_138 {
        "tpu.region"() ({
          %run_scoped3A = tpu.sem_alloc : memref<!tpu.dma_semaphore, #tpu.memory_space<semaphore_mem>>
          %dma_start3A = arith.constant 0 : i32
          %dma_start3A_139 = arith.constant 0 : i32
          %dma_start3A_140 = tpu.memref_slice %arg17[%dma_start3A, %dma_start3A_139] : memref<5248x16xf32, #tpu.memory_space<vmem_shared>> -> memref<5248x16xf32, #tpu.memory_space<vmem_shared>>
          tpu.enqueue_indirect_dma source(%arg12 : memref<80x16xf32, #tpu.memory_space<vmem>>) target(%dma_start3A_140 : memref<5248x16xf32, #tpu.memory_space<vmem_shared>>) offsets(%arg10 : memref<80xi32, #tpu.memory_space<vmem>>) semaphore(%run_scoped3A : memref<!tpu.dma_semaphore, #tpu.memory_space<semaphore_mem>>) {add = true}
          %dma_wait3A = arith.constant 0 : i32
          %dma_wait3A_141 = arith.constant 0 : i32
          %dma_wait3A_142 = tpu.memref_slice %arg17[%dma_wait3A, %dma_wait3A_141] : memref<5248x16xf32, #tpu.memory_space<vmem_shared>> -> memref<5248x16xf32, #tpu.memory_space<vmem_shared>>
          tpu.wait_indirect_dma semaphore(%run_scoped3A : memref<!tpu.dma_semaphore, #tpu.memory_space<semaphore_mem>>) src(%arg12 : memref<80x16xf32, #tpu.memory_space<vmem>>) dst(%dma_wait3A_142 : memref<5248x16xf32, #tpu.memory_space<vmem_shared>>)
          tpu.yield
        }) : () -> ()
      } else {
      }
    }
    %scan3A_32 = arith.constant 250 : i32
    %barrier3A_33 = arith.constant 0 : index
    tpu.barrier barrier_id(%barrier3A_33)
    %scan3A_34 = arith.constant 0 : i32
    %scan3A_35 = arith.constant 0 : i32
    %scan3A_36 = arith.constant 4 : i32
    %scan3A_37 = arith.addi %scan3A_35, %scan3A_36 : i32
    %scan3A_38 = arith.constant 1 : i32
    scf.for %scan3A_41 = %scan3A_35 to %scan3A_37 step %scan3A_38  : i32 {
      %mul3A_42 = arith.constant 320 : i32
      %mul3A_43 = arith.muli %arg1, %mul3A_42 : i32
      %mul3A_44 = arith.constant 80 : i32
      %mul3A_45 = arith.muli %scan3A_41, %mul3A_44 : i32
      %add3A = arith.addi %mul3A_43, %mul3A_45 : i32
      "tpu.region"() ({
        %run_scoped3A = tpu.sem_alloc : memref<!tpu.dma_semaphore, #tpu.memory_space<semaphore_mem>>
        %dma_start3A = arith.constant 0 : i32
        %dma_start3A_50 = tpu.memref_slice %arg16[%add3A, %dma_start3A] : memref<5248x128xf32, #tpu.memory_space<vmem_shared>> -> memref<80x128xf32, #tpu.memory_space<vmem_shared>>
        %dma_start3A_51 = arith.constant 0 : i32
        %dma_start3A_52 = tpu.memref_slice %arg16[%add3A, %dma_start3A_51] : memref<5248x128xf32, #tpu.memory_space<vmem_shared>> -> memref<80x128xf32, #tpu.memory_space<vmem_shared>>
        tpu.enqueue_dma source(%dma_start3A_52 : memref<80x128xf32, #tpu.memory_space<vmem_shared>>) target(%arg11 : memref<80x128xf32, #tpu.memory_space<vmem>>) target_semaphore(%run_scoped3A : memref<!tpu.dma_semaphore, #tpu.memory_space<semaphore_mem>>)
        %dma_wait3A = arith.constant 0 : i32
        %dma_wait3A_53 = tpu.memref_slice %arg16[%add3A, %dma_wait3A] : memref<5248x128xf32, #tpu.memory_space<vmem_shared>> -> memref<80x128xf32, #tpu.memory_space<vmem_shared>>
        %dma_wait3A_54 = arith.constant 0 : i32
        %dma_wait3A_55 = tpu.memref_slice %arg16[%add3A, %dma_wait3A_54] : memref<5248x128xf32, #tpu.memory_space<vmem_shared>> -> memref<80x128xf32, #tpu.memory_space<vmem_shared>>
        tpu.wait_dma2 semaphore(%run_scoped3A : memref<!tpu.dma_semaphore, #tpu.memory_space<semaphore_mem>>) src(%dma_wait3A_55 : memref<80x128xf32, #tpu.memory_space<vmem_shared>>) dst(%arg11 : memref<80x128xf32, #tpu.memory_space<vmem>>)
        tpu.yield
      }) : () -> ()
      %add3A_46 = arith.constant 5120 : i32
      %add3A_47 = arith.addi %add3A_46, %add3A : i32
      "tpu.region"() ({
        %run_scoped3A = tpu.sem_alloc : memref<!tpu.dma_semaphore, #tpu.memory_space<semaphore_mem>>
        %dma_start3A = tpu.memref_slice %arg7[%add3A_47, %multiple_of3A] : memref<10240x256xf32, #tpu.memory_space<hbm>> -> memref<80x128xf32, #tpu.memory_space<hbm>>
        %dma_start3A_50 = tpu.memref_slice %arg7[%add3A_47, %multiple_of3A] : memref<10240x256xf32, #tpu.memory_space<hbm>> -> memref<80x128xf32, #tpu.memory_space<hbm>>
        tpu.enqueue_dma source(%arg11 : memref<80x128xf32, #tpu.memory_space<vmem>>) target(%dma_start3A_50 : memref<80x128xf32, #tpu.memory_space<hbm>>) target_semaphore(%run_scoped3A : memref<!tpu.dma_semaphore, #tpu.memory_space<semaphore_mem>>)
        %dma_wait3A = tpu.memref_slice %arg7[%add3A_47, %multiple_of3A] : memref<10240x256xf32, #tpu.memory_space<hbm>> -> memref<80x128xf32, #tpu.memory_space<hbm>>
        %dma_wait3A_51 = tpu.memref_slice %arg7[%add3A_47, %multiple_of3A] : memref<10240x256xf32, #tpu.memory_space<hbm>> -> memref<80x128xf32, #tpu.memory_space<hbm>>
        tpu.wait_dma2 semaphore(%run_scoped3A : memref<!tpu.dma_semaphore, #tpu.memory_space<semaphore_mem>>) src(%arg11 : memref<80x128xf32, #tpu.memory_space<vmem>>) dst(%dma_wait3A_51 : memref<80x128xf32, #tpu.memory_space<hbm>>)
        tpu.yield
      }) : () -> ()
      %eq3A = arith.constant 0 : i32
      %eq3A_48 = arith.cmpi eq, %arg0, %eq3A : i32
      %convert_element_type3A = arith.extui %eq3A_48 : i1 to i32
      %cond3A = arith.constant 0 : i32
      %cond3A_49 = arith.cmpi ne, %convert_element_type3A, %cond3A : i32
      scf.if %cond3A_49 {
        "tpu.region"() ({
          %run_scoped3A = tpu.sem_alloc : memref<!tpu.dma_semaphore, #tpu.memory_space<semaphore_mem>>
          %dma_start3A = arith.constant 0 : i32
          %dma_start3A_52 = tpu.memref_slice %arg17[%add3A, %dma_start3A] : memref<5248x16xf32, #tpu.memory_space<vmem_shared>> -> memref<80x16xf32, #tpu.memory_space<vmem_shared>>
          %dma_start3A_53 = arith.constant 0 : i32
          %dma_start3A_54 = tpu.memref_slice %arg17[%add3A, %dma_start3A_53] : memref<5248x16xf32, #tpu.memory_space<vmem_shared>> -> memref<80x16xf32, #tpu.memory_space<vmem_shared>>
          tpu.enqueue_dma source(%dma_start3A_54 : memref<80x16xf32, #tpu.memory_space<vmem_shared>>) target(%arg15 : memref<80x16xf32, #tpu.memory_space<vmem>>) target_semaphore(%run_scoped3A : memref<!tpu.dma_semaphore, #tpu.memory_space<semaphore_mem>>)
          %dma_wait3A = arith.constant 0 : i32
          %dma_wait3A_55 = tpu.memref_slice %arg17[%add3A, %dma_wait3A] : memref<5248x16xf32, #tpu.memory_space<vmem_shared>> -> memref<80x16xf32, #tpu.memory_space<vmem_shared>>
          %dma_wait3A_56 = arith.constant 0 : i32
          %dma_wait3A_57 = tpu.memref_slice %arg17[%add3A, %dma_wait3A_56] : memref<5248x16xf32, #tpu.memory_space<vmem_shared>> -> memref<80x16xf32, #tpu.memory_space<vmem_shared>>
          tpu.wait_dma2 semaphore(%run_scoped3A : memref<!tpu.dma_semaphore, #tpu.memory_space<semaphore_mem>>) src(%dma_wait3A_57 : memref<80x16xf32, #tpu.memory_space<vmem_shared>>) dst(%arg15 : memref<80x16xf32, #tpu.memory_space<vmem>>)
          tpu.yield
        }) : () -> ()
        %add3A_50 = arith.constant 5120 : i32
        %add3A_51 = arith.addi %add3A_50, %add3A : i32
        "tpu.region"() ({
          %run_scoped3A = tpu.sem_alloc : memref<!tpu.dma_semaphore, #tpu.memory_space<semaphore_mem>>
          %dma_start3A = arith.constant 0 : i32
          %dma_start3A_52 = tpu.memref_slice %arg8[%add3A_51, %dma_start3A] : memref<10240x16xf32, #tpu.memory_space<hbm>> -> memref<80x16xf32, #tpu.memory_space<hbm>>
          %dma_start3A_53 = arith.constant 0 : i32
          %dma_start3A_54 = tpu.memref_slice %arg8[%add3A_51, %dma_start3A_53] : memref<10240x16xf32, #tpu.memory_space<hbm>> -> memref<80x16xf32, #tpu.memory_space<hbm>>
          tpu.enqueue_dma source(%arg15 : memref<80x16xf32, #tpu.memory_space<vmem>>) target(%dma_start3A_54 : memref<80x16xf32, #tpu.memory_space<hbm>>) target_semaphore(%run_scoped3A : memref<!tpu.dma_semaphore, #tpu.memory_space<semaphore_mem>>)
          %dma_wait3A = arith.constant 0 : i32
          %dma_wait3A_55 = tpu.memref_slice %arg8[%add3A_51, %dma_wait3A] : memref<10240x16xf32, #tpu.memory_space<hbm>> -> memref<80x16xf32, #tpu.memory_space<hbm>>
          %dma_wait3A_56 = arith.constant 0 : i32
          %dma_wait3A_57 = tpu.memref_slice %arg8[%add3A_51, %dma_wait3A_56] : memref<10240x16xf32, #tpu.memory_space<hbm>> -> memref<80x16xf32, #tpu.memory_space<hbm>>
          tpu.wait_dma2 semaphore(%run_scoped3A : memref<!tpu.dma_semaphore, #tpu.memory_space<semaphore_mem>>) src(%arg15 : memref<80x16xf32, #tpu.memory_space<vmem>>) dst(%dma_wait3A_57 : memref<80x16xf32, #tpu.memory_space<hbm>>)
          tpu.yield
        }) : () -> ()
      } else {
      }
    }
    %scan3A_39 = arith.constant 4 : i32
    %barrier3A_40 = arith.constant 0 : index
    tpu.barrier barrier_id(%barrier3A_40)
    return
  }
}

#map = affine_map<(d0, d1) -> (0, 0)>
#map1 = affine_map<(d0, d1) -> (0)>
module attributes {stable_mosaic.version = 14 : i64} {
  func.func @k(%arg0: i32, %arg1: i32, %arg2: memref<10000x256xf32, #tpu.memory_space<hbm>>, %arg3: memref<10000x256xf32, #tpu.memory_space<hbm>>, %arg4: memref<320000xi32, #tpu.memory_space<hbm>>, %arg5: memref<320000xi32, #tpu.memory_space<hbm>>, %arg6: memref<320000x256xf32, #tpu.memory_space<hbm>>, %arg7: memref<320000x256xf32, #tpu.memory_space<hbm>>, %arg8: memref<40xi32, #tpu.memory_space<vmem>>, %arg9: memref<40xi32, #tpu.memory_space<vmem>>, %arg10: memref<40xi32, #tpu.memory_space<vmem>>, %arg11: memref<40xi32, #tpu.memory_space<vmem>>, %arg12: memref<40xi32, #tpu.memory_space<vmem>>, %arg13: memref<40xi32, #tpu.memory_space<vmem>>, %arg14: memref<40xi32, #tpu.memory_space<vmem>>, %arg15: memref<40xi32, #tpu.memory_space<vmem>>, %arg16: memref<40x256xf32, #tpu.memory_space<vmem>>, %arg17: memref<40x256xf32, #tpu.memory_space<vmem>>, %arg18: memref<40x256xf32, #tpu.memory_space<vmem>>, %arg19: memref<40x256xf32, #tpu.memory_space<vmem>>, %arg20: memref<40x256xf32, #tpu.memory_space<vmem>>, %arg21: memref<40x256xf32, #tpu.memory_space<vmem>>, %arg22: memref<40x256xf32, #tpu.memory_space<vmem>>, %arg23: memref<40x256xf32, #tpu.memory_space<vmem>>, %arg24: memref<!tpu.dma_semaphore, #tpu.memory_space<semaphore_mem>>, %arg25: memref<!tpu.dma_semaphore, #tpu.memory_space<semaphore_mem>>, %arg26: memref<!tpu.dma_semaphore, #tpu.memory_space<semaphore_mem>>, %arg27: memref<!tpu.dma_semaphore, #tpu.memory_space<semaphore_mem>>, %arg28: memref<!tpu.dma_semaphore, #tpu.memory_space<semaphore_mem>>, %arg29: memref<!tpu.dma_semaphore, #tpu.memory_space<semaphore_mem>>, %arg30: memref<!tpu.dma_semaphore, #tpu.memory_space<semaphore_mem>>, %arg31: memref<!tpu.dma_semaphore, #tpu.memory_space<semaphore_mem>>) attributes {dimension_semantics = [#tpu.dimension_semantics<core_parallel>, #tpu.dimension_semantics<subcore_parallel>], iteration_bounds = array<i64: 2, 16>, scalar_prefetch = 0 : i64, scratch_operands = 24 : i64, tpu.core_type = #tpu.core_type<sc_vector_subcore>, window_params = [{transform_indices = #map}, {transform_indices = #map}, {transform_indices = #map1}, {transform_indices = #map1}, {transform_indices = #map}, {transform_indices = #map}]} {
    %mul3A = arith.constant 2 : i32
    %mul3A_0 = arith.muli %arg1, %mul3A : i32
    %add3A = arith.addi %mul3A_0, %arg0 : i32
    %mul3A_1 = arith.constant 10000 : i32
    %mul3A_2 = arith.muli %add3A, %mul3A_1 : i32
    %add3A_3 = arith.constant 0 : i32
    %add3A_4 = arith.addi %mul3A_2, %add3A_3 : i32
    "tpu.region"() ({
      %run_scoped3A = tpu.sem_alloc : memref<!tpu.dma_semaphore, #tpu.memory_space<semaphore_mem>>
      %dma_start3A_54 = tpu.memref_slice %arg4[%add3A_4] : memref<320000xi32, #tpu.memory_space<hbm>> -> memref<40xi32, #tpu.memory_space<hbm>>
      %dma_start3A_55 = tpu.memref_slice %arg4[%add3A_4] : memref<320000xi32, #tpu.memory_space<hbm>> -> memref<40xi32, #tpu.memory_space<hbm>>
      tpu.enqueue_dma source(%dma_start3A_55 : memref<40xi32, #tpu.memory_space<hbm>>) target(%arg8 : memref<40xi32, #tpu.memory_space<vmem>>) target_semaphore(%run_scoped3A : memref<!tpu.dma_semaphore, #tpu.memory_space<semaphore_mem>>)
      %dma_wait3A_56 = tpu.memref_slice %arg4[%add3A_4] : memref<320000xi32, #tpu.memory_space<hbm>> -> memref<40xi32, #tpu.memory_space<hbm>>
      %dma_wait3A_57 = tpu.memref_slice %arg4[%add3A_4] : memref<320000xi32, #tpu.memory_space<hbm>> -> memref<40xi32, #tpu.memory_space<hbm>>
      tpu.wait_dma2 semaphore(%run_scoped3A : memref<!tpu.dma_semaphore, #tpu.memory_space<semaphore_mem>>) src(%dma_wait3A_57 : memref<40xi32, #tpu.memory_space<hbm>>) dst(%arg8 : memref<40xi32, #tpu.memory_space<vmem>>)
      tpu.yield
    }) : () -> ()
    "tpu.region"() ({
      %run_scoped3A = tpu.sem_alloc : memref<!tpu.dma_semaphore, #tpu.memory_space<semaphore_mem>>
      %dma_start3A_54 = tpu.memref_slice %arg5[%add3A_4] : memref<320000xi32, #tpu.memory_space<hbm>> -> memref<40xi32, #tpu.memory_space<hbm>>
      %dma_start3A_55 = tpu.memref_slice %arg5[%add3A_4] : memref<320000xi32, #tpu.memory_space<hbm>> -> memref<40xi32, #tpu.memory_space<hbm>>
      tpu.enqueue_dma source(%dma_start3A_55 : memref<40xi32, #tpu.memory_space<hbm>>) target(%arg12 : memref<40xi32, #tpu.memory_space<vmem>>) target_semaphore(%run_scoped3A : memref<!tpu.dma_semaphore, #tpu.memory_space<semaphore_mem>>)
      %dma_wait3A_56 = tpu.memref_slice %arg5[%add3A_4] : memref<320000xi32, #tpu.memory_space<hbm>> -> memref<40xi32, #tpu.memory_space<hbm>>
      %dma_wait3A_57 = tpu.memref_slice %arg5[%add3A_4] : memref<320000xi32, #tpu.memory_space<hbm>> -> memref<40xi32, #tpu.memory_space<hbm>>
      tpu.wait_dma2 semaphore(%run_scoped3A : memref<!tpu.dma_semaphore, #tpu.memory_space<semaphore_mem>>) src(%dma_wait3A_57 : memref<40xi32, #tpu.memory_space<hbm>>) dst(%arg12 : memref<40xi32, #tpu.memory_space<vmem>>)
      tpu.yield
    }) : () -> ()
    %dma_start3A = arith.constant 0 : i32
    %dma_start3A_5 = arith.constant 0 : i32
    %dma_start3A_6 = tpu.memref_slice %arg2[%dma_start3A, %dma_start3A_5] : memref<10000x256xf32, #tpu.memory_space<hbm>> -> memref<10000x256xf32, #tpu.memory_space<hbm>>
    tpu.enqueue_indirect_dma source(%dma_start3A_6 : memref<10000x256xf32, #tpu.memory_space<hbm>>) target(%arg16 : memref<40x256xf32, #tpu.memory_space<vmem>>) offsets(%arg8 : memref<40xi32, #tpu.memory_space<vmem>>) semaphore(%arg24 : memref<!tpu.dma_semaphore, #tpu.memory_space<semaphore_mem>>)
    %dma_start3A_7 = arith.constant 0 : i32
    %dma_start3A_8 = arith.constant 0 : i32
    %dma_start3A_9 = tpu.memref_slice %arg3[%dma_start3A_7, %dma_start3A_8] : memref<10000x256xf32, #tpu.memory_space<hbm>> -> memref<10000x256xf32, #tpu.memory_space<hbm>>
    tpu.enqueue_indirect_dma source(%dma_start3A_9 : memref<10000x256xf32, #tpu.memory_space<hbm>>) target(%arg20 : memref<40x256xf32, #tpu.memory_space<vmem>>) offsets(%arg12 : memref<40xi32, #tpu.memory_space<vmem>>) semaphore(%arg24 : memref<!tpu.dma_semaphore, #tpu.memory_space<semaphore_mem>>)
    %add3A_10 = arith.constant 40 : i32
    %add3A_11 = arith.addi %mul3A_2, %add3A_10 : i32
    "tpu.region"() ({
      %run_scoped3A = tpu.sem_alloc : memref<!tpu.dma_semaphore, #tpu.memory_space<semaphore_mem>>
      %dma_start3A_54 = tpu.memref_slice %arg4[%add3A_11] : memref<320000xi32, #tpu.memory_space<hbm>> -> memref<40xi32, #tpu.memory_space<hbm>>
      %dma_start3A_55 = tpu.memref_slice %arg4[%add3A_11] : memref<320000xi32, #tpu.memory_space<hbm>> -> memref<40xi32, #tpu.memory_space<hbm>>
      tpu.enqueue_dma source(%dma_start3A_55 : memref<40xi32, #tpu.memory_space<hbm>>) target(%arg9 : memref<40xi32, #tpu.memory_space<vmem>>) target_semaphore(%run_scoped3A : memref<!tpu.dma_semaphore, #tpu.memory_space<semaphore_mem>>)
      %dma_wait3A_56 = tpu.memref_slice %arg4[%add3A_11] : memref<320000xi32, #tpu.memory_space<hbm>> -> memref<40xi32, #tpu.memory_space<hbm>>
      %dma_wait3A_57 = tpu.memref_slice %arg4[%add3A_11] : memref<320000xi32, #tpu.memory_space<hbm>> -> memref<40xi32, #tpu.memory_space<hbm>>
      tpu.wait_dma2 semaphore(%run_scoped3A : memref<!tpu.dma_semaphore, #tpu.memory_space<semaphore_mem>>) src(%dma_wait3A_57 : memref<40xi32, #tpu.memory_space<hbm>>) dst(%arg9 : memref<40xi32, #tpu.memory_space<vmem>>)
      tpu.yield
    }) : () -> ()
    "tpu.region"() ({
      %run_scoped3A = tpu.sem_alloc : memref<!tpu.dma_semaphore, #tpu.memory_space<semaphore_mem>>
      %dma_start3A_54 = tpu.memref_slice %arg5[%add3A_11] : memref<320000xi32, #tpu.memory_space<hbm>> -> memref<40xi32, #tpu.memory_space<hbm>>
      %dma_start3A_55 = tpu.memref_slice %arg5[%add3A_11] : memref<320000xi32, #tpu.memory_space<hbm>> -> memref<40xi32, #tpu.memory_space<hbm>>
      tpu.enqueue_dma source(%dma_start3A_55 : memref<40xi32, #tpu.memory_space<hbm>>) target(%arg13 : memref<40xi32, #tpu.memory_space<vmem>>) target_semaphore(%run_scoped3A : memref<!tpu.dma_semaphore, #tpu.memory_space<semaphore_mem>>)
      %dma_wait3A_56 = tpu.memref_slice %arg5[%add3A_11] : memref<320000xi32, #tpu.memory_space<hbm>> -> memref<40xi32, #tpu.memory_space<hbm>>
      %dma_wait3A_57 = tpu.memref_slice %arg5[%add3A_11] : memref<320000xi32, #tpu.memory_space<hbm>> -> memref<40xi32, #tpu.memory_space<hbm>>
      tpu.wait_dma2 semaphore(%run_scoped3A : memref<!tpu.dma_semaphore, #tpu.memory_space<semaphore_mem>>) src(%dma_wait3A_57 : memref<40xi32, #tpu.memory_space<hbm>>) dst(%arg13 : memref<40xi32, #tpu.memory_space<vmem>>)
      tpu.yield
    }) : () -> ()
    %dma_start3A_12 = arith.constant 0 : i32
    %dma_start3A_13 = arith.constant 0 : i32
    %dma_start3A_14 = tpu.memref_slice %arg2[%dma_start3A_12, %dma_start3A_13] : memref<10000x256xf32, #tpu.memory_space<hbm>> -> memref<10000x256xf32, #tpu.memory_space<hbm>>
    tpu.enqueue_indirect_dma source(%dma_start3A_14 : memref<10000x256xf32, #tpu.memory_space<hbm>>) target(%arg17 : memref<40x256xf32, #tpu.memory_space<vmem>>) offsets(%arg9 : memref<40xi32, #tpu.memory_space<vmem>>) semaphore(%arg25 : memref<!tpu.dma_semaphore, #tpu.memory_space<semaphore_mem>>)
    %dma_start3A_15 = arith.constant 0 : i32
    %dma_start3A_16 = arith.constant 0 : i32
    %dma_start3A_17 = tpu.memref_slice %arg3[%dma_start3A_15, %dma_start3A_16] : memref<10000x256xf32, #tpu.memory_space<hbm>> -> memref<10000x256xf32, #tpu.memory_space<hbm>>
    tpu.enqueue_indirect_dma source(%dma_start3A_17 : memref<10000x256xf32, #tpu.memory_space<hbm>>) target(%arg21 : memref<40x256xf32, #tpu.memory_space<vmem>>) offsets(%arg13 : memref<40xi32, #tpu.memory_space<vmem>>) semaphore(%arg25 : memref<!tpu.dma_semaphore, #tpu.memory_space<semaphore_mem>>)
    %scan3A = arith.constant 0 : i32
    %scan3A_18 = arith.constant 0 : i32
    %scan3A_19 = arith.constant 63 : i32
    %scan3A_20 = arith.addi %scan3A_18, %scan3A_19 : i32
    %scan3A_21 = arith.constant 1 : i32
    scf.for %scan3A_54 = %scan3A_18 to %scan3A_20 step %scan3A_21  : i32 {
      %mul3A_55 = arith.constant 4 : i32
      %mul3A_56 = arith.muli %scan3A_54, %mul3A_55 : i32
      %add3A_57 = arith.constant 0 : i32
      %add3A_58 = arith.addi %mul3A_56, %add3A_57 : i32
      %add3A_59 = arith.constant 2 : i32
      %add3A_60 = arith.addi %add3A_58, %add3A_59 : i32
      %lt3A = arith.constant 250 : i32
      %lt3A_61 = arith.cmpi slt, %add3A_58, %lt3A : i32
      %convert_element_type3A = arith.extui %lt3A_61 : i1 to i32
      %cond3A = arith.constant 0 : i32
      %cond3A_62 = arith.cmpi ne, %convert_element_type3A, %cond3A : i32
      scf.if %cond3A_62 {
        %dma_wait3A_146 = arith.constant 0 : i32
        %dma_wait3A_147 = arith.constant 0 : i32
        %dma_wait3A_148 = tpu.memref_slice %arg2[%dma_wait3A_146, %dma_wait3A_147] : memref<10000x256xf32, #tpu.memory_space<hbm>> -> memref<10000x256xf32, #tpu.memory_space<hbm>>
        tpu.wait_indirect_dma semaphore(%arg24 : memref<!tpu.dma_semaphore, #tpu.memory_space<semaphore_mem>>) src(%dma_wait3A_148 : memref<10000x256xf32, #tpu.memory_space<hbm>>) dst(%arg16 : memref<40x256xf32, #tpu.memory_space<vmem>>)
        %dma_wait3A_149 = arith.constant 0 : i32
        %dma_wait3A_150 = arith.constant 0 : i32
        %dma_wait3A_151 = tpu.memref_slice %arg3[%dma_wait3A_149, %dma_wait3A_150] : memref<10000x256xf32, #tpu.memory_space<hbm>> -> memref<10000x256xf32, #tpu.memory_space<hbm>>
        tpu.wait_indirect_dma semaphore(%arg24 : memref<!tpu.dma_semaphore, #tpu.memory_space<semaphore_mem>>) src(%dma_wait3A_151 : memref<10000x256xf32, #tpu.memory_space<hbm>>) dst(%arg20 : memref<40x256xf32, #tpu.memory_space<vmem>>)
        %mul3A_152 = arith.constant 40 : i32
        %mul3A_153 = arith.muli %add3A_58, %mul3A_152 : i32
        %add3A_154 = arith.addi %mul3A_2, %mul3A_153 : i32
        %dma_start3A_155 = arith.constant 0 : i32
        %dma_start3A_156 = tpu.memref_slice %arg6[%add3A_154, %dma_start3A_155] : memref<320000x256xf32, #tpu.memory_space<hbm>> -> memref<40x256xf32, #tpu.memory_space<hbm>>
        %dma_start3A_157 = arith.constant 0 : i32
        %dma_start3A_158 = tpu.memref_slice %arg6[%add3A_154, %dma_start3A_157] : memref<320000x256xf32, #tpu.memory_space<hbm>> -> memref<40x256xf32, #tpu.memory_space<hbm>>
        tpu.enqueue_dma source(%arg16 : memref<40x256xf32, #tpu.memory_space<vmem>>) target(%dma_start3A_158 : memref<40x256xf32, #tpu.memory_space<hbm>>) target_semaphore(%arg28 : memref<!tpu.dma_semaphore, #tpu.memory_space<semaphore_mem>>)
        %dma_start3A_159 = arith.constant 0 : i32
        %dma_start3A_160 = tpu.memref_slice %arg7[%add3A_154, %dma_start3A_159] : memref<320000x256xf32, #tpu.memory_space<hbm>> -> memref<40x256xf32, #tpu.memory_space<hbm>>
        %dma_start3A_161 = arith.constant 0 : i32
        %dma_start3A_162 = tpu.memref_slice %arg7[%add3A_154, %dma_start3A_161] : memref<320000x256xf32, #tpu.memory_space<hbm>> -> memref<40x256xf32, #tpu.memory_space<hbm>>
        tpu.enqueue_dma source(%arg20 : memref<40x256xf32, #tpu.memory_space<vmem>>) target(%dma_start3A_162 : memref<40x256xf32, #tpu.memory_space<hbm>>) target_semaphore(%arg28 : memref<!tpu.dma_semaphore, #tpu.memory_space<semaphore_mem>>)
      } else {
      }
      %lt3A_63 = arith.constant 250 : i32
      %lt3A_64 = arith.cmpi slt, %add3A_60, %lt3A_63 : i32
      %ge3A = arith.constant 4 : i32
      %ge3A_65 = arith.cmpi sge, %add3A_60, %ge3A : i32
      %and3A = arith.andi %lt3A_64, %ge3A_65 : i1
      %convert_element_type3A_66 = arith.extui %and3A : i1 to i32
      %cond3A_67 = arith.constant 0 : i32
      %cond3A_68 = arith.cmpi ne, %convert_element_type3A_66, %cond3A_67 : i32
      scf.if %cond3A_68 {
        %dma_wait3A_146 = arith.constant 0 : i32
        %dma_wait3A_147 = tpu.memref_slice %arg6[%mul3A_2, %dma_wait3A_146] : memref<320000x256xf32, #tpu.memory_space<hbm>> -> memref<40x256xf32, #tpu.memory_space<hbm>>
        %dma_wait3A_148 = arith.constant 0 : i32
        %dma_wait3A_149 = tpu.memref_slice %arg6[%mul3A_2, %dma_wait3A_148] : memref<320000x256xf32, #tpu.memory_space<hbm>> -> memref<40x256xf32, #tpu.memory_space<hbm>>
        tpu.wait_dma2 semaphore(%arg30 : memref<!tpu.dma_semaphore, #tpu.memory_space<semaphore_mem>>) src(%arg18 : memref<40x256xf32, #tpu.memory_space<vmem>>) dst(%dma_wait3A_149 : memref<40x256xf32, #tpu.memory_space<hbm>>)
        %dma_wait3A_150 = arith.constant 0 : i32
        %dma_wait3A_151 = tpu.memref_slice %arg7[%mul3A_2, %dma_wait3A_150] : memref<320000x256xf32, #tpu.memory_space<hbm>> -> memref<40x256xf32, #tpu.memory_space<hbm>>
        %dma_wait3A_152 = arith.constant 0 : i32
        %dma_wait3A_153 = tpu.memref_slice %arg7[%mul3A_2, %dma_wait3A_152] : memref<320000x256xf32, #tpu.memory_space<hbm>> -> memref<40x256xf32, #tpu.memory_space<hbm>>
        tpu.wait_dma2 semaphore(%arg30 : memref<!tpu.dma_semaphore, #tpu.memory_space<semaphore_mem>>) src(%arg22 : memref<40x256xf32, #tpu.memory_space<vmem>>) dst(%dma_wait3A_153 : memref<40x256xf32, #tpu.memory_space<hbm>>)
      } else {
      }
      %lt3A_69 = arith.constant 250 : i32
      %lt3A_70 = arith.cmpi slt, %add3A_60, %lt3A_69 : i32
      %convert_element_type3A_71 = arith.extui %lt3A_70 : i1 to i32
      %cond3A_72 = arith.constant 0 : i32
      %cond3A_73 = arith.cmpi ne, %convert_element_type3A_71, %cond3A_72 : i32
      scf.if %cond3A_73 {
        %mul3A_146 = arith.constant 40 : i32
        %mul3A_147 = arith.muli %add3A_60, %mul3A_146 : i32
        %add3A_148 = arith.addi %mul3A_2, %mul3A_147 : i32
        "tpu.region"() ({
          %run_scoped3A = tpu.sem_alloc : memref<!tpu.dma_semaphore, #tpu.memory_space<semaphore_mem>>
          %dma_start3A_155 = tpu.memref_slice %arg4[%add3A_148] : memref<320000xi32, #tpu.memory_space<hbm>> -> memref<40xi32, #tpu.memory_space<hbm>>
          %dma_start3A_156 = tpu.memref_slice %arg4[%add3A_148] : memref<320000xi32, #tpu.memory_space<hbm>> -> memref<40xi32, #tpu.memory_space<hbm>>
          tpu.enqueue_dma source(%dma_start3A_156 : memref<40xi32, #tpu.memory_space<hbm>>) target(%arg10 : memref<40xi32, #tpu.memory_space<vmem>>) target_semaphore(%run_scoped3A : memref<!tpu.dma_semaphore, #tpu.memory_space<semaphore_mem>>)
          %dma_wait3A_157 = tpu.memref_slice %arg4[%add3A_148] : memref<320000xi32, #tpu.memory_space<hbm>> -> memref<40xi32, #tpu.memory_space<hbm>>
          %dma_wait3A_158 = tpu.memref_slice %arg4[%add3A_148] : memref<320000xi32, #tpu.memory_space<hbm>> -> memref<40xi32, #tpu.memory_space<hbm>>
          tpu.wait_dma2 semaphore(%run_scoped3A : memref<!tpu.dma_semaphore, #tpu.memory_space<semaphore_mem>>) src(%dma_wait3A_158 : memref<40xi32, #tpu.memory_space<hbm>>) dst(%arg10 : memref<40xi32, #tpu.memory_space<vmem>>)
          tpu.yield
        }) : () -> ()
        "tpu.region"() ({
          %run_scoped3A = tpu.sem_alloc : memref<!tpu.dma_semaphore, #tpu.memory_space<semaphore_mem>>
          %dma_start3A_155 = tpu.memref_slice %arg5[%add3A_148] : memref<320000xi32, #tpu.memory_space<hbm>> -> memref<40xi32, #tpu.memory_space<hbm>>
          %dma_start3A_156 = tpu.memref_slice %arg5[%add3A_148] : memref<320000xi32, #tpu.memory_space<hbm>> -> memref<40xi32, #tpu.memory_space<hbm>>
          tpu.enqueue_dma source(%dma_start3A_156 : memref<40xi32, #tpu.memory_space<hbm>>) target(%arg14 : memref<40xi32, #tpu.memory_space<vmem>>) target_semaphore(%run_scoped3A : memref<!tpu.dma_semaphore, #tpu.memory_space<semaphore_mem>>)
          %dma_wait3A_157 = tpu.memref_slice %arg5[%add3A_148] : memref<320000xi32, #tpu.memory_space<hbm>> -> memref<40xi32, #tpu.memory_space<hbm>>
          %dma_wait3A_158 = tpu.memref_slice %arg5[%add3A_148] : memref<320000xi32, #tpu.memory_space<hbm>> -> memref<40xi32, #tpu.memory_space<hbm>>
          tpu.wait_dma2 semaphore(%run_scoped3A : memref<!tpu.dma_semaphore, #tpu.memory_space<semaphore_mem>>) src(%dma_wait3A_158 : memref<40xi32, #tpu.memory_space<hbm>>) dst(%arg14 : memref<40xi32, #tpu.memory_space<vmem>>)
          tpu.yield
        }) : () -> ()
        %dma_start3A_149 = arith.constant 0 : i32
        %dma_start3A_150 = arith.constant 0 : i32
        %dma_start3A_151 = tpu.memref_slice %arg2[%dma_start3A_149, %dma_start3A_150] : memref<10000x256xf32, #tpu.memory_space<hbm>> -> memref<10000x256xf32, #tpu.memory_space<hbm>>
        tpu.enqueue_indirect_dma source(%dma_start3A_151 : memref<10000x256xf32, #tpu.memory_space<hbm>>) target(%arg18 : memref<40x256xf32, #tpu.memory_space<vmem>>) offsets(%arg10 : memref<40xi32, #tpu.memory_space<vmem>>) semaphore(%arg26 : memref<!tpu.dma_semaphore, #tpu.memory_space<semaphore_mem>>)
        %dma_start3A_152 = arith.constant 0 : i32
        %dma_start3A_153 = arith.constant 0 : i32
        %dma_start3A_154 = tpu.memref_slice %arg3[%dma_start3A_152, %dma_start3A_153] : memref<10000x256xf32, #tpu.memory_space<hbm>> -> memref<10000x256xf32, #tpu.memory_space<hbm>>
        tpu.enqueue_indirect_dma source(%dma_start3A_154 : memref<10000x256xf32, #tpu.memory_space<hbm>>) target(%arg22 : memref<40x256xf32, #tpu.memory_space<vmem>>) offsets(%arg14 : memref<40xi32, #tpu.memory_space<vmem>>) semaphore(%arg26 : memref<!tpu.dma_semaphore, #tpu.memory_space<semaphore_mem>>)
      } else {
      }
      %mul3A_74 = arith.constant 4 : i32
      %mul3A_75 = arith.muli %scan3A_54, %mul3A_74 : i32
      %add3A_76 = arith.constant 1 : i32
      %add3A_77 = arith.addi %mul3A_75, %add3A_76 : i32
      %add3A_78 = arith.constant 2 : i32
      %add3A_79 = arith.addi %add3A_77, %add3A_78 : i32
      %lt3A_80 = arith.constant 250 : i32
      %lt3A_81 = arith.cmpi slt, %add3A_77, %lt3A_80 : i32
      %convert_element_type3A_82 = arith.extui %lt3A_81 : i1 to i32
      %cond3A_83 = arith.constant 0 : i32
      %cond3A_84 = arith.cmpi ne, %convert_element_type3A_82, %cond3A_83 : i32
      scf.if %cond3A_84 {
        %dma_wait3A_146 = arith.constant 0 : i32
        %dma_wait3A_147 = arith.constant 0 : i32
        %dma_wait3A_148 = tpu.memref_slice %arg2[%dma_wait3A_146, %dma_wait3A_147] : memref<10000x256xf32, #tpu.memory_space<hbm>> -> memref<10000x256xf32, #tpu.memory_space<hbm>>
        tpu.wait_indirect_dma semaphore(%arg25 : memref<!tpu.dma_semaphore, #tpu.memory_space<semaphore_mem>>) src(%dma_wait3A_148 : memref<10000x256xf32, #tpu.memory_space<hbm>>) dst(%arg17 : memref<40x256xf32, #tpu.memory_space<vmem>>)
        %dma_wait3A_149 = arith.constant 0 : i32
        %dma_wait3A_150 = arith.constant 0 : i32
        %dma_wait3A_151 = tpu.memref_slice %arg3[%dma_wait3A_149, %dma_wait3A_150] : memref<10000x256xf32, #tpu.memory_space<hbm>> -> memref<10000x256xf32, #tpu.memory_space<hbm>>
        tpu.wait_indirect_dma semaphore(%arg25 : memref<!tpu.dma_semaphore, #tpu.memory_space<semaphore_mem>>) src(%dma_wait3A_151 : memref<10000x256xf32, #tpu.memory_space<hbm>>) dst(%arg21 : memref<40x256xf32, #tpu.memory_space<vmem>>)
        %mul3A_152 = arith.constant 40 : i32
        %mul3A_153 = arith.muli %add3A_77, %mul3A_152 : i32
        %add3A_154 = arith.addi %mul3A_2, %mul3A_153 : i32
        %dma_start3A_155 = arith.constant 0 : i32
        %dma_start3A_156 = tpu.memref_slice %arg6[%add3A_154, %dma_start3A_155] : memref<320000x256xf32, #tpu.memory_space<hbm>> -> memref<40x256xf32, #tpu.memory_space<hbm>>
        %dma_start3A_157 = arith.constant 0 : i32
        %dma_start3A_158 = tpu.memref_slice %arg6[%add3A_154, %dma_start3A_157] : memref<320000x256xf32, #tpu.memory_space<hbm>> -> memref<40x256xf32, #tpu.memory_space<hbm>>
        tpu.enqueue_dma source(%arg17 : memref<40x256xf32, #tpu.memory_space<vmem>>) target(%dma_start3A_158 : memref<40x256xf32, #tpu.memory_space<hbm>>) target_semaphore(%arg29 : memref<!tpu.dma_semaphore, #tpu.memory_space<semaphore_mem>>)
        %dma_start3A_159 = arith.constant 0 : i32
        %dma_start3A_160 = tpu.memref_slice %arg7[%add3A_154, %dma_start3A_159] : memref<320000x256xf32, #tpu.memory_space<hbm>> -> memref<40x256xf32, #tpu.memory_space<hbm>>
        %dma_start3A_161 = arith.constant 0 : i32
        %dma_start3A_162 = tpu.memref_slice %arg7[%add3A_154, %dma_start3A_161] : memref<320000x256xf32, #tpu.memory_space<hbm>> -> memref<40x256xf32, #tpu.memory_space<hbm>>
        tpu.enqueue_dma source(%arg21 : memref<40x256xf32, #tpu.memory_space<vmem>>) target(%dma_start3A_162 : memref<40x256xf32, #tpu.memory_space<hbm>>) target_semaphore(%arg29 : memref<!tpu.dma_semaphore, #tpu.memory_space<semaphore_mem>>)
      } else {
      }
      %lt3A_85 = arith.constant 250 : i32
      %lt3A_86 = arith.cmpi slt, %add3A_79, %lt3A_85 : i32
      %ge3A_87 = arith.constant 4 : i32
      %ge3A_88 = arith.cmpi sge, %add3A_79, %ge3A_87 : i32
      %and3A_89 = arith.andi %lt3A_86, %ge3A_88 : i1
      %convert_element_type3A_90 = arith.extui %and3A_89 : i1 to i32
      %cond3A_91 = arith.constant 0 : i32
      %cond3A_92 = arith.cmpi ne, %convert_element_type3A_90, %cond3A_91 : i32
      scf.if %cond3A_92 {
        %dma_wait3A_146 = arith.constant 0 : i32
        %dma_wait3A_147 = tpu.memref_slice %arg6[%mul3A_2, %dma_wait3A_146] : memref<320000x256xf32, #tpu.memory_space<hbm>> -> memref<40x256xf32, #tpu.memory_space<hbm>>
        %dma_wait3A_148 = arith.constant 0 : i32
        %dma_wait3A_149 = tpu.memref_slice %arg6[%mul3A_2, %dma_wait3A_148] : memref<320000x256xf32, #tpu.memory_space<hbm>> -> memref<40x256xf32, #tpu.memory_space<hbm>>
        tpu.wait_dma2 semaphore(%arg31 : memref<!tpu.dma_semaphore, #tpu.memory_space<semaphore_mem>>) src(%arg19 : memref<40x256xf32, #tpu.memory_space<vmem>>) dst(%dma_wait3A_149 : memref<40x256xf32, #tpu.memory_space<hbm>>)
        %dma_wait3A_150 = arith.constant 0 : i32
        %dma_wait3A_151 = tpu.memref_slice %arg7[%mul3A_2, %dma_wait3A_150] : memref<320000x256xf32, #tpu.memory_space<hbm>> -> memref<40x256xf32, #tpu.memory_space<hbm>>
        %dma_wait3A_152 = arith.constant 0 : i32
        %dma_wait3A_153 = tpu.memref_slice %arg7[%mul3A_2, %dma_wait3A_152] : memref<320000x256xf32, #tpu.memory_space<hbm>> -> memref<40x256xf32, #tpu.memory_space<hbm>>
        tpu.wait_dma2 semaphore(%arg31 : memref<!tpu.dma_semaphore, #tpu.memory_space<semaphore_mem>>) src(%arg23 : memref<40x256xf32, #tpu.memory_space<vmem>>) dst(%dma_wait3A_153 : memref<40x256xf32, #tpu.memory_space<hbm>>)
      } else {
      }
      %lt3A_93 = arith.constant 250 : i32
      %lt3A_94 = arith.cmpi slt, %add3A_79, %lt3A_93 : i32
      %convert_element_type3A_95 = arith.extui %lt3A_94 : i1 to i32
      %cond3A_96 = arith.constant 0 : i32
      %cond3A_97 = arith.cmpi ne, %convert_element_type3A_95, %cond3A_96 : i32
      scf.if %cond3A_97 {
        %mul3A_146 = arith.constant 40 : i32
        %mul3A_147 = arith.muli %add3A_79, %mul3A_146 : i32
        %add3A_148 = arith.addi %mul3A_2, %mul3A_147 : i32
        "tpu.region"() ({
          %run_scoped3A = tpu.sem_alloc : memref<!tpu.dma_semaphore, #tpu.memory_space<semaphore_mem>>
          %dma_start3A_155 = tpu.memref_slice %arg4[%add3A_148] : memref<320000xi32, #tpu.memory_space<hbm>> -> memref<40xi32, #tpu.memory_space<hbm>>
          %dma_start3A_156 = tpu.memref_slice %arg4[%add3A_148] : memref<320000xi32, #tpu.memory_space<hbm>> -> memref<40xi32, #tpu.memory_space<hbm>>
          tpu.enqueue_dma source(%dma_start3A_156 : memref<40xi32, #tpu.memory_space<hbm>>) target(%arg11 : memref<40xi32, #tpu.memory_space<vmem>>) target_semaphore(%run_scoped3A : memref<!tpu.dma_semaphore, #tpu.memory_space<semaphore_mem>>)
          %dma_wait3A_157 = tpu.memref_slice %arg4[%add3A_148] : memref<320000xi32, #tpu.memory_space<hbm>> -> memref<40xi32, #tpu.memory_space<hbm>>
          %dma_wait3A_158 = tpu.memref_slice %arg4[%add3A_148] : memref<320000xi32, #tpu.memory_space<hbm>> -> memref<40xi32, #tpu.memory_space<hbm>>
          tpu.wait_dma2 semaphore(%run_scoped3A : memref<!tpu.dma_semaphore, #tpu.memory_space<semaphore_mem>>) src(%dma_wait3A_158 : memref<40xi32, #tpu.memory_space<hbm>>) dst(%arg11 : memref<40xi32, #tpu.memory_space<vmem>>)
          tpu.yield
        }) : () -> ()
        "tpu.region"() ({
          %run_scoped3A = tpu.sem_alloc : memref<!tpu.dma_semaphore, #tpu.memory_space<semaphore_mem>>
          %dma_start3A_155 = tpu.memref_slice %arg5[%add3A_148] : memref<320000xi32, #tpu.memory_space<hbm>> -> memref<40xi32, #tpu.memory_space<hbm>>
          %dma_start3A_156 = tpu.memref_slice %arg5[%add3A_148] : memref<320000xi32, #tpu.memory_space<hbm>> -> memref<40xi32, #tpu.memory_space<hbm>>
          tpu.enqueue_dma source(%dma_start3A_156 : memref<40xi32, #tpu.memory_space<hbm>>) target(%arg15 : memref<40xi32, #tpu.memory_space<vmem>>) target_semaphore(%run_scoped3A : memref<!tpu.dma_semaphore, #tpu.memory_space<semaphore_mem>>)
          %dma_wait3A_157 = tpu.memref_slice %arg5[%add3A_148] : memref<320000xi32, #tpu.memory_space<hbm>> -> memref<40xi32, #tpu.memory_space<hbm>>
          %dma_wait3A_158 = tpu.memref_slice %arg5[%add3A_148] : memref<320000xi32, #tpu.memory_space<hbm>> -> memref<40xi32, #tpu.memory_space<hbm>>
          tpu.wait_dma2 semaphore(%run_scoped3A : memref<!tpu.dma_semaphore, #tpu.memory_space<semaphore_mem>>) src(%dma_wait3A_158 : memref<40xi32, #tpu.memory_space<hbm>>) dst(%arg15 : memref<40xi32, #tpu.memory_space<vmem>>)
          tpu.yield
        }) : () -> ()
        %dma_start3A_149 = arith.constant 0 : i32
        %dma_start3A_150 = arith.constant 0 : i32
        %dma_start3A_151 = tpu.memref_slice %arg2[%dma_start3A_149, %dma_start3A_150] : memref<10000x256xf32, #tpu.memory_space<hbm>> -> memref<10000x256xf32, #tpu.memory_space<hbm>>
        tpu.enqueue_indirect_dma source(%dma_start3A_151 : memref<10000x256xf32, #tpu.memory_space<hbm>>) target(%arg19 : memref<40x256xf32, #tpu.memory_space<vmem>>) offsets(%arg11 : memref<40xi32, #tpu.memory_space<vmem>>) semaphore(%arg27 : memref<!tpu.dma_semaphore, #tpu.memory_space<semaphore_mem>>)
        %dma_start3A_152 = arith.constant 0 : i32
        %dma_start3A_153 = arith.constant 0 : i32
        %dma_start3A_154 = tpu.memref_slice %arg3[%dma_start3A_152, %dma_start3A_153] : memref<10000x256xf32, #tpu.memory_space<hbm>> -> memref<10000x256xf32, #tpu.memory_space<hbm>>
        tpu.enqueue_indirect_dma source(%dma_start3A_154 : memref<10000x256xf32, #tpu.memory_space<hbm>>) target(%arg23 : memref<40x256xf32, #tpu.memory_space<vmem>>) offsets(%arg15 : memref<40xi32, #tpu.memory_space<vmem>>) semaphore(%arg27 : memref<!tpu.dma_semaphore, #tpu.memory_space<semaphore_mem>>)
      } else {
      }
      %mul3A_98 = arith.constant 4 : i32
      %mul3A_99 = arith.muli %scan3A_54, %mul3A_98 : i32
      %add3A_100 = arith.constant 2 : i32
      %add3A_101 = arith.addi %mul3A_99, %add3A_100 : i32
      %add3A_102 = arith.constant 2 : i32
      %add3A_103 = arith.addi %add3A_101, %add3A_102 : i32
      %lt3A_104 = arith.constant 250 : i32
      %lt3A_105 = arith.cmpi slt, %add3A_101, %lt3A_104 : i32
      %convert_element_type3A_106 = arith.extui %lt3A_105 : i1 to i32
      %cond3A_107 = arith.constant 0 : i32
      %cond3A_108 = arith.cmpi ne, %convert_element_type3A_106, %cond3A_107 : i32
      scf.if %cond3A_108 {
        %dma_wait3A_146 = arith.constant 0 : i32
        %dma_wait3A_147 = arith.constant 0 : i32
        %dma_wait3A_148 = tpu.memref_slice %arg2[%dma_wait3A_146, %dma_wait3A_147] : memref<10000x256xf32, #tpu.memory_space<hbm>> -> memref<10000x256xf32, #tpu.memory_space<hbm>>
        tpu.wait_indirect_dma semaphore(%arg26 : memref<!tpu.dma_semaphore, #tpu.memory_space<semaphore_mem>>) src(%dma_wait3A_148 : memref<10000x256xf32, #tpu.memory_space<hbm>>) dst(%arg18 : memref<40x256xf32, #tpu.memory_space<vmem>>)
        %dma_wait3A_149 = arith.constant 0 : i32
        %dma_wait3A_150 = arith.constant 0 : i32
        %dma_wait3A_151 = tpu.memref_slice %arg3[%dma_wait3A_149, %dma_wait3A_150] : memref<10000x256xf32, #tpu.memory_space<hbm>> -> memref<10000x256xf32, #tpu.memory_space<hbm>>
        tpu.wait_indirect_dma semaphore(%arg26 : memref<!tpu.dma_semaphore, #tpu.memory_space<semaphore_mem>>) src(%dma_wait3A_151 : memref<10000x256xf32, #tpu.memory_space<hbm>>) dst(%arg22 : memref<40x256xf32, #tpu.memory_space<vmem>>)
        %mul3A_152 = arith.constant 40 : i32
        %mul3A_153 = arith.muli %add3A_101, %mul3A_152 : i32
        %add3A_154 = arith.addi %mul3A_2, %mul3A_153 : i32
        %dma_start3A_155 = arith.constant 0 : i32
        %dma_start3A_156 = tpu.memref_slice %arg6[%add3A_154, %dma_start3A_155] : memref<320000x256xf32, #tpu.memory_space<hbm>> -> memref<40x256xf32, #tpu.memory_space<hbm>>
        %dma_start3A_157 = arith.constant 0 : i32
        %dma_start3A_158 = tpu.memref_slice %arg6[%add3A_154, %dma_start3A_157] : memref<320000x256xf32, #tpu.memory_space<hbm>> -> memref<40x256xf32, #tpu.memory_space<hbm>>
        tpu.enqueue_dma source(%arg18 : memref<40x256xf32, #tpu.memory_space<vmem>>) target(%dma_start3A_158 : memref<40x256xf32, #tpu.memory_space<hbm>>) target_semaphore(%arg30 : memref<!tpu.dma_semaphore, #tpu.memory_space<semaphore_mem>>)
        %dma_start3A_159 = arith.constant 0 : i32
        %dma_start3A_160 = tpu.memref_slice %arg7[%add3A_154, %dma_start3A_159] : memref<320000x256xf32, #tpu.memory_space<hbm>> -> memref<40x256xf32, #tpu.memory_space<hbm>>
        %dma_start3A_161 = arith.constant 0 : i32
        %dma_start3A_162 = tpu.memref_slice %arg7[%add3A_154, %dma_start3A_161] : memref<320000x256xf32, #tpu.memory_space<hbm>> -> memref<40x256xf32, #tpu.memory_space<hbm>>
        tpu.enqueue_dma source(%arg22 : memref<40x256xf32, #tpu.memory_space<vmem>>) target(%dma_start3A_162 : memref<40x256xf32, #tpu.memory_space<hbm>>) target_semaphore(%arg30 : memref<!tpu.dma_semaphore, #tpu.memory_space<semaphore_mem>>)
      } else {
      }
      %lt3A_109 = arith.constant 250 : i32
      %lt3A_110 = arith.cmpi slt, %add3A_103, %lt3A_109 : i32
      %ge3A_111 = arith.constant 4 : i32
      %ge3A_112 = arith.cmpi sge, %add3A_103, %ge3A_111 : i32
      %and3A_113 = arith.andi %lt3A_110, %ge3A_112 : i1
      %convert_element_type3A_114 = arith.extui %and3A_113 : i1 to i32
      %cond3A_115 = arith.constant 0 : i32
      %cond3A_116 = arith.cmpi ne, %convert_element_type3A_114, %cond3A_115 : i32
      scf.if %cond3A_116 {
        %dma_wait3A_146 = arith.constant 0 : i32
        %dma_wait3A_147 = tpu.memref_slice %arg6[%mul3A_2, %dma_wait3A_146] : memref<320000x256xf32, #tpu.memory_space<hbm>> -> memref<40x256xf32, #tpu.memory_space<hbm>>
        %dma_wait3A_148 = arith.constant 0 : i32
        %dma_wait3A_149 = tpu.memref_slice %arg6[%mul3A_2, %dma_wait3A_148] : memref<320000x256xf32, #tpu.memory_space<hbm>> -> memref<40x256xf32, #tpu.memory_space<hbm>>
        tpu.wait_dma2 semaphore(%arg28 : memref<!tpu.dma_semaphore, #tpu.memory_space<semaphore_mem>>) src(%arg16 : memref<40x256xf32, #tpu.memory_space<vmem>>) dst(%dma_wait3A_149 : memref<40x256xf32, #tpu.memory_space<hbm>>)
        %dma_wait3A_150 = arith.constant 0 : i32
        %dma_wait3A_151 = tpu.memref_slice %arg7[%mul3A_2, %dma_wait3A_150] : memref<320000x256xf32, #tpu.memory_space<hbm>> -> memref<40x256xf32, #tpu.memory_space<hbm>>
        %dma_wait3A_152 = arith.constant 0 : i32
        %dma_wait3A_153 = tpu.memref_slice %arg7[%mul3A_2, %dma_wait3A_152] : memref<320000x256xf32, #tpu.memory_space<hbm>> -> memref<40x256xf32, #tpu.memory_space<hbm>>
        tpu.wait_dma2 semaphore(%arg28 : memref<!tpu.dma_semaphore, #tpu.memory_space<semaphore_mem>>) src(%arg20 : memref<40x256xf32, #tpu.memory_space<vmem>>) dst(%dma_wait3A_153 : memref<40x256xf32, #tpu.memory_space<hbm>>)
      } else {
      }
      %lt3A_117 = arith.constant 250 : i32
      %lt3A_118 = arith.cmpi slt, %add3A_103, %lt3A_117 : i32
      %convert_element_type3A_119 = arith.extui %lt3A_118 : i1 to i32
      %cond3A_120 = arith.constant 0 : i32
      %cond3A_121 = arith.cmpi ne, %convert_element_type3A_119, %cond3A_120 : i32
      scf.if %cond3A_121 {
        %mul3A_146 = arith.constant 40 : i32
        %mul3A_147 = arith.muli %add3A_103, %mul3A_146 : i32
        %add3A_148 = arith.addi %mul3A_2, %mul3A_147 : i32
        "tpu.region"() ({
          %run_scoped3A = tpu.sem_alloc : memref<!tpu.dma_semaphore, #tpu.memory_space<semaphore_mem>>
          %dma_start3A_155 = tpu.memref_slice %arg4[%add3A_148] : memref<320000xi32, #tpu.memory_space<hbm>> -> memref<40xi32, #tpu.memory_space<hbm>>
          %dma_start3A_156 = tpu.memref_slice %arg4[%add3A_148] : memref<320000xi32, #tpu.memory_space<hbm>> -> memref<40xi32, #tpu.memory_space<hbm>>
          tpu.enqueue_dma source(%dma_start3A_156 : memref<40xi32, #tpu.memory_space<hbm>>) target(%arg8 : memref<40xi32, #tpu.memory_space<vmem>>) target_semaphore(%run_scoped3A : memref<!tpu.dma_semaphore, #tpu.memory_space<semaphore_mem>>)
          %dma_wait3A_157 = tpu.memref_slice %arg4[%add3A_148] : memref<320000xi32, #tpu.memory_space<hbm>> -> memref<40xi32, #tpu.memory_space<hbm>>
          %dma_wait3A_158 = tpu.memref_slice %arg4[%add3A_148] : memref<320000xi32, #tpu.memory_space<hbm>> -> memref<40xi32, #tpu.memory_space<hbm>>
          tpu.wait_dma2 semaphore(%run_scoped3A : memref<!tpu.dma_semaphore, #tpu.memory_space<semaphore_mem>>) src(%dma_wait3A_158 : memref<40xi32, #tpu.memory_space<hbm>>) dst(%arg8 : memref<40xi32, #tpu.memory_space<vmem>>)
          tpu.yield
        }) : () -> ()
        "tpu.region"() ({
          %run_scoped3A = tpu.sem_alloc : memref<!tpu.dma_semaphore, #tpu.memory_space<semaphore_mem>>
          %dma_start3A_155 = tpu.memref_slice %arg5[%add3A_148] : memref<320000xi32, #tpu.memory_space<hbm>> -> memref<40xi32, #tpu.memory_space<hbm>>
          %dma_start3A_156 = tpu.memref_slice %arg5[%add3A_148] : memref<320000xi32, #tpu.memory_space<hbm>> -> memref<40xi32, #tpu.memory_space<hbm>>
          tpu.enqueue_dma source(%dma_start3A_156 : memref<40xi32, #tpu.memory_space<hbm>>) target(%arg12 : memref<40xi32, #tpu.memory_space<vmem>>) target_semaphore(%run_scoped3A : memref<!tpu.dma_semaphore, #tpu.memory_space<semaphore_mem>>)
          %dma_wait3A_157 = tpu.memref_slice %arg5[%add3A_148] : memref<320000xi32, #tpu.memory_space<hbm>> -> memref<40xi32, #tpu.memory_space<hbm>>
          %dma_wait3A_158 = tpu.memref_slice %arg5[%add3A_148] : memref<320000xi32, #tpu.memory_space<hbm>> -> memref<40xi32, #tpu.memory_space<hbm>>
          tpu.wait_dma2 semaphore(%run_scoped3A : memref<!tpu.dma_semaphore, #tpu.memory_space<semaphore_mem>>) src(%dma_wait3A_158 : memref<40xi32, #tpu.memory_space<hbm>>) dst(%arg12 : memref<40xi32, #tpu.memory_space<vmem>>)
          tpu.yield
        }) : () -> ()
        %dma_start3A_149 = arith.constant 0 : i32
        %dma_start3A_150 = arith.constant 0 : i32
        %dma_start3A_151 = tpu.memref_slice %arg2[%dma_start3A_149, %dma_start3A_150] : memref<10000x256xf32, #tpu.memory_space<hbm>> -> memref<10000x256xf32, #tpu.memory_space<hbm>>
        tpu.enqueue_indirect_dma source(%dma_start3A_151 : memref<10000x256xf32, #tpu.memory_space<hbm>>) target(%arg16 : memref<40x256xf32, #tpu.memory_space<vmem>>) offsets(%arg8 : memref<40xi32, #tpu.memory_space<vmem>>) semaphore(%arg24 : memref<!tpu.dma_semaphore, #tpu.memory_space<semaphore_mem>>)
        %dma_start3A_152 = arith.constant 0 : i32
        %dma_start3A_153 = arith.constant 0 : i32
        %dma_start3A_154 = tpu.memref_slice %arg3[%dma_start3A_152, %dma_start3A_153] : memref<10000x256xf32, #tpu.memory_space<hbm>> -> memref<10000x256xf32, #tpu.memory_space<hbm>>
        tpu.enqueue_indirect_dma source(%dma_start3A_154 : memref<10000x256xf32, #tpu.memory_space<hbm>>) target(%arg20 : memref<40x256xf32, #tpu.memory_space<vmem>>) offsets(%arg12 : memref<40xi32, #tpu.memory_space<vmem>>) semaphore(%arg24 : memref<!tpu.dma_semaphore, #tpu.memory_space<semaphore_mem>>)
      } else {
      }
      %mul3A_122 = arith.constant 4 : i32
      %mul3A_123 = arith.muli %scan3A_54, %mul3A_122 : i32
      %add3A_124 = arith.constant 3 : i32
      %add3A_125 = arith.addi %mul3A_123, %add3A_124 : i32
      %add3A_126 = arith.constant 2 : i32
      %add3A_127 = arith.addi %add3A_125, %add3A_126 : i32
      %lt3A_128 = arith.constant 250 : i32
      %lt3A_129 = arith.cmpi slt, %add3A_125, %lt3A_128 : i32
      %convert_element_type3A_130 = arith.extui %lt3A_129 : i1 to i32
      %cond3A_131 = arith.constant 0 : i32
      %cond3A_132 = arith.cmpi ne, %convert_element_type3A_130, %cond3A_131 : i32
      scf.if %cond3A_132 {
        %dma_wait3A_146 = arith.constant 0 : i32
        %dma_wait3A_147 = arith.constant 0 : i32
        %dma_wait3A_148 = tpu.memref_slice %arg2[%dma_wait3A_146, %dma_wait3A_147] : memref<10000x256xf32, #tpu.memory_space<hbm>> -> memref<10000x256xf32, #tpu.memory_space<hbm>>
        tpu.wait_indirect_dma semaphore(%arg27 : memref<!tpu.dma_semaphore, #tpu.memory_space<semaphore_mem>>) src(%dma_wait3A_148 : memref<10000x256xf32, #tpu.memory_space<hbm>>) dst(%arg19 : memref<40x256xf32, #tpu.memory_space<vmem>>)
        %dma_wait3A_149 = arith.constant 0 : i32
        %dma_wait3A_150 = arith.constant 0 : i32
        %dma_wait3A_151 = tpu.memref_slice %arg3[%dma_wait3A_149, %dma_wait3A_150] : memref<10000x256xf32, #tpu.memory_space<hbm>> -> memref<10000x256xf32, #tpu.memory_space<hbm>>
        tpu.wait_indirect_dma semaphore(%arg27 : memref<!tpu.dma_semaphore, #tpu.memory_space<semaphore_mem>>) src(%dma_wait3A_151 : memref<10000x256xf32, #tpu.memory_space<hbm>>) dst(%arg23 : memref<40x256xf32, #tpu.memory_space<vmem>>)
        %mul3A_152 = arith.constant 40 : i32
        %mul3A_153 = arith.muli %add3A_125, %mul3A_152 : i32
        %add3A_154 = arith.addi %mul3A_2, %mul3A_153 : i32
        %dma_start3A_155 = arith.constant 0 : i32
        %dma_start3A_156 = tpu.memref_slice %arg6[%add3A_154, %dma_start3A_155] : memref<320000x256xf32, #tpu.memory_space<hbm>> -> memref<40x256xf32, #tpu.memory_space<hbm>>
        %dma_start3A_157 = arith.constant 0 : i32
        %dma_start3A_158 = tpu.memref_slice %arg6[%add3A_154, %dma_start3A_157] : memref<320000x256xf32, #tpu.memory_space<hbm>> -> memref<40x256xf32, #tpu.memory_space<hbm>>
        tpu.enqueue_dma source(%arg19 : memref<40x256xf32, #tpu.memory_space<vmem>>) target(%dma_start3A_158 : memref<40x256xf32, #tpu.memory_space<hbm>>) target_semaphore(%arg31 : memref<!tpu.dma_semaphore, #tpu.memory_space<semaphore_mem>>)
        %dma_start3A_159 = arith.constant 0 : i32
        %dma_start3A_160 = tpu.memref_slice %arg7[%add3A_154, %dma_start3A_159] : memref<320000x256xf32, #tpu.memory_space<hbm>> -> memref<40x256xf32, #tpu.memory_space<hbm>>
        %dma_start3A_161 = arith.constant 0 : i32
        %dma_start3A_162 = tpu.memref_slice %arg7[%add3A_154, %dma_start3A_161] : memref<320000x256xf32, #tpu.memory_space<hbm>> -> memref<40x256xf32, #tpu.memory_space<hbm>>
        tpu.enqueue_dma source(%arg23 : memref<40x256xf32, #tpu.memory_space<vmem>>) target(%dma_start3A_162 : memref<40x256xf32, #tpu.memory_space<hbm>>) target_semaphore(%arg31 : memref<!tpu.dma_semaphore, #tpu.memory_space<semaphore_mem>>)
      } else {
      }
      %lt3A_133 = arith.constant 250 : i32
      %lt3A_134 = arith.cmpi slt, %add3A_127, %lt3A_133 : i32
      %ge3A_135 = arith.constant 4 : i32
      %ge3A_136 = arith.cmpi sge, %add3A_127, %ge3A_135 : i32
      %and3A_137 = arith.andi %lt3A_134, %ge3A_136 : i1
      %convert_element_type3A_138 = arith.extui %and3A_137 : i1 to i32
      %cond3A_139 = arith.constant 0 : i32
      %cond3A_140 = arith.cmpi ne, %convert_element_type3A_138, %cond3A_139 : i32
      scf.if %cond3A_140 {
        %dma_wait3A_146 = arith.constant 0 : i32
        %dma_wait3A_147 = tpu.memref_slice %arg6[%mul3A_2, %dma_wait3A_146] : memref<320000x256xf32, #tpu.memory_space<hbm>> -> memref<40x256xf32, #tpu.memory_space<hbm>>
        %dma_wait3A_148 = arith.constant 0 : i32
        %dma_wait3A_149 = tpu.memref_slice %arg6[%mul3A_2, %dma_wait3A_148] : memref<320000x256xf32, #tpu.memory_space<hbm>> -> memref<40x256xf32, #tpu.memory_space<hbm>>
        tpu.wait_dma2 semaphore(%arg29 : memref<!tpu.dma_semaphore, #tpu.memory_space<semaphore_mem>>) src(%arg17 : memref<40x256xf32, #tpu.memory_space<vmem>>) dst(%dma_wait3A_149 : memref<40x256xf32, #tpu.memory_space<hbm>>)
        %dma_wait3A_150 = arith.constant 0 : i32
        %dma_wait3A_151 = tpu.memref_slice %arg7[%mul3A_2, %dma_wait3A_150] : memref<320000x256xf32, #tpu.memory_space<hbm>> -> memref<40x256xf32, #tpu.memory_space<hbm>>
        %dma_wait3A_152 = arith.constant 0 : i32
        %dma_wait3A_153 = tpu.memref_slice %arg7[%mul3A_2, %dma_wait3A_152] : memref<320000x256xf32, #tpu.memory_space<hbm>> -> memref<40x256xf32, #tpu.memory_space<hbm>>
        tpu.wait_dma2 semaphore(%arg29 : memref<!tpu.dma_semaphore, #tpu.memory_space<semaphore_mem>>) src(%arg21 : memref<40x256xf32, #tpu.memory_space<vmem>>) dst(%dma_wait3A_153 : memref<40x256xf32, #tpu.memory_space<hbm>>)
      } else {
      }
      %lt3A_141 = arith.constant 250 : i32
      %lt3A_142 = arith.cmpi slt, %add3A_127, %lt3A_141 : i32
      %convert_element_type3A_143 = arith.extui %lt3A_142 : i1 to i32
      %cond3A_144 = arith.constant 0 : i32
      %cond3A_145 = arith.cmpi ne, %convert_element_type3A_143, %cond3A_144 : i32
      scf.if %cond3A_145 {
        %mul3A_146 = arith.constant 40 : i32
        %mul3A_147 = arith.muli %add3A_127, %mul3A_146 : i32
        %add3A_148 = arith.addi %mul3A_2, %mul3A_147 : i32
        "tpu.region"() ({
          %run_scoped3A = tpu.sem_alloc : memref<!tpu.dma_semaphore, #tpu.memory_space<semaphore_mem>>
          %dma_start3A_155 = tpu.memref_slice %arg4[%add3A_148] : memref<320000xi32, #tpu.memory_space<hbm>> -> memref<40xi32, #tpu.memory_space<hbm>>
          %dma_start3A_156 = tpu.memref_slice %arg4[%add3A_148] : memref<320000xi32, #tpu.memory_space<hbm>> -> memref<40xi32, #tpu.memory_space<hbm>>
          tpu.enqueue_dma source(%dma_start3A_156 : memref<40xi32, #tpu.memory_space<hbm>>) target(%arg9 : memref<40xi32, #tpu.memory_space<vmem>>) target_semaphore(%run_scoped3A : memref<!tpu.dma_semaphore, #tpu.memory_space<semaphore_mem>>)
          %dma_wait3A_157 = tpu.memref_slice %arg4[%add3A_148] : memref<320000xi32, #tpu.memory_space<hbm>> -> memref<40xi32, #tpu.memory_space<hbm>>
          %dma_wait3A_158 = tpu.memref_slice %arg4[%add3A_148] : memref<320000xi32, #tpu.memory_space<hbm>> -> memref<40xi32, #tpu.memory_space<hbm>>
          tpu.wait_dma2 semaphore(%run_scoped3A : memref<!tpu.dma_semaphore, #tpu.memory_space<semaphore_mem>>) src(%dma_wait3A_158 : memref<40xi32, #tpu.memory_space<hbm>>) dst(%arg9 : memref<40xi32, #tpu.memory_space<vmem>>)
          tpu.yield
        }) : () -> ()
        "tpu.region"() ({
          %run_scoped3A = tpu.sem_alloc : memref<!tpu.dma_semaphore, #tpu.memory_space<semaphore_mem>>
          %dma_start3A_155 = tpu.memref_slice %arg5[%add3A_148] : memref<320000xi32, #tpu.memory_space<hbm>> -> memref<40xi32, #tpu.memory_space<hbm>>
          %dma_start3A_156 = tpu.memref_slice %arg5[%add3A_148] : memref<320000xi32, #tpu.memory_space<hbm>> -> memref<40xi32, #tpu.memory_space<hbm>>
          tpu.enqueue_dma source(%dma_start3A_156 : memref<40xi32, #tpu.memory_space<hbm>>) target(%arg13 : memref<40xi32, #tpu.memory_space<vmem>>) target_semaphore(%run_scoped3A : memref<!tpu.dma_semaphore, #tpu.memory_space<semaphore_mem>>)
          %dma_wait3A_157 = tpu.memref_slice %arg5[%add3A_148] : memref<320000xi32, #tpu.memory_space<hbm>> -> memref<40xi32, #tpu.memory_space<hbm>>
          %dma_wait3A_158 = tpu.memref_slice %arg5[%add3A_148] : memref<320000xi32, #tpu.memory_space<hbm>> -> memref<40xi32, #tpu.memory_space<hbm>>
          tpu.wait_dma2 semaphore(%run_scoped3A : memref<!tpu.dma_semaphore, #tpu.memory_space<semaphore_mem>>) src(%dma_wait3A_158 : memref<40xi32, #tpu.memory_space<hbm>>) dst(%arg13 : memref<40xi32, #tpu.memory_space<vmem>>)
          tpu.yield
        }) : () -> ()
        %dma_start3A_149 = arith.constant 0 : i32
        %dma_start3A_150 = arith.constant 0 : i32
        %dma_start3A_151 = tpu.memref_slice %arg2[%dma_start3A_149, %dma_start3A_150] : memref<10000x256xf32, #tpu.memory_space<hbm>> -> memref<10000x256xf32, #tpu.memory_space<hbm>>
        tpu.enqueue_indirect_dma source(%dma_start3A_151 : memref<10000x256xf32, #tpu.memory_space<hbm>>) target(%arg17 : memref<40x256xf32, #tpu.memory_space<vmem>>) offsets(%arg9 : memref<40xi32, #tpu.memory_space<vmem>>) semaphore(%arg25 : memref<!tpu.dma_semaphore, #tpu.memory_space<semaphore_mem>>)
        %dma_start3A_152 = arith.constant 0 : i32
        %dma_start3A_153 = arith.constant 0 : i32
        %dma_start3A_154 = tpu.memref_slice %arg3[%dma_start3A_152, %dma_start3A_153] : memref<10000x256xf32, #tpu.memory_space<hbm>> -> memref<10000x256xf32, #tpu.memory_space<hbm>>
        tpu.enqueue_indirect_dma source(%dma_start3A_154 : memref<10000x256xf32, #tpu.memory_space<hbm>>) target(%arg21 : memref<40x256xf32, #tpu.memory_space<vmem>>) offsets(%arg13 : memref<40xi32, #tpu.memory_space<vmem>>) semaphore(%arg25 : memref<!tpu.dma_semaphore, #tpu.memory_space<semaphore_mem>>)
      } else {
      }
    }
    %scan3A_22 = arith.constant 63 : i32
    %dma_wait3A = arith.constant 0 : i32
    %dma_wait3A_23 = tpu.memref_slice %arg6[%mul3A_2, %dma_wait3A] : memref<320000x256xf32, #tpu.memory_space<hbm>> -> memref<40x256xf32, #tpu.memory_space<hbm>>
    %dma_wait3A_24 = arith.constant 0 : i32
    %dma_wait3A_25 = tpu.memref_slice %arg6[%mul3A_2, %dma_wait3A_24] : memref<320000x256xf32, #tpu.memory_space<hbm>> -> memref<40x256xf32, #tpu.memory_space<hbm>>
    tpu.wait_dma2 semaphore(%arg30 : memref<!tpu.dma_semaphore, #tpu.memory_space<semaphore_mem>>) src(%arg18 : memref<40x256xf32, #tpu.memory_space<vmem>>) dst(%dma_wait3A_25 : memref<40x256xf32, #tpu.memory_space<hbm>>)
    %dma_wait3A_26 = arith.constant 0 : i32
    %dma_wait3A_27 = tpu.memref_slice %arg7[%mul3A_2, %dma_wait3A_26] : memref<320000x256xf32, #tpu.memory_space<hbm>> -> memref<40x256xf32, #tpu.memory_space<hbm>>
    %dma_wait3A_28 = arith.constant 0 : i32
    %dma_wait3A_29 = tpu.memref_slice %arg7[%mul3A_2, %dma_wait3A_28] : memref<320000x256xf32, #tpu.memory_space<hbm>> -> memref<40x256xf32, #tpu.memory_space<hbm>>
    tpu.wait_dma2 semaphore(%arg30 : memref<!tpu.dma_semaphore, #tpu.memory_space<semaphore_mem>>) src(%arg22 : memref<40x256xf32, #tpu.memory_space<vmem>>) dst(%dma_wait3A_29 : memref<40x256xf32, #tpu.memory_space<hbm>>)
    %dma_wait3A_30 = arith.constant 0 : i32
    %dma_wait3A_31 = tpu.memref_slice %arg6[%mul3A_2, %dma_wait3A_30] : memref<320000x256xf32, #tpu.memory_space<hbm>> -> memref<40x256xf32, #tpu.memory_space<hbm>>
    %dma_wait3A_32 = arith.constant 0 : i32
    %dma_wait3A_33 = tpu.memref_slice %arg6[%mul3A_2, %dma_wait3A_32] : memref<320000x256xf32, #tpu.memory_space<hbm>> -> memref<40x256xf32, #tpu.memory_space<hbm>>
    tpu.wait_dma2 semaphore(%arg31 : memref<!tpu.dma_semaphore, #tpu.memory_space<semaphore_mem>>) src(%arg19 : memref<40x256xf32, #tpu.memory_space<vmem>>) dst(%dma_wait3A_33 : memref<40x256xf32, #tpu.memory_space<hbm>>)
    %dma_wait3A_34 = arith.constant 0 : i32
    %dma_wait3A_35 = tpu.memref_slice %arg7[%mul3A_2, %dma_wait3A_34] : memref<320000x256xf32, #tpu.memory_space<hbm>> -> memref<40x256xf32, #tpu.memory_space<hbm>>
    %dma_wait3A_36 = arith.constant 0 : i32
    %dma_wait3A_37 = tpu.memref_slice %arg7[%mul3A_2, %dma_wait3A_36] : memref<320000x256xf32, #tpu.memory_space<hbm>> -> memref<40x256xf32, #tpu.memory_space<hbm>>
    tpu.wait_dma2 semaphore(%arg31 : memref<!tpu.dma_semaphore, #tpu.memory_space<semaphore_mem>>) src(%arg23 : memref<40x256xf32, #tpu.memory_space<vmem>>) dst(%dma_wait3A_37 : memref<40x256xf32, #tpu.memory_space<hbm>>)
    %dma_wait3A_38 = arith.constant 0 : i32
    %dma_wait3A_39 = tpu.memref_slice %arg6[%mul3A_2, %dma_wait3A_38] : memref<320000x256xf32, #tpu.memory_space<hbm>> -> memref<40x256xf32, #tpu.memory_space<hbm>>
    %dma_wait3A_40 = arith.constant 0 : i32
    %dma_wait3A_41 = tpu.memref_slice %arg6[%mul3A_2, %dma_wait3A_40] : memref<320000x256xf32, #tpu.memory_space<hbm>> -> memref<40x256xf32, #tpu.memory_space<hbm>>
    tpu.wait_dma2 semaphore(%arg28 : memref<!tpu.dma_semaphore, #tpu.memory_space<semaphore_mem>>) src(%arg16 : memref<40x256xf32, #tpu.memory_space<vmem>>) dst(%dma_wait3A_41 : memref<40x256xf32, #tpu.memory_space<hbm>>)
    %dma_wait3A_42 = arith.constant 0 : i32
    %dma_wait3A_43 = tpu.memref_slice %arg7[%mul3A_2, %dma_wait3A_42] : memref<320000x256xf32, #tpu.memory_space<hbm>> -> memref<40x256xf32, #tpu.memory_space<hbm>>
    %dma_wait3A_44 = arith.constant 0 : i32
    %dma_wait3A_45 = tpu.memref_slice %arg7[%mul3A_2, %dma_wait3A_44] : memref<320000x256xf32, #tpu.memory_space<hbm>> -> memref<40x256xf32, #tpu.memory_space<hbm>>
    tpu.wait_dma2 semaphore(%arg28 : memref<!tpu.dma_semaphore, #tpu.memory_space<semaphore_mem>>) src(%arg20 : memref<40x256xf32, #tpu.memory_space<vmem>>) dst(%dma_wait3A_45 : memref<40x256xf32, #tpu.memory_space<hbm>>)
    %dma_wait3A_46 = arith.constant 0 : i32
    %dma_wait3A_47 = tpu.memref_slice %arg6[%mul3A_2, %dma_wait3A_46] : memref<320000x256xf32, #tpu.memory_space<hbm>> -> memref<40x256xf32, #tpu.memory_space<hbm>>
    %dma_wait3A_48 = arith.constant 0 : i32
    %dma_wait3A_49 = tpu.memref_slice %arg6[%mul3A_2, %dma_wait3A_48] : memref<320000x256xf32, #tpu.memory_space<hbm>> -> memref<40x256xf32, #tpu.memory_space<hbm>>
    tpu.wait_dma2 semaphore(%arg29 : memref<!tpu.dma_semaphore, #tpu.memory_space<semaphore_mem>>) src(%arg17 : memref<40x256xf32, #tpu.memory_space<vmem>>) dst(%dma_wait3A_49 : memref<40x256xf32, #tpu.memory_space<hbm>>)
    %dma_wait3A_50 = arith.constant 0 : i32
    %dma_wait3A_51 = tpu.memref_slice %arg7[%mul3A_2, %dma_wait3A_50] : memref<320000x256xf32, #tpu.memory_space<hbm>> -> memref<40x256xf32, #tpu.memory_space<hbm>>
    %dma_wait3A_52 = arith.constant 0 : i32
    %dma_wait3A_53 = tpu.memref_slice %arg7[%mul3A_2, %dma_wait3A_52] : memref<320000x256xf32, #tpu.memory_space<hbm>> -> memref<40x256xf32, #tpu.memory_space<hbm>>
    tpu.wait_dma2 semaphore(%arg29 : memref<!tpu.dma_semaphore, #tpu.memory_space<semaphore_mem>>) src(%arg21 : memref<40x256xf32, #tpu.memory_space<vmem>>) dst(%dma_wait3A_53 : memref<40x256xf32, #tpu.memory_space<hbm>>)
    return
  }
}

#map = affine_map<(d0, d1) -> (0, 0)>
#map1 = affine_map<(d0, d1) -> (0)>
module attributes {stable_mosaic.version = 14 : i64} {
  func.func @k(%arg0: i32, %arg1: i32, %arg2: memref<10000x128xf32, #tpu.memory_space<hbm>>, %arg3: memref<10000x128xf32, #tpu.memory_space<hbm>>, %arg4: memref<320000xi32, #tpu.memory_space<hbm>>, %arg5: memref<320000xi32, #tpu.memory_space<hbm>>, %arg6: memref<320000x128xf32, #tpu.memory_space<hbm>>, %arg7: memref<320000x128xf32, #tpu.memory_space<hbm>>, %arg8: memref<80xi32, #tpu.memory_space<vmem>>, %arg9: memref<80xi32, #tpu.memory_space<vmem>>, %arg10: memref<80xi32, #tpu.memory_space<vmem>>, %arg11: memref<80xi32, #tpu.memory_space<vmem>>, %arg12: memref<80xi32, #tpu.memory_space<vmem>>, %arg13: memref<80xi32, #tpu.memory_space<vmem>>, %arg14: memref<80xi32, #tpu.memory_space<vmem>>, %arg15: memref<80xi32, #tpu.memory_space<vmem>>, %arg16: memref<80x128xf32, #tpu.memory_space<vmem>>, %arg17: memref<80x128xf32, #tpu.memory_space<vmem>>, %arg18: memref<80x128xf32, #tpu.memory_space<vmem>>, %arg19: memref<80x128xf32, #tpu.memory_space<vmem>>, %arg20: memref<80x128xf32, #tpu.memory_space<vmem>>, %arg21: memref<80x128xf32, #tpu.memory_space<vmem>>, %arg22: memref<80x128xf32, #tpu.memory_space<vmem>>, %arg23: memref<80x128xf32, #tpu.memory_space<vmem>>, %arg24: memref<!tpu.dma_semaphore, #tpu.memory_space<semaphore_mem>>, %arg25: memref<!tpu.dma_semaphore, #tpu.memory_space<semaphore_mem>>, %arg26: memref<!tpu.dma_semaphore, #tpu.memory_space<semaphore_mem>>, %arg27: memref<!tpu.dma_semaphore, #tpu.memory_space<semaphore_mem>>, %arg28: memref<!tpu.dma_semaphore, #tpu.memory_space<semaphore_mem>>, %arg29: memref<!tpu.dma_semaphore, #tpu.memory_space<semaphore_mem>>, %arg30: memref<!tpu.dma_semaphore, #tpu.memory_space<semaphore_mem>>, %arg31: memref<!tpu.dma_semaphore, #tpu.memory_space<semaphore_mem>>) attributes {dimension_semantics = [#tpu.dimension_semantics<core_parallel>, #tpu.dimension_semantics<subcore_parallel>], iteration_bounds = array<i64: 2, 16>, scalar_prefetch = 0 : i64, scratch_operands = 24 : i64, tpu.core_type = #tpu.core_type<sc_vector_subcore>, window_params = [{transform_indices = #map}, {transform_indices = #map}, {transform_indices = #map1}, {transform_indices = #map1}, {transform_indices = #map}, {transform_indices = #map}]} {
    %mul3A = arith.constant 2 : i32
    %mul3A_0 = arith.muli %arg1, %mul3A : i32
    %add3A = arith.addi %mul3A_0, %arg0 : i32
    %mul3A_1 = arith.constant 10000 : i32
    %mul3A_2 = arith.muli %add3A, %mul3A_1 : i32
    %add3A_3 = arith.constant 0 : i32
    %add3A_4 = arith.addi %mul3A_2, %add3A_3 : i32
    "tpu.region"() ({
      %run_scoped3A = tpu.sem_alloc : memref<!tpu.dma_semaphore, #tpu.memory_space<semaphore_mem>>
      %dma_start3A_54 = tpu.memref_slice %arg4[%add3A_4] : memref<320000xi32, #tpu.memory_space<hbm>> -> memref<80xi32, #tpu.memory_space<hbm>>
      %dma_start3A_55 = tpu.memref_slice %arg4[%add3A_4] : memref<320000xi32, #tpu.memory_space<hbm>> -> memref<80xi32, #tpu.memory_space<hbm>>
      tpu.enqueue_dma source(%dma_start3A_55 : memref<80xi32, #tpu.memory_space<hbm>>) target(%arg8 : memref<80xi32, #tpu.memory_space<vmem>>) target_semaphore(%run_scoped3A : memref<!tpu.dma_semaphore, #tpu.memory_space<semaphore_mem>>)
      %dma_wait3A_56 = tpu.memref_slice %arg4[%add3A_4] : memref<320000xi32, #tpu.memory_space<hbm>> -> memref<80xi32, #tpu.memory_space<hbm>>
      %dma_wait3A_57 = tpu.memref_slice %arg4[%add3A_4] : memref<320000xi32, #tpu.memory_space<hbm>> -> memref<80xi32, #tpu.memory_space<hbm>>
      tpu.wait_dma2 semaphore(%run_scoped3A : memref<!tpu.dma_semaphore, #tpu.memory_space<semaphore_mem>>) src(%dma_wait3A_57 : memref<80xi32, #tpu.memory_space<hbm>>) dst(%arg8 : memref<80xi32, #tpu.memory_space<vmem>>)
      tpu.yield
    }) : () -> ()
    "tpu.region"() ({
      %run_scoped3A = tpu.sem_alloc : memref<!tpu.dma_semaphore, #tpu.memory_space<semaphore_mem>>
      %dma_start3A_54 = tpu.memref_slice %arg5[%add3A_4] : memref<320000xi32, #tpu.memory_space<hbm>> -> memref<80xi32, #tpu.memory_space<hbm>>
      %dma_start3A_55 = tpu.memref_slice %arg5[%add3A_4] : memref<320000xi32, #tpu.memory_space<hbm>> -> memref<80xi32, #tpu.memory_space<hbm>>
      tpu.enqueue_dma source(%dma_start3A_55 : memref<80xi32, #tpu.memory_space<hbm>>) target(%arg12 : memref<80xi32, #tpu.memory_space<vmem>>) target_semaphore(%run_scoped3A : memref<!tpu.dma_semaphore, #tpu.memory_space<semaphore_mem>>)
      %dma_wait3A_56 = tpu.memref_slice %arg5[%add3A_4] : memref<320000xi32, #tpu.memory_space<hbm>> -> memref<80xi32, #tpu.memory_space<hbm>>
      %dma_wait3A_57 = tpu.memref_slice %arg5[%add3A_4] : memref<320000xi32, #tpu.memory_space<hbm>> -> memref<80xi32, #tpu.memory_space<hbm>>
      tpu.wait_dma2 semaphore(%run_scoped3A : memref<!tpu.dma_semaphore, #tpu.memory_space<semaphore_mem>>) src(%dma_wait3A_57 : memref<80xi32, #tpu.memory_space<hbm>>) dst(%arg12 : memref<80xi32, #tpu.memory_space<vmem>>)
      tpu.yield
    }) : () -> ()
    %dma_start3A = arith.constant 0 : i32
    %dma_start3A_5 = arith.constant 0 : i32
    %dma_start3A_6 = tpu.memref_slice %arg2[%dma_start3A, %dma_start3A_5] : memref<10000x128xf32, #tpu.memory_space<hbm>> -> memref<10000x128xf32, #tpu.memory_space<hbm>>
    tpu.enqueue_indirect_dma source(%dma_start3A_6 : memref<10000x128xf32, #tpu.memory_space<hbm>>) target(%arg16 : memref<80x128xf32, #tpu.memory_space<vmem>>) offsets(%arg8 : memref<80xi32, #tpu.memory_space<vmem>>) semaphore(%arg24 : memref<!tpu.dma_semaphore, #tpu.memory_space<semaphore_mem>>)
    %dma_start3A_7 = arith.constant 0 : i32
    %dma_start3A_8 = arith.constant 0 : i32
    %dma_start3A_9 = tpu.memref_slice %arg3[%dma_start3A_7, %dma_start3A_8] : memref<10000x128xf32, #tpu.memory_space<hbm>> -> memref<10000x128xf32, #tpu.memory_space<hbm>>
    tpu.enqueue_indirect_dma source(%dma_start3A_9 : memref<10000x128xf32, #tpu.memory_space<hbm>>) target(%arg20 : memref<80x128xf32, #tpu.memory_space<vmem>>) offsets(%arg12 : memref<80xi32, #tpu.memory_space<vmem>>) semaphore(%arg24 : memref<!tpu.dma_semaphore, #tpu.memory_space<semaphore_mem>>)
    %add3A_10 = arith.constant 80 : i32
    %add3A_11 = arith.addi %mul3A_2, %add3A_10 : i32
    "tpu.region"() ({
      %run_scoped3A = tpu.sem_alloc : memref<!tpu.dma_semaphore, #tpu.memory_space<semaphore_mem>>
      %dma_start3A_54 = tpu.memref_slice %arg4[%add3A_11] : memref<320000xi32, #tpu.memory_space<hbm>> -> memref<80xi32, #tpu.memory_space<hbm>>
      %dma_start3A_55 = tpu.memref_slice %arg4[%add3A_11] : memref<320000xi32, #tpu.memory_space<hbm>> -> memref<80xi32, #tpu.memory_space<hbm>>
      tpu.enqueue_dma source(%dma_start3A_55 : memref<80xi32, #tpu.memory_space<hbm>>) target(%arg9 : memref<80xi32, #tpu.memory_space<vmem>>) target_semaphore(%run_scoped3A : memref<!tpu.dma_semaphore, #tpu.memory_space<semaphore_mem>>)
      %dma_wait3A_56 = tpu.memref_slice %arg4[%add3A_11] : memref<320000xi32, #tpu.memory_space<hbm>> -> memref<80xi32, #tpu.memory_space<hbm>>
      %dma_wait3A_57 = tpu.memref_slice %arg4[%add3A_11] : memref<320000xi32, #tpu.memory_space<hbm>> -> memref<80xi32, #tpu.memory_space<hbm>>
      tpu.wait_dma2 semaphore(%run_scoped3A : memref<!tpu.dma_semaphore, #tpu.memory_space<semaphore_mem>>) src(%dma_wait3A_57 : memref<80xi32, #tpu.memory_space<hbm>>) dst(%arg9 : memref<80xi32, #tpu.memory_space<vmem>>)
      tpu.yield
    }) : () -> ()
    "tpu.region"() ({
      %run_scoped3A = tpu.sem_alloc : memref<!tpu.dma_semaphore, #tpu.memory_space<semaphore_mem>>
      %dma_start3A_54 = tpu.memref_slice %arg5[%add3A_11] : memref<320000xi32, #tpu.memory_space<hbm>> -> memref<80xi32, #tpu.memory_space<hbm>>
      %dma_start3A_55 = tpu.memref_slice %arg5[%add3A_11] : memref<320000xi32, #tpu.memory_space<hbm>> -> memref<80xi32, #tpu.memory_space<hbm>>
      tpu.enqueue_dma source(%dma_start3A_55 : memref<80xi32, #tpu.memory_space<hbm>>) target(%arg13 : memref<80xi32, #tpu.memory_space<vmem>>) target_semaphore(%run_scoped3A : memref<!tpu.dma_semaphore, #tpu.memory_space<semaphore_mem>>)
      %dma_wait3A_56 = tpu.memref_slice %arg5[%add3A_11] : memref<320000xi32, #tpu.memory_space<hbm>> -> memref<80xi32, #tpu.memory_space<hbm>>
      %dma_wait3A_57 = tpu.memref_slice %arg5[%add3A_11] : memref<320000xi32, #tpu.memory_space<hbm>> -> memref<80xi32, #tpu.memory_space<hbm>>
      tpu.wait_dma2 semaphore(%run_scoped3A : memref<!tpu.dma_semaphore, #tpu.memory_space<semaphore_mem>>) src(%dma_wait3A_57 : memref<80xi32, #tpu.memory_space<hbm>>) dst(%arg13 : memref<80xi32, #tpu.memory_space<vmem>>)
      tpu.yield
    }) : () -> ()
    %dma_start3A_12 = arith.constant 0 : i32
    %dma_start3A_13 = arith.constant 0 : i32
    %dma_start3A_14 = tpu.memref_slice %arg2[%dma_start3A_12, %dma_start3A_13] : memref<10000x128xf32, #tpu.memory_space<hbm>> -> memref<10000x128xf32, #tpu.memory_space<hbm>>
    tpu.enqueue_indirect_dma source(%dma_start3A_14 : memref<10000x128xf32, #tpu.memory_space<hbm>>) target(%arg17 : memref<80x128xf32, #tpu.memory_space<vmem>>) offsets(%arg9 : memref<80xi32, #tpu.memory_space<vmem>>) semaphore(%arg25 : memref<!tpu.dma_semaphore, #tpu.memory_space<semaphore_mem>>)
    %dma_start3A_15 = arith.constant 0 : i32
    %dma_start3A_16 = arith.constant 0 : i32
    %dma_start3A_17 = tpu.memref_slice %arg3[%dma_start3A_15, %dma_start3A_16] : memref<10000x128xf32, #tpu.memory_space<hbm>> -> memref<10000x128xf32, #tpu.memory_space<hbm>>
    tpu.enqueue_indirect_dma source(%dma_start3A_17 : memref<10000x128xf32, #tpu.memory_space<hbm>>) target(%arg21 : memref<80x128xf32, #tpu.memory_space<vmem>>) offsets(%arg13 : memref<80xi32, #tpu.memory_space<vmem>>) semaphore(%arg25 : memref<!tpu.dma_semaphore, #tpu.memory_space<semaphore_mem>>)
    %scan3A = arith.constant 0 : i32
    %scan3A_18 = arith.constant 0 : i32
    %scan3A_19 = arith.constant 32 : i32
    %scan3A_20 = arith.addi %scan3A_18, %scan3A_19 : i32
    %scan3A_21 = arith.constant 1 : i32
    scf.for %scan3A_54 = %scan3A_18 to %scan3A_20 step %scan3A_21  : i32 {
      %mul3A_55 = arith.constant 4 : i32
      %mul3A_56 = arith.muli %scan3A_54, %mul3A_55 : i32
      %add3A_57 = arith.constant 0 : i32
      %add3A_58 = arith.addi %mul3A_56, %add3A_57 : i32
      %add3A_59 = arith.constant 2 : i32
      %add3A_60 = arith.addi %add3A_58, %add3A_59 : i32
      %lt3A = arith.constant 125 : i32
      %lt3A_61 = arith.cmpi slt, %add3A_58, %lt3A : i32
      %convert_element_type3A = arith.extui %lt3A_61 : i1 to i32
      %cond3A = arith.constant 0 : i32
      %cond3A_62 = arith.cmpi ne, %convert_element_type3A, %cond3A : i32
      scf.if %cond3A_62 {
        %dma_wait3A_146 = arith.constant 0 : i32
        %dma_wait3A_147 = arith.constant 0 : i32
        %dma_wait3A_148 = tpu.memref_slice %arg2[%dma_wait3A_146, %dma_wait3A_147] : memref<10000x128xf32, #tpu.memory_space<hbm>> -> memref<10000x128xf32, #tpu.memory_space<hbm>>
        tpu.wait_indirect_dma semaphore(%arg24 : memref<!tpu.dma_semaphore, #tpu.memory_space<semaphore_mem>>) src(%dma_wait3A_148 : memref<10000x128xf32, #tpu.memory_space<hbm>>) dst(%arg16 : memref<80x128xf32, #tpu.memory_space<vmem>>)
        %dma_wait3A_149 = arith.constant 0 : i32
        %dma_wait3A_150 = arith.constant 0 : i32
        %dma_wait3A_151 = tpu.memref_slice %arg3[%dma_wait3A_149, %dma_wait3A_150] : memref<10000x128xf32, #tpu.memory_space<hbm>> -> memref<10000x128xf32, #tpu.memory_space<hbm>>
        tpu.wait_indirect_dma semaphore(%arg24 : memref<!tpu.dma_semaphore, #tpu.memory_space<semaphore_mem>>) src(%dma_wait3A_151 : memref<10000x128xf32, #tpu.memory_space<hbm>>) dst(%arg20 : memref<80x128xf32, #tpu.memory_space<vmem>>)
        %mul3A_152 = arith.constant 80 : i32
        %mul3A_153 = arith.muli %add3A_58, %mul3A_152 : i32
        %add3A_154 = arith.addi %mul3A_2, %mul3A_153 : i32
        %dma_start3A_155 = arith.constant 0 : i32
        %dma_start3A_156 = tpu.memref_slice %arg6[%add3A_154, %dma_start3A_155] : memref<320000x128xf32, #tpu.memory_space<hbm>> -> memref<80x128xf32, #tpu.memory_space<hbm>>
        %dma_start3A_157 = arith.constant 0 : i32
        %dma_start3A_158 = tpu.memref_slice %arg6[%add3A_154, %dma_start3A_157] : memref<320000x128xf32, #tpu.memory_space<hbm>> -> memref<80x128xf32, #tpu.memory_space<hbm>>
        tpu.enqueue_dma source(%arg16 : memref<80x128xf32, #tpu.memory_space<vmem>>) target(%dma_start3A_158 : memref<80x128xf32, #tpu.memory_space<hbm>>) target_semaphore(%arg28 : memref<!tpu.dma_semaphore, #tpu.memory_space<semaphore_mem>>)
        %dma_start3A_159 = arith.constant 0 : i32
        %dma_start3A_160 = tpu.memref_slice %arg7[%add3A_154, %dma_start3A_159] : memref<320000x128xf32, #tpu.memory_space<hbm>> -> memref<80x128xf32, #tpu.memory_space<hbm>>
        %dma_start3A_161 = arith.constant 0 : i32
        %dma_start3A_162 = tpu.memref_slice %arg7[%add3A_154, %dma_start3A_161] : memref<320000x128xf32, #tpu.memory_space<hbm>> -> memref<80x128xf32, #tpu.memory_space<hbm>>
        tpu.enqueue_dma source(%arg20 : memref<80x128xf32, #tpu.memory_space<vmem>>) target(%dma_start3A_162 : memref<80x128xf32, #tpu.memory_space<hbm>>) target_semaphore(%arg28 : memref<!tpu.dma_semaphore, #tpu.memory_space<semaphore_mem>>)
      } else {
      }
      %lt3A_63 = arith.constant 125 : i32
      %lt3A_64 = arith.cmpi slt, %add3A_60, %lt3A_63 : i32
      %ge3A = arith.constant 4 : i32
      %ge3A_65 = arith.cmpi sge, %add3A_60, %ge3A : i32
      %and3A = arith.andi %lt3A_64, %ge3A_65 : i1
      %convert_element_type3A_66 = arith.extui %and3A : i1 to i32
      %cond3A_67 = arith.constant 0 : i32
      %cond3A_68 = arith.cmpi ne, %convert_element_type3A_66, %cond3A_67 : i32
      scf.if %cond3A_68 {
        %dma_wait3A_146 = arith.constant 0 : i32
        %dma_wait3A_147 = tpu.memref_slice %arg6[%mul3A_2, %dma_wait3A_146] : memref<320000x128xf32, #tpu.memory_space<hbm>> -> memref<80x128xf32, #tpu.memory_space<hbm>>
        %dma_wait3A_148 = arith.constant 0 : i32
        %dma_wait3A_149 = tpu.memref_slice %arg6[%mul3A_2, %dma_wait3A_148] : memref<320000x128xf32, #tpu.memory_space<hbm>> -> memref<80x128xf32, #tpu.memory_space<hbm>>
        tpu.wait_dma2 semaphore(%arg30 : memref<!tpu.dma_semaphore, #tpu.memory_space<semaphore_mem>>) src(%arg18 : memref<80x128xf32, #tpu.memory_space<vmem>>) dst(%dma_wait3A_149 : memref<80x128xf32, #tpu.memory_space<hbm>>)
        %dma_wait3A_150 = arith.constant 0 : i32
        %dma_wait3A_151 = tpu.memref_slice %arg7[%mul3A_2, %dma_wait3A_150] : memref<320000x128xf32, #tpu.memory_space<hbm>> -> memref<80x128xf32, #tpu.memory_space<hbm>>
        %dma_wait3A_152 = arith.constant 0 : i32
        %dma_wait3A_153 = tpu.memref_slice %arg7[%mul3A_2, %dma_wait3A_152] : memref<320000x128xf32, #tpu.memory_space<hbm>> -> memref<80x128xf32, #tpu.memory_space<hbm>>
        tpu.wait_dma2 semaphore(%arg30 : memref<!tpu.dma_semaphore, #tpu.memory_space<semaphore_mem>>) src(%arg22 : memref<80x128xf32, #tpu.memory_space<vmem>>) dst(%dma_wait3A_153 : memref<80x128xf32, #tpu.memory_space<hbm>>)
      } else {
      }
      %lt3A_69 = arith.constant 125 : i32
      %lt3A_70 = arith.cmpi slt, %add3A_60, %lt3A_69 : i32
      %convert_element_type3A_71 = arith.extui %lt3A_70 : i1 to i32
      %cond3A_72 = arith.constant 0 : i32
      %cond3A_73 = arith.cmpi ne, %convert_element_type3A_71, %cond3A_72 : i32
      scf.if %cond3A_73 {
        %mul3A_146 = arith.constant 80 : i32
        %mul3A_147 = arith.muli %add3A_60, %mul3A_146 : i32
        %add3A_148 = arith.addi %mul3A_2, %mul3A_147 : i32
        "tpu.region"() ({
          %run_scoped3A = tpu.sem_alloc : memref<!tpu.dma_semaphore, #tpu.memory_space<semaphore_mem>>
          %dma_start3A_155 = tpu.memref_slice %arg4[%add3A_148] : memref<320000xi32, #tpu.memory_space<hbm>> -> memref<80xi32, #tpu.memory_space<hbm>>
          %dma_start3A_156 = tpu.memref_slice %arg4[%add3A_148] : memref<320000xi32, #tpu.memory_space<hbm>> -> memref<80xi32, #tpu.memory_space<hbm>>
          tpu.enqueue_dma source(%dma_start3A_156 : memref<80xi32, #tpu.memory_space<hbm>>) target(%arg10 : memref<80xi32, #tpu.memory_space<vmem>>) target_semaphore(%run_scoped3A : memref<!tpu.dma_semaphore, #tpu.memory_space<semaphore_mem>>)
          %dma_wait3A_157 = tpu.memref_slice %arg4[%add3A_148] : memref<320000xi32, #tpu.memory_space<hbm>> -> memref<80xi32, #tpu.memory_space<hbm>>
          %dma_wait3A_158 = tpu.memref_slice %arg4[%add3A_148] : memref<320000xi32, #tpu.memory_space<hbm>> -> memref<80xi32, #tpu.memory_space<hbm>>
          tpu.wait_dma2 semaphore(%run_scoped3A : memref<!tpu.dma_semaphore, #tpu.memory_space<semaphore_mem>>) src(%dma_wait3A_158 : memref<80xi32, #tpu.memory_space<hbm>>) dst(%arg10 : memref<80xi32, #tpu.memory_space<vmem>>)
          tpu.yield
        }) : () -> ()
        "tpu.region"() ({
          %run_scoped3A = tpu.sem_alloc : memref<!tpu.dma_semaphore, #tpu.memory_space<semaphore_mem>>
          %dma_start3A_155 = tpu.memref_slice %arg5[%add3A_148] : memref<320000xi32, #tpu.memory_space<hbm>> -> memref<80xi32, #tpu.memory_space<hbm>>
          %dma_start3A_156 = tpu.memref_slice %arg5[%add3A_148] : memref<320000xi32, #tpu.memory_space<hbm>> -> memref<80xi32, #tpu.memory_space<hbm>>
          tpu.enqueue_dma source(%dma_start3A_156 : memref<80xi32, #tpu.memory_space<hbm>>) target(%arg14 : memref<80xi32, #tpu.memory_space<vmem>>) target_semaphore(%run_scoped3A : memref<!tpu.dma_semaphore, #tpu.memory_space<semaphore_mem>>)
          %dma_wait3A_157 = tpu.memref_slice %arg5[%add3A_148] : memref<320000xi32, #tpu.memory_space<hbm>> -> memref<80xi32, #tpu.memory_space<hbm>>
          %dma_wait3A_158 = tpu.memref_slice %arg5[%add3A_148] : memref<320000xi32, #tpu.memory_space<hbm>> -> memref<80xi32, #tpu.memory_space<hbm>>
          tpu.wait_dma2 semaphore(%run_scoped3A : memref<!tpu.dma_semaphore, #tpu.memory_space<semaphore_mem>>) src(%dma_wait3A_158 : memref<80xi32, #tpu.memory_space<hbm>>) dst(%arg14 : memref<80xi32, #tpu.memory_space<vmem>>)
          tpu.yield
        }) : () -> ()
        %dma_start3A_149 = arith.constant 0 : i32
        %dma_start3A_150 = arith.constant 0 : i32
        %dma_start3A_151 = tpu.memref_slice %arg2[%dma_start3A_149, %dma_start3A_150] : memref<10000x128xf32, #tpu.memory_space<hbm>> -> memref<10000x128xf32, #tpu.memory_space<hbm>>
        tpu.enqueue_indirect_dma source(%dma_start3A_151 : memref<10000x128xf32, #tpu.memory_space<hbm>>) target(%arg18 : memref<80x128xf32, #tpu.memory_space<vmem>>) offsets(%arg10 : memref<80xi32, #tpu.memory_space<vmem>>) semaphore(%arg26 : memref<!tpu.dma_semaphore, #tpu.memory_space<semaphore_mem>>)
        %dma_start3A_152 = arith.constant 0 : i32
        %dma_start3A_153 = arith.constant 0 : i32
        %dma_start3A_154 = tpu.memref_slice %arg3[%dma_start3A_152, %dma_start3A_153] : memref<10000x128xf32, #tpu.memory_space<hbm>> -> memref<10000x128xf32, #tpu.memory_space<hbm>>
        tpu.enqueue_indirect_dma source(%dma_start3A_154 : memref<10000x128xf32, #tpu.memory_space<hbm>>) target(%arg22 : memref<80x128xf32, #tpu.memory_space<vmem>>) offsets(%arg14 : memref<80xi32, #tpu.memory_space<vmem>>) semaphore(%arg26 : memref<!tpu.dma_semaphore, #tpu.memory_space<semaphore_mem>>)
      } else {
      }
      %mul3A_74 = arith.constant 4 : i32
      %mul3A_75 = arith.muli %scan3A_54, %mul3A_74 : i32
      %add3A_76 = arith.constant 1 : i32
      %add3A_77 = arith.addi %mul3A_75, %add3A_76 : i32
      %add3A_78 = arith.constant 2 : i32
      %add3A_79 = arith.addi %add3A_77, %add3A_78 : i32
      %lt3A_80 = arith.constant 125 : i32
      %lt3A_81 = arith.cmpi slt, %add3A_77, %lt3A_80 : i32
      %convert_element_type3A_82 = arith.extui %lt3A_81 : i1 to i32
      %cond3A_83 = arith.constant 0 : i32
      %cond3A_84 = arith.cmpi ne, %convert_element_type3A_82, %cond3A_83 : i32
      scf.if %cond3A_84 {
        %dma_wait3A_146 = arith.constant 0 : i32
        %dma_wait3A_147 = arith.constant 0 : i32
        %dma_wait3A_148 = tpu.memref_slice %arg2[%dma_wait3A_146, %dma_wait3A_147] : memref<10000x128xf32, #tpu.memory_space<hbm>> -> memref<10000x128xf32, #tpu.memory_space<hbm>>
        tpu.wait_indirect_dma semaphore(%arg25 : memref<!tpu.dma_semaphore, #tpu.memory_space<semaphore_mem>>) src(%dma_wait3A_148 : memref<10000x128xf32, #tpu.memory_space<hbm>>) dst(%arg17 : memref<80x128xf32, #tpu.memory_space<vmem>>)
        %dma_wait3A_149 = arith.constant 0 : i32
        %dma_wait3A_150 = arith.constant 0 : i32
        %dma_wait3A_151 = tpu.memref_slice %arg3[%dma_wait3A_149, %dma_wait3A_150] : memref<10000x128xf32, #tpu.memory_space<hbm>> -> memref<10000x128xf32, #tpu.memory_space<hbm>>
        tpu.wait_indirect_dma semaphore(%arg25 : memref<!tpu.dma_semaphore, #tpu.memory_space<semaphore_mem>>) src(%dma_wait3A_151 : memref<10000x128xf32, #tpu.memory_space<hbm>>) dst(%arg21 : memref<80x128xf32, #tpu.memory_space<vmem>>)
        %mul3A_152 = arith.constant 80 : i32
        %mul3A_153 = arith.muli %add3A_77, %mul3A_152 : i32
        %add3A_154 = arith.addi %mul3A_2, %mul3A_153 : i32
        %dma_start3A_155 = arith.constant 0 : i32
        %dma_start3A_156 = tpu.memref_slice %arg6[%add3A_154, %dma_start3A_155] : memref<320000x128xf32, #tpu.memory_space<hbm>> -> memref<80x128xf32, #tpu.memory_space<hbm>>
        %dma_start3A_157 = arith.constant 0 : i32
        %dma_start3A_158 = tpu.memref_slice %arg6[%add3A_154, %dma_start3A_157] : memref<320000x128xf32, #tpu.memory_space<hbm>> -> memref<80x128xf32, #tpu.memory_space<hbm>>
        tpu.enqueue_dma source(%arg17 : memref<80x128xf32, #tpu.memory_space<vmem>>) target(%dma_start3A_158 : memref<80x128xf32, #tpu.memory_space<hbm>>) target_semaphore(%arg29 : memref<!tpu.dma_semaphore, #tpu.memory_space<semaphore_mem>>)
        %dma_start3A_159 = arith.constant 0 : i32
        %dma_start3A_160 = tpu.memref_slice %arg7[%add3A_154, %dma_start3A_159] : memref<320000x128xf32, #tpu.memory_space<hbm>> -> memref<80x128xf32, #tpu.memory_space<hbm>>
        %dma_start3A_161 = arith.constant 0 : i32
        %dma_start3A_162 = tpu.memref_slice %arg7[%add3A_154, %dma_start3A_161] : memref<320000x128xf32, #tpu.memory_space<hbm>> -> memref<80x128xf32, #tpu.memory_space<hbm>>
        tpu.enqueue_dma source(%arg21 : memref<80x128xf32, #tpu.memory_space<vmem>>) target(%dma_start3A_162 : memref<80x128xf32, #tpu.memory_space<hbm>>) target_semaphore(%arg29 : memref<!tpu.dma_semaphore, #tpu.memory_space<semaphore_mem>>)
      } else {
      }
      %lt3A_85 = arith.constant 125 : i32
      %lt3A_86 = arith.cmpi slt, %add3A_79, %lt3A_85 : i32
      %ge3A_87 = arith.constant 4 : i32
      %ge3A_88 = arith.cmpi sge, %add3A_79, %ge3A_87 : i32
      %and3A_89 = arith.andi %lt3A_86, %ge3A_88 : i1
      %convert_element_type3A_90 = arith.extui %and3A_89 : i1 to i32
      %cond3A_91 = arith.constant 0 : i32
      %cond3A_92 = arith.cmpi ne, %convert_element_type3A_90, %cond3A_91 : i32
      scf.if %cond3A_92 {
        %dma_wait3A_146 = arith.constant 0 : i32
        %dma_wait3A_147 = tpu.memref_slice %arg6[%mul3A_2, %dma_wait3A_146] : memref<320000x128xf32, #tpu.memory_space<hbm>> -> memref<80x128xf32, #tpu.memory_space<hbm>>
        %dma_wait3A_148 = arith.constant 0 : i32
        %dma_wait3A_149 = tpu.memref_slice %arg6[%mul3A_2, %dma_wait3A_148] : memref<320000x128xf32, #tpu.memory_space<hbm>> -> memref<80x128xf32, #tpu.memory_space<hbm>>
        tpu.wait_dma2 semaphore(%arg31 : memref<!tpu.dma_semaphore, #tpu.memory_space<semaphore_mem>>) src(%arg19 : memref<80x128xf32, #tpu.memory_space<vmem>>) dst(%dma_wait3A_149 : memref<80x128xf32, #tpu.memory_space<hbm>>)
        %dma_wait3A_150 = arith.constant 0 : i32
        %dma_wait3A_151 = tpu.memref_slice %arg7[%mul3A_2, %dma_wait3A_150] : memref<320000x128xf32, #tpu.memory_space<hbm>> -> memref<80x128xf32, #tpu.memory_space<hbm>>
        %dma_wait3A_152 = arith.constant 0 : i32
        %dma_wait3A_153 = tpu.memref_slice %arg7[%mul3A_2, %dma_wait3A_152] : memref<320000x128xf32, #tpu.memory_space<hbm>> -> memref<80x128xf32, #tpu.memory_space<hbm>>
        tpu.wait_dma2 semaphore(%arg31 : memref<!tpu.dma_semaphore, #tpu.memory_space<semaphore_mem>>) src(%arg23 : memref<80x128xf32, #tpu.memory_space<vmem>>) dst(%dma_wait3A_153 : memref<80x128xf32, #tpu.memory_space<hbm>>)
      } else {
      }
      %lt3A_93 = arith.constant 125 : i32
      %lt3A_94 = arith.cmpi slt, %add3A_79, %lt3A_93 : i32
      %convert_element_type3A_95 = arith.extui %lt3A_94 : i1 to i32
      %cond3A_96 = arith.constant 0 : i32
      %cond3A_97 = arith.cmpi ne, %convert_element_type3A_95, %cond3A_96 : i32
      scf.if %cond3A_97 {
        %mul3A_146 = arith.constant 80 : i32
        %mul3A_147 = arith.muli %add3A_79, %mul3A_146 : i32
        %add3A_148 = arith.addi %mul3A_2, %mul3A_147 : i32
        "tpu.region"() ({
          %run_scoped3A = tpu.sem_alloc : memref<!tpu.dma_semaphore, #tpu.memory_space<semaphore_mem>>
          %dma_start3A_155 = tpu.memref_slice %arg4[%add3A_148] : memref<320000xi32, #tpu.memory_space<hbm>> -> memref<80xi32, #tpu.memory_space<hbm>>
          %dma_start3A_156 = tpu.memref_slice %arg4[%add3A_148] : memref<320000xi32, #tpu.memory_space<hbm>> -> memref<80xi32, #tpu.memory_space<hbm>>
          tpu.enqueue_dma source(%dma_start3A_156 : memref<80xi32, #tpu.memory_space<hbm>>) target(%arg11 : memref<80xi32, #tpu.memory_space<vmem>>) target_semaphore(%run_scoped3A : memref<!tpu.dma_semaphore, #tpu.memory_space<semaphore_mem>>)
          %dma_wait3A_157 = tpu.memref_slice %arg4[%add3A_148] : memref<320000xi32, #tpu.memory_space<hbm>> -> memref<80xi32, #tpu.memory_space<hbm>>
          %dma_wait3A_158 = tpu.memref_slice %arg4[%add3A_148] : memref<320000xi32, #tpu.memory_space<hbm>> -> memref<80xi32, #tpu.memory_space<hbm>>
          tpu.wait_dma2 semaphore(%run_scoped3A : memref<!tpu.dma_semaphore, #tpu.memory_space<semaphore_mem>>) src(%dma_wait3A_158 : memref<80xi32, #tpu.memory_space<hbm>>) dst(%arg11 : memref<80xi32, #tpu.memory_space<vmem>>)
          tpu.yield
        }) : () -> ()
        "tpu.region"() ({
          %run_scoped3A = tpu.sem_alloc : memref<!tpu.dma_semaphore, #tpu.memory_space<semaphore_mem>>
          %dma_start3A_155 = tpu.memref_slice %arg5[%add3A_148] : memref<320000xi32, #tpu.memory_space<hbm>> -> memref<80xi32, #tpu.memory_space<hbm>>
          %dma_start3A_156 = tpu.memref_slice %arg5[%add3A_148] : memref<320000xi32, #tpu.memory_space<hbm>> -> memref<80xi32, #tpu.memory_space<hbm>>
          tpu.enqueue_dma source(%dma_start3A_156 : memref<80xi32, #tpu.memory_space<hbm>>) target(%arg15 : memref<80xi32, #tpu.memory_space<vmem>>) target_semaphore(%run_scoped3A : memref<!tpu.dma_semaphore, #tpu.memory_space<semaphore_mem>>)
          %dma_wait3A_157 = tpu.memref_slice %arg5[%add3A_148] : memref<320000xi32, #tpu.memory_space<hbm>> -> memref<80xi32, #tpu.memory_space<hbm>>
          %dma_wait3A_158 = tpu.memref_slice %arg5[%add3A_148] : memref<320000xi32, #tpu.memory_space<hbm>> -> memref<80xi32, #tpu.memory_space<hbm>>
          tpu.wait_dma2 semaphore(%run_scoped3A : memref<!tpu.dma_semaphore, #tpu.memory_space<semaphore_mem>>) src(%dma_wait3A_158 : memref<80xi32, #tpu.memory_space<hbm>>) dst(%arg15 : memref<80xi32, #tpu.memory_space<vmem>>)
          tpu.yield
        }) : () -> ()
        %dma_start3A_149 = arith.constant 0 : i32
        %dma_start3A_150 = arith.constant 0 : i32
        %dma_start3A_151 = tpu.memref_slice %arg2[%dma_start3A_149, %dma_start3A_150] : memref<10000x128xf32, #tpu.memory_space<hbm>> -> memref<10000x128xf32, #tpu.memory_space<hbm>>
        tpu.enqueue_indirect_dma source(%dma_start3A_151 : memref<10000x128xf32, #tpu.memory_space<hbm>>) target(%arg19 : memref<80x128xf32, #tpu.memory_space<vmem>>) offsets(%arg11 : memref<80xi32, #tpu.memory_space<vmem>>) semaphore(%arg27 : memref<!tpu.dma_semaphore, #tpu.memory_space<semaphore_mem>>)
        %dma_start3A_152 = arith.constant 0 : i32
        %dma_start3A_153 = arith.constant 0 : i32
        %dma_start3A_154 = tpu.memref_slice %arg3[%dma_start3A_152, %dma_start3A_153] : memref<10000x128xf32, #tpu.memory_space<hbm>> -> memref<10000x128xf32, #tpu.memory_space<hbm>>
        tpu.enqueue_indirect_dma source(%dma_start3A_154 : memref<10000x128xf32, #tpu.memory_space<hbm>>) target(%arg23 : memref<80x128xf32, #tpu.memory_space<vmem>>) offsets(%arg15 : memref<80xi32, #tpu.memory_space<vmem>>) semaphore(%arg27 : memref<!tpu.dma_semaphore, #tpu.memory_space<semaphore_mem>>)
      } else {
      }
      %mul3A_98 = arith.constant 4 : i32
      %mul3A_99 = arith.muli %scan3A_54, %mul3A_98 : i32
      %add3A_100 = arith.constant 2 : i32
      %add3A_101 = arith.addi %mul3A_99, %add3A_100 : i32
      %add3A_102 = arith.constant 2 : i32
      %add3A_103 = arith.addi %add3A_101, %add3A_102 : i32
      %lt3A_104 = arith.constant 125 : i32
      %lt3A_105 = arith.cmpi slt, %add3A_101, %lt3A_104 : i32
      %convert_element_type3A_106 = arith.extui %lt3A_105 : i1 to i32
      %cond3A_107 = arith.constant 0 : i32
      %cond3A_108 = arith.cmpi ne, %convert_element_type3A_106, %cond3A_107 : i32
      scf.if %cond3A_108 {
        %dma_wait3A_146 = arith.constant 0 : i32
        %dma_wait3A_147 = arith.constant 0 : i32
        %dma_wait3A_148 = tpu.memref_slice %arg2[%dma_wait3A_146, %dma_wait3A_147] : memref<10000x128xf32, #tpu.memory_space<hbm>> -> memref<10000x128xf32, #tpu.memory_space<hbm>>
        tpu.wait_indirect_dma semaphore(%arg26 : memref<!tpu.dma_semaphore, #tpu.memory_space<semaphore_mem>>) src(%dma_wait3A_148 : memref<10000x128xf32, #tpu.memory_space<hbm>>) dst(%arg18 : memref<80x128xf32, #tpu.memory_space<vmem>>)
        %dma_wait3A_149 = arith.constant 0 : i32
        %dma_wait3A_150 = arith.constant 0 : i32
        %dma_wait3A_151 = tpu.memref_slice %arg3[%dma_wait3A_149, %dma_wait3A_150] : memref<10000x128xf32, #tpu.memory_space<hbm>> -> memref<10000x128xf32, #tpu.memory_space<hbm>>
        tpu.wait_indirect_dma semaphore(%arg26 : memref<!tpu.dma_semaphore, #tpu.memory_space<semaphore_mem>>) src(%dma_wait3A_151 : memref<10000x128xf32, #tpu.memory_space<hbm>>) dst(%arg22 : memref<80x128xf32, #tpu.memory_space<vmem>>)
        %mul3A_152 = arith.constant 80 : i32
        %mul3A_153 = arith.muli %add3A_101, %mul3A_152 : i32
        %add3A_154 = arith.addi %mul3A_2, %mul3A_153 : i32
        %dma_start3A_155 = arith.constant 0 : i32
        %dma_start3A_156 = tpu.memref_slice %arg6[%add3A_154, %dma_start3A_155] : memref<320000x128xf32, #tpu.memory_space<hbm>> -> memref<80x128xf32, #tpu.memory_space<hbm>>
        %dma_start3A_157 = arith.constant 0 : i32
        %dma_start3A_158 = tpu.memref_slice %arg6[%add3A_154, %dma_start3A_157] : memref<320000x128xf32, #tpu.memory_space<hbm>> -> memref<80x128xf32, #tpu.memory_space<hbm>>
        tpu.enqueue_dma source(%arg18 : memref<80x128xf32, #tpu.memory_space<vmem>>) target(%dma_start3A_158 : memref<80x128xf32, #tpu.memory_space<hbm>>) target_semaphore(%arg30 : memref<!tpu.dma_semaphore, #tpu.memory_space<semaphore_mem>>)
        %dma_start3A_159 = arith.constant 0 : i32
        %dma_start3A_160 = tpu.memref_slice %arg7[%add3A_154, %dma_start3A_159] : memref<320000x128xf32, #tpu.memory_space<hbm>> -> memref<80x128xf32, #tpu.memory_space<hbm>>
        %dma_start3A_161 = arith.constant 0 : i32
        %dma_start3A_162 = tpu.memref_slice %arg7[%add3A_154, %dma_start3A_161] : memref<320000x128xf32, #tpu.memory_space<hbm>> -> memref<80x128xf32, #tpu.memory_space<hbm>>
        tpu.enqueue_dma source(%arg22 : memref<80x128xf32, #tpu.memory_space<vmem>>) target(%dma_start3A_162 : memref<80x128xf32, #tpu.memory_space<hbm>>) target_semaphore(%arg30 : memref<!tpu.dma_semaphore, #tpu.memory_space<semaphore_mem>>)
      } else {
      }
      %lt3A_109 = arith.constant 125 : i32
      %lt3A_110 = arith.cmpi slt, %add3A_103, %lt3A_109 : i32
      %ge3A_111 = arith.constant 4 : i32
      %ge3A_112 = arith.cmpi sge, %add3A_103, %ge3A_111 : i32
      %and3A_113 = arith.andi %lt3A_110, %ge3A_112 : i1
      %convert_element_type3A_114 = arith.extui %and3A_113 : i1 to i32
      %cond3A_115 = arith.constant 0 : i32
      %cond3A_116 = arith.cmpi ne, %convert_element_type3A_114, %cond3A_115 : i32
      scf.if %cond3A_116 {
        %dma_wait3A_146 = arith.constant 0 : i32
        %dma_wait3A_147 = tpu.memref_slice %arg6[%mul3A_2, %dma_wait3A_146] : memref<320000x128xf32, #tpu.memory_space<hbm>> -> memref<80x128xf32, #tpu.memory_space<hbm>>
        %dma_wait3A_148 = arith.constant 0 : i32
        %dma_wait3A_149 = tpu.memref_slice %arg6[%mul3A_2, %dma_wait3A_148] : memref<320000x128xf32, #tpu.memory_space<hbm>> -> memref<80x128xf32, #tpu.memory_space<hbm>>
        tpu.wait_dma2 semaphore(%arg28 : memref<!tpu.dma_semaphore, #tpu.memory_space<semaphore_mem>>) src(%arg16 : memref<80x128xf32, #tpu.memory_space<vmem>>) dst(%dma_wait3A_149 : memref<80x128xf32, #tpu.memory_space<hbm>>)
        %dma_wait3A_150 = arith.constant 0 : i32
        %dma_wait3A_151 = tpu.memref_slice %arg7[%mul3A_2, %dma_wait3A_150] : memref<320000x128xf32, #tpu.memory_space<hbm>> -> memref<80x128xf32, #tpu.memory_space<hbm>>
        %dma_wait3A_152 = arith.constant 0 : i32
        %dma_wait3A_153 = tpu.memref_slice %arg7[%mul3A_2, %dma_wait3A_152] : memref<320000x128xf32, #tpu.memory_space<hbm>> -> memref<80x128xf32, #tpu.memory_space<hbm>>
        tpu.wait_dma2 semaphore(%arg28 : memref<!tpu.dma_semaphore, #tpu.memory_space<semaphore_mem>>) src(%arg20 : memref<80x128xf32, #tpu.memory_space<vmem>>) dst(%dma_wait3A_153 : memref<80x128xf32, #tpu.memory_space<hbm>>)
      } else {
      }
      %lt3A_117 = arith.constant 125 : i32
      %lt3A_118 = arith.cmpi slt, %add3A_103, %lt3A_117 : i32
      %convert_element_type3A_119 = arith.extui %lt3A_118 : i1 to i32
      %cond3A_120 = arith.constant 0 : i32
      %cond3A_121 = arith.cmpi ne, %convert_element_type3A_119, %cond3A_120 : i32
      scf.if %cond3A_121 {
        %mul3A_146 = arith.constant 80 : i32
        %mul3A_147 = arith.muli %add3A_103, %mul3A_146 : i32
        %add3A_148 = arith.addi %mul3A_2, %mul3A_147 : i32
        "tpu.region"() ({
          %run_scoped3A = tpu.sem_alloc : memref<!tpu.dma_semaphore, #tpu.memory_space<semaphore_mem>>
          %dma_start3A_155 = tpu.memref_slice %arg4[%add3A_148] : memref<320000xi32, #tpu.memory_space<hbm>> -> memref<80xi32, #tpu.memory_space<hbm>>
          %dma_start3A_156 = tpu.memref_slice %arg4[%add3A_148] : memref<320000xi32, #tpu.memory_space<hbm>> -> memref<80xi32, #tpu.memory_space<hbm>>
          tpu.enqueue_dma source(%dma_start3A_156 : memref<80xi32, #tpu.memory_space<hbm>>) target(%arg8 : memref<80xi32, #tpu.memory_space<vmem>>) target_semaphore(%run_scoped3A : memref<!tpu.dma_semaphore, #tpu.memory_space<semaphore_mem>>)
          %dma_wait3A_157 = tpu.memref_slice %arg4[%add3A_148] : memref<320000xi32, #tpu.memory_space<hbm>> -> memref<80xi32, #tpu.memory_space<hbm>>
          %dma_wait3A_158 = tpu.memref_slice %arg4[%add3A_148] : memref<320000xi32, #tpu.memory_space<hbm>> -> memref<80xi32, #tpu.memory_space<hbm>>
          tpu.wait_dma2 semaphore(%run_scoped3A : memref<!tpu.dma_semaphore, #tpu.memory_space<semaphore_mem>>) src(%dma_wait3A_158 : memref<80xi32, #tpu.memory_space<hbm>>) dst(%arg8 : memref<80xi32, #tpu.memory_space<vmem>>)
          tpu.yield
        }) : () -> ()
        "tpu.region"() ({
          %run_scoped3A = tpu.sem_alloc : memref<!tpu.dma_semaphore, #tpu.memory_space<semaphore_mem>>
          %dma_start3A_155 = tpu.memref_slice %arg5[%add3A_148] : memref<320000xi32, #tpu.memory_space<hbm>> -> memref<80xi32, #tpu.memory_space<hbm>>
          %dma_start3A_156 = tpu.memref_slice %arg5[%add3A_148] : memref<320000xi32, #tpu.memory_space<hbm>> -> memref<80xi32, #tpu.memory_space<hbm>>
          tpu.enqueue_dma source(%dma_start3A_156 : memref<80xi32, #tpu.memory_space<hbm>>) target(%arg12 : memref<80xi32, #tpu.memory_space<vmem>>) target_semaphore(%run_scoped3A : memref<!tpu.dma_semaphore, #tpu.memory_space<semaphore_mem>>)
          %dma_wait3A_157 = tpu.memref_slice %arg5[%add3A_148] : memref<320000xi32, #tpu.memory_space<hbm>> -> memref<80xi32, #tpu.memory_space<hbm>>
          %dma_wait3A_158 = tpu.memref_slice %arg5[%add3A_148] : memref<320000xi32, #tpu.memory_space<hbm>> -> memref<80xi32, #tpu.memory_space<hbm>>
          tpu.wait_dma2 semaphore(%run_scoped3A : memref<!tpu.dma_semaphore, #tpu.memory_space<semaphore_mem>>) src(%dma_wait3A_158 : memref<80xi32, #tpu.memory_space<hbm>>) dst(%arg12 : memref<80xi32, #tpu.memory_space<vmem>>)
          tpu.yield
        }) : () -> ()
        %dma_start3A_149 = arith.constant 0 : i32
        %dma_start3A_150 = arith.constant 0 : i32
        %dma_start3A_151 = tpu.memref_slice %arg2[%dma_start3A_149, %dma_start3A_150] : memref<10000x128xf32, #tpu.memory_space<hbm>> -> memref<10000x128xf32, #tpu.memory_space<hbm>>
        tpu.enqueue_indirect_dma source(%dma_start3A_151 : memref<10000x128xf32, #tpu.memory_space<hbm>>) target(%arg16 : memref<80x128xf32, #tpu.memory_space<vmem>>) offsets(%arg8 : memref<80xi32, #tpu.memory_space<vmem>>) semaphore(%arg24 : memref<!tpu.dma_semaphore, #tpu.memory_space<semaphore_mem>>)
        %dma_start3A_152 = arith.constant 0 : i32
        %dma_start3A_153 = arith.constant 0 : i32
        %dma_start3A_154 = tpu.memref_slice %arg3[%dma_start3A_152, %dma_start3A_153] : memref<10000x128xf32, #tpu.memory_space<hbm>> -> memref<10000x128xf32, #tpu.memory_space<hbm>>
        tpu.enqueue_indirect_dma source(%dma_start3A_154 : memref<10000x128xf32, #tpu.memory_space<hbm>>) target(%arg20 : memref<80x128xf32, #tpu.memory_space<vmem>>) offsets(%arg12 : memref<80xi32, #tpu.memory_space<vmem>>) semaphore(%arg24 : memref<!tpu.dma_semaphore, #tpu.memory_space<semaphore_mem>>)
      } else {
      }
      %mul3A_122 = arith.constant 4 : i32
      %mul3A_123 = arith.muli %scan3A_54, %mul3A_122 : i32
      %add3A_124 = arith.constant 3 : i32
      %add3A_125 = arith.addi %mul3A_123, %add3A_124 : i32
      %add3A_126 = arith.constant 2 : i32
      %add3A_127 = arith.addi %add3A_125, %add3A_126 : i32
      %lt3A_128 = arith.constant 125 : i32
      %lt3A_129 = arith.cmpi slt, %add3A_125, %lt3A_128 : i32
      %convert_element_type3A_130 = arith.extui %lt3A_129 : i1 to i32
      %cond3A_131 = arith.constant 0 : i32
      %cond3A_132 = arith.cmpi ne, %convert_element_type3A_130, %cond3A_131 : i32
      scf.if %cond3A_132 {
        %dma_wait3A_146 = arith.constant 0 : i32
        %dma_wait3A_147 = arith.constant 0 : i32
        %dma_wait3A_148 = tpu.memref_slice %arg2[%dma_wait3A_146, %dma_wait3A_147] : memref<10000x128xf32, #tpu.memory_space<hbm>> -> memref<10000x128xf32, #tpu.memory_space<hbm>>
        tpu.wait_indirect_dma semaphore(%arg27 : memref<!tpu.dma_semaphore, #tpu.memory_space<semaphore_mem>>) src(%dma_wait3A_148 : memref<10000x128xf32, #tpu.memory_space<hbm>>) dst(%arg19 : memref<80x128xf32, #tpu.memory_space<vmem>>)
        %dma_wait3A_149 = arith.constant 0 : i32
        %dma_wait3A_150 = arith.constant 0 : i32
        %dma_wait3A_151 = tpu.memref_slice %arg3[%dma_wait3A_149, %dma_wait3A_150] : memref<10000x128xf32, #tpu.memory_space<hbm>> -> memref<10000x128xf32, #tpu.memory_space<hbm>>
        tpu.wait_indirect_dma semaphore(%arg27 : memref<!tpu.dma_semaphore, #tpu.memory_space<semaphore_mem>>) src(%dma_wait3A_151 : memref<10000x128xf32, #tpu.memory_space<hbm>>) dst(%arg23 : memref<80x128xf32, #tpu.memory_space<vmem>>)
        %mul3A_152 = arith.constant 80 : i32
        %mul3A_153 = arith.muli %add3A_125, %mul3A_152 : i32
        %add3A_154 = arith.addi %mul3A_2, %mul3A_153 : i32
        %dma_start3A_155 = arith.constant 0 : i32
        %dma_start3A_156 = tpu.memref_slice %arg6[%add3A_154, %dma_start3A_155] : memref<320000x128xf32, #tpu.memory_space<hbm>> -> memref<80x128xf32, #tpu.memory_space<hbm>>
        %dma_start3A_157 = arith.constant 0 : i32
        %dma_start3A_158 = tpu.memref_slice %arg6[%add3A_154, %dma_start3A_157] : memref<320000x128xf32, #tpu.memory_space<hbm>> -> memref<80x128xf32, #tpu.memory_space<hbm>>
        tpu.enqueue_dma source(%arg19 : memref<80x128xf32, #tpu.memory_space<vmem>>) target(%dma_start3A_158 : memref<80x128xf32, #tpu.memory_space<hbm>>) target_semaphore(%arg31 : memref<!tpu.dma_semaphore, #tpu.memory_space<semaphore_mem>>)
        %dma_start3A_159 = arith.constant 0 : i32
        %dma_start3A_160 = tpu.memref_slice %arg7[%add3A_154, %dma_start3A_159] : memref<320000x128xf32, #tpu.memory_space<hbm>> -> memref<80x128xf32, #tpu.memory_space<hbm>>
        %dma_start3A_161 = arith.constant 0 : i32
        %dma_start3A_162 = tpu.memref_slice %arg7[%add3A_154, %dma_start3A_161] : memref<320000x128xf32, #tpu.memory_space<hbm>> -> memref<80x128xf32, #tpu.memory_space<hbm>>
        tpu.enqueue_dma source(%arg23 : memref<80x128xf32, #tpu.memory_space<vmem>>) target(%dma_start3A_162 : memref<80x128xf32, #tpu.memory_space<hbm>>) target_semaphore(%arg31 : memref<!tpu.dma_semaphore, #tpu.memory_space<semaphore_mem>>)
      } else {
      }
      %lt3A_133 = arith.constant 125 : i32
      %lt3A_134 = arith.cmpi slt, %add3A_127, %lt3A_133 : i32
      %ge3A_135 = arith.constant 4 : i32
      %ge3A_136 = arith.cmpi sge, %add3A_127, %ge3A_135 : i32
      %and3A_137 = arith.andi %lt3A_134, %ge3A_136 : i1
      %convert_element_type3A_138 = arith.extui %and3A_137 : i1 to i32
      %cond3A_139 = arith.constant 0 : i32
      %cond3A_140 = arith.cmpi ne, %convert_element_type3A_138, %cond3A_139 : i32
      scf.if %cond3A_140 {
        %dma_wait3A_146 = arith.constant 0 : i32
        %dma_wait3A_147 = tpu.memref_slice %arg6[%mul3A_2, %dma_wait3A_146] : memref<320000x128xf32, #tpu.memory_space<hbm>> -> memref<80x128xf32, #tpu.memory_space<hbm>>
        %dma_wait3A_148 = arith.constant 0 : i32
        %dma_wait3A_149 = tpu.memref_slice %arg6[%mul3A_2, %dma_wait3A_148] : memref<320000x128xf32, #tpu.memory_space<hbm>> -> memref<80x128xf32, #tpu.memory_space<hbm>>
        tpu.wait_dma2 semaphore(%arg29 : memref<!tpu.dma_semaphore, #tpu.memory_space<semaphore_mem>>) src(%arg17 : memref<80x128xf32, #tpu.memory_space<vmem>>) dst(%dma_wait3A_149 : memref<80x128xf32, #tpu.memory_space<hbm>>)
        %dma_wait3A_150 = arith.constant 0 : i32
        %dma_wait3A_151 = tpu.memref_slice %arg7[%mul3A_2, %dma_wait3A_150] : memref<320000x128xf32, #tpu.memory_space<hbm>> -> memref<80x128xf32, #tpu.memory_space<hbm>>
        %dma_wait3A_152 = arith.constant 0 : i32
        %dma_wait3A_153 = tpu.memref_slice %arg7[%mul3A_2, %dma_wait3A_152] : memref<320000x128xf32, #tpu.memory_space<hbm>> -> memref<80x128xf32, #tpu.memory_space<hbm>>
        tpu.wait_dma2 semaphore(%arg29 : memref<!tpu.dma_semaphore, #tpu.memory_space<semaphore_mem>>) src(%arg21 : memref<80x128xf32, #tpu.memory_space<vmem>>) dst(%dma_wait3A_153 : memref<80x128xf32, #tpu.memory_space<hbm>>)
      } else {
      }
      %lt3A_141 = arith.constant 125 : i32
      %lt3A_142 = arith.cmpi slt, %add3A_127, %lt3A_141 : i32
      %convert_element_type3A_143 = arith.extui %lt3A_142 : i1 to i32
      %cond3A_144 = arith.constant 0 : i32
      %cond3A_145 = arith.cmpi ne, %convert_element_type3A_143, %cond3A_144 : i32
      scf.if %cond3A_145 {
        %mul3A_146 = arith.constant 80 : i32
        %mul3A_147 = arith.muli %add3A_127, %mul3A_146 : i32
        %add3A_148 = arith.addi %mul3A_2, %mul3A_147 : i32
        "tpu.region"() ({
          %run_scoped3A = tpu.sem_alloc : memref<!tpu.dma_semaphore, #tpu.memory_space<semaphore_mem>>
          %dma_start3A_155 = tpu.memref_slice %arg4[%add3A_148] : memref<320000xi32, #tpu.memory_space<hbm>> -> memref<80xi32, #tpu.memory_space<hbm>>
          %dma_start3A_156 = tpu.memref_slice %arg4[%add3A_148] : memref<320000xi32, #tpu.memory_space<hbm>> -> memref<80xi32, #tpu.memory_space<hbm>>
          tpu.enqueue_dma source(%dma_start3A_156 : memref<80xi32, #tpu.memory_space<hbm>>) target(%arg9 : memref<80xi32, #tpu.memory_space<vmem>>) target_semaphore(%run_scoped3A : memref<!tpu.dma_semaphore, #tpu.memory_space<semaphore_mem>>)
          %dma_wait3A_157 = tpu.memref_slice %arg4[%add3A_148] : memref<320000xi32, #tpu.memory_space<hbm>> -> memref<80xi32, #tpu.memory_space<hbm>>
          %dma_wait3A_158 = tpu.memref_slice %arg4[%add3A_148] : memref<320000xi32, #tpu.memory_space<hbm>> -> memref<80xi32, #tpu.memory_space<hbm>>
          tpu.wait_dma2 semaphore(%run_scoped3A : memref<!tpu.dma_semaphore, #tpu.memory_space<semaphore_mem>>) src(%dma_wait3A_158 : memref<80xi32, #tpu.memory_space<hbm>>) dst(%arg9 : memref<80xi32, #tpu.memory_space<vmem>>)
          tpu.yield
        }) : () -> ()
        "tpu.region"() ({
          %run_scoped3A = tpu.sem_alloc : memref<!tpu.dma_semaphore, #tpu.memory_space<semaphore_mem>>
          %dma_start3A_155 = tpu.memref_slice %arg5[%add3A_148] : memref<320000xi32, #tpu.memory_space<hbm>> -> memref<80xi32, #tpu.memory_space<hbm>>
          %dma_start3A_156 = tpu.memref_slice %arg5[%add3A_148] : memref<320000xi32, #tpu.memory_space<hbm>> -> memref<80xi32, #tpu.memory_space<hbm>>
          tpu.enqueue_dma source(%dma_start3A_156 : memref<80xi32, #tpu.memory_space<hbm>>) target(%arg13 : memref<80xi32, #tpu.memory_space<vmem>>) target_semaphore(%run_scoped3A : memref<!tpu.dma_semaphore, #tpu.memory_space<semaphore_mem>>)
          %dma_wait3A_157 = tpu.memref_slice %arg5[%add3A_148] : memref<320000xi32, #tpu.memory_space<hbm>> -> memref<80xi32, #tpu.memory_space<hbm>>
          %dma_wait3A_158 = tpu.memref_slice %arg5[%add3A_148] : memref<320000xi32, #tpu.memory_space<hbm>> -> memref<80xi32, #tpu.memory_space<hbm>>
          tpu.wait_dma2 semaphore(%run_scoped3A : memref<!tpu.dma_semaphore, #tpu.memory_space<semaphore_mem>>) src(%dma_wait3A_158 : memref<80xi32, #tpu.memory_space<hbm>>) dst(%arg13 : memref<80xi32, #tpu.memory_space<vmem>>)
          tpu.yield
        }) : () -> ()
        %dma_start3A_149 = arith.constant 0 : i32
        %dma_start3A_150 = arith.constant 0 : i32
        %dma_start3A_151 = tpu.memref_slice %arg2[%dma_start3A_149, %dma_start3A_150] : memref<10000x128xf32, #tpu.memory_space<hbm>> -> memref<10000x128xf32, #tpu.memory_space<hbm>>
        tpu.enqueue_indirect_dma source(%dma_start3A_151 : memref<10000x128xf32, #tpu.memory_space<hbm>>) target(%arg17 : memref<80x128xf32, #tpu.memory_space<vmem>>) offsets(%arg9 : memref<80xi32, #tpu.memory_space<vmem>>) semaphore(%arg25 : memref<!tpu.dma_semaphore, #tpu.memory_space<semaphore_mem>>)
        %dma_start3A_152 = arith.constant 0 : i32
        %dma_start3A_153 = arith.constant 0 : i32
        %dma_start3A_154 = tpu.memref_slice %arg3[%dma_start3A_152, %dma_start3A_153] : memref<10000x128xf32, #tpu.memory_space<hbm>> -> memref<10000x128xf32, #tpu.memory_space<hbm>>
        tpu.enqueue_indirect_dma source(%dma_start3A_154 : memref<10000x128xf32, #tpu.memory_space<hbm>>) target(%arg21 : memref<80x128xf32, #tpu.memory_space<vmem>>) offsets(%arg13 : memref<80xi32, #tpu.memory_space<vmem>>) semaphore(%arg25 : memref<!tpu.dma_semaphore, #tpu.memory_space<semaphore_mem>>)
      } else {
      }
    }
    %scan3A_22 = arith.constant 32 : i32
    %dma_wait3A = arith.constant 0 : i32
    %dma_wait3A_23 = tpu.memref_slice %arg6[%mul3A_2, %dma_wait3A] : memref<320000x128xf32, #tpu.memory_space<hbm>> -> memref<80x128xf32, #tpu.memory_space<hbm>>
    %dma_wait3A_24 = arith.constant 0 : i32
    %dma_wait3A_25 = tpu.memref_slice %arg6[%mul3A_2, %dma_wait3A_24] : memref<320000x128xf32, #tpu.memory_space<hbm>> -> memref<80x128xf32, #tpu.memory_space<hbm>>
    tpu.wait_dma2 semaphore(%arg29 : memref<!tpu.dma_semaphore, #tpu.memory_space<semaphore_mem>>) src(%arg17 : memref<80x128xf32, #tpu.memory_space<vmem>>) dst(%dma_wait3A_25 : memref<80x128xf32, #tpu.memory_space<hbm>>)
    %dma_wait3A_26 = arith.constant 0 : i32
    %dma_wait3A_27 = tpu.memref_slice %arg7[%mul3A_2, %dma_wait3A_26] : memref<320000x128xf32, #tpu.memory_space<hbm>> -> memref<80x128xf32, #tpu.memory_space<hbm>>
    %dma_wait3A_28 = arith.constant 0 : i32
    %dma_wait3A_29 = tpu.memref_slice %arg7[%mul3A_2, %dma_wait3A_28] : memref<320000x128xf32, #tpu.memory_space<hbm>> -> memref<80x128xf32, #tpu.memory_space<hbm>>
    tpu.wait_dma2 semaphore(%arg29 : memref<!tpu.dma_semaphore, #tpu.memory_space<semaphore_mem>>) src(%arg21 : memref<80x128xf32, #tpu.memory_space<vmem>>) dst(%dma_wait3A_29 : memref<80x128xf32, #tpu.memory_space<hbm>>)
    %dma_wait3A_30 = arith.constant 0 : i32
    %dma_wait3A_31 = tpu.memref_slice %arg6[%mul3A_2, %dma_wait3A_30] : memref<320000x128xf32, #tpu.memory_space<hbm>> -> memref<80x128xf32, #tpu.memory_space<hbm>>
    %dma_wait3A_32 = arith.constant 0 : i32
    %dma_wait3A_33 = tpu.memref_slice %arg6[%mul3A_2, %dma_wait3A_32] : memref<320000x128xf32, #tpu.memory_space<hbm>> -> memref<80x128xf32, #tpu.memory_space<hbm>>
    tpu.wait_dma2 semaphore(%arg30 : memref<!tpu.dma_semaphore, #tpu.memory_space<semaphore_mem>>) src(%arg18 : memref<80x128xf32, #tpu.memory_space<vmem>>) dst(%dma_wait3A_33 : memref<80x128xf32, #tpu.memory_space<hbm>>)
    %dma_wait3A_34 = arith.constant 0 : i32
    %dma_wait3A_35 = tpu.memref_slice %arg7[%mul3A_2, %dma_wait3A_34] : memref<320000x128xf32, #tpu.memory_space<hbm>> -> memref<80x128xf32, #tpu.memory_space<hbm>>
    %dma_wait3A_36 = arith.constant 0 : i32
    %dma_wait3A_37 = tpu.memref_slice %arg7[%mul3A_2, %dma_wait3A_36] : memref<320000x128xf32, #tpu.memory_space<hbm>> -> memref<80x128xf32, #tpu.memory_space<hbm>>
    tpu.wait_dma2 semaphore(%arg30 : memref<!tpu.dma_semaphore, #tpu.memory_space<semaphore_mem>>) src(%arg22 : memref<80x128xf32, #tpu.memory_space<vmem>>) dst(%dma_wait3A_37 : memref<80x128xf32, #tpu.memory_space<hbm>>)
    %dma_wait3A_38 = arith.constant 0 : i32
    %dma_wait3A_39 = tpu.memref_slice %arg6[%mul3A_2, %dma_wait3A_38] : memref<320000x128xf32, #tpu.memory_space<hbm>> -> memref<80x128xf32, #tpu.memory_space<hbm>>
    %dma_wait3A_40 = arith.constant 0 : i32
    %dma_wait3A_41 = tpu.memref_slice %arg6[%mul3A_2, %dma_wait3A_40] : memref<320000x128xf32, #tpu.memory_space<hbm>> -> memref<80x128xf32, #tpu.memory_space<hbm>>
    tpu.wait_dma2 semaphore(%arg31 : memref<!tpu.dma_semaphore, #tpu.memory_space<semaphore_mem>>) src(%arg19 : memref<80x128xf32, #tpu.memory_space<vmem>>) dst(%dma_wait3A_41 : memref<80x128xf32, #tpu.memory_space<hbm>>)
    %dma_wait3A_42 = arith.constant 0 : i32
    %dma_wait3A_43 = tpu.memref_slice %arg7[%mul3A_2, %dma_wait3A_42] : memref<320000x128xf32, #tpu.memory_space<hbm>> -> memref<80x128xf32, #tpu.memory_space<hbm>>
    %dma_wait3A_44 = arith.constant 0 : i32
    %dma_wait3A_45 = tpu.memref_slice %arg7[%mul3A_2, %dma_wait3A_44] : memref<320000x128xf32, #tpu.memory_space<hbm>> -> memref<80x128xf32, #tpu.memory_space<hbm>>
    tpu.wait_dma2 semaphore(%arg31 : memref<!tpu.dma_semaphore, #tpu.memory_space<semaphore_mem>>) src(%arg23 : memref<80x128xf32, #tpu.memory_space<vmem>>) dst(%dma_wait3A_45 : memref<80x128xf32, #tpu.memory_space<hbm>>)
    %dma_wait3A_46 = arith.constant 0 : i32
    %dma_wait3A_47 = tpu.memref_slice %arg6[%mul3A_2, %dma_wait3A_46] : memref<320000x128xf32, #tpu.memory_space<hbm>> -> memref<80x128xf32, #tpu.memory_space<hbm>>
    %dma_wait3A_48 = arith.constant 0 : i32
    %dma_wait3A_49 = tpu.memref_slice %arg6[%mul3A_2, %dma_wait3A_48] : memref<320000x128xf32, #tpu.memory_space<hbm>> -> memref<80x128xf32, #tpu.memory_space<hbm>>
    tpu.wait_dma2 semaphore(%arg28 : memref<!tpu.dma_semaphore, #tpu.memory_space<semaphore_mem>>) src(%arg16 : memref<80x128xf32, #tpu.memory_space<vmem>>) dst(%dma_wait3A_49 : memref<80x128xf32, #tpu.memory_space<hbm>>)
    %dma_wait3A_50 = arith.constant 0 : i32
    %dma_wait3A_51 = tpu.memref_slice %arg7[%mul3A_2, %dma_wait3A_50] : memref<320000x128xf32, #tpu.memory_space<hbm>> -> memref<80x128xf32, #tpu.memory_space<hbm>>
    %dma_wait3A_52 = arith.constant 0 : i32
    %dma_wait3A_53 = tpu.memref_slice %arg7[%mul3A_2, %dma_wait3A_52] : memref<320000x128xf32, #tpu.memory_space<hbm>> -> memref<80x128xf32, #tpu.memory_space<hbm>>
    tpu.wait_dma2 semaphore(%arg28 : memref<!tpu.dma_semaphore, #tpu.memory_space<semaphore_mem>>) src(%arg20 : memref<80x128xf32, #tpu.memory_space<vmem>>) dst(%dma_wait3A_53 : memref<80x128xf32, #tpu.memory_space<hbm>>)
    return
  }
}

module attributes {stable_mosaic.version = 14 : i64} {
  func.func @_e1_body(%arg0: i32, %arg1: memref<2000x128xf32, #tpu.memory_space<vmem>>, %arg2: memref<2000x128xf32, #tpu.memory_space<vmem>>, %arg3: memref<2000x16xf32, #tpu.memory_space<vmem>>, %arg4: memref<128x256xf32, #tpu.memory_space<vmem>>, %arg5: memref<128x256xf32, #tpu.memory_space<vmem>>, %arg6: memref<16x256xf32, #tpu.memory_space<vmem>>, %arg7: memref<1x256xf32, #tpu.memory_space<vmem>>, %arg8: memref<256x256xf32, #tpu.memory_space<vmem>>, %arg9: memref<1x256xf32, #tpu.memory_space<vmem>>, %arg10: memref<2000x256xf32, #tpu.memory_space<vmem>>) attributes {dimension_semantics = [#tpu.dimension_semantics<arbitrary>], iteration_bounds = array<i64: 160>, scalar_prefetch = 0 : i64, scratch_operands = 0 : i64, tpu.core_type = #tpu.core_type<tc>, window_params = [{transform_indices = @transform_0, window_bounds = array<i64: 2000, 128>}, {transform_indices = @transform_1, window_bounds = array<i64: 2000, 128>}, {transform_indices = @transform_2, window_bounds = array<i64: 2000, 16>}, {pipeline_mode = #tpu.pipeline_mode<synchronous>, transform_indices = @transform_3, window_bounds = array<i64: 128, 256>}, {pipeline_mode = #tpu.pipeline_mode<synchronous>, transform_indices = @transform_4, window_bounds = array<i64: 128, 256>}, {pipeline_mode = #tpu.pipeline_mode<synchronous>, transform_indices = @transform_5, window_bounds = array<i64: 16, 256>}, {pipeline_mode = #tpu.pipeline_mode<synchronous>, transform_indices = @transform_6, window_bounds = array<i64: 1, 256>}, {pipeline_mode = #tpu.pipeline_mode<synchronous>, transform_indices = @transform_7, window_bounds = array<i64: 256, 256>}, {pipeline_mode = #tpu.pipeline_mode<synchronous>, transform_indices = @transform_8, window_bounds = array<i64: 1, 256>}, {transform_indices = @transform_9, window_bounds = array<i64: 2000, 256>}]} {
    %get3A = arith.constant 0 : index
    %get3A_0 = arith.constant 0 : index
    %get3A_1 = vector.load %arg1[%get3A, %get3A_0] : memref<2000x128xf32, #tpu.memory_space<vmem>>, vector<2000x128xf32>
    %get3A_2 = arith.constant 0 : index
    %get3A_3 = arith.constant 0 : index
    %get3A_4 = vector.load %arg4[%get3A_2, %get3A_3] : memref<128x256xf32, #tpu.memory_space<vmem>>, vector<128x256xf32>
    %dot_general3A = arith.constant dense<0.000000e+00> : vector<2000x256xf32>
    %dot_general3A_5 = tpu.matmul %get3A_1, %get3A_4, %dot_general3A {dimension_numbers = #tpu.dot_dimension_numbers<[1], [0], [0], [1], [0, 0, 1, 1], [], []>, transpose_lhs_hint = false} : vector<2000x128xf32>, vector<128x256xf32>, vector<2000x256xf32> -> vector<2000x256xf32>
    %get3A_6 = arith.constant 0 : index
    %get3A_7 = arith.constant 0 : index
    %get3A_8 = vector.load %arg2[%get3A_6, %get3A_7] : memref<2000x128xf32, #tpu.memory_space<vmem>>, vector<2000x128xf32>
    %get3A_9 = arith.constant 0 : index
    %get3A_10 = arith.constant 0 : index
    %get3A_11 = vector.load %arg5[%get3A_9, %get3A_10] : memref<128x256xf32, #tpu.memory_space<vmem>>, vector<128x256xf32>
    %dot_general3A_12 = arith.constant dense<0.000000e+00> : vector<2000x256xf32>
    %dot_general3A_13 = tpu.matmul %get3A_8, %get3A_11, %dot_general3A_12 {dimension_numbers = #tpu.dot_dimension_numbers<[1], [0], [0], [1], [0, 0, 1, 1], [], []>, transpose_lhs_hint = false} : vector<2000x128xf32>, vector<128x256xf32>, vector<2000x256xf32> -> vector<2000x256xf32>
    %add3A = arith.addf %dot_general3A_5, %dot_general3A_13 : vector<2000x256xf32>
    %get3A_14 = arith.constant 0 : index
    %get3A_15 = arith.constant 0 : index
    %get3A_16 = vector.load %arg3[%get3A_14, %get3A_15] : memref<2000x16xf32, #tpu.memory_space<vmem>>, vector<2000x16xf32>
    %get3A_17 = arith.constant 0 : index
    %get3A_18 = arith.constant 0 : index
    %get3A_19 = vector.load %arg6[%get3A_17, %get3A_18] : memref<16x256xf32, #tpu.memory_space<vmem>>, vector<16x256xf32>
    %dot_general3A_20 = arith.constant dense<0.000000e+00> : vector<2000x256xf32>
    %dot_general3A_21 = tpu.matmul %get3A_16, %get3A_19, %dot_general3A_20 {dimension_numbers = #tpu.dot_dimension_numbers<[1], [0], [0], [1], [0, 0, 1, 1], [], []>, transpose_lhs_hint = false} : vector<2000x16xf32>, vector<16x256xf32>, vector<2000x256xf32> -> vector<2000x256xf32>
    %add3A_22 = arith.addf %add3A, %dot_general3A_21 : vector<2000x256xf32>
    %get3A_23 = arith.constant 0 : index
    %get3A_24 = arith.constant 0 : index
    %get3A_25 = vector.load %arg7[%get3A_23, %get3A_24] : memref<1x256xf32, #tpu.memory_space<vmem>>, vector<1x256xf32>
    %add3A_26 = vector.broadcast %get3A_25 : vector<1x256xf32> to vector<2000x256xf32>
    %add3A_27 = arith.addf %add3A_22, %add3A_26 : vector<2000x256xf32>
    %max3A = arith.constant 0.000000e+00 : f32
    %max3A_28 = vector.broadcast %max3A : f32 to vector<2000x256xf32>
    %max3A_29 = arith.maximumf %add3A_27, %max3A_28 : vector<2000x256xf32>
    %get3A_30 = arith.constant 0 : index
    %get3A_31 = arith.constant 0 : index
    %get3A_32 = vector.load %arg8[%get3A_30, %get3A_31] : memref<256x256xf32, #tpu.memory_space<vmem>>, vector<256x256xf32>
    %dot_general3A_33 = arith.constant dense<0.000000e+00> : vector<2000x256xf32>
    %dot_general3A_34 = tpu.matmul %max3A_29, %get3A_32, %dot_general3A_33 {dimension_numbers = #tpu.dot_dimension_numbers<[1], [0], [0], [1], [0, 0, 1, 1], [], []>, transpose_lhs_hint = false} : vector<2000x256xf32>, vector<256x256xf32>, vector<2000x256xf32> -> vector<2000x256xf32>
    %get3A_35 = arith.constant 0 : index
    %get3A_36 = arith.constant 0 : index
    %get3A_37 = vector.load %arg9[%get3A_35, %get3A_36] : memref<1x256xf32, #tpu.memory_space<vmem>>, vector<1x256xf32>
    %add3A_38 = vector.broadcast %get3A_37 : vector<1x256xf32> to vector<2000x256xf32>
    %add3A_39 = arith.addf %dot_general3A_34, %add3A_38 : vector<2000x256xf32>
    %add3A_40 = arith.addf %add3A_39, %max3A_29 : vector<2000x256xf32>
    %swap3A = arith.constant 0 : index
    %swap3A_41 = arith.constant 0 : index
    %swap3A_42 = vector.load %arg10[%swap3A, %swap3A_41] : memref<2000x256xf32, #tpu.memory_space<vmem>>, vector<2000x256xf32>
    tpu.vector_store %arg10[%swap3A, %swap3A_41], %add3A_40 {strides = array<i32>} : memref<2000x256xf32, #tpu.memory_space<vmem>>, vector<2000x256xf32>,
    return
  }
  func.func @transform_0(%arg0: i32) -> (i32, i32) {
    %c0_i32 = arith.constant 0 : i32
    %c0_i32_0 = arith.constant 0 : i32
    return %arg0, %c0_i32 : i32, i32
  }
  func.func @transform_1(%arg0: i32) -> (i32, i32) {
    %c0_i32 = arith.constant 0 : i32
    %c0_i32_0 = arith.constant 0 : i32
    return %arg0, %c0_i32 : i32, i32
  }
  func.func @transform_2(%arg0: i32) -> (i32, i32) {
    %c0_i32 = arith.constant 0 : i32
    %c0_i32_0 = arith.constant 0 : i32
    return %arg0, %c0_i32 : i32, i32
  }
  func.func @transform_3(%arg0: i32) -> (i32, i32) {
    %c0_i32 = arith.constant 0 : i32
    %c0_i32_0 = arith.constant 0 : i32
    %c0_i32_1 = arith.constant 0 : i32
    return %c0_i32, %c0_i32_0 : i32, i32
  }
  func.func @transform_4(%arg0: i32) -> (i32, i32) {
    %c0_i32 = arith.constant 0 : i32
    %c0_i32_0 = arith.constant 0 : i32
    %c0_i32_1 = arith.constant 0 : i32
    return %c0_i32, %c0_i32_0 : i32, i32
  }
  func.func @transform_5(%arg0: i32) -> (i32, i32) {
    %c0_i32 = arith.constant 0 : i32
    %c0_i32_0 = arith.constant 0 : i32
    %c0_i32_1 = arith.constant 0 : i32
    return %c0_i32, %c0_i32_0 : i32, i32
  }
  func.func @transform_6(%arg0: i32) -> (i32, i32) {
    %c0_i32 = arith.constant 0 : i32
    %c0_i32_0 = arith.constant 0 : i32
    %c0_i32_1 = arith.constant 0 : i32
    return %c0_i32, %c0_i32_0 : i32, i32
  }
  func.func @transform_7(%arg0: i32) -> (i32, i32) {
    %c0_i32 = arith.constant 0 : i32
    %c0_i32_0 = arith.constant 0 : i32
    %c0_i32_1 = arith.constant 0 : i32
    return %c0_i32, %c0_i32_0 : i32, i32
  }
  func.func @transform_8(%arg0: i32) -> (i32, i32) {
    %c0_i32 = arith.constant 0 : i32
    %c0_i32_0 = arith.constant 0 : i32
    %c0_i32_1 = arith.constant 0 : i32
    return %c0_i32, %c0_i32_0 : i32, i32
  }
  func.func @transform_9(%arg0: i32) -> (i32, i32) {
    %c0_i32 = arith.constant 0 : i32
    %c0_i32_0 = arith.constant 0 : i32
    return %arg0, %c0_i32 : i32, i32
  }
}

module attributes {stable_mosaic.version = 14 : i64} {
  func.func @_node_body(%arg0: i32, %arg1: memref<1000x128xf32, #tpu.memory_space<vmem>>, %arg2: memref<1000x256xf32, #tpu.memory_space<vmem>>, %arg3: memref<1000x16xf32, #tpu.memory_space<vmem>>, %arg4: memref<128x256xf32, #tpu.memory_space<vmem>>, %arg5: memref<256x256xf32, #tpu.memory_space<vmem>>, %arg6: memref<1x256xf32, #tpu.memory_space<vmem>>, %arg7: memref<256x256xf32, #tpu.memory_space<vmem>>, %arg8: memref<1x256xf32, #tpu.memory_space<vmem>>, %arg9: memref<256x256xf32, #tpu.memory_space<vmem>>, %arg10: memref<256x256xf32, #tpu.memory_space<vmem>>, %arg11: memref<1000x256xf32, #tpu.memory_space<vmem>>, %arg12: memref<1000x256xf32, #tpu.memory_space<vmem>>, %arg13: memref<1000x256xf32, #tpu.memory_space<vmem>>) attributes {dimension_semantics = [#tpu.dimension_semantics<arbitrary>], iteration_bounds = array<i64: 10>, scalar_prefetch = 0 : i64, scratch_operands = 0 : i64, tpu.core_type = #tpu.core_type<tc>, window_params = [{transform_indices = @transform_0, window_bounds = array<i64: 1000, 128>}, {transform_indices = @transform_1, window_bounds = array<i64: 1000, 256>}, {transform_indices = @transform_2, window_bounds = array<i64: 1000, 16>}, {pipeline_mode = #tpu.pipeline_mode<synchronous>, transform_indices = @transform_3, window_bounds = array<i64: 128, 256>}, {pipeline_mode = #tpu.pipeline_mode<synchronous>, transform_indices = @transform_4, window_bounds = array<i64: 256, 256>}, {pipeline_mode = #tpu.pipeline_mode<synchronous>, transform_indices = @transform_5, window_bounds = array<i64: 1, 256>}, {pipeline_mode = #tpu.pipeline_mode<synchronous>, transform_indices = @transform_6, window_bounds = array<i64: 256, 256>}, {pipeline_mode = #tpu.pipeline_mode<synchronous>, transform_indices = @transform_7, window_bounds = array<i64: 1, 256>}, {pipeline_mode = #tpu.pipeline_mode<synchronous>, transform_indices = @transform_8, window_bounds = array<i64: 256, 256>}, {pipeline_mode = #tpu.pipeline_mode<synchronous>, transform_indices = @transform_9, window_bounds = array<i64: 256, 256>}, {transform_indices = @transform_10, window_bounds = array<i64: 1000, 256>}, {transform_indices = @transform_11, window_bounds = array<i64: 1000, 256>}, {transform_indices = @transform_12, window_bounds = array<i64: 1000, 256>}]} {
    %get3A = arith.constant 0 : index
    %get3A_0 = arith.constant 0 : index
    %get3A_1 = vector.load %arg2[%get3A, %get3A_0] : memref<1000x256xf32, #tpu.memory_space<vmem>>, vector<1000x256xf32>
    %get3A_2 = arith.constant 0 : index
    %get3A_3 = arith.constant 0 : index
    %get3A_4 = vector.load %arg3[%get3A_2, %get3A_3] : memref<1000x16xf32, #tpu.memory_space<vmem>>, vector<1000x16xf32>
    %slice3A = vector.extract_strided_slice %get3A_4 {offsets = [0, 0], sizes = [1000, 1], strides = [1, 1]} : vector<1000x16xf32> to vector<1000x1xf32>
    %max3A = arith.constant 1.000000e+00 : f32
    %max3A_5 = vector.broadcast %max3A : f32 to vector<1000x1xf32>
    %max3A_6 = arith.maximumf %slice3A, %max3A_5 : vector<1000x1xf32>
    %div3A = vector.broadcast %max3A_6 : vector<1000x1xf32> to vector<1000x256xf32>
    %div3A_7 = arith.divf %get3A_1, %div3A : vector<1000x256xf32>
    %get3A_8 = arith.constant 0 : index
    %get3A_9 = arith.constant 0 : index
    %get3A_10 = vector.load %arg1[%get3A_8, %get3A_9] : memref<1000x128xf32, #tpu.memory_space<vmem>>, vector<1000x128xf32>
    %get3A_11 = arith.constant 0 : index
    %get3A_12 = arith.constant 0 : index
    %get3A_13 = vector.load %arg4[%get3A_11, %get3A_12] : memref<128x256xf32, #tpu.memory_space<vmem>>, vector<128x256xf32>
    %dot_general3A = arith.constant dense<0.000000e+00> : vector<1000x256xf32>
    %dot_general3A_14 = tpu.matmul %get3A_10, %get3A_13, %dot_general3A {dimension_numbers = #tpu.dot_dimension_numbers<[1], [0], [0], [1], [0, 0, 1, 1], [], []>, transpose_lhs_hint = false} : vector<1000x128xf32>, vector<128x256xf32>, vector<1000x256xf32> -> vector<1000x256xf32>
    %get3A_15 = arith.constant 0 : index
    %get3A_16 = arith.constant 0 : index
    %get3A_17 = vector.load %arg5[%get3A_15, %get3A_16] : memref<256x256xf32, #tpu.memory_space<vmem>>, vector<256x256xf32>
    %dot_general3A_18 = arith.constant dense<0.000000e+00> : vector<1000x256xf32>
    %dot_general3A_19 = tpu.matmul %div3A_7, %get3A_17, %dot_general3A_18 {dimension_numbers = #tpu.dot_dimension_numbers<[1], [0], [0], [1], [0, 0, 1, 1], [], []>, transpose_lhs_hint = false} : vector<1000x256xf32>, vector<256x256xf32>, vector<1000x256xf32> -> vector<1000x256xf32>
    %add3A = arith.addf %dot_general3A_14, %dot_general3A_19 : vector<1000x256xf32>
    %get3A_20 = arith.constant 0 : index
    %get3A_21 = arith.constant 0 : index
    %get3A_22 = vector.load %arg6[%get3A_20, %get3A_21] : memref<1x256xf32, #tpu.memory_space<vmem>>, vector<1x256xf32>
    %add3A_23 = vector.broadcast %get3A_22 : vector<1x256xf32> to vector<1000x256xf32>
    %add3A_24 = arith.addf %add3A, %add3A_23 : vector<1000x256xf32>
    %max3A_25 = arith.constant 0.000000e+00 : f32
    %max3A_26 = vector.broadcast %max3A_25 : f32 to vector<1000x256xf32>
    %max3A_27 = arith.maximumf %add3A_24, %max3A_26 : vector<1000x256xf32>
    %get3A_28 = arith.constant 0 : index
    %get3A_29 = arith.constant 0 : index
    %get3A_30 = vector.load %arg7[%get3A_28, %get3A_29] : memref<256x256xf32, #tpu.memory_space<vmem>>, vector<256x256xf32>
    %dot_general3A_31 = arith.constant dense<0.000000e+00> : vector<1000x256xf32>
    %dot_general3A_32 = tpu.matmul %max3A_27, %get3A_30, %dot_general3A_31 {dimension_numbers = #tpu.dot_dimension_numbers<[1], [0], [0], [1], [0, 0, 1, 1], [], []>, transpose_lhs_hint = false} : vector<1000x256xf32>, vector<256x256xf32>, vector<1000x256xf32> -> vector<1000x256xf32>
    %get3A_33 = arith.constant 0 : index
    %get3A_34 = arith.constant 0 : index
    %get3A_35 = vector.load %arg8[%get3A_33, %get3A_34] : memref<1x256xf32, #tpu.memory_space<vmem>>, vector<1x256xf32>
    %add3A_36 = vector.broadcast %get3A_35 : vector<1x256xf32> to vector<1000x256xf32>
    %add3A_37 = arith.addf %dot_general3A_32, %add3A_36 : vector<1000x256xf32>
    %add3A_38 = arith.addf %add3A_37, %max3A_27 : vector<1000x256xf32>
    %swap3A = arith.constant 0 : index
    %swap3A_39 = arith.constant 0 : index
    %swap3A_40 = vector.load %arg11[%swap3A, %swap3A_39] : memref<1000x256xf32, #tpu.memory_space<vmem>>, vector<1000x256xf32>
    tpu.vector_store %arg11[%swap3A, %swap3A_39], %add3A_38 {strides = array<i32>} : memref<1000x256xf32, #tpu.memory_space<vmem>>, vector<1000x256xf32>,
    %get3A_41 = arith.constant 0 : index
    %get3A_42 = arith.constant 0 : index
    %get3A_43 = vector.load %arg9[%get3A_41, %get3A_42] : memref<256x256xf32, #tpu.memory_space<vmem>>, vector<256x256xf32>
    %dot_general3A_44 = arith.constant dense<0.000000e+00> : vector<1000x256xf32>
    %dot_general3A_45 = tpu.matmul %add3A_38, %get3A_43, %dot_general3A_44 {dimension_numbers = #tpu.dot_dimension_numbers<[1], [0], [0], [1], [0, 0, 1, 1], [], []>, transpose_lhs_hint = false} : vector<1000x256xf32>, vector<256x256xf32>, vector<1000x256xf32> -> vector<1000x256xf32>
    %swap3A_46 = arith.constant 0 : index
    %swap3A_47 = arith.constant 0 : index
    %swap3A_48 = vector.load %arg12[%swap3A_46, %swap3A_47] : memref<1000x256xf32, #tpu.memory_space<vmem>>, vector<1000x256xf32>
    tpu.vector_store %arg12[%swap3A_46, %swap3A_47], %dot_general3A_45 {strides = array<i32>} : memref<1000x256xf32, #tpu.memory_space<vmem>>, vector<1000x256xf32>,
    %get3A_49 = arith.constant 0 : index
    %get3A_50 = arith.constant 0 : index
    %get3A_51 = vector.load %arg10[%get3A_49, %get3A_50] : memref<256x256xf32, #tpu.memory_space<vmem>>, vector<256x256xf32>
    %dot_general3A_52 = arith.constant dense<0.000000e+00> : vector<1000x256xf32>
    %dot_general3A_53 = tpu.matmul %add3A_38, %get3A_51, %dot_general3A_52 {dimension_numbers = #tpu.dot_dimension_numbers<[1], [0], [0], [1], [0, 0, 1, 1], [], []>, transpose_lhs_hint = false} : vector<1000x256xf32>, vector<256x256xf32>, vector<1000x256xf32> -> vector<1000x256xf32>
    %swap3A_54 = arith.constant 0 : index
    %swap3A_55 = arith.constant 0 : index
    %swap3A_56 = vector.load %arg13[%swap3A_54, %swap3A_55] : memref<1000x256xf32, #tpu.memory_space<vmem>>, vector<1000x256xf32>
    tpu.vector_store %arg13[%swap3A_54, %swap3A_55], %dot_general3A_53 {strides = array<i32>} : memref<1000x256xf32, #tpu.memory_space<vmem>>, vector<1000x256xf32>,
    return
  }
  func.func @transform_0(%arg0: i32) -> (i32, i32) {
    %c0_i32 = arith.constant 0 : i32
    %c0_i32_0 = arith.constant 0 : i32
    return %arg0, %c0_i32 : i32, i32
  }
  func.func @transform_1(%arg0: i32) -> (i32, i32) {
    %c0_i32 = arith.constant 0 : i32
    %c0_i32_0 = arith.constant 0 : i32
    return %arg0, %c0_i32 : i32, i32
  }
  func.func @transform_2(%arg0: i32) -> (i32, i32) {
    %c0_i32 = arith.constant 0 : i32
    %c0_i32_0 = arith.constant 0 : i32
    return %arg0, %c0_i32 : i32, i32
  }
  func.func @transform_3(%arg0: i32) -> (i32, i32) {
    %c0_i32 = arith.constant 0 : i32
    %c0_i32_0 = arith.constant 0 : i32
    %c0_i32_1 = arith.constant 0 : i32
    return %c0_i32, %c0_i32_0 : i32, i32
  }
  func.func @transform_4(%arg0: i32) -> (i32, i32) {
    %c0_i32 = arith.constant 0 : i32
    %c0_i32_0 = arith.constant 0 : i32
    %c0_i32_1 = arith.constant 0 : i32
    return %c0_i32, %c0_i32_0 : i32, i32
  }
  func.func @transform_5(%arg0: i32) -> (i32, i32) {
    %c0_i32 = arith.constant 0 : i32
    %c0_i32_0 = arith.constant 0 : i32
    %c0_i32_1 = arith.constant 0 : i32
    return %c0_i32, %c0_i32_0 : i32, i32
  }
  func.func @transform_6(%arg0: i32) -> (i32, i32) {
    %c0_i32 = arith.constant 0 : i32
    %c0_i32_0 = arith.constant 0 : i32
    %c0_i32_1 = arith.constant 0 : i32
    return %c0_i32, %c0_i32_0 : i32, i32
  }
  func.func @transform_7(%arg0: i32) -> (i32, i32) {
    %c0_i32 = arith.constant 0 : i32
    %c0_i32_0 = arith.constant 0 : i32
    %c0_i32_1 = arith.constant 0 : i32
    return %c0_i32, %c0_i32_0 : i32, i32
  }
  func.func @transform_8(%arg0: i32) -> (i32, i32) {
    %c0_i32 = arith.constant 0 : i32
    %c0_i32_0 = arith.constant 0 : i32
    %c0_i32_1 = arith.constant 0 : i32
    return %c0_i32, %c0_i32_0 : i32, i32
  }
  func.func @transform_9(%arg0: i32) -> (i32, i32) {
    %c0_i32 = arith.constant 0 : i32
    %c0_i32_0 = arith.constant 0 : i32
    %c0_i32_1 = arith.constant 0 : i32
    return %c0_i32, %c0_i32_0 : i32, i32
  }
  func.func @transform_10(%arg0: i32) -> (i32, i32) {
    %c0_i32 = arith.constant 0 : i32
    %c0_i32_0 = arith.constant 0 : i32
    return %arg0, %c0_i32 : i32, i32
  }
  func.func @transform_11(%arg0: i32) -> (i32, i32) {
    %c0_i32 = arith.constant 0 : i32
    %c0_i32_0 = arith.constant 0 : i32
    return %arg0, %c0_i32 : i32, i32
  }
  func.func @transform_12(%arg0: i32) -> (i32, i32) {
    %c0_i32 = arith.constant 0 : i32
    %c0_i32_0 = arith.constant 0 : i32
    return %arg0, %c0_i32 : i32, i32
  }
}

module attributes {stable_mosaic.version = 14 : i64} {
  func.func @_e2_body(%arg0: i32, %arg1: memref<2000x256xf32, #tpu.memory_space<vmem>>, %arg2: memref<2000x256xf32, #tpu.memory_space<vmem>>, %arg3: memref<2000x256xf32, #tpu.memory_space<vmem>>, %arg4: memref<256x256xf32, #tpu.memory_space<vmem>>, %arg5: memref<1x256xf32, #tpu.memory_space<vmem>>, %arg6: memref<256x256xf32, #tpu.memory_space<vmem>>, %arg7: memref<1x256xf32, #tpu.memory_space<vmem>>, %arg8: memref<256x256xf32, #tpu.memory_space<vmem>>, %arg9: memref<1x256xf32, #tpu.memory_space<vmem>>, %arg10: memref<1x256xf32, #tpu.memory_space<vmem>>, %arg11: memref<1x1xf32, #tpu.memory_space<vmem>>, %arg12: memref<2000x1xf32, #tpu.memory_space<vmem>>) attributes {dimension_semantics = [#tpu.dimension_semantics<arbitrary>], iteration_bounds = array<i64: 160>, scalar_prefetch = 0 : i64, scratch_operands = 0 : i64, tpu.core_type = #tpu.core_type<tc>, window_params = [{transform_indices = @transform_0, window_bounds = array<i64: 2000, 256>}, {transform_indices = @transform_1, window_bounds = array<i64: 2000, 256>}, {transform_indices = @transform_2, window_bounds = array<i64: 2000, 256>}, {pipeline_mode = #tpu.pipeline_mode<synchronous>, transform_indices = @transform_3, window_bounds = array<i64: 256, 256>}, {pipeline_mode = #tpu.pipeline_mode<synchronous>, transform_indices = @transform_4, window_bounds = array<i64: 1, 256>}, {pipeline_mode = #tpu.pipeline_mode<synchronous>, transform_indices = @transform_5, window_bounds = array<i64: 256, 256>}, {pipeline_mode = #tpu.pipeline_mode<synchronous>, transform_indices = @transform_6, window_bounds = array<i64: 1, 256>}, {pipeline_mode = #tpu.pipeline_mode<synchronous>, transform_indices = @transform_7, window_bounds = array<i64: 256, 256>}, {pipeline_mode = #tpu.pipeline_mode<synchronous>, transform_indices = @transform_8, window_bounds = array<i64: 1, 256>}, {pipeline_mode = #tpu.pipeline_mode<synchronous>, transform_indices = @transform_9, window_bounds = array<i64: 1, 256>}, {pipeline_mode = #tpu.pipeline_mode<synchronous>, transform_indices = @transform_10, window_bounds = array<i64: 1, 1>}, {transform_indices = @transform_11, window_bounds = array<i64: 2000, 1>}]} {
    %get3A = arith.constant 0 : index
    %get3A_0 = arith.constant 0 : index
    %get3A_1 = vector.load %arg1[%get3A, %get3A_0] : memref<2000x256xf32, #tpu.memory_space<vmem>>, vector<2000x256xf32>
    %get3A_2 = arith.constant 0 : index
    %get3A_3 = arith.constant 0 : index
    %get3A_4 = vector.load %arg2[%get3A_2, %get3A_3] : memref<2000x256xf32, #tpu.memory_space<vmem>>, vector<2000x256xf32>
    %add3A = arith.addf %get3A_1, %get3A_4 : vector<2000x256xf32>
    %get3A_5 = arith.constant 0 : index
    %get3A_6 = arith.constant 0 : index
    %get3A_7 = vector.load %arg3[%get3A_5, %get3A_6] : memref<2000x256xf32, #tpu.memory_space<vmem>>, vector<2000x256xf32>
    %get3A_8 = arith.constant 0 : index
    %get3A_9 = arith.constant 0 : index
    %get3A_10 = vector.load %arg4[%get3A_8, %get3A_9] : memref<256x256xf32, #tpu.memory_space<vmem>>, vector<256x256xf32>
    %dot_general3A = arith.constant dense<0.000000e+00> : vector<2000x256xf32>
    %dot_general3A_11 = tpu.matmul %get3A_7, %get3A_10, %dot_general3A {dimension_numbers = #tpu.dot_dimension_numbers<[1], [0], [0], [1], [0, 0, 1, 1], [], []>, transpose_lhs_hint = false} : vector<2000x256xf32>, vector<256x256xf32>, vector<2000x256xf32> -> vector<2000x256xf32>
    %add3A_12 = arith.addf %add3A, %dot_general3A_11 : vector<2000x256xf32>
    %get3A_13 = arith.constant 0 : index
    %get3A_14 = arith.constant 0 : index
    %get3A_15 = vector.load %arg5[%get3A_13, %get3A_14] : memref<1x256xf32, #tpu.memory_space<vmem>>, vector<1x256xf32>
    %add3A_16 = vector.broadcast %get3A_15 : vector<1x256xf32> to vector<2000x256xf32>
    %add3A_17 = arith.addf %add3A_12, %add3A_16 : vector<2000x256xf32>
    %max3A = arith.constant 0.000000e+00 : f32
    %max3A_18 = vector.broadcast %max3A : f32 to vector<2000x256xf32>
    %max3A_19 = arith.maximumf %add3A_17, %max3A_18 : vector<2000x256xf32>
    %get3A_20 = arith.constant 0 : index
    %get3A_21 = arith.constant 0 : index
    %get3A_22 = vector.load %arg6[%get3A_20, %get3A_21] : memref<256x256xf32, #tpu.memory_space<vmem>>, vector<256x256xf32>
    %dot_general3A_23 = arith.constant dense<0.000000e+00> : vector<2000x256xf32>
    %dot_general3A_24 = tpu.matmul %max3A_19, %get3A_22, %dot_general3A_23 {dimension_numbers = #tpu.dot_dimension_numbers<[1], [0], [0], [1], [0, 0, 1, 1], [], []>, transpose_lhs_hint = false} : vector<2000x256xf32>, vector<256x256xf32>, vector<2000x256xf32> -> vector<2000x256xf32>
    %get3A_25 = arith.constant 0 : index
    %get3A_26 = arith.constant 0 : index
    %get3A_27 = vector.load %arg7[%get3A_25, %get3A_26] : memref<1x256xf32, #tpu.memory_space<vmem>>, vector<1x256xf32>
    %add3A_28 = vector.broadcast %get3A_27 : vector<1x256xf32> to vector<2000x256xf32>
    %add3A_29 = arith.addf %dot_general3A_24, %add3A_28 : vector<2000x256xf32>
    %add3A_30 = arith.addf %add3A_29, %max3A_19 : vector<2000x256xf32>
    %get3A_31 = arith.constant 0 : index
    %get3A_32 = arith.constant 0 : index
    %get3A_33 = vector.load %arg8[%get3A_31, %get3A_32] : memref<256x256xf32, #tpu.memory_space<vmem>>, vector<256x256xf32>
    %dot_general3A_34 = arith.constant dense<0.000000e+00> : vector<2000x256xf32>
    %dot_general3A_35 = tpu.matmul %add3A_30, %get3A_33, %dot_general3A_34 {dimension_numbers = #tpu.dot_dimension_numbers<[1], [0], [0], [1], [0, 0, 1, 1], [], []>, transpose_lhs_hint = false} : vector<2000x256xf32>, vector<256x256xf32>, vector<2000x256xf32> -> vector<2000x256xf32>
    %get3A_36 = arith.constant 0 : index
    %get3A_37 = arith.constant 0 : index
    %get3A_38 = vector.load %arg9[%get3A_36, %get3A_37] : memref<1x256xf32, #tpu.memory_space<vmem>>, vector<1x256xf32>
    %add3A_39 = vector.broadcast %get3A_38 : vector<1x256xf32> to vector<2000x256xf32>
    %add3A_40 = arith.addf %dot_general3A_35, %add3A_39 : vector<2000x256xf32>
    %ge3A = arith.constant 0.000000e+00 : f32
    %ge3A_41 = vector.broadcast %ge3A : f32 to vector<2000x256xf32>
    %ge3A_42 = arith.cmpf oge, %add3A_40, %ge3A_41 : vector<2000x256xf32>
    %mul3A = arith.constant 0.00999999977 : f32
    %mul3A_43 = vector.broadcast %mul3A : f32 to vector<2000x256xf32>
    %mul3A_44 = arith.mulf %add3A_40, %mul3A_43 : vector<2000x256xf32>
    %select_n3A = arith.select %ge3A_42, %add3A_40, %mul3A_44 : vector<2000x256xi1>, vector<2000x256xf32>
    %get3A_45 = arith.constant 0 : index
    %get3A_46 = arith.constant 0 : index
    %get3A_47 = vector.load %arg10[%get3A_45, %get3A_46] : memref<1x256xf32, #tpu.memory_space<vmem>>, vector<1x256xf32>
    %mul3A_48 = vector.broadcast %get3A_47 : vector<1x256xf32> to vector<2000x256xf32>
    %mul3A_49 = arith.mulf %select_n3A, %mul3A_48 : vector<2000x256xf32>
    %reduce_sum3A = arith.constant dense<0.000000e+00> : vector<2000xf32>
    %reduce_sum3A_50 = vector.multi_reduction <add>, %mul3A_49, %reduce_sum3A [1] : vector<2000x256xf32> to vector<2000xf32>
    %broadcast_in_dim3A = vector.shape_cast %reduce_sum3A_50 : vector<2000xf32> to vector<2000x1xf32>
    %get3A_51 = arith.constant 0 : index
    %get3A_52 = arith.constant 0 : index
    %get3A_53 = vector.load %arg11[%get3A_51, %get3A_52] : memref<1x1xf32, #tpu.memory_space<vmem>>, vector<1x1xf32>
    %add3A_54 = vector.broadcast %get3A_53 : vector<1x1xf32> to vector<2000x1xf32>
    %add3A_55 = arith.addf %broadcast_in_dim3A, %add3A_54 : vector<2000x1xf32>
    %swap3A = arith.constant 0 : index
    %swap3A_56 = arith.constant 0 : index
    %swap3A_57 = vector.load %arg12[%swap3A, %swap3A_56] : memref<2000x1xf32, #tpu.memory_space<vmem>>, vector<2000x1xf32>
    tpu.vector_store %arg12[%swap3A, %swap3A_56], %add3A_55 {strides = array<i32>} : memref<2000x1xf32, #tpu.memory_space<vmem>>, vector<2000x1xf32>,
    return
  }
  func.func @transform_0(%arg0: i32) -> (i32, i32) {
    %c0_i32 = arith.constant 0 : i32
    %c0_i32_0 = arith.constant 0 : i32
    return %arg0, %c0_i32 : i32, i32
  }
  func.func @transform_1(%arg0: i32) -> (i32, i32) {
    %c0_i32 = arith.constant 0 : i32
    %c0_i32_0 = arith.constant 0 : i32
    return %arg0, %c0_i32 : i32, i32
  }
  func.func @transform_2(%arg0: i32) -> (i32, i32) {
    %c0_i32 = arith.constant 0 : i32
    %c0_i32_0 = arith.constant 0 : i32
    return %arg0, %c0_i32 : i32, i32
  }
  func.func @transform_3(%arg0: i32) -> (i32, i32) {
    %c0_i32 = arith.constant 0 : i32
    %c0_i32_0 = arith.constant 0 : i32
    %c0_i32_1 = arith.constant 0 : i32
    return %c0_i32, %c0_i32_0 : i32, i32
  }
  func.func @transform_4(%arg0: i32) -> (i32, i32) {
    %c0_i32 = arith.constant 0 : i32
    %c0_i32_0 = arith.constant 0 : i32
    %c0_i32_1 = arith.constant 0 : i32
    return %c0_i32, %c0_i32_0 : i32, i32
  }
  func.func @transform_5(%arg0: i32) -> (i32, i32) {
    %c0_i32 = arith.constant 0 : i32
    %c0_i32_0 = arith.constant 0 : i32
    %c0_i32_1 = arith.constant 0 : i32
    return %c0_i32, %c0_i32_0 : i32, i32
  }
  func.func @transform_6(%arg0: i32) -> (i32, i32) {
    %c0_i32 = arith.constant 0 : i32
    %c0_i32_0 = arith.constant 0 : i32
    %c0_i32_1 = arith.constant 0 : i32
    return %c0_i32, %c0_i32_0 : i32, i32
  }
  func.func @transform_7(%arg0: i32) -> (i32, i32) {
    %c0_i32 = arith.constant 0 : i32
    %c0_i32_0 = arith.constant 0 : i32
    %c0_i32_1 = arith.constant 0 : i32
    return %c0_i32, %c0_i32_0 : i32, i32
  }
  func.func @transform_8(%arg0: i32) -> (i32, i32) {
    %c0_i32 = arith.constant 0 : i32
    %c0_i32_0 = arith.constant 0 : i32
    %c0_i32_1 = arith.constant 0 : i32
    return %c0_i32, %c0_i32_0 : i32, i32
  }
  func.func @transform_9(%arg0: i32) -> (i32, i32) {
    %c0_i32 = arith.constant 0 : i32
    %c0_i32_0 = arith.constant 0 : i32
    %c0_i32_1 = arith.constant 0 : i32
    return %c0_i32, %c0_i32_0 : i32, i32
  }
  func.func @transform_10(%arg0: i32) -> (i32, i32) {
    %c0_i32 = arith.constant 0 : i32
    %c0_i32_0 = arith.constant 0 : i32
    %c0_i32_1 = arith.constant 0 : i32
    return %c0_i32, %c0_i32_0 : i32, i32
  }
  func.func @transform_11(%arg0: i32) -> (i32, i32) {
    %c0_i32 = arith.constant 0 : i32
    %c0_i32_0 = arith.constant 0 : i32
    return %arg0, %c0_i32 : i32, i32
  }
}

</mosaic_0001>

<sc_bundles>
// kernel: kernel.11.cloned.1.call-start
scs
__scs_entry_jumppad:
0x0: {  	(pc) =	sbr.rel $0x88, $3  }
0x1: {  	(tag) =	ssettag $0x0;
	lr =	simm.s32 $0x1  }
0x2: {  	[smem:$0x3F8E] =	sst lr;
	_ =	strace $0xD0000000  }
0x3: {  	_ = 	snop  }
0x4: {  	_ = 	snop  }
0x5: {  	_ = 	snop  }
0x6: {  	_ = 	snop  }
0x7: {  	_ = 	snop  }
__scs_overlays_trampoline_lowered:
0x8: {  	[smem:$0x3F9D] =	sst s0  }
0x9: {  	[smem:$0x3F9E] =	sst s1  }
0xa: {  	[smem:$0x3F9F] =	sst s2  }
0xb: {  	[smem:$0x3FA0] =	sst s3  }
0xc: {  	[smem:$0x3FA1] =	sst s4  }
0xd: {  	[smem:$0x3FA2] =	sst s5  }
0xe: {  	[smem:$0x3FA3] =	sst s6  }
0xf: {  	[smem:$0x3FA4] =	sst s7  }
0x10: {  	[smem:$0x3FA5] =	sst s8  }
0x11: {  	[smem:$0x3FA6] =	sst s9;
	s0 =	simm.s32 @!p0 $0x0  }
0x12: {  	s1 =	sld [smem:$0x3F8C];
	s0 =	simm.s32 @p0 $0x1  }
0x13: {  	[smem:$0x3FA7] =	sst s0;
	s0 =	simm.s32 @!p1 $0x0  }
0x14: {  	s2 =	sld [smem:$0x3F8B];
	s0 =	simm.s32 @p1 $0x1  }
0x15: {  	[smem:$0x3FA8] =	sst s0;
	s0 =	simm.s32 @!p2 $0x0  }
0x16: {  	s3 =	sld [smem:$0x3FDB];
	s0 =	simm.s32 @p2 $0x1  }
0x17: {  	s4 =	simm.s32 $0x1BF5;
	[smem:$0x3FAA] =	sst s0  }
0x18: {  	s0 =	sld [smem:$0x3F8D];
	_ =	swait.ge [sflag:s4], $0x0  }
0x19: {  	s7 =	sld [smem:$0x3F8E]  }
0x1a: {  	s8 =	sadd.s32 $0xFFFFE003, lr  }
0x1b: {  	s9 =	sadd.s32 $0xFFFFFEF7, lr;
	s5 =	simm.s32 $0xFFFFFFFF;
	p2 =	slt.u32 s8, $0xFFFFF086  }
0x1c: {  	p1 =	slt.u32 s9, $0xF7A;
	s5 =	simm.s32 @!p2 $0x0  }
0x1d: {  	s5 =	simm.s32 @p1 $0x1;
	p0 =	seq.s32 s7, s2  }
0x1e: {  	s7 =	smul.u32 @!p0 $0xF7A, s2;
	p2 =	seq.s32 @!p0 s5, $0x0  }
0x1f: {  	s9 =	smul.u32 $0xF7A, s1;
	s8 =	simm.s32 @!p0 $0x1BF5;
	p2 =	por !p2, p0  }
0x20: {  	[sflag:s8] =	ssyncset.s32 @!p0 $0xFFFFF086;
	s6 =	sadd.s32 @!p0 s3, s7;
	s7 =	simm.s32 @!p0 $0x108  }
0x21: {  	s3 =	sadd.s32 s3, s9;
	s6 =	sadd.s32 @!p0 $0x88, s6;
	s7 =	simm.s32 @p2 $0x1082  }
0x22: {  	[simem:s7], [sflag:s8] =	dma.local @!p0 [hbm:s6], $0xF7A  }
0x23: {  	s9 =	sor.u32 $0xD0000000, s2;
	s6 =	simm.s32 $0x108;
	_ =	swait.ge @!p0 [sflag:s8], $0x0  }
0x24: {  	s3 =	sadd.s32 $0x88, s3;
	s6 =	simm.s32 @!p1 $0x1082;
	[sflag:s4] =	ssyncset.s32 $0xFFFFF086  }
0x25: {  	[simem:s6], [sflag:s4] =	dma.local [hbm:s3], $0xF7A  }
0x26: {  	[smem:$0x3F8E] =	sst s1;
	(tag) =	ssettag s2;
	_ =	strace s9  }
0x27: {  	s1 =	sld [smem:$0x3F9E]  }
0x28: {  	s2 =	sld [smem:$0x3F9F]  }
0x29: {  	s4 =	sld [smem:$0x3FA1]  }
0x2a: {  	p0 =	seq.s32 s5, $0x0;
	s5 =	sld [smem:$0x3FA2]  }
0x2b: {  	s6 =	sld [smem:$0x3FA3]  }
0x2c: {  	s7 =	sld [smem:$0x3FA4]  }
0x2d: {  	s3 =	simm.s32 $0x108;
	s8 =	sld [smem:$0x3FA5]  }
0x2e: {  	s3 =	simm.s32 @!p0 $0x1082;
	s9 =	sld [smem:$0x3FA6]  }
0x2f: {  	lr =	sadd.s32 s0, s3;
	s0 =	sld [smem:$0x3F9D]  }
0x30: {  	s3 =	sld [smem:$0x3FA0]  }
0x31: {  	[smem:$0x3FA9] =	sst s10  }
0x32: {  	s10 =	sld [smem:$0x3FA7];
	_ =	sdelay $0x3  }
0x33: {  	p0 =	seq.s32 s10, $0x1;
	s10 =	sld [smem:$0x3FA9];
	_ =	sdelay $0x3  }
0x34: {  	[smem:$0x3FA9] =	sst s10  }
0x35: {  	s10 =	sld [smem:$0x3FA8];
	_ =	sdelay $0x3  }
0x36: {  	p1 =	seq.s32 s10, $0x1;
	s10 =	sld [smem:$0x3FA9];
	_ =	sdelay $0x3  }
0x37: {  	[smem:$0x3FA9] =	sst s10  }
0x38: {  	s10 =	sld [smem:$0x3FAA]  }
0x39: {  	_ = 	snop;
	(pc) =	sbr.ind lr, $3  }
0x3a: {  	_ = 	snop  }
0x3b: {  	_ = 	snop  }
0x3c: {  	p2 =	seq.s32 s10, $0x1;
	s10 =	sld [smem:$0x3FA9]  }
0x3d: {  	_ =	shalt  }
0x3e: {  	_ =	shalt  }
0x3f: {  	_ =	shalt  }
0x40: {  	_ =	shalt  }
0x41: {  	_ =	shalt  }
0x42: {  	_ =	shalt  }
0x43: {  	_ =	shalt  }
0x44: {  	_ =	shalt  }
0x45: {  	_ =	shalt  }
0x46: {  	_ =	shalt  }
0x47: {  	_ =	shalt  }
0x48: {  	_ =	shalt  }
0x49: {  	_ =	shalt  }
0x4a: {  	_ =	shalt  }
0x4b: {  	_ =	shalt  }
0x4c: {  	_ =	shalt  }
0x4d: {  	_ =	shalt  }
0x4e: {  	_ =	shalt  }
0x4f: {  	_ =	shalt  }
0x50: {  	_ =	shalt  }
0x51: {  	_ =	shalt  }
0x52: {  	_ =	shalt  }
0x53: {  	_ =	shalt  }
0x54: {  	_ =	shalt  }
0x55: {  	_ =	shalt  }
0x56: {  	_ =	shalt  }
0x57: {  	_ =	shalt  }
0x58: {  	_ =	shalt  }
0x59: {  	_ =	shalt  }
0x5a: {  	_ =	shalt  }
0x5b: {  	_ =	shalt  }
0x5c: {  	_ =	shalt  }
0x5d: {  	_ =	shalt  }
0x5e: {  	_ =	shalt  }
0x5f: {  	_ =	shalt  }
0x60: {  	_ =	shalt  }
0x61: {  	_ =	shalt  }
0x62: {  	_ =	shalt  }
0x63: {  	_ =	shalt  }
0x64: {  	_ =	shalt  }
0x65: {  	_ =	shalt  }
0x66: {  	_ =	shalt  }
0x67: {  	_ =	shalt  }
0x68: {  	_ =	shalt  }
0x69: {  	_ =	shalt  }
0x6a: {  	_ =	shalt  }
0x6b: {  	_ =	shalt  }
0x6c: {  	_ =	shalt  }
0x6d: {  	_ =	shalt  }
0x6e: {  	_ =	shalt  }
0x6f: {  	_ =	shalt  }
0x70: {  	_ =	shalt  }
0x71: {  	_ =	shalt  }
0x72: {  	_ =	shalt  }
0x73: {  	_ =	shalt  }
0x74: {  	_ =	shalt  }
0x75: {  	_ =	shalt  }
0x76: {  	_ =	shalt  }
0x77: {  	_ =	shalt  }
0x78: {  	_ =	shalt  }
0x79: {  	_ =	shalt  }
0x7a: {  	_ =	shalt  }
0x7b: {  	_ =	shalt  }
0x7c: {  	_ =	shalt  }
0x7d: {  	_ =	shalt  }
0x7e: {  	_ =	shalt  }
0x7f: {  	_ =	shalt  }
0x80: {  	_ =	shalt  }
0x81: {  	_ =	shalt  }
0x82: {  	_ =	shalt  }
0x83: {  	_ =	shalt  }
0x84: {  	_ =	shalt  }
0x85: {  	_ =	shalt  }
0x86: {  	_ =	shalt  }
0x87: {  	_ =	shalt  }
.Lfunc_end0:
.L_simem_size_0:
called_computation.1_lowered:
.L_overlay_start_0:
0x88: {  	s2 =	sld [smem:$0x3FD9]  }
0x89: {  	s3 =	sld [smem:$0x3FFE];
	_ =	sdelay $0x1  }
0x8a: {  	s1 =	srdreg.scid  }
0x8b: {  	s0 =	sand.u32 $0x1, s1  }
0x8c: {  	s17 =	sshll.u32 s0, $0xA;
	s2 =	sadd.s32 s3, s2  }
0x8d: {  	s2 =	sadd.s32 s2, s17  }
0x8e: {  	[smem:$0x3FB5] =	sst s2  }
0x8f: {  	_ = 	snop  }
0x90: {  	s2 =	sld [smem:$0x3FD0];
	(tm) =	ssettm $0x1  }
0x91: {  	s18 =	sld [smem:$0x3FFB];
	_ =	sdelay $0x3  }
0x92: {  	_ =	strace s18  }
0x93: {  	s3 =	sld [smem:$0x3FFC];
	_ =	sdelay $0x3  }
0x94: {  	_ =	strace s3  }
0x95: {  	s3 =	sld [smem:$0x3FFD];
	_ =	sdelay $0x3  }
0x96: {  	_ =	strace s3  }
0x97: {  	_ =	strace $0x8FFFFFFF  }
0x98: {  	s19 =	sld [smem:$0x3FDB];
	_ =	sdelay $0x1  }
0x99: {  	s4 =	simm.s32 $_scs_section_size  }
0x9a: {  	s5 =	simm.s32 $_size__tile_overlayer_lowered;
	s6 =	simm.s32 $_tile_overlayer_lowered  }
0x9b: {  	s22 =	simm.s32 $0x1BFF;
	s21 =	sshll.u32 s6, $0x1;
	s3 =	sadd.s32 s4, s19  }
0x9c: {  	s7 =	simm.s32 $0x0;
	s20 =	sshll.u32 s5, $0x1;
	s5 =	sadd.s32 s21, s3  }
0x9d: {  	[timem:s7], [sflag:s22] =	dma.local [hbm:s5], s20  }
0x9e: {  	_ =	swait.ge [sflag:s22], s20  }
0x9f: {  	s4 =	ssub.s32 $0x0, s20;
	[sflag:s22] =	ssyncset.done $0x0  }
0xa0: {  	[sflag:s22] =	ssyncadd.s32 s4;
	_ =	sdelay $0x1  }
0xa1: {  	s23 =	simm.s32 $0x1B8B  }
0xa2: {  	_ =	swait.ge [sflag:s23], $0x1  }
0xa3: {  	[sflag:s23] =	ssyncset.done $0x0  }
0xa4: {  	s25 =	simm.s32 $0x1B8E;
	s24 =	sld [smem:$0x3FFE];
	[sflag:s23] =	ssyncadd.s32 $0xFFFFFFFF  }
0xa5: {  	s26 =	simm.s32 $execute0_lowered;
	[smem:$0x3FD2] =	sst s25  }
0xa6: {  	s5 =	sshll.u32 s26, $0x1;
	_ =	strace $0x80000049;
	[dreg:$0x1] =	wrdreg $0xFFFFFFFF  }
0xa7: {  	s28 =	simm.s32 $_size_execute0_lowered;
	s3 =	sadd.s32 s3, s5;
	[dreg:$0x0] =	wrdreg $0x0  }
0xa8: {  	s5 =	sshll.u32 s28, $0x1;
	[dreg:$0x2] =	wrdreg s3  }
0xa9: {  	[dreg:$0x3] =	wrdreg s5  }
0xaa: {  	[dreg:$0x4] =	wrdreg $0xC0  }
0xab: {  	_ =	task [dreg:s7], $0x5FFFF  }
0xac: {  	[dreg:$0x1] =	wrdreg $0xFFFFFFFF  }
0xad: {  	[dreg:$0x0] =	wrdreg $0x60  }
0xae: {  	[dreg:$0x2] =	wrdreg s24  }
0xaf: {  	[dreg:$0x3] =	wrdreg s2  }
0xb0: {  	[dreg:$0x4] =	wrdreg $0x81000  }
0xb1: {  	[dreg:$0x5] =	wrdreg $0x125000  }
0xb2: {  	[dreg:$0x6] =	wrdreg $0x9  }
0xb3: {  	_ =	task.clear_ibuf [dreg:s7], $0x7FFFF;
	_ =	strace $0x90000049  }
0xb4: {  	s29 =	simm.s32 $0x9;
	_ =	strace $0x8000004B  }
0xb5: {  	_ =	swait.ge [sflag:s29], $0x1  }
0xb6: {  	[sflag:s29] =	ssyncadd.s32 $0xFFFFFFFF  }
0xb7: {  	_ =	strace $0x9000004B  }
0xb8: {  	_ =	sfence  }
0xb9: {  	s30 =	sld [smem:$0x0];
	_ =	sdelay $0x2  }
0xba: {  	s31 =	sshll.u32 s1, $0xD;
	s1 =	sshrl.u32 s1, $0x2  }
0xbb: {  	s3 =	sand.u32 $0x4000, s31;
	s1 =	sadd.s32 s1, s30  }
0xbc: {  	s0 =	sor.u32 s3, s0;
	s1 =	sshll.u32 s1, $0x11  }
0xbd: {  	s0 =	sor.u32 s1, s0  }
0xbe: {  	s0 =	sadd.s32 $0x8F2B, s0  }
0xbf: {  	[sflag:s0] =	ssyncadd.remote.s32 $0x1  }
0xc0: {  	_ =	sfence.sel $0xFFFF  }
0xc1: {  	[dreg:$0x0] =	wrdreg $0xFFFFFFFF;
	(pc) =	sbr.abs _section_cstart, $3  }
0xc2: {  	[dreg:$0x1] =	wrdreg $0xFFFFFFFF  }
0xc3: {  	_ =	task.clear_ibuf [dreg:s7], $0x2FFFF;
	_ =	strace $0x9FFFFFFF  }
0xc4: {  	(tm) =	ssettm $0x7FFFFFFF  }
0xc5: {  	_ =	shalt  }
tec
execute0_lowered:
.L_overlay_start_1:
0x0: {  	(tag) =	ssettag $0x1  }
0x1: {  	s0 =	rddreg [dreg:$0x0];
	s16 =	stileid.u32  }
0x2: {  	s2 =	srdreg.scid;
	s4 =	smul.u32 $0x140, s16  }
0x3: {  	s1 =	simm.s32 $0x0;
	s2 =	sand.u32 $0x1, s2;
	s6 =	smul.u32 $0x2800, s16  }
0x4: {  	[smem:$0x7FF] =	sst s1;
	s9 =	smul.u32 $0x1400, s16;
	s10 =	sadd.s32 $0x5F400, s0  }
0x5: {  	s3 =	sshll.u32 s2, $0x7;
	s5 =	ssub.s32 $0x2, s2;
	p0 =	sne.s32 s2, $0x0  }
0x6: {  	s3 =	sadd.s32 s3, s0;
	s7 =	sshrl.u32 s5, $0x1;
	s22 =	sadd.s32 s10, s9  }
0x7: {  	s28 =	sadd.s32 $0x1400, s4;
	s18 =	sadd.s32 $0x1450, s4;
	s14 =	sadd.s32 $0x14A0, s4  }
0x8: {  	s8 =	sadd.s32 $0xF400, s3;
	s5 =	ssub.s32 s5, s7;
	[dreg:$0x6] =	wrdreg s22  }
0x9: {  	s7 =	sadd.s32 $0xA0, s4;
	s13 =	sshll.u32 s28, $0x5;
	s6 =	sadd.s32 s6, s8  }
0xa: {  	s19 =	sshll.u32 s18, $0x5;
	s17 =	sadd.s32 s13, s8;
	[dreg:$0x5] =	wrdreg s6  }
0xb: {  	s20 =	sshll.u32 s14, $0x5;
	s13 =	sadd.s32 s19, s8;
	[dreg:$0xc] =	wrdreg s17  }
0xc: {  	s22 =	sshll.u32 s28, $0x4;
	s28 =	smul.u32 $0x9C4, s16;
	[dreg:$0xd] =	wrdreg s13  }
0xd: {  	s12 =	sshll.u32 s7, $0x5;
	s26 =	sshll.u32 s7, $0x4;
	s17 =	rddreg [dreg:$0x2]  }
0xe: {  	s25 =	sadd.s32 s12, s8;
	s13 =	sadd.s32 s20, s8;
	s20 =	rddreg [dreg:$0x3]  }
0xf: {  	s6 =	sadd.s32 $0x50, s4;
	s12 =	simm.s32 $0x100;
	[dreg:$0x9] =	wrdreg s25  }
0x10: {  	s23 =	sshll.u32 s6, $0x5;
	s11 =	sshll.u32 s6, $0x4;
	[dreg:$0xe] =	wrdreg s13  }
0x11: {  	s25 =	rddreg [dreg:$0x1];
	s13 =	sadd.s32 $0xEA00, s0;
	s9 =	sadd.s32 s23, s8  }
0x12: {  	s24 =	sadd.s32 s10, s11;
	s11 =	sadd.s32 $0xF0, s4;
	[dreg:$0x7] =	wrdreg s9  }
0x13: {  	s4 =	sadd.s32 $0x14F0, s4;
	[dreg:$0x8] =	wrdreg s24;
	s9 =	sadd.s32 s10, s26  }
0x14: {  	s15 =	sshll.u32 s11, $0x5;
	s21 =	sshll.u32 s11, $0x4;
	s26 =	smul.u32 $0x9C400, s16  }
0x15: {  	s24 =	sshll.u32 s14, $0x4;
	s14 =	smul.u32 $0xA000, s16;
	[dreg:$0xa] =	wrdreg s9  }
0x16: {  	s9 =	sadd.s32 s15, s8;
	s15 =	sshll.u32 s4, $0x5;
	s4 =	sshll.u32 s4, $0x4  }
0x17: {  	[dreg:$0xb] =	wrdreg s9;
	s8 =	sadd.s32 s15, s8;
	s9 =	sshll.u32 s18, $0x4  }
0x18: {  	s4 =	sadd.s32 s10, s4;
	s15 =	sadd.s32 $0xEC00, s0;
	s0 =	sadd.s32 $0xEE00, s0  }
0x19: {  	s18 =	smax.u32 s5, $0x1;
	s19 =	sadd.s32 s14, s17;
	[dreg:$0xf] =	wrdreg s8  }
0x1a: {  	s8 =	sadd.s32 s10, s21;
	s23 =	sadd.s32 s10, s9;
	[dreg:$0x14] =	wrdreg s4  }
0x1b: {  	s9 =	sadd.s32 s26, s3;
	s21 =	sadd.s32 s28, s25;
	s25 =	smul.u32 $0x29000, s16  }
0x1c: {  	s26 =	sshll.u32 s11, $0x7;
	s11 =	simm.s32 $0x800;
	[dreg:$0x10] =	wrdreg s8  }
0x1d: {  	s8 =	sadd.s32 s10, s22;
	[dreg:$0x12] =	wrdreg s23;
	s22 =	sadd.s32 s14, s20  }
0x1e: {  	s23 =	sshll.u32 s6, $0x7;
	s2 =	sadd.s32 s26, s20;
	s5 =	sadd.s32 $0xEB4A00, s9  }
0x1f: {  	s6 =	simm.s32 $0x5100;
	[dreg:$0x11] =	wrdreg s8;
	s8 =	sadd.s32 s10, s24  }
0x20: {  	s9 =	simm.s32 $0x2;
	s14 =	simm.s32 $0x80;
	[dreg:$0x13] =	wrdreg s8  }
0x21: {  	s24 =	sshll.u32 s7, $0x7;
	_ =	strace $0x8000004A;
	[dreg:$0x15] =	wrdreg s13  }
0x22: {  	s29 =	sadd.s32 s23, s17;
	s30 =	sadd.s32 s23, s20;
	[dreg:$0x16] =	wrdreg s15  }
0x23: {  	s28 =	sshrl.u32 s25, $0x2;
	s7 =	simm.s32 $0x1;
	[dreg:$0x17] =	wrdreg s0  }
0x24: {  	s10 =	simm.s32 $0x400;
	s31 =	sadd.s32 s24, s17;
	[dreg:$0x18] =	wrdreg s18  }
0x25: {  	s3 =	sadd.s32 s28, s20;
	s4 =	sadd.s32 s28, s17;
	[dreg:$0x19] =	wrdreg s19  }
0x26: {  	s8 =	simm.s32 $0x5500;
	[dreg:$0x1a] =	wrdreg s22;
	s18 =	sadd.s32 s24, s20  }
0x27: {  	s0 =	sadd.s32 s26, s17;
	s13 =	simm.s32 $0x50;
	s15 =	simm.s32 $0x0  }
.LBB2_1:
0x28: {  	s16 =	rddreg [dreg:$0x15]  }
0x29: {  	[tilespmem:s6], [sflag:$0x1] =	stream.linear.gather [hbm4b:s16+s1], $0x400, $0x38;
	[tilespmem:$0x13980] =	vst v63  }
0x2a: {  	_ =	swait.ge [sflag:s7], $0x400  }
0x2b: {  	[sflag:s7] =	ssyncset.done $0x0  }
0x2c: {  	s24 =	rddreg [dreg:$0x16];
	[sflag:s7] =	ssyncadd.s32 $0xFFFFFC00  }
0x2d: {  	[tilespmem:s8], [sflag:$0x1] =	stream.linear.gather [hbm4b:s24+s1], $0x400, $0x38;
	[tilespmem:$0x13980] =	vst v63  }
0x2e: {  	_ =	swait.ge [sflag:s7], $0x400  }
0x2f: {  	[sflag:s7] =	ssyncset.done $0x0  }
0x30: {  	s19 =	simm.s32 $0x2900;
	s25 =	rddreg [dreg:$0x17];
	[sflag:s7] =	ssyncadd.s32 $0xFFFFFC00  }
0x31: {  	[tilespmem:s19], [sflag:$0x1] =	stream.linear.gather [hbm4b:s25+s1], $0x2800, $0x38;
	[tilespmem:$0x13980] =	vst v63  }
0x32: {  	_ =	swait.ge [sflag:s7], $0x2800  }
0x33: {  	[sflag:s7] =	ssyncset.done $0x0  }
0x34: {  	s26 =	sadd.s32 $0x0, s4;
	[sflag:s7] =	ssyncadd.s32 $0xFFFFD800  }
0x35: {  	[spmem:s26] =	stream.linear.scatter [tilespmem:s6], [sflag:$0x1], $0x400, $0x38;
	[tilespmem:$0x13980] =	vst v63  }
0x36: {  	_ =	swait.ge [sflag:s7], $0x400  }
0x37: {  	[sflag:s7] =	ssyncset.done $0x0  }
0x38: {  	s28 =	sadd.s32 $0x0, s3;
	[sflag:s7] =	ssyncadd.s32 $0xFFFFFC00  }
0x39: {  	[spmem:s28] =	stream.linear.scatter [tilespmem:s8], [sflag:$0x1], $0x400, $0x38;
	[tilespmem:$0x13980] =	vst v63  }
0x3a: {  	_ =	swait.ge [sflag:s7], $0x400  }
0x3b: {  	s16 =	simm.s32 $0x400;
	s19 =	simm.s32 $0x2000;
	[sflag:s7] =	ssyncset.done $0x0  }
.LBB2_2:
0x3c: {  	s22 =	sadd.s32 s16, s4  }
0x3d: {  	[sflag:s7] =	ssyncadd.s32 $0xFFFFFC00;
	s23 =	smov.u32 s19;
	s24 =	sadd.s32 $0x1000, s19  }
0x3e: {  	[spmem:s22] =	stream.linear.scatter [tilespmem:s6], [sflag:$0x1], $0x400, $0x38;
	[tilespmem:$0x13980] =	vst v63  }
0x3f: {  	p1 =	sne.s32 s19, $0x28000;
	_ =	swait.ge [sflag:s7], $0x400  }
.Ltmp0:
0x40: {  	[sflag:s7] =	ssyncset.done $0x0;
	(pc) =	sbr.rel @p1 .LBB2_2-.Ltmp0, $4  }
0x41: {  	s16 =	sadd.s32 s16, s3;
	[sflag:s7] =	ssyncadd.s32 $0xFFFFFC00  }
0x42: {  	[spmem:s16] =	stream.linear.scatter [tilespmem:s8], [sflag:$0x1], $0x400, $0x38;
	[tilespmem:$0x13980] =	vst v63  }
0x43: {  	_ =	swait.ge [sflag:s7], $0x400  }
0x44: {  	s19 =	smov.u32 s24;
	s16 =	sshra.s32 s23, $0x2;
	[sflag:s7] =	ssyncset.done $0x0  }
0x45: {  	s19 =	sadd.s32 s16, s4;
	[sflag:s7] =	ssyncadd.s32 $0xFFFFFC00  }
0x46: {  	[spmem:s19] =	stream.linear.scatter [tilespmem:s6], [sflag:$0x1], $0x400, $0x38;
	[tilespmem:$0x13980] =	vst v63  }
0x47: {  	_ =	swait.ge [sflag:s7], $0x400  }
0x48: {  	[sflag:s7] =	ssyncset.done $0x0  }
0x49: {  	s26 =	sadd.s32 s16, s3;
	[sflag:s7] =	ssyncadd.s32 $0xFFFFFC00  }
0x4a: {  	[spmem:s26] =	stream.linear.scatter [tilespmem:s8], [sflag:$0x1], $0x400, $0x38;
	[tilespmem:$0x13980] =	vst v63  }
0x4b: {  	_ =	swait.ge [sflag:s7], $0x400  }
0x4c: {  	[sflag:s7] =	ssyncset.done $0x0  }
0x4d: {  	[sflag:s7] =	ssyncadd.s32 $0xFFFFFC00  }
0x4e: {  	s28 =	sadd.s32 $0x0, s21;
	[bflag:$0x0] =	sbarrier.arrive $0xFFFF  }
0x4f: {  	[tilespmem:s1], [sflag:$0x2] =	stream.linear.gather [hbm4b:s28+s1], $0x50, $0x38;
	[tilespmem:$0x13980] =	vst v63  }
0x50: {  	_ =	swait.ge [sflag:s9], $0x50  }
0x51: {  	[sflag:s9] =	ssyncset.done $0x0  }
0x52: {  	[sflag:s9] =	ssyncadd.s32 $0xFFFFFFB0  }
0x53: {  	[tilespmem:s12], [sflag:$0x2] =	stream.strided.gather [hbm4b:s5+s10], $0x2800, s11, s10, $0x38;
	[tilespmem:$0x13980] =	vst v63  }
0x54: {  	_ =	swait.ge [sflag:s9], $0x2800  }
0x55: {  	[sflag:s9] =	ssyncset.done $0x0  }
0x56: {  	[sflag:s9] =	ssyncadd.s32 $0xFFFFD800  }
0x57: {  	v0 =	vld [tilespmem:$0x40]  }
0x58: {  	v1 =	vld [tilespmem:$0x20]  }
0x59: {  	v2 =	vld [tilespmem:$0x30]  }
0x5a: {  	v3 =	vld [tilespmem:$0x10]  }
0x5b: {  	v4 =	vld [tilespmem:$0x0]  }
0x5c: {  	v0 =	vmin.u32 v0, $0x1400  }
0x5d: {  	v1 =	vmin.u32 v1, $0x1400;
	[tilespmem:$0xC0] =	vst v0  }
0x5e: {  	v61 =	vmin.u32 v2, $0x1400;
	[tilespmem:$0xA0] =	vst v1  }
0x5f: {  	v62 =	vmin.u32 v3, $0x1400;
	[tilespmem:$0xB0] =	vst v61  }
0x60: {  	v63 =	vmin.u32 v4, $0x1400;
	[tilespmem:$0x90] =	vst v62  }
0x61: {  	s23 =	simm.s32 $0xA;
	s22 =	simm.s32 @!p0 $0x80;
	s24 =	simm.s32 @!p0 $0x2900;
	[tilespmem:$0x80] =	vst v63  }
0x62: {  	[spmem:s17] =	stream.indirect.scatter.add.f32 [tilespmem:s12], [sflag:$0x2], $0x80, s14, s13, $0xb8;
	[tilespmem:$0x13980] =	vst v63  }
0x63: {  	s16 =	simm.s32 @!p0 $0x1;
	s25 =	sadd.s32 $0xA00, s5;
	_ =	swait.ge [sflag:s9], $0x2800  }
0x64: {  	s19 =	simm.s32 @!p0 $0x50;
	s26 =	simm.s32 @!p0 $0x50;
	[sflag:s9] =	ssyncset.done $0x0  }
.LBB2_4:
0x65: {  	[sflag:s9] =	ssyncadd.s32 $0xFFFFD800;
	s28 =	smov.u32 s23;
	s23 =	sadd.s32 $0xA, s23  }
0x66: {  	[spmem:s20] =	stream.indirect.scatter.add.f32 @!p0 [tilespmem:s24], [sflag:$0x1], $0x10, s22, s26, $0xb8;
	[tilespmem:$0x13980] =	vst v63  }
0x67: {  	p1 =	sne.s32 s23, $0x9C4;
	_ =	swait.ge @!p0 [sflag:s16], $0x500  }
0x68: {  	s26 =	smov.u32 s19;
	[sflag:s16] =	ssyncset.done @!p0 $0x0  }
0x69: {  	s28 =	sadd.s32 s28, s21;
	[sflag:s16] =	ssyncadd.s32 @!p0 $0xFFFFFB00  }
0x6a: {  	[tilespmem:s1], [sflag:$0x2] =	stream.linear.gather [hbm4b:s28+s1], $0x50, $0x38;
	[tilespmem:$0x13980] =	vst v63  }
0x6b: {  	_ =	swait.ge [sflag:s9], $0x50  }
0x6c: {  	[sflag:s9] =	ssyncset.done $0x0  }
0x6d: {  	[sflag:s9] =	ssyncadd.s32 $0xFFFFFFB0  }
0x6e: {  	[tilespmem:s12], [sflag:$0x2] =	stream.strided.gather [hbm4b:s25+s10], $0x2800, s11, s10, $0x38;
	[tilespmem:$0x13980] =	vst v63  }
0x6f: {  	_ =	swait.ge [sflag:s9], $0x2800  }
0x70: {  	[sflag:s9] =	ssyncset.done $0x0  }
0x71: {  	[sflag:s9] =	ssyncadd.s32 $0xFFFFD800  }
0x72: {  	v0 =	vld [tilespmem:$0x40]  }
0x73: {  	v1 =	vld [tilespmem:$0x20]  }
0x74: {  	v2 =	vld [tilespmem:$0x30]  }
0x75: {  	v3 =	vld [tilespmem:$0x10]  }
0x76: {  	v4 =	vld [tilespmem:$0x0]  }
0x77: {  	v0 =	vmin.u32 v0, $0x1400  }
0x78: {  	v1 =	vmin.u32 v1, $0x1400;
	[tilespmem:$0xC0] =	vst v0  }
0x79: {  	[tilespmem:$0xA0] =	vst v1;
	v0 =	vmin.u32 v2, $0x1400  }
0x7a: {  	v1 =	vmin.u32 v3, $0x1400;
	[tilespmem:$0xB0] =	vst v0  }
.Ltmp1:
0x7b: {  	v0 =	vmin.u32 v4, $0x1400;
	[tilespmem:$0x90] =	vst v1;
	(pc) =	sbr.rel @p1 .LBB2_4-.Ltmp1, $4  }
0x7c: {  	[tilespmem:$0x80] =	vst v0  }
0x7d: {  	[spmem:s17] =	stream.indirect.scatter.add.f32 [tilespmem:s12], [sflag:$0x2], $0x80, s14, s13, $0xb8;
	[tilespmem:$0x13980] =	vst v63  }
0x7e: {  	_ =	swait.ge [sflag:s9], $0x2800  }
0x7f: {  	s25 =	sadd.s32 $0xA00, s25;
	[sflag:s9] =	ssyncset.done $0x0  }
0x80: {  	[sflag:s9] =	ssyncadd.s32 $0xFFFFD800  }
0x81: {  	[spmem:s20] =	stream.indirect.scatter.add.f32 @!p0 [tilespmem:s24], [sflag:$0x1], $0x10, s22, s26, $0xb8;
	[tilespmem:$0x13980] =	vst v63  }
0x82: {  	_ =	swait.ge @!p0 [sflag:s16], $0x500  }
0x83: {  	[sflag:s16] =	ssyncset.done @!p0 $0x0  }
0x84: {  	[sflag:s16] =	ssyncadd.s32 @!p0 $0xFFFFFB00  }
0x85: {  	[bflag:$0x0] =	sbarrier.arrive $0xFFFF  }
0x86: {  	s19 =	rddreg [dreg:$0x19]  }
0x87: {  	[tilespmem:s12], [sflag:$0x2] =	stream.linear.gather [spmem:s19], $0x2800, $0x38;
	[tilespmem:$0x13980] =	vst v63  }
0x88: {  	_ =	swait.ge [sflag:s9], $0x2800  }
0x89: {  	[sflag:s9] =	ssyncset.done $0x0  }
0x8a: {  	s25 =	rddreg [dreg:$0x5];
	[sflag:s9] =	ssyncadd.s32 $0xFFFFD800  }
0x8b: {  	[hbm4b:s25+s10] =	stream.strided.scatter [tilespmem:s12], [sflag:$0x2], $0x2800, s11, s10, $0x38;
	[tilespmem:$0x13980] =	vst v63  }
0x8c: {  	_ =	swait.ge [sflag:s9], $0x2800  }
0x8d: {  	[sflag:s9] =	ssyncset.done $0x0  }
0x8e: {  	s19 =	simm.s32 @!p0 $0x5900;
	s22 =	rddreg [dreg:$0x1a];
	[sflag:s9] =	ssyncadd.s32 $0xFFFFD800  }
0x8f: {  	[tilespmem:s19], [sflag:$0x2] =	stream.linear.gather @!p0 [spmem:s22], $0x2800, $0x38;
	[tilespmem:$0x13980] =	vst v63  }
0x90: {  	s22 =	simm.s32 @!p0 $0x2  }
0x91: {  	_ =	swait.ge @!p0 [sflag:s22], $0x2800  }
0x92: {  	[sflag:s22] =	ssyncset.done @!p0 $0x0  }
0x93: {  	s23 =	simm.s32 @!p0 $0x0;
	s24 =	rddreg [dreg:$0x6];
	[sflag:s22] =	ssyncadd.s32 @!p0 $0xFFFFD800  }
0x94: {  	[hbm4b:s24+s23] =	stream.linear.scatter @!p0 [tilespmem:s19], [sflag:$0x1], $0x2800, $0x38;
	[tilespmem:$0x13980] =	vst v63  }
0x95: {  	_ =	swait.ge @!p0 [sflag:s16], $0x2800  }
0x96: {  	[sflag:s16] =	ssyncset.done @!p0 $0x0  }
0x97: {  	[sflag:s16] =	ssyncadd.s32 @!p0 $0xFFFFD800  }
0x98: {  	[tilespmem:s12], [sflag:$0x2] =	stream.linear.gather [spmem:s29], $0x2800, $0x38;
	[tilespmem:$0x13980] =	vst v63  }
0x99: {  	_ =	swait.ge [sflag:s9], $0x2800  }
0x9a: {  	[sflag:s9] =	ssyncset.done $0x0  }
0x9b: {  	s26 =	rddreg [dreg:$0x7];
	[sflag:s9] =	ssyncadd.s32 $0xFFFFD800  }
0x9c: {  	[hbm4b:s26+s10] =	stream.strided.scatter [tilespmem:s12], [sflag:$0x2], $0x2800, s11, s10, $0x38;
	[tilespmem:$0x13980] =	vst v63  }
0x9d: {  	_ =	swait.ge [sflag:s9], $0x2800  }
0x9e: {  	[sflag:s9] =	ssyncset.done $0x0  }
0x9f: {  	[sflag:s9] =	ssyncadd.s32 $0xFFFFD800  }
0xa0: {  	[tilespmem:s19], [sflag:$0x2] =	stream.linear.gather @!p0 [spmem:s30], $0x2800, $0x38;
	[tilespmem:$0x13980] =	vst v63  }
0xa1: {  	_ =	swait.ge @!p0 [sflag:s22], $0x2800  }
0xa2: {  	[sflag:s22] =	ssyncset.done @!p0 $0x0  }
0xa3: {  	s24 =	rddreg [dreg:$0x8];
	[sflag:s22] =	ssyncadd.s32 @!p0 $0xFFFFD800  }
0xa4: {  	[hbm4b:s24+s23] =	stream.linear.scatter @!p0 [tilespmem:s19], [sflag:$0x1], $0x2800, $0x38;
	[tilespmem:$0x13980] =	vst v63  }
0xa5: {  	_ =	swait.ge @!p0 [sflag:s16], $0x2800  }
0xa6: {  	[sflag:s16] =	ssyncset.done @!p0 $0x0  }
0xa7: {  	[sflag:s16] =	ssyncadd.s32 @!p0 $0xFFFFD800  }
0xa8: {  	[tilespmem:s12], [sflag:$0x2] =	stream.linear.gather [spmem:s31], $0x2800, $0x38;
	[tilespmem:$0x13980] =	vst v63  }
0xa9: {  	_ =	swait.ge [sflag:s9], $0x2800  }
0xaa: {  	[sflag:s9] =	ssyncset.done $0x0  }
0xab: {  	s28 =	rddreg [dreg:$0x9];
	[sflag:s9] =	ssyncadd.s32 $0xFFFFD800  }
0xac: {  	[hbm4b:s28+s10] =	stream.strided.scatter [tilespmem:s12], [sflag:$0x2], $0x2800, s11, s10, $0x38;
	[tilespmem:$0x13980] =	vst v63  }
0xad: {  	_ =	swait.ge [sflag:s9], $0x2800  }
0xae: {  	[sflag:s9] =	ssyncset.done $0x0  }
0xaf: {  	[sflag:s9] =	ssyncadd.s32 $0xFFFFD800  }
0xb0: {  	[tilespmem:s19], [sflag:$0x2] =	stream.linear.gather @!p0 [spmem:s18], $0x2800, $0x38;
	[tilespmem:$0x13980] =	vst v63  }
0xb1: {  	_ =	swait.ge @!p0 [sflag:s22], $0x2800  }
0xb2: {  	[sflag:s22] =	ssyncset.done @!p0 $0x0  }
0xb3: {  	s24 =	rddreg [dreg:$0xa];
	[sflag:s22] =	ssyncadd.s32 @!p0 $0xFFFFD800  }
0xb4: {  	[hbm4b:s24+s23] =	stream.linear.scatter @!p0 [tilespmem:s19], [sflag:$0x1], $0x2800, $0x38;
	[tilespmem:$0x13980] =	vst v63  }
0xb5: {  	_ =	swait.ge @!p0 [sflag:s16], $0x2800  }
0xb6: {  	[sflag:s16] =	ssyncset.done @!p0 $0x0  }
0xb7: {  	[sflag:s16] =	ssyncadd.s32 @!p0 $0xFFFFD800  }
0xb8: {  	[tilespmem:s12], [sflag:$0x2] =	stream.linear.gather [spmem:s0], $0x2800, $0x38;
	[tilespmem:$0x13980] =	vst v63  }
0xb9: {  	_ =	swait.ge [sflag:s9], $0x2800  }
0xba: {  	[sflag:s9] =	ssyncset.done $0x0  }
0xbb: {  	s25 =	rddreg [dreg:$0xb];
	[sflag:s9] =	ssyncadd.s32 $0xFFFFD800  }
0xbc: {  	[hbm4b:s25+s10] =	stream.strided.scatter [tilespmem:s12], [sflag:$0x2], $0x2800, s11, s10, $0x38;
	[tilespmem:$0x13980] =	vst v63  }
0xbd: {  	_ =	swait.ge [sflag:s9], $0x2800  }
0xbe: {  	[sflag:s9] =	ssyncset.done $0x0  }
0xbf: {  	[sflag:s9] =	ssyncadd.s32 $0xFFFFD800  }
0xc0: {  	[tilespmem:s19], [sflag:$0x2] =	stream.linear.gather @!p0 [spmem:s2], $0x2800, $0x38;
	[tilespmem:$0x13980] =	vst v63  }
0xc1: {  	_ =	swait.ge @!p0 [sflag:s22], $0x2800  }
0xc2: {  	[sflag:s22] =	ssyncset.done @!p0 $0x0  }
0xc3: {  	[sflag:s22] =	ssyncadd.s32 @!p0 $0xFFFFD800;
	s22 =	rddreg [dreg:$0x10]  }
0xc4: {  	[hbm4b:s22+s23] =	stream.linear.scatter @!p0 [tilespmem:s19], [sflag:$0x1], $0x2800, $0x38;
	[tilespmem:$0x13980] =	vst v63  }
0xc5: {  	_ =	swait.ge @!p0 [sflag:s16], $0x2800  }
0xc6: {  	[sflag:s16] =	ssyncset.done @!p0 $0x0  }
0xc7: {  	[sflag:s16] =	ssyncadd.s32 @!p0 $0xFFFFD800  }
0xc8: {  	s26 =	sadd.s32 $0x0, s4;
	[bflag:$0x0] =	sbarrier.arrive $0xFFFF  }
0xc9: {  	[spmem:s26] =	stream.linear.scatter [tilespmem:s6], [sflag:$0x1], $0x400, $0x38;
	[tilespmem:$0x13980] =	vst v63  }
0xca: {  	_ =	swait.ge [sflag:s7], $0x400  }
0xcb: {  	[sflag:s7] =	ssyncset.done $0x0  }
0xcc: {  	s28 =	sadd.s32 $0x0, s3;
	[sflag:s7] =	ssyncadd.s32 $0xFFFFFC00  }
0xcd: {  	[spmem:s28] =	stream.linear.scatter [tilespmem:s8], [sflag:$0x1], $0x400, $0x38;
	[tilespmem:$0x13980] =	vst v63  }
0xce: {  	_ =	swait.ge [sflag:s7], $0x400  }
0xcf: {  	s19 =	simm.s32 $0x2000;
	s16 =	simm.s32 $0x400;
	[sflag:s7] =	ssyncset.done $0x0  }
.LBB2_6:
0xd0: {  	s22 =	sadd.s32 s16, s4  }
0xd1: {  	[sflag:s7] =	ssyncadd.s32 $0xFFFFFC00;
	s23 =	smov.u32 s19;
	s24 =	sadd.s32 $0x1000, s19  }
0xd2: {  	[spmem:s22] =	stream.linear.scatter [tilespmem:s6], [sflag:$0x1], $0x400, $0x38;
	[tilespmem:$0x13980] =	vst v63  }
0xd3: {  	p1 =	sne.s32 s19, $0x28000;
	_ =	swait.ge [sflag:s7], $0x400  }
.Ltmp2:
0xd4: {  	[sflag:s7] =	ssyncset.done $0x0;
	(pc) =	sbr.rel @p1 .LBB2_6-.Ltmp2, $4  }
0xd5: {  	s16 =	sadd.s32 s16, s3;
	[sflag:s7] =	ssyncadd.s32 $0xFFFFFC00  }
0xd6: {  	[spmem:s16] =	stream.linear.scatter [tilespmem:s8], [sflag:$0x1], $0x400, $0x38;
	[tilespmem:$0x13980] =	vst v63  }
0xd7: {  	_ =	swait.ge [sflag:s7], $0x400  }
0xd8: {  	s19 =	smov.u32 s24;
	s16 =	sshra.s32 s23, $0x2;
	[sflag:s7] =	ssyncset.done $0x0  }
0xd9: {  	s19 =	sadd.s32 s16, s4;
	[sflag:s7] =	ssyncadd.s32 $0xFFFFFC00  }
0xda: {  	[spmem:s19] =	stream.linear.scatter [tilespmem:s6], [sflag:$0x1], $0x400, $0x38;
	[tilespmem:$0x13980] =	vst v63  }
0xdb: {  	_ =	swait.ge [sflag:s7], $0x400  }
0xdc: {  	[sflag:s7] =	ssyncset.done $0x0  }
0xdd: {  	s26 =	sadd.s32 s16, s3;
	[sflag:s7] =	ssyncadd.s32 $0xFFFFFC00  }
0xde: {  	[spmem:s26] =	stream.linear.scatter [tilespmem:s8], [sflag:$0x1], $0x400, $0x38;
	[tilespmem:$0x13980] =	vst v63  }
0xdf: {  	_ =	swait.ge [sflag:s7], $0x400  }
0xe0: {  	[sflag:s7] =	ssyncset.done $0x0  }
0xe1: {  	[sflag:s7] =	ssyncadd.s32 $0xFFFFFC00  }
0xe2: {  	s28 =	sadd.s32 $0x0, s21;
	[bflag:$0x0] =	sbarrier.arrive $0xFFFF  }
0xe3: {  	[tilespmem:s1], [sflag:$0x2] =	stream.linear.gather [hbm4b:s28+s1], $0x50, $0x38;
	[tilespmem:$0x13980] =	vst v63  }
0xe4: {  	_ =	swait.ge [sflag:s9], $0x50  }
0xe5: {  	[sflag:s9] =	ssyncset.done $0x0  }
0xe6: {  	[sflag:s9] =	ssyncadd.s32 $0xFFFFFFB0  }
0xe7: {  	[tilespmem:s12], [sflag:$0x2] =	stream.strided.gather [hbm4b:s5+s10], $0x2800, s11, s10, $0x38;
	[tilespmem:$0x13980] =	vst v63  }
0xe8: {  	_ =	swait.ge [sflag:s9], $0x2800  }
0xe9: {  	[sflag:s9] =	ssyncset.done $0x0  }
0xea: {  	[sflag:s9] =	ssyncadd.s32 $0xFFFFD800  }
0xeb: {  	v0 =	vld [tilespmem:$0x40]  }
0xec: {  	v1 =	vld [tilespmem:$0x30]  }
0xed: {  	v2 =	vld [tilespmem:$0x20]  }
0xee: {  	v3 =	vld [tilespmem:$0x10]  }
0xef: {  	v4 =	vld [tilespmem:$0x0]  }
0xf0: {  	v0 =	vadd.s32 $0xFFFFEC00, v0  }
0xf1: {  	v1 =	vadd.s32 $0xFFFFEC00, v1;
	v0 =	vmin.u32 v0, $0x1400  }
0xf2: {  	v2 =	vadd.s32 $0xFFFFEC00, v2;
	v1 =	vmin.u32 v1, $0x1400;
	[tilespmem:$0xC0] =	vst v0  }
0xf3: {  	v62 =	vadd.s32 $0xFFFFEC00, v3;
	v2 =	vmin.u32 v2, $0x1400;
	[tilespmem:$0xB0] =	vst v1  }
0xf4: {  	v63 =	vadd.s32 $0xFFFFEC00, v4;
	v0 =	vmin.u32 v62, $0x1400;
	[tilespmem:$0xA0] =	vst v2  }
0xf5: {  	v1 =	vmin.u32 v63, $0x1400;
	[tilespmem:$0x90] =	vst v0  }
0xf6: {  	s23 =	simm.s32 $0xA;
	s22 =	simm.s32 @!p0 $0x80;
	s24 =	simm.s32 @!p0 $0x2900;
	[tilespmem:$0x80] =	vst v1  }
0xf7: {  	[spmem:s17] =	stream.indirect.scatter.add.f32 [tilespmem:s12], [sflag:$0x2], $0x80, s14, s13, $0xb8;
	[tilespmem:$0x13980] =	vst v63  }
0xf8: {  	s16 =	simm.s32 @!p0 $0x1;
	s25 =	sadd.s32 $0xA00, s5;
	_ =	swait.ge [sflag:s9], $0x2800  }
0xf9: {  	s19 =	simm.s32 @!p0 $0x50;
	s26 =	simm.s32 @!p0 $0x50;
	[sflag:s9] =	ssyncset.done $0x0  }
.LBB2_8:
0xfa: {  	[sflag:s9] =	ssyncadd.s32 $0xFFFFD800;
	s28 =	smov.u32 s23;
	s23 =	sadd.s32 $0xA, s23  }
0xfb: {  	[spmem:s20] =	stream.indirect.scatter.add.f32 @!p0 [tilespmem:s24], [sflag:$0x1], $0x10, s22, s26, $0xb8;
	[tilespmem:$0x13980] =	vst v63  }
0xfc: {  	p1 =	sne.s32 s23, $0x9C4;
	_ =	swait.ge @!p0 [sflag:s16], $0x500  }
0xfd: {  	s26 =	smov.u32 s19;
	[sflag:s16] =	ssyncset.done @!p0 $0x0  }
0xfe: {  	s28 =	sadd.s32 s28, s21;
	[sflag:s16] =	ssyncadd.s32 @!p0 $0xFFFFFB00  }
0xff: {  	[tilespmem:s1], [sflag:$0x2] =	stream.linear.gather [hbm4b:s28+s1], $0x50, $0x38;
	[tilespmem:$0x13980] =	vst v63  }
0x100: {  	_ =	swait.ge [sflag:s9], $0x50  }
0x101: {  	[sflag:s9] =	ssyncset.done $0x0  }
0x102: {  	[sflag:s9] =	ssyncadd.s32 $0xFFFFFFB0  }
0x103: {  	[tilespmem:s12], [sflag:$0x2] =	stream.strided.gather [hbm4b:s25+s10], $0x2800, s11, s10, $0x38;
	[tilespmem:$0x13980] =	vst v63  }
0x104: {  	_ =	swait.ge [sflag:s9], $0x2800  }
0x105: {  	[sflag:s9] =	ssyncset.done $0x0  }
0x106: {  	[sflag:s9] =	ssyncadd.s32 $0xFFFFD800  }
0x107: {  	v0 =	vld [tilespmem:$0x40]  }
0x108: {  	v1 =	vld [tilespmem:$0x30]  }
0x109: {  	v2 =	vld [tilespmem:$0x20]  }
0x10a: {  	v3 =	vld [tilespmem:$0x10]  }
0x10b: {  	v4 =	vld [tilespmem:$0x0]  }
0x10c: {  	v0 =	vadd.s32 $0xFFFFEC00, v0  }
0x10d: {  	v1 =	vadd.s32 $0xFFFFEC00, v1;
	v0 =	vmin.u32 v0, $0x1400  }
0x10e: {  	v2 =	vadd.s32 $0xFFFFEC00, v2;
	v1 =	vmin.u32 v1, $0x1400;
	[tilespmem:$0xC0] =	vst v0  }
0x10f: {  	v0 =	vadd.s32 $0xFFFFEC00, v3;
	v2 =	vmin.u32 v2, $0x1400;
	[tilespmem:$0xB0] =	vst v1  }
0x110: {  	v1 =	vadd.s32 $0xFFFFEC00, v4;
	v0 =	vmin.u32 v0, $0x1400;
	[tilespmem:$0xA0] =	vst v2  }
.Ltmp3:
0x111: {  	v1 =	vmin.u32 v1, $0x1400;
	[tilespmem:$0x90] =	vst v0;
	(pc) =	sbr.rel @p1 .LBB2_8-.Ltmp3, $4  }
0x112: {  	[tilespmem:$0x80] =	vst v1  }
0x113: {  	[spmem:s17] =	stream.indirect.scatter.add.f32 [tilespmem:s12], [sflag:$0x2], $0x80, s14, s13, $0xb8;
	[tilespmem:$0x13980] =	vst v63  }
0x114: {  	_ =	swait.ge [sflag:s9], $0x2800  }
0x115: {  	s25 =	sadd.s32 $0xA00, s25;
	[sflag:s9] =	ssyncset.done $0x0  }
0x116: {  	[sflag:s9] =	ssyncadd.s32 $0xFFFFD800  }
0x117: {  	[spmem:s20] =	stream.indirect.scatter.add.f32 @!p0 [tilespmem:s24], [sflag:$0x1], $0x10, s22, s26, $0xb8;
	[tilespmem:$0x13980] =	vst v63  }
0x118: {  	_ =	swait.ge @!p0 [sflag:s16], $0x500  }
0x119: {  	[sflag:s16] =	ssyncset.done @!p0 $0x0  }
0x11a: {  	[sflag:s16] =	ssyncadd.s32 @!p0 $0xFFFFFB00  }
0x11b: {  	[bflag:$0x0] =	sbarrier.arrive $0xFFFF  }
0x11c: {  	s19 =	rddreg [dreg:$0x19]  }
0x11d: {  	[tilespmem:s12], [sflag:$0x2] =	stream.linear.gather [spmem:s19], $0x2800, $0x38;
	[tilespmem:$0x13980] =	vst v63  }
0x11e: {  	_ =	swait.ge [sflag:s9], $0x2800  }
0x11f: {  	[sflag:s9] =	ssyncset.done $0x0  }
0x120: {  	s26 =	rddreg [dreg:$0xc];
	[sflag:s9] =	ssyncadd.s32 $0xFFFFD800  }
0x121: {  	[hbm4b:s26+s10] =	stream.strided.scatter [tilespmem:s12], [sflag:$0x2], $0x2800, s11, s10, $0x38;
	[tilespmem:$0x13980] =	vst v63  }
0x122: {  	_ =	swait.ge [sflag:s9], $0x2800  }
0x123: {  	[sflag:s9] =	ssyncset.done $0x0  }
0x124: {  	s19 =	simm.s32 @!p0 $0x5900;
	s22 =	rddreg [dreg:$0x1a];
	[sflag:s9] =	ssyncadd.s32 $0xFFFFD800  }
0x125: {  	[tilespmem:s19], [sflag:$0x2] =	stream.linear.gather @!p0 [spmem:s22], $0x2800, $0x38;
	[tilespmem:$0x13980] =	vst v63  }
0x126: {  	s22 =	simm.s32 @!p0 $0x2  }
0x127: {  	_ =	swait.ge @!p0 [sflag:s22], $0x2800  }
0x128: {  	[sflag:s22] =	ssyncset.done @!p0 $0x0  }
0x129: {  	s23 =	simm.s32 @!p0 $0x0;
	s24 =	rddreg [dreg:$0x11];
	[sflag:s22] =	ssyncadd.s32 @!p0 $0xFFFFD800  }
0x12a: {  	[hbm4b:s24+s23] =	stream.linear.scatter @!p0 [tilespmem:s19], [sflag:$0x1], $0x2800, $0x38;
	[tilespmem:$0x13980] =	vst v63  }
0x12b: {  	_ =	swait.ge @!p0 [sflag:s16], $0x2800  }
0x12c: {  	[sflag:s16] =	ssyncset.done @!p0 $0x0  }
0x12d: {  	[sflag:s16] =	ssyncadd.s32 @!p0 $0xFFFFD800  }
0x12e: {  	[tilespmem:s12], [sflag:$0x2] =	stream.linear.gather [spmem:s29], $0x2800, $0x38;
	[tilespmem:$0x13980] =	vst v63  }
0x12f: {  	_ =	swait.ge [sflag:s9], $0x2800  }
0x130: {  	[sflag:s9] =	ssyncset.done $0x0  }
0x131: {  	s28 =	rddreg [dreg:$0xd];
	[sflag:s9] =	ssyncadd.s32 $0xFFFFD800  }
0x132: {  	[hbm4b:s28+s10] =	stream.strided.scatter [tilespmem:s12], [sflag:$0x2], $0x2800, s11, s10, $0x38;
	[tilespmem:$0x13980] =	vst v63  }
0x133: {  	_ =	swait.ge [sflag:s9], $0x2800  }
0x134: {  	[sflag:s9] =	ssyncset.done $0x0  }
0x135: {  	[sflag:s9] =	ssyncadd.s32 $0xFFFFD800  }
0x136: {  	[tilespmem:s19], [sflag:$0x2] =	stream.linear.gather @!p0 [spmem:s30], $0x2800, $0x38;
	[tilespmem:$0x13980] =	vst v63  }
0x137: {  	_ =	swait.ge @!p0 [sflag:s22], $0x2800  }
0x138: {  	[sflag:s22] =	ssyncset.done @!p0 $0x0  }
0x139: {  	s24 =	rddreg [dreg:$0x12];
	[sflag:s22] =	ssyncadd.s32 @!p0 $0xFFFFD800  }
0x13a: {  	[hbm4b:s24+s23] =	stream.linear.scatter @!p0 [tilespmem:s19], [sflag:$0x1], $0x2800, $0x38;
	[tilespmem:$0x13980] =	vst v63  }
0x13b: {  	_ =	swait.ge @!p0 [sflag:s16], $0x2800  }
0x13c: {  	[sflag:s16] =	ssyncset.done @!p0 $0x0  }
0x13d: {  	[sflag:s16] =	ssyncadd.s32 @!p0 $0xFFFFD800  }
0x13e: {  	[tilespmem:s12], [sflag:$0x2] =	stream.linear.gather [spmem:s31], $0x2800, $0x38;
	[tilespmem:$0x13980] =	vst v63  }
0x13f: {  	_ =	swait.ge [sflag:s9], $0x2800  }
0x140: {  	[sflag:s9] =	ssyncset.done $0x0  }
0x141: {  	s25 =	rddreg [dreg:$0xe];
	[sflag:s9] =	ssyncadd.s32 $0xFFFFD800  }
0x142: {  	[hbm4b:s25+s10] =	stream.strided.scatter [tilespmem:s12], [sflag:$0x2], $0x2800, s11, s10, $0x38;
	[tilespmem:$0x13980] =	vst v63  }
0x143: {  	_ =	swait.ge [sflag:s9], $0x2800  }
0x144: {  	[sflag:s9] =	ssyncset.done $0x0  }
0x145: {  	[sflag:s9] =	ssyncadd.s32 $0xFFFFD800  }
0x146: {  	[tilespmem:s19], [sflag:$0x2] =	stream.linear.gather @!p0 [spmem:s18], $0x2800, $0x38;
	[tilespmem:$0x13980] =	vst v63  }
0x147: {  	_ =	swait.ge @!p0 [sflag:s22], $0x2800  }
0x148: {  	[sflag:s22] =	ssyncset.done @!p0 $0x0  }
0x149: {  	s24 =	rddreg [dreg:$0x13];
	[sflag:s22] =	ssyncadd.s32 @!p0 $0xFFFFD800  }
0x14a: {  	[hbm4b:s24+s23] =	stream.linear.scatter @!p0 [tilespmem:s19], [sflag:$0x1], $0x2800, $0x38;
	[tilespmem:$0x13980] =	vst v63  }
0x14b: {  	_ =	swait.ge @!p0 [sflag:s16], $0x2800  }
0x14c: {  	[sflag:s16] =	ssyncset.done @!p0 $0x0  }
0x14d: {  	[sflag:s16] =	ssyncadd.s32 @!p0 $0xFFFFD800  }
0x14e: {  	[tilespmem:s12], [sflag:$0x2] =	stream.linear.gather [spmem:s0], $0x2800, $0x38;
	[tilespmem:$0x13980] =	vst v63  }
0x14f: {  	_ =	swait.ge [sflag:s9], $0x2800  }
0x150: {  	[sflag:s9] =	ssyncset.done $0x0  }
0x151: {  	s26 =	rddreg [dreg:$0xf];
	[sflag:s9] =	ssyncadd.s32 $0xFFFFD800  }
0x152: {  	[hbm4b:s26+s10] =	stream.strided.scatter [tilespmem:s12], [sflag:$0x2], $0x2800, s11, s10, $0x38;
	[tilespmem:$0x13980] =	vst v63  }
0x153: {  	_ =	swait.ge [sflag:s9], $0x2800  }
0x154: {  	[sflag:s9] =	ssyncset.done $0x0  }
0x155: {  	[sflag:s9] =	ssyncadd.s32 $0xFFFFD800  }
0x156: {  	[tilespmem:s19], [sflag:$0x2] =	stream.linear.gather @!p0 [spmem:s2], $0x2800, $0x38;
	[tilespmem:$0x13980] =	vst v63  }
0x157: {  	_ =	swait.ge @!p0 [sflag:s22], $0x2800  }
0x158: {  	[sflag:s22] =	ssyncset.done @!p0 $0x0  }
0x159: {  	[sflag:s22] =	ssyncadd.s32 @!p0 $0xFFFFD800;
	s22 =	rddreg [dreg:$0x14]  }
0x15a: {  	[hbm4b:s22+s23] =	stream.linear.scatter @!p0 [tilespmem:s19], [sflag:$0x1], $0x2800, $0x38;
	[tilespmem:$0x13980] =	vst v63  }
0x15b: {  	_ =	swait.ge @!p0 [sflag:s16], $0x2800  }
0x15c: {  	s15 =	sadd.s32 $0x1, s15;
	s28 =	rddreg [dreg:$0x18]  }
0x15d: {  	p1 =	sne.s32 s15, s28  }
.Ltmp4:
0x15e: {  	_ = 	snop;
	(pc) =	sbr.rel @p1 .LBB2_1-.Ltmp4, $3  }
0x15f: {  	[sflag:s16] =	ssyncset.done @!p0 $0x0  }
0x160: {  	[sflag:s16] =	ssyncadd.s32 @!p0 $0xFFFFD800  }
0x161: {  	[bflag:$0x0] =	sbarrier.arrive $0xFFFF;
	_ =	sdelay $0x1  }
0x162: {  	_ =	sfence.sel $0x180000  }
0x163: {  	[bflag:$0x0] =	sbarrier.arrive $0xFFFF  }
0x164: {  	_ =	strace $0x9000004A  }
0x165: {  	s0 =	stileid.u32;
	[bflag:$0x2] =	sbarrier.arrive $0xFFFF  }
0x166: {  	p0 =	sne.s32 s0, $0x0;
	s0 =	rddreg [dreg:$0x4]  }
0x167: {  	s0 =	sadd.s32 @!p0 $0x100000, s0  }
0x168: {  	[sflag:s0] =	ssyncadd.tile.s32 @!p0 $0x1;
	_ =	shalt  }
.Lfunc_end2:
_tile_overlayer_lowered:
.L_overlay_start_2:
0x169: {  	(tag) =	ssettag $0x2  }
0x16a: {  	s0 =	rddreg [dreg:$0x0];
	s2 =	stileid.u32  }
0x16b: {  	s1 =	rddreg [dreg:$0x1];
	p0 =	sne.s32 s2, $0x0  }
0x16c: {  	s3 =	rddreg [dreg:$0x2];
	[bflag:$0x3] =	sbarrier.arrive $0xFFFF;
	s2 =	simm.s32 @!p0 $0x1C01  }
0x16d: {  	[timem:s3], [sflag:s2] =	dma.local @!p0 [hbm:s0], s1  }
0x16e: {  	s0 =	simm.s32 @!p0 $0x1  }
0x16f: {  	_ =	swait.ge @!p0 [sflag:s0], s1  }
0x170: {  	s1 =	ssub.s32 @!p0 $0x0, s1;
	[sflag:s0] =	ssyncset.done @!p0 $0x0  }
0x171: {  	[sflag:s0] =	ssyncadd.s32 @!p0 s1  }
0x172: {  	[bflag:$0x3] =	sbarrier.arrive $0xFFFF  }
0x173: {  	_ =	shalt  }

// kernel: kernel.14.cloned.1.call-start
scs
__scs_entry_jumppad:
0x0: {  	(pc) =	sbr.rel $0x88, $3  }
0x1: {  	(tag) =	ssettag $0x0;
	lr =	simm.s32 $0x1  }
0x2: {  	[smem:$0x3F8E] =	sst lr;
	_ =	strace $0xD0000000  }
0x3: {  	_ = 	snop  }
0x4: {  	_ = 	snop  }
0x5: {  	_ = 	snop  }
0x6: {  	_ = 	snop  }
0x7: {  	_ = 	snop  }
__scs_overlays_trampoline_lowered:
0x8: {  	[smem:$0x3F9D] =	sst s0  }
0x9: {  	[smem:$0x3F9E] =	sst s1  }
0xa: {  	[smem:$0x3F9F] =	sst s2  }
0xb: {  	[smem:$0x3FA0] =	sst s3  }
0xc: {  	[smem:$0x3FA1] =	sst s4  }
0xd: {  	[smem:$0x3FA2] =	sst s5  }
0xe: {  	[smem:$0x3FA3] =	sst s6  }
0xf: {  	[smem:$0x3FA4] =	sst s7  }
0x10: {  	[smem:$0x3FA5] =	sst s8  }
0x11: {  	[smem:$0x3FA6] =	sst s9;
	s0 =	simm.s32 @!p0 $0x0  }
0x12: {  	s1 =	sld [smem:$0x3F8C];
	s0 =	simm.s32 @p0 $0x1  }
0x13: {  	[smem:$0x3FA7] =	sst s0;
	s0 =	simm.s32 @!p1 $0x0  }
0x14: {  	s2 =	sld [smem:$0x3F8B];
	s0 =	simm.s32 @p1 $0x1  }
0x15: {  	[smem:$0x3FA8] =	sst s0;
	s0 =	simm.s32 @!p2 $0x0  }
0x16: {  	s3 =	sld [smem:$0x3FDB];
	s0 =	simm.s32 @p2 $0x1  }
0x17: {  	s4 =	simm.s32 $0x1BF5;
	[smem:$0x3FAA] =	sst s0  }
0x18: {  	s0 =	sld [smem:$0x3F8D];
	_ =	swait.ge [sflag:s4], $0x0  }
0x19: {  	s7 =	sld [smem:$0x3F8E]  }
0x1a: {  	s8 =	sadd.s32 $0xFFFFE003, lr  }
0x1b: {  	s9 =	sadd.s32 $0xFFFFFEF7, lr;
	s5 =	simm.s32 $0xFFFFFFFF;
	p2 =	slt.u32 s8, $0xFFFFF086  }
0x1c: {  	p1 =	slt.u32 s9, $0xF7A;
	s5 =	simm.s32 @!p2 $0x0  }
0x1d: {  	s5 =	simm.s32 @p1 $0x1;
	p0 =	seq.s32 s7, s2  }
0x1e: {  	s7 =	smul.u32 @!p0 $0xF7A, s2;
	p2 =	seq.s32 @!p0 s5, $0x0  }
0x1f: {  	s9 =	smul.u32 $0xF7A, s1;
	s8 =	simm.s32 @!p0 $0x1BF5;
	p2 =	por !p2, p0  }
0x20: {  	[sflag:s8] =	ssyncset.s32 @!p0 $0xFFFFF086;
	s6 =	sadd.s32 @!p0 s3, s7;
	s7 =	simm.s32 @!p0 $0x108  }
0x21: {  	s3 =	sadd.s32 s3, s9;
	s6 =	sadd.s32 @!p0 $0x88, s6;
	s7 =	simm.s32 @p2 $0x1082  }
0x22: {  	[simem:s7], [sflag:s8] =	dma.local @!p0 [hbm:s6], $0xF7A  }
0x23: {  	s9 =	sor.u32 $0xD0000000, s2;
	s6 =	simm.s32 $0x108;
	_ =	swait.ge @!p0 [sflag:s8], $0x0  }
0x24: {  	s3 =	sadd.s32 $0x88, s3;
	s6 =	simm.s32 @!p1 $0x1082;
	[sflag:s4] =	ssyncset.s32 $0xFFFFF086  }
0x25: {  	[simem:s6], [sflag:s4] =	dma.local [hbm:s3], $0xF7A  }
0x26: {  	[smem:$0x3F8E] =	sst s1;
	(tag) =	ssettag s2;
	_ =	strace s9  }
0x27: {  	s1 =	sld [smem:$0x3F9E]  }
0x28: {  	s2 =	sld [smem:$0x3F9F]  }
0x29: {  	s4 =	sld [smem:$0x3FA1]  }
0x2a: {  	p0 =	seq.s32 s5, $0x0;
	s5 =	sld [smem:$0x3FA2]  }
0x2b: {  	s6 =	sld [smem:$0x3FA3]  }
0x2c: {  	s7 =	sld [smem:$0x3FA4]  }
0x2d: {  	s3 =	simm.s32 $0x108;
	s8 =	sld [smem:$0x3FA5]  }
0x2e: {  	s3 =	simm.s32 @!p0 $0x1082;
	s9 =	sld [smem:$0x3FA6]  }
0x2f: {  	lr =	sadd.s32 s0, s3;
	s0 =	sld [smem:$0x3F9D]  }
0x30: {  	s3 =	sld [smem:$0x3FA0]  }
0x31: {  	[smem:$0x3FA9] =	sst s10  }
0x32: {  	s10 =	sld [smem:$0x3FA7];
	_ =	sdelay $0x3  }
0x33: {  	p0 =	seq.s32 s10, $0x1;
	s10 =	sld [smem:$0x3FA9];
	_ =	sdelay $0x3  }
0x34: {  	[smem:$0x3FA9] =	sst s10  }
0x35: {  	s10 =	sld [smem:$0x3FA8];
	_ =	sdelay $0x3  }
0x36: {  	p1 =	seq.s32 s10, $0x1;
	s10 =	sld [smem:$0x3FA9];
	_ =	sdelay $0x3  }
0x37: {  	[smem:$0x3FA9] =	sst s10  }
0x38: {  	s10 =	sld [smem:$0x3FAA]  }
0x39: {  	_ = 	snop;
	(pc) =	sbr.ind lr, $3  }
0x3a: {  	_ = 	snop  }
0x3b: {  	_ = 	snop  }
0x3c: {  	p2 =	seq.s32 s10, $0x1;
	s10 =	sld [smem:$0x3FA9]  }
0x3d: {  	_ =	shalt  }
0x3e: {  	_ =	shalt  }
0x3f: {  	_ =	shalt  }
0x40: {  	_ =	shalt  }
0x41: {  	_ =	shalt  }
0x42: {  	_ =	shalt  }
0x43: {  	_ =	shalt  }
0x44: {  	_ =	shalt  }
0x45: {  	_ =	shalt  }
0x46: {  	_ =	shalt  }
0x47: {  	_ =	shalt  }
0x48: {  	_ =	shalt  }
0x49: {  	_ =	shalt  }
0x4a: {  	_ =	shalt  }
0x4b: {  	_ =	shalt  }
0x4c: {  	_ =	shalt  }
0x4d: {  	_ =	shalt  }
0x4e: {  	_ =	shalt  }
0x4f: {  	_ =	shalt  }
0x50: {  	_ =	shalt  }
0x51: {  	_ =	shalt  }
0x52: {  	_ =	shalt  }
0x53: {  	_ =	shalt  }
0x54: {  	_ =	shalt  }
0x55: {  	_ =	shalt  }
0x56: {  	_ =	shalt  }
0x57: {  	_ =	shalt  }
0x58: {  	_ =	shalt  }
0x59: {  	_ =	shalt  }
0x5a: {  	_ =	shalt  }
0x5b: {  	_ =	shalt  }
0x5c: {  	_ =	shalt  }
0x5d: {  	_ =	shalt  }
0x5e: {  	_ =	shalt  }
0x5f: {  	_ =	shalt  }
0x60: {  	_ =	shalt  }
0x61: {  	_ =	shalt  }
0x62: {  	_ =	shalt  }
0x63: {  	_ =	shalt  }
0x64: {  	_ =	shalt  }
0x65: {  	_ =	shalt  }
0x66: {  	_ =	shalt  }
0x67: {  	_ =	shalt  }
0x68: {  	_ =	shalt  }
0x69: {  	_ =	shalt  }
0x6a: {  	_ =	shalt  }
0x6b: {  	_ =	shalt  }
0x6c: {  	_ =	shalt  }
0x6d: {  	_ =	shalt  }
0x6e: {  	_ =	shalt  }
0x6f: {  	_ =	shalt  }
0x70: {  	_ =	shalt  }
0x71: {  	_ =	shalt  }
0x72: {  	_ =	shalt  }
0x73: {  	_ =	shalt  }
0x74: {  	_ =	shalt  }
0x75: {  	_ =	shalt  }
0x76: {  	_ =	shalt  }
0x77: {  	_ =	shalt  }
0x78: {  	_ =	shalt  }
0x79: {  	_ =	shalt  }
0x7a: {  	_ =	shalt  }
0x7b: {  	_ =	shalt  }
0x7c: {  	_ =	shalt  }
0x7d: {  	_ =	shalt  }
0x7e: {  	_ =	shalt  }
0x7f: {  	_ =	shalt  }
0x80: {  	_ =	shalt  }
0x81: {  	_ =	shalt  }
0x82: {  	_ =	shalt  }
0x83: {  	_ =	shalt  }
0x84: {  	_ =	shalt  }
0x85: {  	_ =	shalt  }
0x86: {  	_ =	shalt  }
0x87: {  	_ =	shalt  }
.Lfunc_end0:
.L_simem_size_0:
called_computation.2_lowered:
.L_overlay_start_0:
0x88: {  	s2 =	sld [smem:$0x3FD9]  }
0x89: {  	s3 =	sld [smem:$0x3FFE];
	_ =	sdelay $0x1  }
0x8a: {  	s1 =	srdreg.scid  }
0x8b: {  	s0 =	sand.u32 $0x1, s1  }
0x8c: {  	s17 =	sshll.u32 s0, $0xA;
	s2 =	sadd.s32 s3, s2  }
0x8d: {  	s2 =	sadd.s32 s2, s17  }
0x8e: {  	[smem:$0x3FB5] =	sst s2  }
0x8f: {  	_ = 	snop  }
0x90: {  	s2 =	sld [smem:$0x3FD0];
	(tm) =	ssettm $0x1  }
0x91: {  	s18 =	sld [smem:$0x3FFB];
	_ =	sdelay $0x3  }
0x92: {  	_ =	strace s18  }
0x93: {  	s3 =	sld [smem:$0x3FFC];
	_ =	sdelay $0x3  }
0x94: {  	_ =	strace s3  }
0x95: {  	s3 =	sld [smem:$0x3FFD];
	_ =	sdelay $0x3  }
0x96: {  	_ =	strace s3  }
0x97: {  	_ =	strace $0x8FFFFFFF  }
0x98: {  	s19 =	sld [smem:$0x3FDB];
	_ =	sdelay $0x1  }
0x99: {  	s4 =	simm.s32 $_scs_section_size  }
0x9a: {  	s5 =	simm.s32 $_size__tile_overlayer_lowered;
	s6 =	simm.s32 $_tile_overlayer_lowered  }
0x9b: {  	s22 =	simm.s32 $0x1BFF;
	s21 =	sshll.u32 s6, $0x1;
	s3 =	sadd.s32 s4, s19  }
0x9c: {  	s7 =	simm.s32 $0x0;
	s20 =	sshll.u32 s5, $0x1;
	s5 =	sadd.s32 s21, s3  }
0x9d: {  	[timem:s7], [sflag:s22] =	dma.local [hbm:s5], s20  }
0x9e: {  	_ =	swait.ge [sflag:s22], s20  }
0x9f: {  	s4 =	ssub.s32 $0x0, s20;
	[sflag:s22] =	ssyncset.done $0x0  }
0xa0: {  	[sflag:s22] =	ssyncadd.s32 s4;
	_ =	sdelay $0x1  }
0xa1: {  	s23 =	simm.s32 $0x1B8B  }
0xa2: {  	_ =	swait.ge [sflag:s23], $0x1  }
0xa3: {  	[sflag:s23] =	ssyncset.done $0x0  }
0xa4: {  	s25 =	simm.s32 $0x1B8E;
	s24 =	sld [smem:$0x3FFE];
	[sflag:s23] =	ssyncadd.s32 $0xFFFFFFFF  }
0xa5: {  	s26 =	simm.s32 $execute0_lowered;
	[smem:$0x3FD2] =	sst s25  }
0xa6: {  	s5 =	sshll.u32 s26, $0x1;
	_ =	strace $0x8000004C;
	[dreg:$0x1] =	wrdreg $0xFFFFFFFF  }
0xa7: {  	s28 =	simm.s32 $_size_execute0_lowered;
	s3 =	sadd.s32 s3, s5;
	[dreg:$0x0] =	wrdreg $0x0  }
0xa8: {  	s5 =	sshll.u32 s28, $0x1;
	[dreg:$0x2] =	wrdreg s3  }
0xa9: {  	[dreg:$0x3] =	wrdreg s5  }
0xaa: {  	[dreg:$0x4] =	wrdreg $0xC0  }
0xab: {  	_ =	task [dreg:s7], $0x5FFFF  }
0xac: {  	[dreg:$0x1] =	wrdreg $0xFFFFFFFF  }
0xad: {  	[dreg:$0x0] =	wrdreg $0x60  }
0xae: {  	[dreg:$0x2] =	wrdreg s24  }
0xaf: {  	[dreg:$0x3] =	wrdreg s2  }
0xb0: {  	[dreg:$0x4] =	wrdreg $0x9  }
0xb1: {  	_ =	task.clear_ibuf [dreg:s7], $0x5FFFF;
	_ =	strace $0x9000004C  }
0xb2: {  	s29 =	simm.s32 $0x9;
	_ =	strace $0x8000004E  }
0xb3: {  	_ =	swait.ge [sflag:s29], $0x1  }
0xb4: {  	[sflag:s29] =	ssyncadd.s32 $0xFFFFFFFF  }
0xb5: {  	_ =	strace $0x9000004E  }
0xb6: {  	_ =	sfence  }
0xb7: {  	s30 =	sld [smem:$0x0];
	_ =	sdelay $0x2  }
0xb8: {  	s31 =	sshll.u32 s1, $0xD;
	s1 =	sshrl.u32 s1, $0x2  }
0xb9: {  	s3 =	sand.u32 $0x4000, s31;
	s1 =	sadd.s32 s1, s30  }
0xba: {  	s0 =	sor.u32 s3, s0;
	s1 =	sshll.u32 s1, $0x11  }
0xbb: {  	s0 =	sor.u32 s1, s0  }
0xbc: {  	s0 =	sadd.s32 $0x8F2B, s0  }
0xbd: {  	[sflag:s0] =	ssyncadd.remote.s32 $0x1  }
0xbe: {  	_ =	sfence.sel $0xFFFF  }
0xbf: {  	[dreg:$0x0] =	wrdreg $0xFFFFFFFF;
	(pc) =	sbr.abs _section_cstart, $3  }
0xc0: {  	[dreg:$0x1] =	wrdreg $0xFFFFFFFF  }
0xc1: {  	_ =	task.clear_ibuf [dreg:s7], $0x2FFFF;
	_ =	strace $0x9FFFFFFF  }
0xc2: {  	(tm) =	ssettm $0x7FFFFFFF  }
0xc3: {  	_ =	shalt  }
tec
execute0_lowered:
.L_overlay_start_1:
0x0: {  	(tag) =	ssettag $0x1  }
0x1: {  	s0 =	rddreg [dreg:$0x0]  }
0x2: {  	s11 =	rddreg [dreg:$0x1];
	s3 =	simm.s32 $0x0  }
0x3: {  	s7 =	stileid.u32;
	s1 =	srdreg.scid;
	s29 =	simm.s32 $0xA400  }
0x4: {  	s28 =	simm.s32 $0xEC00;
	s30 =	simm.s32 $0x1;
	s31 =	simm.s32 $0x2  }
0x5: {  	[smem:$0x7FF] =	sst s3;
	s1 =	sand.u32 $0x1, s1;
	s6 =	smul.u32 $0x9C400, s7  }
0x6: {  	s2 =	sshll.u32 s7, $0x1;
	s4 =	sadd.s32 $0xD5600, s0;
	s7 =	smul.u32 $0x4E20, s7  }
0x7: {  	s5 =	sadd.s32 $0x123800, s0;
	s14 =	sadd.s32 $0x4C00, s0;
	s10 =	smul.u32 $0x2710, s1  }
0x8: {  	s2 =	sor.u32 s1, s2;
	s15 =	ssub.s32 $0x2, s1;
	s1 =	smul.u32 $0x4E200, s1  }
0x9: {  	_ =	strace $0x8000004D;
	s2 =	smul.u32 $0x2710, s2;
	s8 =	sshrl.u32 s15, $0x1  }
0xa: {  	[dreg:$0x3] =	wrdreg s14;
	s0 =	sadd.s32 s6, s0;
	s6 =	ssub.s32 s15, s8  }
0xb: {  	s7 =	sadd.s32 s10, s7;
	s0 =	sadd.s32 s1, s0;
	s9 =	sshrl.u32 s2, $0x3  }
0xc: {  	s2 =	sadd.s32 $0x28, s2;
	s19 =	sadd.s32 $0xC8, s7;
	s20 =	smax.u32 s6, $0x1  }
0xd: {  	s22 =	sadd.s32 $0xA0, s7;
	s15 =	sadd.s32 $0x171A00, s0;
	s23 =	sadd.s32 $0x78, s7  }
0xe: {  	s25 =	sadd.s32 $0x50, s7;
	s6 =	simm.s32 $0x6;
	s7 =	simm.s32 $0x0  }
0xf: {  	s16 =	sadd.s32 s14, s9;
	s17 =	sadd.s32 s11, s9;
	[dreg:$0x8] =	wrdreg s20  }
0x10: {  	s2 =	sshrl.u32 s2, $0x3;
	s21 =	sshrl.u32 s19, $0x3;
	[dreg:$0x9] =	wrdreg s22  }
0x11: {  	s24 =	sshrl.u32 s23, $0x3;
	s26 =	sshrl.u32 s25, $0x3;
	s23 =	simm.s32 $0x400  }
0x12: {  	s9 =	simm.s32 $0x2C00;
	s22 =	simm.s32 $0xCC00;
	[dreg:$0x4] =	wrdreg s16  }
0x13: {  	s25 =	simm.s32 $0xDC00;
	[dreg:$0x5] =	wrdreg s17;
	s18 =	sadd.s32 s14, s2  }
0x14: {  	s2 =	sadd.s32 s11, s2;
	s12 =	sadd.s32 s21, s11;
	s13 =	sadd.s32 s21, s14  }
.Ltmp0:
0x15: {  	s16 =	sadd.s32 $0x1878A00, s0;
	[dreg:$0x6] =	wrdreg s18;
	(pc) =	sbr.rel .LBB2_1-.Ltmp0, $4  }
0x16: {  	s17 =	sadd.s32 s24, s11;
	s1 =	sadd.s32 s26, s11;
	[dreg:$0x7] =	wrdreg s2  }
0x17: {  	v2 =	vlaneseq.u32;
	s0 =	sadd.s32 s26, s14;
	s21 =	simm.s32 $0x9;
	[dreg:$0xa] =	wrdreg s1  }
0x18: {  	vm0 =	vmmov $0xffff;
	v1 =	vshrl.u32 v2, $0x3;
	s26 =	simm.s32 $0xE400;
	s18 =	sadd.s32 s24, s14;
	[dreg:$0xb] =	wrdreg s0  }
0x19: {  	v0 =	vand.u32 $0x7, v2;
	v2 =	vor.u32 $0x8, v2;
	v1 =	vmul.u32 $0x8, v1;
	s24 =	simm.s32 $0xD400;
	s0 =	simm.s32 $0x8;
	s1 =	simm.s32 $0x5  }
.LBB2_12:
0x1a: {  	s2 =	simm.s32 $0x7  }
0x1b: {  	_ =	swait.ge [sflag:s2], $0x2800  }
0x1c: {  	[sflag:s2] =	ssyncset.done $0x0  }
0x1d: {  	[sflag:s2] =	ssyncadd.s32 $0xFFFFD800  }
0x1e: {  	_ =	swait.ge [sflag:s2], $0x2800  }
0x1f: {  	[sflag:s2] =	ssyncset.done $0x0  }
0x20: {  	[sflag:s2] =	ssyncadd.s32 $0xFFFFD800  }
0x21: {  	_ =	swait.ge [sflag:s0], $0x2800  }
0x22: {  	[sflag:s0] =	ssyncset.done $0x0  }
0x23: {  	[sflag:s0] =	ssyncadd.s32 $0xFFFFD800  }
0x24: {  	_ =	swait.ge [sflag:s0], $0x2800  }
0x25: {  	[sflag:s0] =	ssyncset.done $0x0  }
0x26: {  	[sflag:s0] =	ssyncadd.s32 $0xFFFFD800  }
0x27: {  	_ =	swait.ge [sflag:s1], $0x2800  }
0x28: {  	[sflag:s1] =	ssyncset.done $0x0  }
0x29: {  	[sflag:s1] =	ssyncadd.s32 $0xFFFFD800  }
0x2a: {  	_ =	swait.ge [sflag:s1], $0x2800  }
0x2b: {  	[sflag:s1] =	ssyncset.done $0x0  }
0x2c: {  	[sflag:s1] =	ssyncadd.s32 $0xFFFFD800  }
0x2d: {  	_ =	swait.ge [sflag:s6], $0x2800  }
0x2e: {  	[sflag:s6] =	ssyncset.done $0x0  }
0x2f: {  	[sflag:s6] =	ssyncadd.s32 $0xFFFFD800  }
0x30: {  	_ =	swait.ge [sflag:s6], $0x2800  }
0x31: {  	s7 =	rddreg [dreg:$0xc]  }
0x32: {  	s20 =	rddreg [dreg:$0x8];
	s7 =	sadd.s32 $0x1, s7  }
0x33: {  	p0 =	sne.s32 s7, s20  }
.Ltmp1:
0x34: {  	_ = 	snop;
	(pc) =	sbr.rel @!p0 .LBB2_13-.Ltmp1, $3  }
0x35: {  	_ =	sdelay $0x1  }
0x36: {  	[sflag:s6] =	ssyncset.done $0x0  }
0x37: {  	[sflag:s6] =	ssyncadd.s32 $0xFFFFD800  }
.LBB2_1:
0x38: {  	[dreg:$0xc] =	wrdreg s7  }
0x39: {  	s2 =	rddreg [dreg:$0x4]  }
0x3a: {  	[tilespmem:s3], [sflag:$0x9] =	stream.linear.gather [hbm4b:s2+s3], $0x28, $0x38;
	[tilespmem:$0x14400] =	vst v63  }
0x3b: {  	_ =	swait.ge [sflag:s21], $0x28  }
0x3c: {  	[sflag:s21] =	ssyncset.done $0x0  }
0x3d: {  	s11 =	simm.s32 $0x200;
	s10 =	rddreg [dreg:$0x5];
	[sflag:s21] =	ssyncadd.s32 $0xFFFFFFD8  }
0x3e: {  	[tilespmem:s11], [sflag:$0x9] =	stream.linear.gather [hbm4b:s10+s3], $0x28, $0x38;
	[tilespmem:$0x14400] =	vst v63  }
0x3f: {  	_ =	swait.ge [sflag:s21], $0x28  }
0x40: {  	[sflag:s21] =	ssyncset.done $0x0  }
0x41: {  	[sflag:s21] =	ssyncadd.s32 $0xFFFFFFD8  }
0x42: {  	v3 =	vld [tilespmem:$0x0];
	_ =	sdelay $0x4  }
0x43: {  	v4 =	vshll.u32 v3, $0x1  }
0x44: {  	v3 =	vand.u32 $0x7, v3;
	v4 =	vand.u32 $0xFFFFFFF0, v4  }
0x45: {  	v3 =	vor.u32 v3, v4  }
0x46: {  	v4 =	vperm.xlane v3, v0;
	_ =	sdelay $0x1  }
0x47: {  	v3 =	vperm.xlane v3, v2;
	v4 =	vadd.s32 v1, v4;
	_ =	sdelay $0x1  }
0x48: {  	v3 =	vadd.s32 v1, v3;
	_ =	sdelay $0x2  }
0x49: {  	[tilespmem:s23], [sflag:$0x1] =	stream.indirect_vreg.gather [hbm4b:s4+s3], $0x80, v4, vm0, $0xb8;
	[tilespmem:$0x14400] =	vst v63  }
0x4a: {  	s14 =	simm.s32 $0xC00  }
0x4b: {  	[tilespmem:s14], [sflag:$0x1] =	stream.indirect_vreg.gather [hbm4b:s4+s3], $0x80, v3, vm0, $0xb8;
	[tilespmem:$0x14400] =	vst v63  }
0x4c: {  	v3 =	vld [tilespmem:$0x10];
	_ =	sdelay $0x4  }
0x4d: {  	v53 =	vshll.u32 v3, $0x1  }
0x4e: {  	v3 =	vand.u32 $0x7, v3;
	v4 =	vand.u32 $0xFFFFFFF0, v53  }
0x4f: {  	v3 =	vor.u32 v3, v4  }
0x50: {  	v4 =	vperm.xlane v3, v0;
	_ =	sdelay $0x1  }
0x51: {  	v3 =	vperm.xlane v3, v2;
	v4 =	vadd.s32 v1, v4;
	_ =	sdelay $0x1  }
0x52: {  	v3 =	vadd.s32 v1, v3;
	_ =	sdelay $0x1  }
0x53: {  	s19 =	simm.s32 $0x1400  }
0x54: {  	[tilespmem:s19], [sflag:$0x1] =	stream.indirect_vreg.gather [hbm4b:s4+s3], $0x80, v4, vm0, $0xb8;
	[tilespmem:$0x14400] =	vst v63  }
0x55: {  	s20 =	simm.s32 $0x1C00  }
0x56: {  	[tilespmem:s20], [sflag:$0x1] =	stream.indirect_vreg.gather [hbm4b:s4+s3], $0x80, v3, vm0, $0xb8;
	[tilespmem:$0x14400] =	vst v63  }
0x57: {  	v3 =	vld.msk [tilespmem:$0x20], $0xff;
	_ =	sdelay $0x4  }
0x58: {  	v54 =	vshll.u32 v3, $0x1  }
0x59: {  	v3 =	vand.u32 $0x7, v3;
	v4 =	vand.u32 $0xFFFFFFF0, v54  }
0x5a: {  	v3 =	vor.u32 v3, v4  }
0x5b: {  	v3 =	vperm.xlane v3, v0;
	_ =	sdelay $0x1  }
0x5c: {  	v3 =	vadd.s32 v1, v3;
	_ =	sdelay $0x3  }
0x5d: {  	s7 =	simm.s32 $0x2400  }
0x5e: {  	[tilespmem:s7], [sflag:$0x1] =	stream.indirect_vreg.gather [hbm4b:s4+s3], $0x80, v3, vm0, $0xb8;
	[tilespmem:$0x14400] =	vst v63  }
0x5f: {  	v3 =	vld [tilespmem:$0x200];
	_ =	sdelay $0x4  }
0x60: {  	v55 =	vshll.u32 v3, $0x1  }
0x61: {  	v3 =	vand.u32 $0x7, v3;
	v4 =	vand.u32 $0xFFFFFFF0, v55  }
0x62: {  	v3 =	vor.u32 v3, v4  }
0x63: {  	v4 =	vperm.xlane v3, v0;
	_ =	sdelay $0x1  }
0x64: {  	v3 =	vperm.xlane v3, v2;
	v4 =	vadd.s32 v1, v4;
	_ =	sdelay $0x1  }
0x65: {  	v3 =	vadd.s32 v1, v3;
	_ =	sdelay $0x2  }
0x66: {  	[tilespmem:s29], [sflag:$0x1] =	stream.indirect_vreg.gather [hbm4b:s5+s3], $0x80, v4, vm0, $0xb8;
	[tilespmem:$0x14400] =	vst v63  }
0x67: {  	s8 =	simm.s32 $0xAC00  }
0x68: {  	[tilespmem:s8], [sflag:$0x1] =	stream.indirect_vreg.gather [hbm4b:s5+s3], $0x80, v3, vm0, $0xb8;
	[tilespmem:$0x14400] =	vst v63  }
0x69: {  	v3 =	vld [tilespmem:$0x210];
	_ =	sdelay $0x4  }
0x6a: {  	v56 =	vshll.u32 v3, $0x1  }
0x6b: {  	v3 =	vand.u32 $0x7, v3;
	v4 =	vand.u32 $0xFFFFFFF0, v56  }
0x6c: {  	v3 =	vor.u32 v3, v4  }
0x6d: {  	v4 =	vperm.xlane v3, v0;
	_ =	sdelay $0x1  }
0x6e: {  	v3 =	vperm.xlane v3, v2;
	v4 =	vadd.s32 v1, v4;
	_ =	sdelay $0x1  }
0x6f: {  	v3 =	vadd.s32 v1, v3;
	_ =	sdelay $0x1  }
0x70: {  	s10 =	simm.s32 $0xB400  }
0x71: {  	[tilespmem:s10], [sflag:$0x1] =	stream.indirect_vreg.gather [hbm4b:s5+s3], $0x80, v4, vm0, $0xb8;
	[tilespmem:$0x14400] =	vst v63  }
0x72: {  	s11 =	simm.s32 $0xBC00  }
0x73: {  	[tilespmem:s11], [sflag:$0x1] =	stream.indirect_vreg.gather [hbm4b:s5+s3], $0x80, v3, vm0, $0xb8;
	[tilespmem:$0x14400] =	vst v63  }
0x74: {  	v3 =	vld.msk [tilespmem:$0x220], $0xff;
	_ =	sdelay $0x4  }
0x75: {  	v57 =	vshll.u32 v3, $0x1  }
0x76: {  	v3 =	vand.u32 $0x7, v3;
	v4 =	vand.u32 $0xFFFFFFF0, v57  }
0x77: {  	v3 =	vor.u32 v3, v4  }
0x78: {  	v3 =	vperm.xlane v3, v0;
	_ =	sdelay $0x1  }
0x79: {  	v3 =	vadd.s32 v1, v3;
	_ =	sdelay $0x3  }
0x7a: {  	s14 =	simm.s32 $0xC400  }
0x7b: {  	[tilespmem:s14], [sflag:$0x1] =	stream.indirect_vreg.gather [hbm4b:s5+s3], $0x80, v3, vm0, $0xb8;
	[tilespmem:$0x14400] =	vst v63  }
0x7c: {  	s19 =	rddreg [dreg:$0x6];
	s20 =	simm.s32 $0x80  }
0x7d: {  	[tilespmem:s20], [sflag:$0x9] =	stream.linear.gather [hbm4b:s19+s3], $0x28, $0x38;
	[tilespmem:$0x14400] =	vst v63  }
0x7e: {  	_ =	swait.ge [sflag:s21], $0x28  }
0x7f: {  	[sflag:s21] =	ssyncset.done $0x0  }
0x80: {  	s10 =	simm.s32 $0x280;
	s8 =	rddreg [dreg:$0x7];
	[sflag:s21] =	ssyncadd.s32 $0xFFFFFFD8  }
0x81: {  	[tilespmem:s10], [sflag:$0x9] =	stream.linear.gather [hbm4b:s8+s3], $0x28, $0x38;
	[tilespmem:$0x14400] =	vst v63  }
0x82: {  	_ =	swait.ge [sflag:s21], $0x28  }
0x83: {  	[sflag:s21] =	ssyncset.done $0x0  }
0x84: {  	[sflag:s21] =	ssyncadd.s32 $0xFFFFFFD8  }
0x85: {  	v3 =	vld [tilespmem:$0x80];
	_ =	sdelay $0x4  }
0x86: {  	v58 =	vshll.u32 v3, $0x1  }
0x87: {  	v3 =	vand.u32 $0x7, v3;
	v4 =	vand.u32 $0xFFFFFFF0, v58  }
0x88: {  	v3 =	vor.u32 v3, v4  }
0x89: {  	v4 =	vperm.xlane v3, v0;
	_ =	sdelay $0x1  }
0x8a: {  	v3 =	vperm.xlane v3, v2;
	v4 =	vadd.s32 v1, v4;
	_ =	sdelay $0x1  }
0x8b: {  	v3 =	vadd.s32 v1, v3;
	_ =	sdelay $0x2  }
0x8c: {  	[tilespmem:s9], [sflag:$0x2] =	stream.indirect_vreg.gather [hbm4b:s4+s3], $0x80, v4, vm0, $0xb8;
	[tilespmem:$0x14400] =	vst v63  }
0x8d: {  	s11 =	simm.s32 $0x3400  }
0x8e: {  	[tilespmem:s11], [sflag:$0x2] =	stream.indirect_vreg.gather [hbm4b:s4+s3], $0x80, v3, vm0, $0xb8;
	[tilespmem:$0x14400] =	vst v63  }
0x8f: {  	v3 =	vld [tilespmem:$0x90];
	_ =	sdelay $0x4  }
0x90: {  	v59 =	vshll.u32 v3, $0x1  }
0x91: {  	v3 =	vand.u32 $0x7, v3;
	v4 =	vand.u32 $0xFFFFFFF0, v59  }
0x92: {  	v3 =	vor.u32 v3, v4  }
0x93: {  	v4 =	vperm.xlane v3, v0;
	_ =	sdelay $0x1  }
0x94: {  	v3 =	vperm.xlane v3, v2;
	v4 =	vadd.s32 v1, v4;
	_ =	sdelay $0x1  }
0x95: {  	v3 =	vadd.s32 v1, v3;
	_ =	sdelay $0x1  }
0x96: {  	s14 =	simm.s32 $0x3C00  }
0x97: {  	[tilespmem:s14], [sflag:$0x2] =	stream.indirect_vreg.gather [hbm4b:s4+s3], $0x80, v4, vm0, $0xb8;
	[tilespmem:$0x14400] =	vst v63  }
0x98: {  	s19 =	simm.s32 $0x4400  }
0x99: {  	[tilespmem:s19], [sflag:$0x2] =	stream.indirect_vreg.gather [hbm4b:s4+s3], $0x80, v3, vm0, $0xb8;
	[tilespmem:$0x14400] =	vst v63  }
0x9a: {  	v3 =	vld.msk [tilespmem:$0xA0], $0xff;
	_ =	sdelay $0x4  }
0x9b: {  	v60 =	vshll.u32 v3, $0x1  }
0x9c: {  	v3 =	vand.u32 $0x7, v3;
	v4 =	vand.u32 $0xFFFFFFF0, v60  }
0x9d: {  	v3 =	vor.u32 v3, v4  }
0x9e: {  	v3 =	vperm.xlane v3, v0;
	_ =	sdelay $0x1  }
0x9f: {  	v3 =	vadd.s32 v1, v3;
	_ =	sdelay $0x3  }
0xa0: {  	s20 =	simm.s32 $0x4C00  }
0xa1: {  	[tilespmem:s20], [sflag:$0x2] =	stream.indirect_vreg.gather [hbm4b:s4+s3], $0x80, v3, vm0, $0xb8;
	[tilespmem:$0x14400] =	vst v63  }
0xa2: {  	v3 =	vld [tilespmem:$0x280];
	_ =	sdelay $0x4  }
0xa3: {  	v61 =	vshll.u32 v3, $0x1  }
0xa4: {  	v3 =	vand.u32 $0x7, v3;
	v4 =	vand.u32 $0xFFFFFFF0, v61  }
0xa5: {  	v3 =	vor.u32 v3, v4  }
0xa6: {  	v4 =	vperm.xlane v3, v0;
	_ =	sdelay $0x1  }
0xa7: {  	v3 =	vperm.xlane v3, v2;
	v4 =	vadd.s32 v1, v4;
	_ =	sdelay $0x1  }
0xa8: {  	v3 =	vadd.s32 v1, v3;
	_ =	sdelay $0x2  }
0xa9: {  	[tilespmem:s22], [sflag:$0x2] =	stream.indirect_vreg.gather [hbm4b:s5+s3], $0x80, v4, vm0, $0xb8;
	[tilespmem:$0x14400] =	vst v63  }
0xaa: {  	_ = 	snop  }
0xab: {  	[tilespmem:s24], [sflag:$0x2] =	stream.indirect_vreg.gather [hbm4b:s5+s3], $0x80, v3, vm0, $0xb8;
	[tilespmem:$0x14400] =	vst v63  }
0xac: {  	v3 =	vld [tilespmem:$0x290];
	_ =	sdelay $0x4  }
0xad: {  	v62 =	vshll.u32 v3, $0x1  }
0xae: {  	v3 =	vand.u32 $0x7, v3;
	v4 =	vand.u32 $0xFFFFFFF0, v62  }
0xaf: {  	v3 =	vor.u32 v3, v4  }
0xb0: {  	v4 =	vperm.xlane v3, v0;
	_ =	sdelay $0x1  }
0xb1: {  	v3 =	vperm.xlane v3, v2;
	v4 =	vadd.s32 v1, v4;
	_ =	sdelay $0x1  }
0xb2: {  	v3 =	vadd.s32 v1, v3;
	_ =	sdelay $0x2  }
0xb3: {  	[tilespmem:s25], [sflag:$0x2] =	stream.indirect_vreg.gather [hbm4b:s5+s3], $0x80, v4, vm0, $0xb8;
	[tilespmem:$0x14400] =	vst v63  }
0xb4: {  	_ = 	snop  }
0xb5: {  	[tilespmem:s26], [sflag:$0x2] =	stream.indirect_vreg.gather [hbm4b:s5+s3], $0x80, v3, vm0, $0xb8;
	[tilespmem:$0x14400] =	vst v63  }
0xb6: {  	v3 =	vld.msk [tilespmem:$0x2A0], $0xff;
	_ =	sdelay $0x4  }
0xb7: {  	v63 =	vshll.u32 v3, $0x1  }
0xb8: {  	v3 =	vand.u32 $0x7, v3;
	v4 =	vand.u32 $0xFFFFFFF0, v63  }
0xb9: {  	v3 =	vor.u32 v3, v4  }
0xba: {  	v3 =	vperm.xlane v3, v0;
	_ =	sdelay $0x1  }
0xbb: {  	v3 =	vadd.s32 v1, v3;
	_ =	sdelay $0x2  }
0xbc: {  	s8 =	simm.s32 $0x0  }
0xbd: {  	s7 =	rddreg [dreg:$0x9];
	s19 =	simm.s32 $0x3;
	s20 =	simm.s32 $0x0  }
0xbe: {  	[tilespmem:s28], [sflag:$0x2] =	stream.indirect_vreg.gather [hbm4b:s5+s3], $0x80, v3, vm0, $0xb8;
	[tilespmem:$0x14400] =	vst v63  }
.LBB2_2:
0xbf: {  	_ =	swait.ge [sflag:s30], $0x2800  }
0xc0: {  	[sflag:s30] =	ssyncset.done $0x0  }
0xc1: {  	[sflag:s30] =	ssyncadd.s32 $0xFFFFD800  }
0xc2: {  	_ =	swait.ge [sflag:s30], $0x2800  }
0xc3: {  	s14 =	sadd.s32 $0xFFFFFFFB, s19;
	[sflag:s30] =	ssyncset.done $0x0  }
0xc4: {  	s10 =	sadd.s32 s20, s15;
	p1 =	sgt.u32 s14, $0xF5;
	[sflag:s30] =	ssyncadd.s32 $0xFFFFD800  }
0xc5: {  	[hbm4b:s10+s3] =	stream.linear.scatter [tilespmem:s23], [sflag:$0x5], $0x2800, $0x38;
	[tilespmem:$0x14400] =	vst v63  }
0xc6: {  	s11 =	sadd.s32 s20, s16;
	s2 =	sadd.s32 $0xFFFFFFFF, s19;
	s14 =	simm.s32 @!p1 $0x7  }
0xc7: {  	[hbm4b:s11+s3] =	stream.linear.scatter [tilespmem:s29], [sflag:$0x5], $0x2800, $0x38;
	[tilespmem:$0x14400] =	vst v63  }
0xc8: {  	p0 =	sgt.u32 s2, $0xF9;
	_ =	swait.ge @!p1 [sflag:s14], $0x2800  }
.Ltmp2:
0xc9: {  	[sflag:s14] =	ssyncset.done @!p1 $0x0;
	(pc) =	sbr.rel @p0 .LBB2_4-.Ltmp2, $4  }
0xca: {  	[sflag:s14] =	ssyncadd.s32 @!p1 $0xFFFFD800  }
0xcb: {  	_ =	swait.ge @!p1 [sflag:s14], $0x2800  }
0xcc: {  	[sflag:s14] =	ssyncset.done @!p1 $0x0  }
0xcd: {  	[sflag:s14] =	ssyncadd.s32 @!p1 $0xFFFFD800  }
0xce: {  	s2 =	rddreg [dreg:$0xb]  }
0xcf: {  	s14 =	simm.s32 $0x100;
	s2 =	sadd.s32 s8, s2  }
0xd0: {  	[tilespmem:s14], [sflag:$0x9] =	stream.linear.gather [hbm4b:s2+s3], $0x28, $0x38;
	[tilespmem:$0x14400] =	vst v63  }
0xd1: {  	_ =	swait.ge [sflag:s21], $0x28  }
0xd2: {  	[sflag:s21] =	ssyncset.done $0x0;
	s14 =	rddreg [dreg:$0xa]  }
0xd3: {  	[sflag:s21] =	ssyncadd.s32 $0xFFFFFFD8;
	s2 =	sadd.s32 s8, s14;
	s14 =	simm.s32 $0x300  }
0xd4: {  	[tilespmem:s14], [sflag:$0x9] =	stream.linear.gather [hbm4b:s2+s3], $0x28, $0x38;
	[tilespmem:$0x14400] =	vst v63  }
0xd5: {  	_ =	swait.ge [sflag:s21], $0x28  }
0xd6: {  	[sflag:s21] =	ssyncset.done $0x0  }
0xd7: {  	[sflag:s21] =	ssyncadd.s32 $0xFFFFFFD8  }
0xd8: {  	v3 =	vld [tilespmem:$0x100];
	_ =	sdelay $0x4  }
0xd9: {  	v4 =	vshll.u32 v3, $0x1  }
0xda: {  	v3 =	vand.u32 $0x7, v3;
	v4 =	vand.u32 $0xFFFFFFF0, v4  }
0xdb: {  	v3 =	vor.u32 v3, v4  }
0xdc: {  	v4 =	vperm.xlane v3, v0;
	_ =	sdelay $0x1  }
0xdd: {  	v3 =	vperm.xlane v3, v2;
	v4 =	vadd.s32 v1, v4;
	_ =	sdelay $0x1  }
0xde: {  	v3 =	vadd.s32 v1, v3;
	_ =	sdelay $0x1  }
0xdf: {  	s14 =	simm.s32 $0x5400  }
0xe0: {  	[tilespmem:s14], [sflag:$0x3] =	stream.indirect_vreg.gather [hbm4b:s4+s3], $0x80, v4, vm0, $0xb8;
	[tilespmem:$0x14400] =	vst v63  }
0xe1: {  	s14 =	simm.s32 $0x5C00  }
0xe2: {  	[tilespmem:s14], [sflag:$0x3] =	stream.indirect_vreg.gather [hbm4b:s4+s3], $0x80, v3, vm0, $0xb8;
	[tilespmem:$0x14400] =	vst v63  }
0xe3: {  	v3 =	vld [tilespmem:$0x110];
	_ =	sdelay $0x4  }
0xe4: {  	v59 =	vshll.u32 v3, $0x1  }
0xe5: {  	v3 =	vand.u32 $0x7, v3;
	v4 =	vand.u32 $0xFFFFFFF0, v59  }
0xe6: {  	v3 =	vor.u32 v3, v4  }
0xe7: {  	v4 =	vperm.xlane v3, v0;
	_ =	sdelay $0x1  }
0xe8: {  	v3 =	vperm.xlane v3, v2;
	v4 =	vadd.s32 v1, v4;
	_ =	sdelay $0x1  }
0xe9: {  	v3 =	vadd.s32 v1, v3;
	_ =	sdelay $0x1  }
0xea: {  	s14 =	simm.s32 $0x6400  }
0xeb: {  	[tilespmem:s14], [sflag:$0x3] =	stream.indirect_vreg.gather [hbm4b:s4+s3], $0x80, v4, vm0, $0xb8;
	[tilespmem:$0x14400] =	vst v63  }
0xec: {  	s14 =	simm.s32 $0x6C00  }
0xed: {  	[tilespmem:s14], [sflag:$0x3] =	stream.indirect_vreg.gather [hbm4b:s4+s3], $0x80, v3, vm0, $0xb8;
	[tilespmem:$0x14400] =	vst v63  }
0xee: {  	v3 =	vld.msk [tilespmem:$0x120], $0xff;
	_ =	sdelay $0x4  }
0xef: {  	v60 =	vshll.u32 v3, $0x1  }
0xf0: {  	v3 =	vand.u32 $0x7, v3;
	v4 =	vand.u32 $0xFFFFFFF0, v60  }
0xf1: {  	v3 =	vor.u32 v3, v4  }
0xf2: {  	v3 =	vperm.xlane v3, v0;
	_ =	sdelay $0x1  }
0xf3: {  	v3 =	vadd.s32 v1, v3;
	_ =	sdelay $0x3  }
0xf4: {  	s14 =	simm.s32 $0x7400  }
0xf5: {  	[tilespmem:s14], [sflag:$0x3] =	stream.indirect_vreg.gather [hbm4b:s4+s3], $0x80, v3, vm0, $0xb8;
	[tilespmem:$0x14400] =	vst v63  }
0xf6: {  	v3 =	vld [tilespmem:$0x300];
	_ =	sdelay $0x4  }
0xf7: {  	v61 =	vshll.u32 v3, $0x1  }
0xf8: {  	v3 =	vand.u32 $0x7, v3;
	v4 =	vand.u32 $0xFFFFFFF0, v61  }
0xf9: {  	v3 =	vor.u32 v3, v4  }
0xfa: {  	v4 =	vperm.xlane v3, v0;
	_ =	sdelay $0x1  }
0xfb: {  	v3 =	vperm.xlane v3, v2;
	v4 =	vadd.s32 v1, v4;
	_ =	sdelay $0x1  }
0xfc: {  	v3 =	vadd.s32 v1, v3;
	_ =	sdelay $0x1  }
0xfd: {  	s14 =	simm.s32 $0xF400  }
0xfe: {  	[tilespmem:s14], [sflag:$0x3] =	stream.indirect_vreg.gather [hbm4b:s5+s3], $0x80, v4, vm0, $0xb8;
	[tilespmem:$0x14400] =	vst v63  }
0xff: {  	s14 =	simm.s32 $0xFC00  }
0x100: {  	[tilespmem:s14], [sflag:$0x3] =	stream.indirect_vreg.gather [hbm4b:s5+s3], $0x80, v3, vm0, $0xb8;
	[tilespmem:$0x14400] =	vst v63  }
0x101: {  	v3 =	vld [tilespmem:$0x310];
	_ =	sdelay $0x4  }
0x102: {  	v62 =	vshll.u32 v3, $0x1  }
0x103: {  	v3 =	vand.u32 $0x7, v3;
	v4 =	vand.u32 $0xFFFFFFF0, v62  }
0x104: {  	v3 =	vor.u32 v3, v4  }
0x105: {  	v4 =	vperm.xlane v3, v0;
	_ =	sdelay $0x1  }
0x106: {  	v3 =	vperm.xlane v3, v2;
	v4 =	vadd.s32 v1, v4;
	_ =	sdelay $0x1  }
0x107: {  	v3 =	vadd.s32 v1, v3;
	_ =	sdelay $0x1  }
0x108: {  	s14 =	simm.s32 $0x10400  }
0x109: {  	[tilespmem:s14], [sflag:$0x3] =	stream.indirect_vreg.gather [hbm4b:s5+s3], $0x80, v4, vm0, $0xb8;
	[tilespmem:$0x14400] =	vst v63  }
0x10a: {  	s14 =	simm.s32 $0x10C00  }
0x10b: {  	[tilespmem:s14], [sflag:$0x3] =	stream.indirect_vreg.gather [hbm4b:s5+s3], $0x80, v3, vm0, $0xb8;
	[tilespmem:$0x14400] =	vst v63  }
0x10c: {  	v3 =	vld.msk [tilespmem:$0x320], $0xff;
	_ =	sdelay $0x4  }
0x10d: {  	v63 =	vshll.u32 v3, $0x1  }
0x10e: {  	v3 =	vand.u32 $0x7, v3;
	v4 =	vand.u32 $0xFFFFFFF0, v63  }
0x10f: {  	v3 =	vor.u32 v3, v4  }
0x110: {  	v3 =	vperm.xlane v3, v0;
	_ =	sdelay $0x1  }
0x111: {  	v3 =	vadd.s32 v1, v3;
	_ =	sdelay $0x3  }
0x112: {  	s14 =	simm.s32 $0x11400  }
0x113: {  	[tilespmem:s14], [sflag:$0x3] =	stream.indirect_vreg.gather [hbm4b:s5+s3], $0x80, v3, vm0, $0xb8;
	[tilespmem:$0x14400] =	vst v63  }
.LBB2_4:
0x114: {  	_ =	swait.ge [sflag:s31], $0x2800  }
0x115: {  	p1 =	seq.s32 s20, $0x0;
	[sflag:s31] =	ssyncset.done $0x0  }
0x116: {  	p2 =	sgt.u32 @!p1 s19, $0xF9;
	[sflag:s31] =	ssyncadd.s32 $0xFFFFD800  }
0x117: {  	p1 =	por p1, p2;
	_ =	swait.ge [sflag:s31], $0x2800  }
.Ltmp3:
0x118: {  	[sflag:s31] =	ssyncset.done $0x0;
	(pc) =	sbr.rel @p1 .LBB2_6-.Ltmp3, $4  }
0x119: {  	s2 =	sadd.s32 $0x500, s10;
	[sflag:s31] =	ssyncadd.s32 $0xFFFFD800  }
0x11a: {  	[hbm4b:s2+s3] =	stream.linear.scatter [tilespmem:s9], [sflag:$0x6], $0x2800, $0x38;
	[tilespmem:$0x14400] =	vst v63  }
0x11b: {  	s14 =	sadd.s32 $0x500, s11  }
0x11c: {  	[hbm4b:s14+s3] =	stream.linear.scatter [tilespmem:s22], [sflag:$0x6], $0x2800, $0x38;
	[tilespmem:$0x14400] =	vst v63  }
0x11d: {  	_ =	swait.ge [sflag:s0], $0x2800  }
0x11e: {  	[sflag:s0] =	ssyncset.done $0x0  }
0x11f: {  	[sflag:s0] =	ssyncadd.s32 $0xFFFFD800  }
0x120: {  	_ =	swait.ge [sflag:s0], $0x2800  }
0x121: {  	[sflag:s0] =	ssyncset.done $0x0  }
0x122: {  	[sflag:s0] =	ssyncadd.s32 $0xFFFFD800  }
.LBB2_7:
0x123: {  	s2 =	sadd.s32 s8, s18;
	s10 =	simm.s32 $0x180  }
0x124: {  	[tilespmem:s10], [sflag:$0x9] =	stream.linear.gather [hbm4b:s2+s3], $0x28, $0x38;
	[tilespmem:$0x14400] =	vst v63  }
0x125: {  	_ =	swait.ge [sflag:s21], $0x28  }
0x126: {  	[sflag:s21] =	ssyncset.done $0x0  }
0x127: {  	s11 =	simm.s32 $0x380;
	s10 =	sadd.s32 s8, s17;
	[sflag:s21] =	ssyncadd.s32 $0xFFFFFFD8  }
0x128: {  	[tilespmem:s11], [sflag:$0x9] =	stream.linear.gather [hbm4b:s10+s3], $0x28, $0x38;
	[tilespmem:$0x14400] =	vst v63  }
0x129: {  	_ =	swait.ge [sflag:s21], $0x28  }
0x12a: {  	[sflag:s21] =	ssyncset.done $0x0  }
0x12b: {  	[sflag:s21] =	ssyncadd.s32 $0xFFFFFFD8  }
0x12c: {  	v3 =	vld [tilespmem:$0x180];
	_ =	sdelay $0x4  }
0x12d: {  	v4 =	vshll.u32 v3, $0x1  }
0x12e: {  	v3 =	vand.u32 $0x7, v3;
	v4 =	vand.u32 $0xFFFFFFF0, v4  }
0x12f: {  	v3 =	vor.u32 v3, v4  }
0x130: {  	v4 =	vperm.xlane v3, v0;
	_ =	sdelay $0x1  }
0x131: {  	v3 =	vperm.xlane v3, v2;
	v4 =	vadd.s32 v1, v4;
	_ =	sdelay $0x1  }
0x132: {  	v3 =	vadd.s32 v1, v3;
	_ =	sdelay $0x1  }
0x133: {  	s14 =	simm.s32 $0x7C00  }
0x134: {  	[tilespmem:s14], [sflag:$0x4] =	stream.indirect_vreg.gather [hbm4b:s4+s3], $0x80, v4, vm0, $0xb8;
	[tilespmem:$0x14400] =	vst v63  }
0x135: {  	s10 =	simm.s32 $0x8400  }
0x136: {  	[tilespmem:s10], [sflag:$0x4] =	stream.indirect_vreg.gather [hbm4b:s4+s3], $0x80, v3, vm0, $0xb8;
	[tilespmem:$0x14400] =	vst v63  }
0x137: {  	v3 =	vld [tilespmem:$0x190];
	_ =	sdelay $0x4  }
0x138: {  	v59 =	vshll.u32 v3, $0x1  }
0x139: {  	v3 =	vand.u32 $0x7, v3;
	v4 =	vand.u32 $0xFFFFFFF0, v59  }
0x13a: {  	v3 =	vor.u32 v3, v4  }
0x13b: {  	v4 =	vperm.xlane v3, v0;
	_ =	sdelay $0x1  }
0x13c: {  	v3 =	vperm.xlane v3, v2;
	v4 =	vadd.s32 v1, v4;
	_ =	sdelay $0x1  }
0x13d: {  	v3 =	vadd.s32 v1, v3;
	_ =	sdelay $0x1  }
0x13e: {  	s11 =	simm.s32 $0x8C00  }
0x13f: {  	[tilespmem:s11], [sflag:$0x4] =	stream.indirect_vreg.gather [hbm4b:s4+s3], $0x80, v4, vm0, $0xb8;
	[tilespmem:$0x14400] =	vst v63  }
0x140: {  	s14 =	simm.s32 $0x9400  }
0x141: {  	[tilespmem:s14], [sflag:$0x4] =	stream.indirect_vreg.gather [hbm4b:s4+s3], $0x80, v3, vm0, $0xb8;
	[tilespmem:$0x14400] =	vst v63  }
0x142: {  	v3 =	vld.msk [tilespmem:$0x1A0], $0xff;
	_ =	sdelay $0x4  }
0x143: {  	v60 =	vshll.u32 v3, $0x1  }
0x144: {  	v3 =	vand.u32 $0x7, v3;
	v4 =	vand.u32 $0xFFFFFFF0, v60  }
0x145: {  	v3 =	vor.u32 v3, v4  }
0x146: {  	v3 =	vperm.xlane v3, v0;
	_ =	sdelay $0x1  }
0x147: {  	v3 =	vadd.s32 v1, v3;
	_ =	sdelay $0x3  }
0x148: {  	s10 =	simm.s32 $0x9C00  }
0x149: {  	[tilespmem:s10], [sflag:$0x4] =	stream.indirect_vreg.gather [hbm4b:s4+s3], $0x80, v3, vm0, $0xb8;
	[tilespmem:$0x14400] =	vst v63  }
0x14a: {  	v3 =	vld [tilespmem:$0x380];
	_ =	sdelay $0x4  }
0x14b: {  	v61 =	vshll.u32 v3, $0x1  }
0x14c: {  	v3 =	vand.u32 $0x7, v3;
	v4 =	vand.u32 $0xFFFFFFF0, v61  }
0x14d: {  	v3 =	vor.u32 v3, v4  }
0x14e: {  	v4 =	vperm.xlane v3, v0;
	_ =	sdelay $0x1  }
0x14f: {  	v3 =	vperm.xlane v3, v2;
	v4 =	vadd.s32 v1, v4;
	_ =	sdelay $0x1  }
0x150: {  	v3 =	vadd.s32 v1, v3;
	_ =	sdelay $0x1  }
0x151: {  	s11 =	simm.s32 $0x11C00  }
0x152: {  	[tilespmem:s11], [sflag:$0x4] =	stream.indirect_vreg.gather [hbm4b:s5+s3], $0x80, v4, vm0, $0xb8;
	[tilespmem:$0x14400] =	vst v63  }
0x153: {  	s14 =	simm.s32 $0x12400  }
0x154: {  	[tilespmem:s14], [sflag:$0x4] =	stream.indirect_vreg.gather [hbm4b:s5+s3], $0x80, v3, vm0, $0xb8;
	[tilespmem:$0x14400] =	vst v63  }
0x155: {  	v3 =	vld [tilespmem:$0x390];
	_ =	sdelay $0x4  }
0x156: {  	v62 =	vshll.u32 v3, $0x1  }
0x157: {  	v3 =	vand.u32 $0x7, v3;
	v4 =	vand.u32 $0xFFFFFFF0, v62  }
0x158: {  	v3 =	vor.u32 v3, v4  }
0x159: {  	v4 =	vperm.xlane v3, v0;
	_ =	sdelay $0x1  }
0x15a: {  	v3 =	vperm.xlane v3, v2;
	v4 =	vadd.s32 v1, v4;
	_ =	sdelay $0x1  }
0x15b: {  	v3 =	vadd.s32 v1, v3;
	_ =	sdelay $0x1  }
0x15c: {  	s10 =	simm.s32 $0x12C00  }
0x15d: {  	[tilespmem:s10], [sflag:$0x4] =	stream.indirect_vreg.gather [hbm4b:s5+s3], $0x80, v4, vm0, $0xb8;
	[tilespmem:$0x14400] =	vst v63  }
0x15e: {  	s11 =	simm.s32 $0x13400  }
0x15f: {  	[tilespmem:s11], [sflag:$0x4] =	stream.indirect_vreg.gather [hbm4b:s5+s3], $0x80, v3, vm0, $0xb8;
	[tilespmem:$0x14400] =	vst v63  }
0x160: {  	v3 =	vld.msk [tilespmem:$0x3A0], $0xff;
	_ =	sdelay $0x4  }
0x161: {  	v63 =	vshll.u32 v3, $0x1  }
0x162: {  	v3 =	vand.u32 $0x7, v3;
	v4 =	vand.u32 $0xFFFFFFF0, v63  }
0x163: {  	v3 =	vor.u32 v3, v4  }
0x164: {  	v3 =	vperm.xlane v3, v0;
	_ =	sdelay $0x1  }
0x165: {  	v3 =	vadd.s32 v1, v3;
	_ =	sdelay $0x3  }
0x166: {  	s14 =	simm.s32 $0x13C00  }
0x167: {  	[tilespmem:s14], [sflag:$0x4] =	stream.indirect_vreg.gather [hbm4b:s5+s3], $0x80, v3, vm0, $0xb8;
	[tilespmem:$0x14400] =	vst v63  }
.LBB2_8:
0x168: {  	s2 =	simm.s32 @!p0 $0x3  }
0x169: {  	_ =	swait.ge @!p0 [sflag:s2], $0x2800  }
0x16a: {  	[sflag:s2] =	ssyncset.done @!p0 $0x0  }
0x16b: {  	[sflag:s2] =	ssyncadd.s32 @!p0 $0xFFFFD800  }
0x16c: {  	_ =	swait.ge @!p0 [sflag:s2], $0x2800  }
0x16d: {  	[sflag:s2] =	ssyncset.done @!p0 $0x0  }
0x16e: {  	[sflag:s2] =	ssyncadd.s32 @!p0 $0xFFFFD800;
	s2 =	sadd.s32 @!p0 s20, s15  }
0x16f: {  	s10 =	simm.s32 @!p0 $0x0;
	s11 =	simm.s32 @!p0 $0x5400;
	s2 =	sadd.s32 @!p0 $0xA00, s2  }
0x170: {  	[hbm4b:s2+s10] =	stream.linear.scatter @!p0 [tilespmem:s11], [sflag:$0x7], $0x2800, $0x38;
	[tilespmem:$0x14400] =	vst v63  }
0x171: {  	s2 =	sadd.s32 @!p0 s20, s16  }
0x172: {  	s11 =	simm.s32 @!p0 $0xF400;
	s2 =	sadd.s32 @!p0 $0xA00, s2  }
0x173: {  	[hbm4b:s2+s10] =	stream.linear.scatter @!p0 [tilespmem:s11], [sflag:$0x7], $0x2800, $0x38;
	[tilespmem:$0x14400] =	vst v63  }
0x174: {  	p0 =	seq.s32 s20, $0x4D800  }
.Ltmp4:
0x175: {  	_ = 	snop;
	(pc) =	sbr.rel @p0 .LBB2_10-.Ltmp4, $1  }
0x176: {  	_ =	sdelay $0x3  }
0x177: {  	_ =	swait.ge [sflag:s1], $0x2800  }
0x178: {  	[sflag:s1] =	ssyncset.done $0x0  }
0x179: {  	[sflag:s1] =	ssyncadd.s32 $0xFFFFD800  }
0x17a: {  	_ =	swait.ge [sflag:s1], $0x2800  }
0x17b: {  	s2 =	sshrl.u32 s7, $0x3;
	[sflag:s1] =	ssyncset.done $0x0;
	s10 =	rddreg [dreg:$0x3]  }
0x17c: {  	[sflag:s1] =	ssyncadd.s32 $0xFFFFD800;
	s10 =	sadd.s32 s10, s2  }
0x17d: {  	[tilespmem:s3], [sflag:$0x9] =	stream.linear.gather [hbm4b:s10+s3], $0x28, $0x38;
	[tilespmem:$0x14400] =	vst v63  }
0x17e: {  	_ =	swait.ge [sflag:s21], $0x28  }
0x17f: {  	[sflag:s21] =	ssyncset.done $0x0  }
0x180: {  	[sflag:s21] =	ssyncadd.s32 $0xFFFFFFD8  }
0x181: {  	s11 =	rddreg [dreg:$0x1]  }
0x182: {  	s14 =	simm.s32 $0x200;
	s2 =	sadd.s32 s11, s2  }
0x183: {  	[tilespmem:s14], [sflag:$0x9] =	stream.linear.gather [hbm4b:s2+s3], $0x28, $0x38;
	[tilespmem:$0x14400] =	vst v63  }
0x184: {  	_ =	swait.ge [sflag:s21], $0x28  }
0x185: {  	[sflag:s21] =	ssyncset.done $0x0  }
0x186: {  	[sflag:s21] =	ssyncadd.s32 $0xFFFFFFD8  }
0x187: {  	v3 =	vld [tilespmem:$0x0];
	_ =	sdelay $0x4  }
0x188: {  	v4 =	vshll.u32 v3, $0x1  }
0x189: {  	v3 =	vand.u32 $0x7, v3;
	v4 =	vand.u32 $0xFFFFFFF0, v4  }
0x18a: {  	v3 =	vor.u32 v3, v4  }
0x18b: {  	v4 =	vperm.xlane v3, v0;
	_ =	sdelay $0x1  }
0x18c: {  	v3 =	vperm.xlane v3, v2;
	v4 =	vadd.s32 v1, v4;
	_ =	sdelay $0x1  }
0x18d: {  	v3 =	vadd.s32 v1, v3;
	_ =	sdelay $0x2  }
0x18e: {  	[tilespmem:s23], [sflag:$0x1] =	stream.indirect_vreg.gather [hbm4b:s4+s3], $0x80, v4, vm0, $0xb8;
	[tilespmem:$0x14400] =	vst v63  }
0x18f: {  	s11 =	simm.s32 $0xC00  }
0x190: {  	[tilespmem:s11], [sflag:$0x1] =	stream.indirect_vreg.gather [hbm4b:s4+s3], $0x80, v3, vm0, $0xb8;
	[tilespmem:$0x14400] =	vst v63  }
0x191: {  	v3 =	vld [tilespmem:$0x10];
	_ =	sdelay $0x4  }
0x192: {  	v59 =	vshll.u32 v3, $0x1  }
0x193: {  	v3 =	vand.u32 $0x7, v3;
	v4 =	vand.u32 $0xFFFFFFF0, v59  }
0x194: {  	v3 =	vor.u32 v3, v4  }
0x195: {  	v4 =	vperm.xlane v3, v0;
	_ =	sdelay $0x1  }
0x196: {  	v3 =	vperm.xlane v3, v2;
	v4 =	vadd.s32 v1, v4;
	_ =	sdelay $0x1  }
0x197: {  	v3 =	vadd.s32 v1, v3;
	_ =	sdelay $0x1  }
0x198: {  	s14 =	simm.s32 $0x1400  }
0x199: {  	[tilespmem:s14], [sflag:$0x1] =	stream.indirect_vreg.gather [hbm4b:s4+s3], $0x80, v4, vm0, $0xb8;
	[tilespmem:$0x14400] =	vst v63  }
0x19a: {  	s10 =	simm.s32 $0x1C00  }
0x19b: {  	[tilespmem:s10], [sflag:$0x1] =	stream.indirect_vreg.gather [hbm4b:s4+s3], $0x80, v3, vm0, $0xb8;
	[tilespmem:$0x14400] =	vst v63  }
0x19c: {  	v3 =	vld.msk [tilespmem:$0x20], $0xff;
	_ =	sdelay $0x4  }
0x19d: {  	v60 =	vshll.u32 v3, $0x1  }
0x19e: {  	v3 =	vand.u32 $0x7, v3;
	v4 =	vand.u32 $0xFFFFFFF0, v60  }
0x19f: {  	v3 =	vor.u32 v3, v4  }
0x1a0: {  	v3 =	vperm.xlane v3, v0;
	_ =	sdelay $0x1  }
0x1a1: {  	v3 =	vadd.s32 v1, v3;
	_ =	sdelay $0x3  }
0x1a2: {  	s11 =	simm.s32 $0x2400  }
0x1a3: {  	[tilespmem:s11], [sflag:$0x1] =	stream.indirect_vreg.gather [hbm4b:s4+s3], $0x80, v3, vm0, $0xb8;
	[tilespmem:$0x14400] =	vst v63  }
0x1a4: {  	v3 =	vld [tilespmem:$0x200];
	_ =	sdelay $0x4  }
0x1a5: {  	v61 =	vshll.u32 v3, $0x1  }
0x1a6: {  	v3 =	vand.u32 $0x7, v3;
	v4 =	vand.u32 $0xFFFFFFF0, v61  }
0x1a7: {  	v3 =	vor.u32 v3, v4  }
0x1a8: {  	v4 =	vperm.xlane v3, v0;
	_ =	sdelay $0x1  }
0x1a9: {  	v3 =	vperm.xlane v3, v2;
	v4 =	vadd.s32 v1, v4;
	_ =	sdelay $0x1  }
0x1aa: {  	v3 =	vadd.s32 v1, v3;
	_ =	sdelay $0x2  }
0x1ab: {  	[tilespmem:s29], [sflag:$0x1] =	stream.indirect_vreg.gather [hbm4b:s5+s3], $0x80, v4, vm0, $0xb8;
	[tilespmem:$0x14400] =	vst v63  }
0x1ac: {  	s14 =	simm.s32 $0xAC00  }
0x1ad: {  	[tilespmem:s14], [sflag:$0x1] =	stream.indirect_vreg.gather [hbm4b:s5+s3], $0x80, v3, vm0, $0xb8;
	[tilespmem:$0x14400] =	vst v63  }
0x1ae: {  	v3 =	vld [tilespmem:$0x210];
	_ =	sdelay $0x4  }
0x1af: {  	v62 =	vshll.u32 v3, $0x1  }
0x1b0: {  	v3 =	vand.u32 $0x7, v3;
	v4 =	vand.u32 $0xFFFFFFF0, v62  }
0x1b1: {  	v3 =	vor.u32 v3, v4  }
0x1b2: {  	v4 =	vperm.xlane v3, v0;
	_ =	sdelay $0x1  }
0x1b3: {  	v3 =	vperm.xlane v3, v2;
	v4 =	vadd.s32 v1, v4;
	_ =	sdelay $0x1  }
0x1b4: {  	v3 =	vadd.s32 v1, v3;
	_ =	sdelay $0x1  }
0x1b5: {  	s10 =	simm.s32 $0xB400  }
0x1b6: {  	[tilespmem:s10], [sflag:$0x1] =	stream.indirect_vreg.gather [hbm4b:s5+s3], $0x80, v4, vm0, $0xb8;
	[tilespmem:$0x14400] =	vst v63  }
0x1b7: {  	s11 =	simm.s32 $0xBC00  }
0x1b8: {  	[tilespmem:s11], [sflag:$0x1] =	stream.indirect_vreg.gather [hbm4b:s5+s3], $0x80, v3, vm0, $0xb8;
	[tilespmem:$0x14400] =	vst v63  }
0x1b9: {  	v3 =	vld.msk [tilespmem:$0x220], $0xff;
	_ =	sdelay $0x4  }
0x1ba: {  	v63 =	vshll.u32 v3, $0x1  }
0x1bb: {  	v3 =	vand.u32 $0x7, v3;
	v4 =	vand.u32 $0xFFFFFFF0, v63  }
0x1bc: {  	v3 =	vor.u32 v3, v4  }
0x1bd: {  	v3 =	vperm.xlane v3, v0;
	_ =	sdelay $0x1  }
0x1be: {  	v3 =	vadd.s32 v1, v3;
	_ =	sdelay $0x3  }
0x1bf: {  	s14 =	simm.s32 $0xC400  }
0x1c0: {  	[tilespmem:s14], [sflag:$0x1] =	stream.indirect_vreg.gather [hbm4b:s5+s3], $0x80, v3, vm0, $0xb8;
	[tilespmem:$0x14400] =	vst v63  }
.LBB2_10:
0x1c1: {  	p1 =	sgt.u32 s19, $0xF9  }
0x1c2: {  	s2 =	simm.s32 @!p1 $0x4  }
0x1c3: {  	_ =	swait.ge @!p1 [sflag:s2], $0x2800  }
0x1c4: {  	[sflag:s2] =	ssyncset.done @!p1 $0x0  }
0x1c5: {  	[sflag:s2] =	ssyncadd.s32 @!p1 $0xFFFFD800  }
0x1c6: {  	_ =	swait.ge @!p1 [sflag:s2], $0x2800  }
0x1c7: {  	[sflag:s2] =	ssyncset.done @!p1 $0x0  }
0x1c8: {  	s10 =	simm.s32 @!p1 $0x0;
	[sflag:s2] =	ssyncadd.s32 @!p1 $0xFFFFD800;
	s2 =	sadd.s32 @!p1 s20, s15  }
.Ltmp5:
0x1c9: {  	s11 =	simm.s32 @!p1 $0x7C00;
	s2 =	sadd.s32 @!p1 $0xF00, s2;
	(pc) =	sbr.rel @p0 .LBB2_12-.Ltmp5, $4  }
0x1ca: {  	[hbm4b:s2+s10] =	stream.linear.scatter @!p1 [tilespmem:s11], [sflag:$0x8], $0x2800, $0x38;
	[tilespmem:$0x14400] =	vst v63  }
0x1cb: {  	s2 =	sadd.s32 @!p1 s20, s16  }
0x1cc: {  	s11 =	simm.s32 @!p1 $0x11C00;
	s2 =	sadd.s32 @!p1 $0xF00, s2  }
0x1cd: {  	[hbm4b:s2+s10] =	stream.linear.scatter @!p1 [tilespmem:s11], [sflag:$0x8], $0x2800, $0x38;
	[tilespmem:$0x14400] =	vst v63  }
0x1ce: {  	_ =	swait.ge [sflag:s6], $0x2800  }
0x1cf: {  	[sflag:s6] =	ssyncset.done $0x0  }
0x1d0: {  	[sflag:s6] =	ssyncadd.s32 $0xFFFFD800  }
0x1d1: {  	_ =	swait.ge [sflag:s6], $0x2800  }
0x1d2: {  	[sflag:s6] =	ssyncset.done $0x0  }
0x1d3: {  	s2 =	sadd.s32 s8, s13;
	s10 =	simm.s32 $0x80;
	[sflag:s6] =	ssyncadd.s32 $0xFFFFD800  }
0x1d4: {  	[tilespmem:s10], [sflag:$0x9] =	stream.linear.gather [hbm4b:s2+s3], $0x28, $0x38;
	[tilespmem:$0x14400] =	vst v63  }
0x1d5: {  	_ =	swait.ge [sflag:s21], $0x28  }
0x1d6: {  	[sflag:s21] =	ssyncset.done $0x0  }
0x1d7: {  	s11 =	simm.s32 $0x280;
	s10 =	sadd.s32 s8, s12;
	[sflag:s21] =	ssyncadd.s32 $0xFFFFFFD8  }
0x1d8: {  	[tilespmem:s11], [sflag:$0x9] =	stream.linear.gather [hbm4b:s10+s3], $0x28, $0x38;
	[tilespmem:$0x14400] =	vst v63  }
0x1d9: {  	_ =	swait.ge [sflag:s21], $0x28  }
0x1da: {  	[sflag:s21] =	ssyncset.done $0x0  }
0x1db: {  	[sflag:s21] =	ssyncadd.s32 $0xFFFFFFD8  }
0x1dc: {  	v3 =	vld [tilespmem:$0x80];
	_ =	sdelay $0x4  }
0x1dd: {  	v4 =	vshll.u32 v3, $0x1  }
0x1de: {  	v3 =	vand.u32 $0x7, v3;
	v4 =	vand.u32 $0xFFFFFFF0, v4  }
0x1df: {  	v3 =	vor.u32 v3, v4  }
0x1e0: {  	v4 =	vperm.xlane v3, v0;
	_ =	sdelay $0x1  }
0x1e1: {  	v3 =	vperm.xlane v3, v2;
	v4 =	vadd.s32 v1, v4;
	_ =	sdelay $0x1  }
0x1e2: {  	v3 =	vadd.s32 v1, v3;
	_ =	sdelay $0x2  }
0x1e3: {  	[tilespmem:s9], [sflag:$0x2] =	stream.indirect_vreg.gather [hbm4b:s4+s3], $0x80, v4, vm0, $0xb8;
	[tilespmem:$0x14400] =	vst v63  }
0x1e4: {  	s14 =	simm.s32 $0x3400  }
0x1e5: {  	[tilespmem:s14], [sflag:$0x2] =	stream.indirect_vreg.gather [hbm4b:s4+s3], $0x80, v3, vm0, $0xb8;
	[tilespmem:$0x14400] =	vst v63  }
0x1e6: {  	v3 =	vld [tilespmem:$0x90];
	_ =	sdelay $0x4  }
0x1e7: {  	v59 =	vshll.u32 v3, $0x1  }
0x1e8: {  	v3 =	vand.u32 $0x7, v3;
	v4 =	vand.u32 $0xFFFFFFF0, v59  }
0x1e9: {  	v3 =	vor.u32 v3, v4  }
0x1ea: {  	v4 =	vperm.xlane v3, v0;
	_ =	sdelay $0x1  }
0x1eb: {  	v3 =	vperm.xlane v3, v2;
	v4 =	vadd.s32 v1, v4;
	_ =	sdelay $0x1  }
0x1ec: {  	v3 =	vadd.s32 v1, v3;
	_ =	sdelay $0x1  }
0x1ed: {  	s10 =	simm.s32 $0x3C00  }
0x1ee: {  	[tilespmem:s10], [sflag:$0x2] =	stream.indirect_vreg.gather [hbm4b:s4+s3], $0x80, v4, vm0, $0xb8;
	[tilespmem:$0x14400] =	vst v63  }
0x1ef: {  	s11 =	simm.s32 $0x4400  }
0x1f0: {  	[tilespmem:s11], [sflag:$0x2] =	stream.indirect_vreg.gather [hbm4b:s4+s3], $0x80, v3, vm0, $0xb8;
	[tilespmem:$0x14400] =	vst v63  }
0x1f1: {  	v3 =	vld.msk [tilespmem:$0xA0], $0xff;
	_ =	sdelay $0x4  }
0x1f2: {  	v60 =	vshll.u32 v3, $0x1  }
0x1f3: {  	v3 =	vand.u32 $0x7, v3;
	v4 =	vand.u32 $0xFFFFFFF0, v60  }
0x1f4: {  	v3 =	vor.u32 v3, v4  }
0x1f5: {  	v3 =	vperm.xlane v3, v0;
	_ =	sdelay $0x1  }
0x1f6: {  	v3 =	vadd.s32 v1, v3;
	_ =	sdelay $0x3  }
0x1f7: {  	s14 =	simm.s32 $0x4C00  }
0x1f8: {  	[tilespmem:s14], [sflag:$0x2] =	stream.indirect_vreg.gather [hbm4b:s4+s3], $0x80, v3, vm0, $0xb8;
	[tilespmem:$0x14400] =	vst v63  }
0x1f9: {  	v3 =	vld [tilespmem:$0x280];
	_ =	sdelay $0x4  }
0x1fa: {  	v61 =	vshll.u32 v3, $0x1  }
0x1fb: {  	v3 =	vand.u32 $0x7, v3;
	v4 =	vand.u32 $0xFFFFFFF0, v61  }
0x1fc: {  	v3 =	vor.u32 v3, v4  }
0x1fd: {  	v4 =	vperm.xlane v3, v0;
	_ =	sdelay $0x1  }
0x1fe: {  	v3 =	vperm.xlane v3, v2;
	v4 =	vadd.s32 v1, v4;
	_ =	sdelay $0x1  }
0x1ff: {  	v3 =	vadd.s32 v1, v3;
	_ =	sdelay $0x2  }
0x200: {  	[tilespmem:s22], [sflag:$0x2] =	stream.indirect_vreg.gather [hbm4b:s5+s3], $0x80, v4, vm0, $0xb8;
	[tilespmem:$0x14400] =	vst v63  }
0x201: {  	_ = 	snop  }
0x202: {  	[tilespmem:s24], [sflag:$0x2] =	stream.indirect_vreg.gather [hbm4b:s5+s3], $0x80, v3, vm0, $0xb8;
	[tilespmem:$0x14400] =	vst v63  }
0x203: {  	v3 =	vld [tilespmem:$0x290];
	_ =	sdelay $0x4  }
0x204: {  	v62 =	vshll.u32 v3, $0x1  }
0x205: {  	v3 =	vand.u32 $0x7, v3;
	v4 =	vand.u32 $0xFFFFFFF0, v62  }
0x206: {  	v3 =	vor.u32 v3, v4  }
0x207: {  	v4 =	vperm.xlane v3, v0;
	_ =	sdelay $0x1  }
0x208: {  	v3 =	vperm.xlane v3, v2;
	v4 =	vadd.s32 v1, v4;
	_ =	sdelay $0x1  }
0x209: {  	v3 =	vadd.s32 v1, v3;
	_ =	sdelay $0x2  }
0x20a: {  	[tilespmem:s25], [sflag:$0x2] =	stream.indirect_vreg.gather [hbm4b:s5+s3], $0x80, v4, vm0, $0xb8;
	[tilespmem:$0x14400] =	vst v63  }
0x20b: {  	_ = 	snop  }
0x20c: {  	[tilespmem:s26], [sflag:$0x2] =	stream.indirect_vreg.gather [hbm4b:s5+s3], $0x80, v3, vm0, $0xb8;
	[tilespmem:$0x14400] =	vst v63  }
0x20d: {  	v3 =	vld.msk [tilespmem:$0x2A0], $0xff;
	_ =	sdelay $0x4  }
0x20e: {  	v63 =	vshll.u32 v3, $0x1  }
0x20f: {  	v3 =	vand.u32 $0x7, v3;
	v4 =	vand.u32 $0xFFFFFFF0, v63  }
0x210: {  	v3 =	vor.u32 v3, v4  }
0x211: {  	v3 =	vperm.xlane v3, v0;
	_ =	sdelay $0x1  }
0x212: {  	v3 =	vadd.s32 v1, v3  }
.Ltmp6:
0x213: {  	_ = 	snop;
	(pc) =	sbr.rel .LBB2_2-.Ltmp6, $4  }
0x214: {  	_ = 	snop  }
0x215: {  	s7 =	sadd.s32 $0xA0, s7  }
0x216: {  	s20 =	sadd.s32 $0x1400, s20;
	s19 =	sadd.s32 $0x4, s19;
	s8 =	sadd.s32 $0x14, s8  }
0x217: {  	[tilespmem:s28], [sflag:$0x2] =	stream.indirect_vreg.gather [hbm4b:s5+s3], $0x80, v3, vm0, $0xb8;
	[tilespmem:$0x14400] =	vst v63  }
.LBB2_6:
0x218: {  	p1 =	sgt.u32 s19, $0xF9  }
.Ltmp7:
0x219: {  	_ = 	snop;
	(pc) =	sbr.rel @p1 .LBB2_8-.Ltmp7, $4  }
.Ltmp8:
0x21a: {  	_ = 	snop;
	(pc) =	sbr.rel @!p1 .LBB2_7-.Ltmp8, $4  }
0x21b: {  	_ = 	snop  }
0x21c: {  	_ = 	snop  }
0x21d: {  	_ = 	snop  }
0x21e: {  	_ = 	snop  }
.LBB2_13:
0x21f: {  	_ =	sfence.sel $0x180000  }
0x220: {  	[bflag:$0x0] =	sbarrier.arrive $0xFFFF  }
0x221: {  	_ =	strace $0x9000004D  }
0x222: {  	s0 =	stileid.u32;
	[bflag:$0x2] =	sbarrier.arrive $0xFFFF  }
0x223: {  	p0 =	sne.s32 s0, $0x0;
	s0 =	rddreg [dreg:$0x2]  }
0x224: {  	s0 =	sadd.s32 @!p0 $0x100000, s0  }
0x225: {  	[sflag:s0] =	ssyncadd.tile.s32 @!p0 $0x1;
	_ =	shalt  }
.Lfunc_end2:
_tile_overlayer_lowered:
.L_overlay_start_2:
0x226: {  	(tag) =	ssettag $0x2  }
0x227: {  	s0 =	rddreg [dreg:$0x0];
	s2 =	stileid.u32  }
0x228: {  	s1 =	rddreg [dreg:$0x1];
	p0 =	sne.s32 s2, $0x0  }
0x229: {  	s3 =	rddreg [dreg:$0x2];
	[bflag:$0x3] =	sbarrier.arrive $0xFFFF;
	s2 =	simm.s32 @!p0 $0x1C09  }
0x22a: {  	[timem:s3], [sflag:s2] =	dma.local @!p0 [hbm:s0], s1  }
0x22b: {  	s0 =	simm.s32 @!p0 $0x9  }
0x22c: {  	_ =	swait.ge @!p0 [sflag:s0], s1  }
0x22d: {  	s1 =	ssub.s32 @!p0 $0x0, s1;
	[sflag:s0] =	ssyncset.done @!p0 $0x0  }
0x22e: {  	[sflag:s0] =	ssyncadd.s32 @!p0 s1  }
0x22f: {  	[bflag:$0x3] =	sbarrier.arrive $0xFFFF  }
0x230: {  	_ =	shalt  }

// kernel: kernel.8.cloned.1.call-start
scs
__scs_entry_jumppad:
0x0: {  	(pc) =	sbr.rel $0x88, $3  }
0x1: {  	(tag) =	ssettag $0x0;
	lr =	simm.s32 $0x1  }
0x2: {  	[smem:$0x3F8E] =	sst lr;
	_ =	strace $0xD0000000  }
0x3: {  	_ = 	snop  }
0x4: {  	_ = 	snop  }
0x5: {  	_ = 	snop  }
0x6: {  	_ = 	snop  }
0x7: {  	_ = 	snop  }
__scs_overlays_trampoline_lowered:
0x8: {  	[smem:$0x3F9D] =	sst s0  }
0x9: {  	[smem:$0x3F9E] =	sst s1  }
0xa: {  	[smem:$0x3F9F] =	sst s2  }
0xb: {  	[smem:$0x3FA0] =	sst s3  }
0xc: {  	[smem:$0x3FA1] =	sst s4  }
0xd: {  	[smem:$0x3FA2] =	sst s5  }
0xe: {  	[smem:$0x3FA3] =	sst s6  }
0xf: {  	[smem:$0x3FA4] =	sst s7  }
0x10: {  	[smem:$0x3FA5] =	sst s8  }
0x11: {  	[smem:$0x3FA6] =	sst s9;
	s0 =	simm.s32 @!p0 $0x0  }
0x12: {  	s1 =	sld [smem:$0x3F8C];
	s0 =	simm.s32 @p0 $0x1  }
0x13: {  	[smem:$0x3FA7] =	sst s0;
	s0 =	simm.s32 @!p1 $0x0  }
0x14: {  	s2 =	sld [smem:$0x3F8B];
	s0 =	simm.s32 @p1 $0x1  }
0x15: {  	[smem:$0x3FA8] =	sst s0;
	s0 =	simm.s32 @!p2 $0x0  }
0x16: {  	s3 =	sld [smem:$0x3FDB];
	s0 =	simm.s32 @p2 $0x1  }
0x17: {  	s4 =	simm.s32 $0x1BF5;
	[smem:$0x3FAA] =	sst s0  }
0x18: {  	s0 =	sld [smem:$0x3F8D];
	_ =	swait.ge [sflag:s4], $0x0  }
0x19: {  	s7 =	sld [smem:$0x3F8E]  }
0x1a: {  	s8 =	sadd.s32 $0xFFFFE003, lr  }
0x1b: {  	s9 =	sadd.s32 $0xFFFFFEF7, lr;
	s5 =	simm.s32 $0xFFFFFFFF;
	p2 =	slt.u32 s8, $0xFFFFF086  }
0x1c: {  	p1 =	slt.u32 s9, $0xF7A;
	s5 =	simm.s32 @!p2 $0x0  }
0x1d: {  	s5 =	simm.s32 @p1 $0x1;
	p0 =	seq.s32 s7, s2  }
0x1e: {  	s7 =	smul.u32 @!p0 $0xF7A, s2;
	p2 =	seq.s32 @!p0 s5, $0x0  }
0x1f: {  	s9 =	smul.u32 $0xF7A, s1;
	s8 =	simm.s32 @!p0 $0x1BF5;
	p2 =	por !p2, p0  }
0x20: {  	[sflag:s8] =	ssyncset.s32 @!p0 $0xFFFFF086;
	s6 =	sadd.s32 @!p0 s3, s7;
	s7 =	simm.s32 @!p0 $0x108  }
0x21: {  	s3 =	sadd.s32 s3, s9;
	s6 =	sadd.s32 @!p0 $0x88, s6;
	s7 =	simm.s32 @p2 $0x1082  }
0x22: {  	[simem:s7], [sflag:s8] =	dma.local @!p0 [hbm:s6], $0xF7A  }
0x23: {  	s9 =	sor.u32 $0xD0000000, s2;
	s6 =	simm.s32 $0x108;
	_ =	swait.ge @!p0 [sflag:s8], $0x0  }
0x24: {  	s3 =	sadd.s32 $0x88, s3;
	s6 =	simm.s32 @!p1 $0x1082;
	[sflag:s4] =	ssyncset.s32 $0xFFFFF086  }
0x25: {  	[simem:s6], [sflag:s4] =	dma.local [hbm:s3], $0xF7A  }
0x26: {  	[smem:$0x3F8E] =	sst s1;
	(tag) =	ssettag s2;
	_ =	strace s9  }
0x27: {  	s1 =	sld [smem:$0x3F9E]  }
0x28: {  	s2 =	sld [smem:$0x3F9F]  }
0x29: {  	s4 =	sld [smem:$0x3FA1]  }
0x2a: {  	p0 =	seq.s32 s5, $0x0;
	s5 =	sld [smem:$0x3FA2]  }
0x2b: {  	s6 =	sld [smem:$0x3FA3]  }
0x2c: {  	s7 =	sld [smem:$0x3FA4]  }
0x2d: {  	s3 =	simm.s32 $0x108;
	s8 =	sld [smem:$0x3FA5]  }
0x2e: {  	s3 =	simm.s32 @!p0 $0x1082;
	s9 =	sld [smem:$0x3FA6]  }
0x2f: {  	lr =	sadd.s32 s0, s3;
	s0 =	sld [smem:$0x3F9D]  }
0x30: {  	s3 =	sld [smem:$0x3FA0]  }
0x31: {  	[smem:$0x3FA9] =	sst s10  }
0x32: {  	s10 =	sld [smem:$0x3FA7];
	_ =	sdelay $0x3  }
0x33: {  	p0 =	seq.s32 s10, $0x1;
	s10 =	sld [smem:$0x3FA9];
	_ =	sdelay $0x3  }
0x34: {  	[smem:$0x3FA9] =	sst s10  }
0x35: {  	s10 =	sld [smem:$0x3FA8];
	_ =	sdelay $0x3  }
0x36: {  	p1 =	seq.s32 s10, $0x1;
	s10 =	sld [smem:$0x3FA9];
	_ =	sdelay $0x3  }
0x37: {  	[smem:$0x3FA9] =	sst s10  }
0x38: {  	s10 =	sld [smem:$0x3FAA]  }
0x39: {  	_ = 	snop;
	(pc) =	sbr.ind lr, $3  }
0x3a: {  	_ = 	snop  }
0x3b: {  	_ = 	snop  }
0x3c: {  	p2 =	seq.s32 s10, $0x1;
	s10 =	sld [smem:$0x3FA9]  }
0x3d: {  	_ =	shalt  }
0x3e: {  	_ =	shalt  }
0x3f: {  	_ =	shalt  }
0x40: {  	_ =	shalt  }
0x41: {  	_ =	shalt  }
0x42: {  	_ =	shalt  }
0x43: {  	_ =	shalt  }
0x44: {  	_ =	shalt  }
0x45: {  	_ =	shalt  }
0x46: {  	_ =	shalt  }
0x47: {  	_ =	shalt  }
0x48: {  	_ =	shalt  }
0x49: {  	_ =	shalt  }
0x4a: {  	_ =	shalt  }
0x4b: {  	_ =	shalt  }
0x4c: {  	_ =	shalt  }
0x4d: {  	_ =	shalt  }
0x4e: {  	_ =	shalt  }
0x4f: {  	_ =	shalt  }
0x50: {  	_ =	shalt  }
0x51: {  	_ =	shalt  }
0x52: {  	_ =	shalt  }
0x53: {  	_ =	shalt  }
0x54: {  	_ =	shalt  }
0x55: {  	_ =	shalt  }
0x56: {  	_ =	shalt  }
0x57: {  	_ =	shalt  }
0x58: {  	_ =	shalt  }
0x59: {  	_ =	shalt  }
0x5a: {  	_ =	shalt  }
0x5b: {  	_ =	shalt  }
0x5c: {  	_ =	shalt  }
0x5d: {  	_ =	shalt  }
0x5e: {  	_ =	shalt  }
0x5f: {  	_ =	shalt  }
0x60: {  	_ =	shalt  }
0x61: {  	_ =	shalt  }
0x62: {  	_ =	shalt  }
0x63: {  	_ =	shalt  }
0x64: {  	_ =	shalt  }
0x65: {  	_ =	shalt  }
0x66: {  	_ =	shalt  }
0x67: {  	_ =	shalt  }
0x68: {  	_ =	shalt  }
0x69: {  	_ =	shalt  }
0x6a: {  	_ =	shalt  }
0x6b: {  	_ =	shalt  }
0x6c: {  	_ =	shalt  }
0x6d: {  	_ =	shalt  }
0x6e: {  	_ =	shalt  }
0x6f: {  	_ =	shalt  }
0x70: {  	_ =	shalt  }
0x71: {  	_ =	shalt  }
0x72: {  	_ =	shalt  }
0x73: {  	_ =	shalt  }
0x74: {  	_ =	shalt  }
0x75: {  	_ =	shalt  }
0x76: {  	_ =	shalt  }
0x77: {  	_ =	shalt  }
0x78: {  	_ =	shalt  }
0x79: {  	_ =	shalt  }
0x7a: {  	_ =	shalt  }
0x7b: {  	_ =	shalt  }
0x7c: {  	_ =	shalt  }
0x7d: {  	_ =	shalt  }
0x7e: {  	_ =	shalt  }
0x7f: {  	_ =	shalt  }
0x80: {  	_ =	shalt  }
0x81: {  	_ =	shalt  }
0x82: {  	_ =	shalt  }
0x83: {  	_ =	shalt  }
0x84: {  	_ =	shalt  }
0x85: {  	_ =	shalt  }
0x86: {  	_ =	shalt  }
0x87: {  	_ =	shalt  }
.Lfunc_end0:
.L_simem_size_0:
called_computation_lowered:
.L_overlay_start_0:
0x88: {  	s2 =	sld [smem:$0x3FD9]  }
0x89: {  	s3 =	sld [smem:$0x3FFE];
	_ =	sdelay $0x1  }
0x8a: {  	s1 =	srdreg.scid  }
0x8b: {  	s0 =	sand.u32 $0x1, s1  }
0x8c: {  	s17 =	sshll.u32 s0, $0xA;
	s2 =	sadd.s32 s3, s2  }
0x8d: {  	s2 =	sadd.s32 s2, s17  }
0x8e: {  	[smem:$0x3FB5] =	sst s2  }
0x8f: {  	_ = 	snop  }
0x90: {  	s2 =	sld [smem:$0x3FC9]  }
0x91: {  	s18 =	sld [smem:$0x3FD0];
	(tm) =	ssettm $0x1  }
0x92: {  	s4 =	sld [smem:$0x3FFB];
	_ =	sdelay $0x3  }
0x93: {  	_ =	strace s4  }
0x94: {  	s4 =	sld [smem:$0x3FFC];
	_ =	sdelay $0x3  }
0x95: {  	_ =	strace s4  }
0x96: {  	s4 =	sld [smem:$0x3FFD];
	_ =	sdelay $0x3  }
0x97: {  	_ =	strace s4  }
0x98: {  	_ =	strace $0x8FFFFFFF  }
0x99: {  	s19 =	sld [smem:$0x3FDB];
	_ =	sdelay $0x1  }
0x9a: {  	s5 =	simm.s32 $_scs_section_size  }
0x9b: {  	s6 =	simm.s32 $_size__tile_overlayer_lowered;
	s7 =	simm.s32 $_tile_overlayer_lowered  }
0x9c: {  	s22 =	simm.s32 $0x1BFF;
	s21 =	sshll.u32 s7, $0x1;
	s4 =	sadd.s32 s5, s19  }
0x9d: {  	s8 =	simm.s32 $0x0;
	s20 =	sshll.u32 s6, $0x1;
	s6 =	sadd.s32 s21, s4  }
0x9e: {  	[timem:s8], [sflag:s22] =	dma.local [hbm:s6], s20  }
0x9f: {  	_ =	swait.ge [sflag:s22], s20  }
0xa0: {  	s5 =	ssub.s32 $0x0, s20;
	[sflag:s22] =	ssyncset.done $0x0  }
0xa1: {  	[sflag:s22] =	ssyncadd.s32 s5;
	_ =	sdelay $0x1  }
0xa2: {  	s23 =	simm.s32 $0x1B8B  }
0xa3: {  	_ =	swait.ge [sflag:s23], $0x1  }
0xa4: {  	[sflag:s23] =	ssyncset.done $0x0  }
0xa5: {  	s25 =	simm.s32 $0x1B8E;
	s24 =	sld [smem:$0x3FFE];
	[sflag:s23] =	ssyncadd.s32 $0xFFFFFFFF  }
0xa6: {  	s26 =	simm.s32 $execute0_lowered;
	[smem:$0x3FD2] =	sst s25  }
0xa7: {  	s6 =	sshll.u32 s26, $0x1;
	_ =	strace $0x80000046;
	[dreg:$0x1] =	wrdreg $0xFFFFFFFF  }
0xa8: {  	s28 =	simm.s32 $_size_execute0_lowered;
	s4 =	sadd.s32 s4, s6;
	[dreg:$0x0] =	wrdreg $0x0  }
0xa9: {  	s6 =	sshll.u32 s28, $0x1;
	[dreg:$0x2] =	wrdreg s4  }
0xaa: {  	[dreg:$0x3] =	wrdreg s6  }
0xab: {  	[dreg:$0x4] =	wrdreg $0xC0  }
0xac: {  	_ =	task [dreg:s8], $0x5FFFF  }
0xad: {  	[dreg:$0x1] =	wrdreg $0xFFFFFFFF  }
0xae: {  	[dreg:$0x0] =	wrdreg $0x60  }
0xaf: {  	[dreg:$0x2] =	wrdreg s2  }
0xb0: {  	[dreg:$0x3] =	wrdreg s24  }
0xb1: {  	[dreg:$0x4] =	wrdreg s18  }
0xb2: {  	[dreg:$0x5] =	wrdreg $0x9  }
0xb3: {  	_ =	task.clear_ibuf [dreg:s8], $0x6FFFF;
	_ =	strace $0x90000046  }
0xb4: {  	s29 =	simm.s32 $0x9;
	_ =	strace $0x80000048  }
0xb5: {  	_ =	swait.ge [sflag:s29], $0x1  }
0xb6: {  	[sflag:s29] =	ssyncadd.s32 $0xFFFFFFFF  }
0xb7: {  	_ =	strace $0x90000048  }
0xb8: {  	_ =	sfence  }
0xb9: {  	s30 =	sld [smem:$0x0];
	_ =	sdelay $0x2  }
0xba: {  	s31 =	sshll.u32 s1, $0xD;
	s1 =	sshrl.u32 s1, $0x2  }
0xbb: {  	s3 =	sand.u32 $0x4000, s31;
	s1 =	sadd.s32 s1, s30  }
0xbc: {  	s0 =	sor.u32 s3, s0;
	s1 =	sshll.u32 s1, $0x11  }
0xbd: {  	s0 =	sor.u32 s1, s0  }
0xbe: {  	s0 =	sadd.s32 $0x8F2B, s0  }
0xbf: {  	[sflag:s0] =	ssyncadd.remote.s32 $0x1  }
0xc0: {  	_ =	sfence.sel $0xFFFF  }
0xc1: {  	[dreg:$0x0] =	wrdreg $0xFFFFFFFF;
	(pc) =	sbr.abs _section_cstart, $3  }
0xc2: {  	[dreg:$0x1] =	wrdreg $0xFFFFFFFF  }
0xc3: {  	_ =	task.clear_ibuf [dreg:s8], $0x2FFFF;
	_ =	strace $0x9FFFFFFF  }
0xc4: {  	(tm) =	ssettm $0x7FFFFFFF  }
0xc5: {  	_ =	shalt  }
tec
execute0_lowered:
.L_overlay_start_1:
0x0: {  	(tag) =	ssettag $0x1  }
0x1: {  	s2 =	rddreg [dreg:$0x0]  }
0x2: {  	s0 =	rddreg [dreg:$0x1]  }
0x3: {  	s13 =	rddreg [dreg:$0x2]  }
0x4: {  	s3 =	stileid.u32;
	s1 =	srdreg.scid;
	s4 =	simm.s32 $0x0  }
0x5: {  	s30 =	simm.s32 $0x1;
	s31 =	simm.s32 $0x8;
	s6 =	smul.u32 $0x4E200, s3  }
0x6: {  	s29 =	simm.s32 $0x11C00;
	s1 =	sand.u32 $0x1, s1;
	s9 =	smul.u32 $0x4E20, s3  }
0x7: {  	s5 =	sshll.u32 s3, $0x1;
	[smem:$0x7FF] =	sst s4;
	s11 =	smul.u32 $0x2710, s1  }
0x8: {  	s5 =	sor.u32 s1, s5;
	s8 =	ssub.s32 $0x2, s1;
	s1 =	smul.u32 $0x27100, s1  }
0x9: {  	s28 =	smov.u32 s13;
	_ =	strace $0x80000047;
	s7 =	smul.u32 $0x2710, s5  }
0xa: {  	s5 =	sadd.s32 $0x4C00, s0;
	s10 =	sshrl.u32 s8, $0x1;
	s0 =	sadd.s32 s6, s0  }
0xb: {  	s14 =	ssub.s32 s8, s10;
	s17 =	sadd.s32 s11, s9;
	s0 =	sadd.s32 s1, s0  }
0xc: {  	s1 =	simm.s32 $0x380;
	s7 =	sshrl.u32 s7, $0x3;
	s9 =	sadd.s32 $0x190, s17  }
0xd: {  	s20 =	smax.u32 s14, $0x1;
	s22 =	sadd.s32 $0x140, s17;
	s14 =	sadd.s32 $0xEA00, s0  }
0xe: {  	s23 =	sadd.s32 $0xF0, s17;
	s25 =	sadd.s32 $0xA0, s17;
	s15 =	sadd.s32 s5, s7  }
0xf: {  	s16 =	sadd.s32 s13, s7;
	s7 =	sadd.s32 $0xA, s7;
	[dreg:$0x8] =	wrdreg s20  }
0x10: {  	s21 =	sshrl.u32 s9, $0x3;
	[dreg:$0x9] =	wrdreg s22;
	s24 =	sshrl.u32 s23, $0x3  }
0x11: {  	s26 =	sshrl.u32 s25, $0x3;
	s20 =	simm.s32 $0x9;
	[dreg:$0x4] =	wrdreg s15  }
0x12: {  	s22 =	simm.s32 $0x50;
	s23 =	simm.s32 $0x400;
	[dreg:$0x5] =	wrdreg s16  }
.Ltmp0:
0x13: {  	s18 =	sadd.s32 s5, s7;
	s19 =	sadd.s32 s13, s7;
	(pc) =	sbr.rel .LBB2_1-.Ltmp0, $4  }
0x14: {  	s11 =	sadd.s32 s21, s13;
	s12 =	sadd.s32 s21, s5;
	s15 =	sadd.s32 $0x4F0A00, s0  }
0x15: {  	s16 =	sadd.s32 s24, s13;
	s17 =	sadd.s32 s24, s5;
	s24 =	simm.s32 $0xA400  }
0x16: {  	s0 =	simm.s32 $0x180;
	s7 =	simm.s32 $0x0;
	[dreg:$0x6] =	wrdreg s18  }
0x17: {  	[dreg:$0x7] =	wrdreg s19;
	s18 =	sadd.s32 s26, s13;
	s19 =	sadd.s32 s26, s5  }
.LBB2_7:
0x18: {  	s3 =	simm.s32 $0x6  }
0x19: {  	_ =	swait.ge [sflag:s3], $0x2800  }
0x1a: {  	[sflag:s3] =	ssyncset.done $0x0  }
0x1b: {  	[sflag:s3] =	ssyncadd.s32 $0xFFFFD800  }
0x1c: {  	_ =	swait.ge [sflag:s3], $0x2800  }
0x1d: {  	[sflag:s3] =	ssyncset.done $0x0  }
0x1e: {  	s25 =	simm.s32 $0x7;
	[sflag:s3] =	ssyncadd.s32 $0xFFFFD800  }
0x1f: {  	_ =	swait.ge [sflag:s25], $0x2800  }
0x20: {  	[sflag:s25] =	ssyncset.done $0x0  }
0x21: {  	[sflag:s25] =	ssyncadd.s32 $0xFFFFD800  }
0x22: {  	_ =	swait.ge [sflag:s25], $0x2800  }
0x23: {  	[sflag:s25] =	ssyncset.done $0x0  }
0x24: {  	[sflag:s25] =	ssyncadd.s32 $0xFFFFD800  }
0x25: {  	_ =	swait.ge [sflag:s31], $0x2800  }
0x26: {  	[sflag:s31] =	ssyncset.done $0x0  }
0x27: {  	[sflag:s31] =	ssyncadd.s32 $0xFFFFD800  }
0x28: {  	_ =	swait.ge [sflag:s31], $0x2800  }
0x29: {  	[sflag:s31] =	ssyncset.done $0x0  }
0x2a: {  	s6 =	simm.s32 $0x5;
	[sflag:s31] =	ssyncadd.s32 $0xFFFFD800  }
0x2b: {  	_ =	swait.ge [sflag:s6], $0x2800  }
0x2c: {  	[sflag:s6] =	ssyncset.done $0x0  }
0x2d: {  	[sflag:s6] =	ssyncadd.s32 $0xFFFFD800  }
0x2e: {  	_ =	swait.ge [sflag:s6], $0x2800  }
0x2f: {  	s7 =	rddreg [dreg:$0xa]  }
0x30: {  	s26 =	rddreg [dreg:$0x8];
	s7 =	sadd.s32 $0x1, s7  }
0x31: {  	p0 =	sne.s32 s7, s26  }
.Ltmp1:
0x32: {  	_ = 	snop;
	(pc) =	sbr.rel @!p0 .LBB2_8-.Ltmp1, $3  }
0x33: {  	_ =	sdelay $0x1  }
0x34: {  	[sflag:s6] =	ssyncset.done $0x0  }
0x35: {  	[sflag:s6] =	ssyncadd.s32 $0xFFFFD800  }
.LBB2_1:
0x36: {  	[dreg:$0xa] =	wrdreg s7  }
0x37: {  	s3 =	rddreg [dreg:$0x4]  }
0x38: {  	[tilespmem:s4], [sflag:$0x9] =	stream.linear.gather [hbm4b:s3+s4], $0x50, $0x38;
	[tilespmem:$0x14400] =	vst v63  }
0x39: {  	_ =	swait.ge [sflag:s20], $0x50  }
0x3a: {  	[sflag:s20] =	ssyncset.done $0x0  }
0x3b: {  	s6 =	simm.s32 $0x200;
	s8 =	rddreg [dreg:$0x5];
	[sflag:s20] =	ssyncadd.s32 $0xFFFFFFB0  }
0x3c: {  	[tilespmem:s6], [sflag:$0x9] =	stream.linear.gather [hbm4b:s8+s4], $0x50, $0x38;
	[tilespmem:$0x14400] =	vst v63  }
0x3d: {  	_ =	swait.ge [sflag:s20], $0x50  }
0x3e: {  	[sflag:s20] =	ssyncset.done $0x0  }
0x3f: {  	[sflag:s20] =	ssyncadd.s32 $0xFFFFFFB0  }
0x40: {  	[tilespmem:s23], [sflag:$0x1] =	stream.indirect.gather [hbm4b:s2+s22], $0x80, s4, s22, $0xb8;
	[tilespmem:$0x14400] =	vst v63  }
0x41: {  	_ = 	snop  }
0x42: {  	[tilespmem:s24], [sflag:$0x1] =	stream.indirect.gather [hbm4b:s2+s22], $0x80, s6, s22, $0xb8;
	[tilespmem:$0x14400] =	vst v63  }
0x43: {  	s10 =	simm.s32 $0x80;
	s9 =	rddreg [dreg:$0x6]  }
0x44: {  	[tilespmem:s10], [sflag:$0x9] =	stream.linear.gather [hbm4b:s9+s4], $0x50, $0x38;
	[tilespmem:$0x14400] =	vst v63  }
0x45: {  	_ =	swait.ge [sflag:s20], $0x50  }
0x46: {  	[sflag:s20] =	ssyncset.done $0x0  }
0x47: {  	s21 =	simm.s32 $0x280;
	s13 =	rddreg [dreg:$0x7];
	[sflag:s20] =	ssyncadd.s32 $0xFFFFFFB0  }
0x48: {  	[tilespmem:s21], [sflag:$0x9] =	stream.linear.gather [hbm4b:s13+s4], $0x50, $0x38;
	[tilespmem:$0x14400] =	vst v63  }
0x49: {  	_ =	swait.ge [sflag:s20], $0x50  }
0x4a: {  	[sflag:s20] =	ssyncset.done $0x0  }
.Ltmp2:
0x4b: {  	s25 =	simm.s32 $0x2C00;
	[sflag:s20] =	ssyncadd.s32 $0xFFFFFFB0;
	(pc) =	sbr.rel .LBB2_2-.Ltmp2, $4  }
0x4c: {  	[tilespmem:s25], [sflag:$0x2] =	stream.indirect.gather [hbm4b:s2+s22], $0x80, s10, s22, $0xb8;
	[tilespmem:$0x14400] =	vst v63  }
0x4d: {  	s26 =	simm.s32 $0xCC00;
	s13 =	rddreg [dreg:$0x9];
	s10 =	simm.s32 $0x3  }
0x4e: {  	[tilespmem:s26], [sflag:$0x2] =	stream.indirect.gather [hbm4b:s2+s22], $0x80, s21, s22, $0xb8;
	[tilespmem:$0x14400] =	vst v63  }
0x4f: {  	s25 =	simm.s32 $0x0;
	s21 =	simm.s32 $0x0;
	s26 =	simm.s32 $0x0  }
.LBB2_3:
0x50: {  	_ =	swait.ge [sflag:s31], $0x2800  }
0x51: {  	[sflag:s31] =	ssyncset.done $0x0  }
0x52: {  	[sflag:s31] =	ssyncadd.s32 $0xFFFFD800  }
0x53: {  	_ =	swait.ge [sflag:s31], $0x2800  }
0x54: {  	[sflag:s31] =	ssyncset.done $0x0  }
0x55: {  	[sflag:s31] =	ssyncadd.s32 $0xFFFFD800  }
.LBB2_5:
0x56: {  	s3 =	sadd.s32 s21, s17  }
0x57: {  	[tilespmem:s0], [sflag:$0x9] =	stream.linear.gather [hbm4b:s3+s4], $0x50, $0x38;
	[tilespmem:$0x14400] =	vst v63  }
0x58: {  	_ =	swait.ge [sflag:s20], $0x50  }
0x59: {  	[sflag:s20] =	ssyncset.done $0x0  }
0x5a: {  	s8 =	sadd.s32 s21, s16;
	[sflag:s20] =	ssyncadd.s32 $0xFFFFFFB0  }
0x5b: {  	[tilespmem:s1], [sflag:$0x9] =	stream.linear.gather [hbm4b:s8+s4], $0x50, $0x38;
	[tilespmem:$0x14400] =	vst v63  }
0x5c: {  	_ =	swait.ge [sflag:s20], $0x50  }
0x5d: {  	[sflag:s20] =	ssyncset.done $0x0  }
0x5e: {  	s9 =	simm.s32 $0x7C00;
	[sflag:s20] =	ssyncadd.s32 $0xFFFFFFB0  }
0x5f: {  	[tilespmem:s9], [sflag:$0x4] =	stream.indirect.gather [hbm4b:s2+s22], $0x80, s0, s22, $0xb8;
	[tilespmem:$0x14400] =	vst v63  }
0x60: {  	_ = 	snop  }
0x61: {  	[tilespmem:s29], [sflag:$0x4] =	stream.indirect.gather [hbm4b:s2+s22], $0x80, s1, s22, $0xb8;
	[tilespmem:$0x14400] =	vst v63  }
.LBB2_6:
0x62: {  	s3 =	simm.s32 @!p0 $0x3  }
0x63: {  	_ =	swait.ge @!p0 [sflag:s3], $0x2800  }
0x64: {  	[sflag:s3] =	ssyncset.done @!p0 $0x0  }
0x65: {  	[sflag:s3] =	ssyncadd.s32 @!p0 $0xFFFFD800  }
0x66: {  	_ =	swait.ge @!p0 [sflag:s3], $0x2800  }
0x67: {  	[sflag:s3] =	ssyncset.done @!p0 $0x0  }
0x68: {  	[sflag:s3] =	ssyncadd.s32 @!p0 $0xFFFFD800;
	s3 =	sadd.s32 @!p0 s25, s14  }
0x69: {  	s6 =	simm.s32 @!p0 $0x0;
	s7 =	simm.s32 @!p0 $0x5400;
	s3 =	sadd.s32 @!p0 $0xA00, s3  }
0x6a: {  	[hbm4b:s3+s6] =	stream.linear.scatter @!p0 [tilespmem:s7], [sflag:$0x7], $0x2800, $0x38;
	[tilespmem:$0x14400] =	vst v63  }
0x6b: {  	s3 =	sadd.s32 @!p0 s25, s15  }
0x6c: {  	s7 =	simm.s32 @!p0 $0xF400;
	s3 =	sadd.s32 @!p0 $0xA00, s3  }
0x6d: {  	[hbm4b:s3+s6] =	stream.linear.scatter @!p0 [tilespmem:s7], [sflag:$0x7], $0x2800, $0x38;
	[tilespmem:$0x14400] =	vst v63  }
0x6e: {  	p0 =	seq.s32 s25, $0x26C00  }
0x6f: {  	s3 =	simm.s32 @!p0 $0x5  }
0x70: {  	_ =	swait.ge @!p0 [sflag:s3], $0x2800  }
0x71: {  	[sflag:s3] =	ssyncset.done @!p0 $0x0  }
0x72: {  	[sflag:s3] =	ssyncadd.s32 @!p0 $0xFFFFD800  }
0x73: {  	_ =	swait.ge @!p0 [sflag:s3], $0x2800  }
0x74: {  	s6 =	sshrl.u32 @!p0 s13, $0x3;
	[sflag:s3] =	ssyncset.done @!p0 $0x0  }
0x75: {  	s7 =	simm.s32 @!p0 $0x0;
	[sflag:s3] =	ssyncadd.s32 @!p0 $0xFFFFD800;
	s3 =	sadd.s32 @!p0 s5, s6  }
0x76: {  	[tilespmem:s7], [sflag:$0x9] =	stream.linear.gather @!p0 [hbm4b:s3+s7], $0x50, $0x38;
	[tilespmem:$0x14400] =	vst v63  }
0x77: {  	s3 =	simm.s32 @!p0 $0x9  }
0x78: {  	_ =	swait.ge @!p0 [sflag:s3], $0x50  }
0x79: {  	[sflag:s3] =	ssyncset.done @!p0 $0x0  }
0x7a: {  	s8 =	simm.s32 @!p0 $0x200;
	s6 =	sadd.s32 @!p0 s28, s6;
	[sflag:s3] =	ssyncadd.s32 @!p0 $0xFFFFFFB0  }
0x7b: {  	[tilespmem:s8], [sflag:$0x9] =	stream.linear.gather @!p0 [hbm4b:s6+s7], $0x50, $0x38;
	[tilespmem:$0x14400] =	vst v63  }
0x7c: {  	_ =	swait.ge @!p0 [sflag:s3], $0x50  }
0x7d: {  	[sflag:s3] =	ssyncset.done @!p0 $0x0  }
0x7e: {  	s6 =	simm.s32 @!p0 $0x400;
	[sflag:s3] =	ssyncadd.s32 @!p0 $0xFFFFFFB0;
	s3 =	simm.s32 @!p0 $0x50  }
0x7f: {  	[tilespmem:s6], [sflag:$0x1] =	stream.indirect.gather @!p0 [hbm4b:s2+s3], $0x80, s7, s3, $0xb8;
	[tilespmem:$0x14400] =	vst v63  }
0x80: {  	s6 =	simm.s32 @!p0 $0xA400  }
0x81: {  	[tilespmem:s6], [sflag:$0x1] =	stream.indirect.gather @!p0 [hbm4b:s2+s3], $0x80, s8, s3, $0xb8;
	[tilespmem:$0x14400] =	vst v63  }
0x82: {  	p0 =	sgt.u32 s10, $0x7C  }
0x83: {  	s3 =	simm.s32 @!p0 $0x4  }
0x84: {  	_ =	swait.ge @!p0 [sflag:s3], $0x2800  }
0x85: {  	[sflag:s3] =	ssyncset.done @!p0 $0x0  }
0x86: {  	[sflag:s3] =	ssyncadd.s32 @!p0 $0xFFFFD800  }
0x87: {  	_ =	swait.ge @!p0 [sflag:s3], $0x2800  }
0x88: {  	[sflag:s3] =	ssyncset.done @!p0 $0x0  }
0x89: {  	[sflag:s3] =	ssyncadd.s32 @!p0 $0xFFFFD800;
	s3 =	sadd.s32 @!p0 s25, s14  }
0x8a: {  	s6 =	simm.s32 @!p0 $0x0;
	s7 =	simm.s32 @!p0 $0x7C00;
	s3 =	sadd.s32 @!p0 $0xF00, s3  }
0x8b: {  	[hbm4b:s3+s6] =	stream.linear.scatter @!p0 [tilespmem:s7], [sflag:$0x8], $0x2800, $0x38;
	[tilespmem:$0x14400] =	vst v63  }
0x8c: {  	s3 =	sadd.s32 @!p0 s25, s15  }
0x8d: {  	s7 =	simm.s32 @!p0 $0x11C00;
	s3 =	sadd.s32 @!p0 $0xF00, s3  }
0x8e: {  	[hbm4b:s3+s6] =	stream.linear.scatter @!p0 [tilespmem:s7], [sflag:$0x8], $0x2800, $0x38;
	[tilespmem:$0x14400] =	vst v63  }
0x8f: {  	p0 =	sgt.u32 s26, $0x1D  }
0x90: {  	s3 =	simm.s32 @!p0 $0x6  }
0x91: {  	_ =	swait.ge @!p0 [sflag:s3], $0x2800  }
0x92: {  	[sflag:s3] =	ssyncset.done @!p0 $0x0  }
0x93: {  	[sflag:s3] =	ssyncadd.s32 @!p0 $0xFFFFD800  }
0x94: {  	_ =	swait.ge @!p0 [sflag:s3], $0x2800  }
0x95: {  	s6 =	simm.s32 @!p0 $0x0;
	[sflag:s3] =	ssyncset.done @!p0 $0x0  }
0x96: {  	s7 =	simm.s32 @!p0 $0x80;
	[sflag:s3] =	ssyncadd.s32 @!p0 $0xFFFFD800;
	s3 =	sadd.s32 @!p0 s21, s12  }
0x97: {  	[tilespmem:s7], [sflag:$0x9] =	stream.linear.gather @!p0 [hbm4b:s3+s6], $0x50, $0x38;
	[tilespmem:$0x14400] =	vst v63  }
0x98: {  	s3 =	simm.s32 @!p0 $0x9  }
0x99: {  	_ =	swait.ge @!p0 [sflag:s3], $0x50  }
0x9a: {  	[sflag:s3] =	ssyncset.done @!p0 $0x0  }
0x9b: {  	s8 =	sadd.s32 @!p0 s21, s11;
	s9 =	simm.s32 @!p0 $0x280;
	[sflag:s3] =	ssyncadd.s32 @!p0 $0xFFFFFFB0  }
0x9c: {  	[tilespmem:s9], [sflag:$0x9] =	stream.linear.gather @!p0 [hbm4b:s8+s6], $0x50, $0x38;
	[tilespmem:$0x14400] =	vst v63  }
0x9d: {  	_ =	swait.ge @!p0 [sflag:s3], $0x50  }
0x9e: {  	[sflag:s3] =	ssyncset.done @!p0 $0x0  }
0x9f: {  	s6 =	simm.s32 @!p0 $0x2C00;
	[sflag:s3] =	ssyncadd.s32 @!p0 $0xFFFFFFB0;
	s3 =	simm.s32 @!p0 $0x50  }
0xa0: {  	[tilespmem:s6], [sflag:$0x2] =	stream.indirect.gather @!p0 [hbm4b:s2+s3], $0x80, s7, s3, $0xb8;
	[tilespmem:$0x14400] =	vst v63  }
0xa1: {  	s25 =	sadd.s32 $0x1400, s25;
	s6 =	simm.s32 @!p0 $0xCC00  }
0xa2: {  	[tilespmem:s6], [sflag:$0x2] =	stream.indirect.gather @!p0 [hbm4b:s2+s3], $0x80, s9, s3, $0xb8;
	[tilespmem:$0x14400] =	vst v63  }
0xa3: {  	p0 =	sne.s32 s25, $0x28000  }
.Ltmp3:
0xa4: {  	_ = 	snop;
	(pc) =	sbr.rel @!p0 .LBB2_7-.Ltmp3, $3  }
0xa5: {  	_ =	sdelay $0x1  }
0xa6: {  	s13 =	sadd.s32 $0x140, s13  }
0xa7: {  	s10 =	sadd.s32 $0x4, s10;
	s26 =	sadd.s32 $0x1, s26;
	s21 =	sadd.s32 $0x28, s21  }
.LBB2_2:
0xa8: {  	_ =	swait.ge [sflag:s30], $0x2800  }
0xa9: {  	[sflag:s30] =	ssyncset.done $0x0  }
0xaa: {  	[sflag:s30] =	ssyncadd.s32 $0xFFFFD800  }
0xab: {  	_ =	swait.ge [sflag:s30], $0x2800  }
0xac: {  	s8 =	sadd.s32 $0xFFFFFFFB, s10;
	[sflag:s30] =	ssyncset.done $0x0  }
0xad: {  	s6 =	sadd.s32 s25, s14;
	p0 =	sgt.u32 s8, $0x78;
	[sflag:s30] =	ssyncadd.s32 $0xFFFFD800  }
0xae: {  	[hbm4b:s6+s4] =	stream.linear.scatter [tilespmem:s23], [sflag:$0x5], $0x2800, $0x38;
	[tilespmem:$0x14400] =	vst v63  }
0xaf: {  	s7 =	sadd.s32 s25, s15;
	s6 =	simm.s32 @!p0 $0x7  }
0xb0: {  	[hbm4b:s7+s4] =	stream.linear.scatter [tilespmem:s24], [sflag:$0x5], $0x2800, $0x38;
	[tilespmem:$0x14400] =	vst v63  }
0xb1: {  	_ =	swait.ge @!p0 [sflag:s6], $0x2800  }
0xb2: {  	[sflag:s6] =	ssyncset.done @!p0 $0x0  }
0xb3: {  	[sflag:s6] =	ssyncadd.s32 @!p0 $0xFFFFD800  }
0xb4: {  	_ =	swait.ge @!p0 [sflag:s6], $0x2800  }
0xb5: {  	s7 =	sadd.s32 $0xFFFFFFFF, s10;
	[sflag:s6] =	ssyncset.done @!p0 $0x0  }
0xb6: {  	[sflag:s6] =	ssyncadd.s32 @!p0 $0xFFFFD800;
	p0 =	sgt.u32 s7, $0x7C  }
0xb7: {  	s6 =	sadd.s32 @!p0 s21, s19;
	s7 =	simm.s32 @!p0 $0x0;
	s8 =	simm.s32 @!p0 $0x100  }
0xb8: {  	[tilespmem:s8], [sflag:$0x9] =	stream.linear.gather @!p0 [hbm4b:s6+s7], $0x50, $0x38;
	[tilespmem:$0x14400] =	vst v63  }
0xb9: {  	s6 =	simm.s32 @!p0 $0x9  }
0xba: {  	_ =	swait.ge @!p0 [sflag:s6], $0x50  }
0xbb: {  	[sflag:s6] =	ssyncset.done @!p0 $0x0  }
0xbc: {  	s9 =	sadd.s32 @!p0 s21, s18;
	s3 =	simm.s32 @!p0 $0x300;
	[sflag:s6] =	ssyncadd.s32 @!p0 $0xFFFFFFB0  }
0xbd: {  	[tilespmem:s3], [sflag:$0x9] =	stream.linear.gather @!p0 [hbm4b:s9+s7], $0x50, $0x38;
	[tilespmem:$0x14400] =	vst v63  }
0xbe: {  	_ =	swait.ge @!p0 [sflag:s6], $0x50  }
0xbf: {  	s7 =	simm.s32 @!p0 $0x5400;
	[sflag:s6] =	ssyncset.done @!p0 $0x0  }
0xc0: {  	s9 =	sadd.s32 $0xFFFFFFFE, s10;
	[sflag:s6] =	ssyncadd.s32 @!p0 $0xFFFFFFB0;
	s6 =	simm.s32 @!p0 $0x50  }
0xc1: {  	[tilespmem:s7], [sflag:$0x3] =	stream.indirect.gather @!p0 [hbm4b:s2+s6], $0x80, s8, s6, $0xb8;
	[tilespmem:$0x14400] =	vst v63  }
0xc2: {  	p1 =	sgt.u32 s9, $0x7C;
	s7 =	simm.s32 @!p0 $0xF400  }
0xc3: {  	[tilespmem:s7], [sflag:$0x3] =	stream.indirect.gather @!p0 [hbm4b:s2+s6], $0x80, s3, s6, $0xb8;
	[tilespmem:$0x14400] =	vst v63  }
0xc4: {  	s3 =	simm.s32 @!p1 $0x2  }
0xc5: {  	_ =	swait.ge @!p1 [sflag:s3], $0x2800  }
0xc6: {  	[sflag:s3] =	ssyncset.done @!p1 $0x0  }
0xc7: {  	[sflag:s3] =	ssyncadd.s32 @!p1 $0xFFFFD800  }
0xc8: {  	_ =	swait.ge @!p1 [sflag:s3], $0x2800  }
0xc9: {  	[sflag:s3] =	ssyncset.done @!p1 $0x0  }
0xca: {  	[sflag:s3] =	ssyncadd.s32 @!p1 $0xFFFFD800;
	s3 =	sadd.s32 @!p1 s25, s14  }
0xcb: {  	s6 =	simm.s32 @!p1 $0x0;
	s7 =	simm.s32 @!p1 $0x2C00;
	s3 =	sadd.s32 @!p1 $0x500, s3  }
0xcc: {  	[hbm4b:s3+s6] =	stream.linear.scatter @!p1 [tilespmem:s7], [sflag:$0x6], $0x2800, $0x38;
	[tilespmem:$0x14400] =	vst v63  }
0xcd: {  	s3 =	sadd.s32 @!p1 s25, s15  }
0xce: {  	s7 =	simm.s32 @!p1 $0xCC00;
	s3 =	sadd.s32 @!p1 $0x500, s3  }
0xcf: {  	[hbm4b:s3+s6] =	stream.linear.scatter @!p1 [tilespmem:s7], [sflag:$0x6], $0x2800, $0x38;
	[tilespmem:$0x14400] =	vst v63  }
0xd0: {  	p1 =	seq.s32 s25, $0x0  }
0xd1: {  	p2 =	sgt.u32 @!p1 s10, $0x7C  }
0xd2: {  	p1 =	por p1, p2  }
.Ltmp4:
0xd3: {  	_ = 	snop;
	(pc) =	sbr.rel @!p1 .LBB2_3-.Ltmp4, $1  }
0xd4: {  	_ =	sdelay $0x3  }
0xd5: {  	p1 =	sgt.u32 s10, $0x7C  }
.Ltmp5:
0xd6: {  	_ = 	snop;
	(pc) =	sbr.rel @p1 .LBB2_6-.Ltmp5, $4  }
.Ltmp6:
0xd7: {  	_ = 	snop;
	(pc) =	sbr.rel @!p1 .LBB2_5-.Ltmp6, $4  }
0xd8: {  	_ = 	snop  }
0xd9: {  	_ = 	snop  }
0xda: {  	_ = 	snop  }
0xdb: {  	_ = 	snop  }
.LBB2_8:
0xdc: {  	_ =	sfence.sel $0x180000  }
0xdd: {  	[bflag:$0x0] =	sbarrier.arrive $0xFFFF  }
0xde: {  	_ =	strace $0x90000047  }
0xdf: {  	s0 =	stileid.u32;
	[bflag:$0x2] =	sbarrier.arrive $0xFFFF  }
0xe0: {  	p0 =	sne.s32 s0, $0x0;
	s0 =	rddreg [dreg:$0x3]  }
0xe1: {  	s0 =	sadd.s32 @!p0 $0x100000, s0  }
0xe2: {  	[sflag:s0] =	ssyncadd.tile.s32 @!p0 $0x1;
	_ =	shalt  }
.Lfunc_end2:
_tile_overlayer_lowered:
.L_overlay_start_2:
0xe3: {  	(tag) =	ssettag $0x2  }
0xe4: {  	s0 =	rddreg [dreg:$0x0];
	s2 =	stileid.u32  }
0xe5: {  	s1 =	rddreg [dreg:$0x1];
	p0 =	sne.s32 s2, $0x0  }
0xe6: {  	s3 =	rddreg [dreg:$0x2];
	[bflag:$0x3] =	sbarrier.arrive $0xFFFF;
	s2 =	simm.s32 @!p0 $0x1C09  }
0xe7: {  	[timem:s3], [sflag:s2] =	dma.local @!p0 [hbm:s0], s1  }
0xe8: {  	s0 =	simm.s32 @!p0 $0x9  }
0xe9: {  	_ =	swait.ge @!p0 [sflag:s0], s1  }
0xea: {  	s1 =	ssub.s32 @!p0 $0x0, s1;
	[sflag:s0] =	ssyncset.done @!p0 $0x0  }
0xeb: {  	[sflag:s0] =	ssyncadd.s32 @!p0 s1  }
0xec: {  	[bflag:$0x3] =	sbarrier.arrive $0xFFFF  }
0xed: {  	_ =	shalt  }

</sc_bundles>
